<compile_context>
chip_gen: v7x
topology: tpu7x:2x2x1
jax: 0.10.2.dev20260603
libtpu: 0.0.44.dev20260713+nightly
codegen_flags: <defaults>
</compile_context>

<pallas_src>
import functools

import jax
import jax.numpy as jnp
from jax import lax
from jax.experimental import pallas as pl
from jax.experimental.pallas import tpu as pltpu
from jax.experimental.pallas import tpu_sc as plsc

N = 10000
E = 320000
D = 128

NP = 10240
NW = 32
EK = 128
ECH = 80
K = 128
EPAD = NW * ECH * EK
PAD_NODE = 10016
TPB = NP // 16
NSTAGE = TPB // K

_f32 = jnp.float32
_i32 = jnp.int32


def _make_deg():
    mesh = plsc.VectorSubcoreMesh(core_axis_name="c", subcore_axis_name="s")

    @functools.partial(
        pl.kernel,
        mesh=mesh,
        out_type=(
            jax.ShapeDtypeStruct((NP,), _f32),
            jax.ShapeDtypeStruct((NP,), _f32),
        ),
        scratch_types=[
            pltpu.VMEM((ECH, EK), _i32),
            pltpu.VMEM((EK,), _f32),
            pltpu.VMEM((TPB,), _f32),
            pltpu.VMEM_SHARED((NP,), _f32),
            pltpu.SemaphoreType.DMA,
        ],
    )
    def deg_kernel(dstp, deg0, deg1, didx, ones, stag, degsh, sem):
        c = lax.axis_index("c")
        s = lax.axis_index("s")
        wid = s * 2 + c
        base = s * TPB

        zf = jnp.zeros((16,), _f32)
        onef = jnp.ones((16,), _f32)

        def zrow(i, carry):
            stag[pl.ds(i * 16, 16)] = zf
            return carry

        lax.fori_loop(0, TPB // 16, zrow, 0)

        def orow(i, carry):
            ones[pl.ds(i * 16, 16)] = onef
            return carry

        lax.fori_loop(0, EK // 16, orow, 0)

        pltpu.sync_copy(stag.at[:], degsh.at[pl.ds(base, TPB)])
        pltpu.sync_copy(dstp.at[wid], didx)
        plsc.subcore_barrier()

        def body(j, carry):
            pltpu.async_copy(ones, degsh.at[didx.at[j]], sem, add=True)
            return carry

        lax.fori_loop(0, ECH, body, 0)

        def drain(j, carry):
            pltpu.make_async_copy(ones, degsh.at[didx.at[0]], sem).wait()
            return carry

        lax.fori_loop(0, ECH, drain, 0)
        plsc.subcore_barrier()

        @pl.when(c == 0)
        def _():
            pltpu.sync_copy(degsh.at[pl.ds(base, TPB)], deg0.at[pl.ds(base, TPB)])

        @pl.when(c == 1)
        def _():
            pltpu.sync_copy(degsh.at[pl.ds(base, TPB)], deg1.at[pl.ds(base, TPB)])

    return deg_kernel


def _make_agg():
    mesh = plsc.VectorSubcoreMesh(core_axis_name="c", subcore_axis_name="s")

    @functools.partial(
        pl.kernel,
        mesh=mesh,
        out_type=(
            jax.ShapeDtypeStruct((NP, D), _f32),
            jax.ShapeDtypeStruct((NP, D), _f32),
        ),
        scratch_types=[
            pltpu.VMEM((ECH // 2, EK), _i32),
            pltpu.VMEM((ECH // 2, EK), _i32),
            pltpu.VMEM((EK, D), _f32),
            pltpu.VMEM((EK, D), _f32),
            pltpu.VMEM_SHARED((NP, D), _f32),
            pltpu.SemaphoreType.DMA,
            pltpu.SemaphoreType.DMA,
        ],
    )
    def agg_kernel(g, srcp, dstp, out0, out1, sidx, didx,
                   r0_, r1_, acc, g0_, g1_):
        c = lax.axis_index("c")
        s = lax.axis_index("s")
        wid = s * 2 + c
        base = s * TPB
        bufs = ((r0_, g0_), (r1_, g1_))
        PH = ECH // 2

        @pl.when(c == 0)
        def _():
            pltpu.async_copy(g.at[pl.ds(base, TPB)],
                             acc.at[pl.ds(base, TPB)], g0_)

        @pl.when(c == 1)
        def _():
            zf = jnp.zeros((16,), _f32)

            def zrow(i, carry):
                for jj in range(D // 16):
                    r0_[i, pl.ds(jj * 16, 16)] = zf
                return carry

            lax.fori_loop(0, EK, zrow, 0)
            for off in range(0, TPB, EK):
                sz = min(EK, TPB - off)
                pltpu.async_copy(r0_.at[pl.ds(0, sz)],
                                 acc.at[pl.ds(base + off, sz)], g0_)

        pltpu.sync_copy(srcp.at[wid, pl.ds(0, PH)], sidx)
        pltpu.sync_copy(dstp.at[wid, pl.ds(0, PH)], didx)

        @pl.when(c == 0)
        def _():
            pltpu.make_async_copy(g.at[pl.ds(base, TPB)],
                                  acc.at[pl.ds(base, TPB)], g0_).wait()

        @pl.when(c == 1)
        def _():
            for off in range(0, TPB, EK):
                sz = min(EK, TPB - off)
                pltpu.make_async_copy(r0_.at[pl.ds(0, sz)],
                                      acc.at[pl.ds(base + off, sz)],
                                      g0_).wait()

        plsc.subcore_barrier()

        for p in range(2):
            pltpu.async_copy(g.at[sidx.at[0]], r0_, g0_)
            pltpu.async_copy(g.at[sidx.at[1]], r1_, g1_)

            def outer(jj, carry):
                for b, (rows, gsem) in enumerate(bufs):
                    j = jj * 2 + b
                    pltpu.make_async_copy(g.at[sidx.at[j]], rows, gsem).wait()
                    pltpu.sync_copy(rows.at[:], acc.at[didx.at[j]], add=True)

                    @pl.when(j + 2 < PH)
                    def _():
                        pltpu.async_copy(g.at[sidx.at[j + 2]], rows, gsem)

                return carry

            lax.fori_loop(0, PH // 2, outer, 0)
            if p == 0:
                pltpu.sync_copy(srcp.at[wid, pl.ds(PH, PH)], sidx)
                pltpu.sync_copy(dstp.at[wid, pl.ds(PH, PH)], didx)

        plsc.subcore_barrier()

        @pl.when(c == 0)
        def _():
            pltpu.sync_copy(acc.at[pl.ds(base, TPB)], out0.at[pl.ds(base, TPB)])

        @pl.when(c == 1)
        def _():
            pltpu.sync_copy(acc.at[pl.ds(base, TPB)], out1.at[pl.ds(base, TPB)])

    return agg_kernel


_deg_kernel = _make_deg()
_agg_kernel = _make_agg()


def _sb_from_deg(d0blk, d1blk, m):
    srows = 1.0 / jnp.sqrt(1.0 + d0blk + d1blk)
    lane = lax.broadcasted_iota(_i32, (K, K), 1)
    sub = lax.broadcasted_iota(_i32, (K, K), 0)
    blocks = []
    for r in range(m):
        srow = srows[r : r + 1, :]
        sd = jnp.where(lane == sub, jnp.broadcast_to(srow, (K, K)), 0.0)
        blocks.append(
            jnp.broadcast_to(jnp.sum(sd, axis=1, keepdims=True), (K, K))
        )
    return jnp.concatenate(blocks, axis=0)


_MB = 8


def _g1_body(x, w, d0, d1, og):
    sbblk = _sb_from_deg(d0[...], d1[...], _MB)
    og[...] = sbblk * jnp.dot(x[...], w[...], preferred_element_type=_f32)


def _g1(xp, w, d0, d1):
    return pl.pallas_call(
        _g1_body,
        grid=(NP // (_MB * K),),
        in_specs=[
            pl.BlockSpec((_MB * K, D), lambda b: (b, 0)),
            pl.BlockSpec((D, D), lambda b: (0, 0)),
            pl.BlockSpec((_MB, K), lambda b: (b, 0)),
            pl.BlockSpec((_MB, K), lambda b: (b, 0)),
        ],
        out_specs=pl.BlockSpec((_MB * K, D), lambda b: (b, 0)),
        out_shape=jax.ShapeDtypeStruct((NP, D), _f32),
    )(xp, w, d0.reshape(NP // K, K), d1.reshape(NP // K, K))


def _g23_body(a0, a1, d0, d1, w, o):
    sbblk = _sb_from_deg(d0[...], d1[...], _MB)
    t = jnp.maximum(sbblk * (a0[...] + a1[...]), 0.0)
    o[...] = sbblk * jnp.dot(t, w[...], preferred_element_type=_f32)


def _g23(a0, a1, d0, d1, w):
    return pl.pallas_call(
        _g23_body,
        grid=(NP // (_MB * K),),
        in_specs=[
            pl.BlockSpec((_MB * K, D), lambda b: (b, 0)),
            pl.BlockSpec((_MB * K, D), lambda b: (b, 0)),
            pl.BlockSpec((_MB, K), lambda b: (b, 0)),
            pl.BlockSpec((_MB, K), lambda b: (b, 0)),
            pl.BlockSpec((D, D), lambda b: (0, 0)),
        ],
        out_specs=pl.BlockSpec((_MB * K, D), lambda b: (b, 0)),
        out_shape=jax.ShapeDtypeStruct((NP, D), _f32),
    )(a0, a1, d0.reshape(NP // K, K), d1.reshape(NP // K, K), w)


def _final_body(a0, a1, d0, d1, o):
    sbblk = _sb_from_deg(d0[...], d1[...], _MB)
    o[...] = sbblk * (a0[...] + a1[...])


def _final(a0, a1, d0, d1):
    return pl.pallas_call(
        _final_body,
        grid=(NP // (_MB * K),),
        in_specs=[
            pl.BlockSpec((_MB * K, D), lambda b: (b, 0)),
            pl.BlockSpec((_MB * K, D), lambda b: (b, 0)),
            pl.BlockSpec((_MB, K), lambda b: (b, 0)),
            pl.BlockSpec((_MB, K), lambda b: (b, 0)),
        ],
        out_specs=pl.BlockSpec((_MB * K, D), lambda b: (b, 0)),
        out_shape=jax.ShapeDtypeStruct((N, D), _f32),
    )(a0, a1, d0.reshape(NP // K, K), d1.reshape(NP // K, K))


def kernel(x, edge_index, W1, W2, W3):
    src = edge_index[0].astype(_i32)
    dst = edge_index[1].astype(_i32)
    pad = PAD_NODE + (jnp.arange(EPAD - E, dtype=_i32) % (NP - PAD_NODE))
    srcp = jnp.concatenate([src, pad]).reshape(NW, ECH, EK)
    dstp = jnp.concatenate([dst, pad]).reshape(NW, ECH, EK)
    d0, d1 = _deg_kernel(dstp)
    g = _g1(x, W1, d0, d1)
    a0, a1 = _agg_kernel(g, srcp, dstp)
    g = _g23(a0, a1, d0, d1, W2)
    a0, a1 = _agg_kernel(g, srcp, dstp)
    g = _g23(a0, a1, d0, d1, W3)
    a0, a1 = _agg_kernel(g, srcp, dstp)
    return _final(a0, a1, d0, d1)

# --- scband reference (transcript-rebuilt; emitter-appended) ---
"""Pipeline reference for scband-gcn-50577534878112 (READ-ONLY COPY).

The authoritative reference and input builder live on the scoring server;
editing this copy changes nothing except your own understanding.
"""

import jax, jax.numpy as jnp
import numpy as np

N = 10000
E = 320000
D_IN = 128
D_HID = 128
D_OUT = 128


def _glorot(key, fan_in, fan_out):
    s = float(np.sqrt(6.0 / (fan_in + fan_out)))
    return jax.random.uniform(key, (fan_in, fan_out), minval=-s, maxval=s, dtype=jnp.float32)


def setup_inputs(seed: int = 0) -> dict:
    key = jax.random.key(seed)
    k1, k2, k3, k4, k5 = jax.random.split(key, 5)
    x = jax.random.normal(k1, (N, D_IN), dtype=jnp.float32)
    edge_index = jax.random.randint(k2, (2, E), 0, N, dtype=jnp.int32)
    W1 = _glorot(k3, D_IN, D_HID)
    W2 = _glorot(k4, D_HID, D_HID)
    W3 = _glorot(k5, D_HID, D_OUT)
    return {"x": x, "edge_index": edge_index, "W1": W1, "W2": W2, "W3": W3}


def _gcn_norm(edge_index, num_nodes):
    # add self loops (improved=False -> fill value 1.0)
    loop = jnp.arange(num_nodes, dtype=edge_index.dtype)
    src = jnp.concatenate([edge_index[0], loop])
    dst = jnp.concatenate([edge_index[1], loop])
    ew = jnp.ones(src.shape[0], dtype=jnp.float32)
    deg = jnp.zeros(num_nodes, dtype=jnp.float32).at[dst].add(ew)
    deg_inv_sqrt = jnp.where(deg > 0, 1.0 / jnp.sqrt(jnp.maximum(deg, 1e-12)), 0.0)
    norm = deg_inv_sqrt[src] * ew * deg_inv_sqrt[dst]
    return src, dst, norm


def _gcn_conv(x, W, src, dst, norm, num_nodes):
    h = x @ W  # linear, bias=False
    msg = h[src] * norm[:, None]  # gather + edge-weight message
    out = jnp.zeros((num_nodes, h.shape[1]), dtype=h.dtype).at[dst].add(msg)  # scatter-add aggr
    return out


def reference(x, edge_index, W1, W2, W3):
    num_nodes = x.shape[0]
    src, dst, norm = _gcn_norm(edge_index, num_nodes)
    # layer 1 (dropout skipped: eval / val_test path)
    h = jax.nn.relu(_gcn_conv(x, W1, src, dst, norm, num_nodes))
    # layer 2
    h = jax.nn.relu(_gcn_conv(h, W2, src, dst, norm, num_nodes))
    # layer 3 (no activation)
    out = _gcn_conv(h, W3, src, dst, norm, num_nodes)
    return out

if __name__ == "__main__":
    import jax
    _d = setup_inputs()
    print(jax.jit(kernel)(*tuple(_d.values())))

</pallas_src>

<mosaic_0001>
#map = affine_map<(d0, d1) -> (0, 0)>
#map1 = affine_map<(d0, d1) -> (0, 0, 0)>
module attributes {stable_mosaic.version = 14 : i64} {
  func.func @agg_kernel(%arg0: i32, %arg1: i32, %arg2: memref<10240x128xf32, #tpu.memory_space<hbm>>, %arg3: memref<32x80x128xi32, #tpu.memory_space<hbm>>, %arg4: memref<32x80x128xi32, #tpu.memory_space<hbm>>, %arg5: memref<10240x128xf32, #tpu.memory_space<hbm>>, %arg6: memref<10240x128xf32, #tpu.memory_space<hbm>>, %arg7: memref<40x128xi32, #tpu.memory_space<vmem>>, %arg8: memref<40x128xi32, #tpu.memory_space<vmem>>, %arg9: memref<128x128xf32, #tpu.memory_space<vmem>>, %arg10: memref<128x128xf32, #tpu.memory_space<vmem>>, %arg11: memref<10240x128xf32, #tpu.memory_space<vmem_shared>>, %arg12: memref<!tpu.dma_semaphore, #tpu.memory_space<semaphore_mem>>, %arg13: memref<!tpu.dma_semaphore, #tpu.memory_space<semaphore_mem>>) attributes {dimension_semantics = [#tpu.dimension_semantics<core_parallel>, #tpu.dimension_semantics<subcore_parallel>], iteration_bounds = array<i64: 2, 16>, scalar_prefetch = 0 : i64, scratch_operands = 7 : i64, tpu.core_type = #tpu.core_type<sc_vector_subcore>, window_params = [{transform_indices = #map}, {transform_indices = #map1}, {transform_indices = #map1}, {transform_indices = #map}, {transform_indices = #map}]} {
    %mul3A = arith.constant 2 : i32
    %mul3A_0 = arith.muli %arg1, %mul3A : i32
    %add3A = arith.addi %mul3A_0, %arg0 : i32
    %mul3A_1 = arith.constant 640 : i32
    %mul3A_2 = arith.muli %arg1, %mul3A_1 : i32
    %eq3A = arith.constant 0 : i32
    %eq3A_3 = arith.cmpi eq, %arg0, %eq3A : i32
    %convert_element_type3A = arith.extui %eq3A_3 : i1 to i32
    %cond3A = arith.constant 0 : i32
    %cond3A_4 = arith.cmpi ne, %convert_element_type3A, %cond3A : i32
    scf.if %cond3A_4 {
      %dma_start3A_69 = arith.constant 0 : i32
      %dma_start3A_70 = tpu.memref_slice %arg11[%mul3A_2, %dma_start3A_69] : memref<10240x128xf32, #tpu.memory_space<vmem_shared>> -> memref<640x128xf32, #tpu.memory_space<vmem_shared>>
      %dma_start3A_71 = arith.constant 0 : i32
      %dma_start3A_72 = tpu.memref_slice %arg2[%mul3A_2, %dma_start3A_71] : memref<10240x128xf32, #tpu.memory_space<hbm>> -> memref<640x128xf32, #tpu.memory_space<hbm>>
      tpu.enqueue_dma source(%dma_start3A_72 : memref<640x128xf32, #tpu.memory_space<hbm>>) target(%dma_start3A_70 : memref<640x128xf32, #tpu.memory_space<vmem_shared>>) target_semaphore(%arg12 : memref<!tpu.dma_semaphore, #tpu.memory_space<semaphore_mem>>)
    } else {
    }
    %eq3A_5 = arith.constant 1 : i32
    %eq3A_6 = arith.cmpi eq, %arg0, %eq3A_5 : i32
    %convert_element_type3A_7 = arith.extui %eq3A_6 : i1 to i32
    %cond3A_8 = arith.constant 0 : i32
    %cond3A_9 = arith.cmpi ne, %convert_element_type3A_7, %cond3A_8 : i32
    scf.if %cond3A_9 {
      %broadcast_in_dim3A = arith.constant 0.000000e+00 : f32
      %broadcast_in_dim3A_69 = vector.broadcast %broadcast_in_dim3A : f32 to vector<16xf32>
      %scan3A_70 = arith.constant 0 : i32
      %scan3A_71 = arith.constant 0 : i32
      %scan3A_72 = arith.constant 128 : i32
      %scan3A_73 = arith.addi %scan3A_71, %scan3A_72 : i32
      %scan3A_74 = arith.constant 1 : i32
      scf.for %scan3A_136 = %scan3A_71 to %scan3A_73 step %scan3A_74  : i32 {
        %swap3A = arith.index_cast %scan3A_136 : i32 to index
        %swap3A_137 = arith.constant 0 : index
        %swap3A_138 = tpu.vector_load %arg9[%swap3A, %swap3A_137] {strides = array<i32>} : memref<128x128xf32, #tpu.memory_space<vmem>>, vector<1x16xf32>,
        %swap3A_139 = vector.shape_cast %swap3A_138 : vector<1x16xf32> to vector<16xf32>
        %swap3A_140 = vector.shape_cast %broadcast_in_dim3A_69 : vector<16xf32> to vector<1x16xf32>
        tpu.vector_store %arg9[%swap3A, %swap3A_137], %swap3A_140 {strides = array<i32>} : memref<128x128xf32, #tpu.memory_space<vmem>>, vector<1x16xf32>,
        %swap3A_141 = arith.index_cast %scan3A_136 : i32 to index
        %swap3A_142 = arith.constant 16 : index
        %swap3A_143 = tpu.vector_load %arg9[%swap3A_141, %swap3A_142] {strides = array<i32>} : memref<128x128xf32, #tpu.memory_space<vmem>>, vector<1x16xf32>,
        %swap3A_144 = vector.shape_cast %swap3A_143 : vector<1x16xf32> to vector<16xf32>
        %swap3A_145 = vector.shape_cast %broadcast_in_dim3A_69 : vector<16xf32> to vector<1x16xf32>
        tpu.vector_store %arg9[%swap3A_141, %swap3A_142], %swap3A_145 {strides = array<i32>} : memref<128x128xf32, #tpu.memory_space<vmem>>, vector<1x16xf32>,
        %swap3A_146 = arith.index_cast %scan3A_136 : i32 to index
        %swap3A_147 = arith.constant 32 : index
        %swap3A_148 = tpu.vector_load %arg9[%swap3A_146, %swap3A_147] {strides = array<i32>} : memref<128x128xf32, #tpu.memory_space<vmem>>, vector<1x16xf32>,
        %swap3A_149 = vector.shape_cast %swap3A_148 : vector<1x16xf32> to vector<16xf32>
        %swap3A_150 = vector.shape_cast %broadcast_in_dim3A_69 : vector<16xf32> to vector<1x16xf32>
        tpu.vector_store %arg9[%swap3A_146, %swap3A_147], %swap3A_150 {strides = array<i32>} : memref<128x128xf32, #tpu.memory_space<vmem>>, vector<1x16xf32>,
        %swap3A_151 = arith.index_cast %scan3A_136 : i32 to index
        %swap3A_152 = arith.constant 48 : index
        %swap3A_153 = tpu.vector_load %arg9[%swap3A_151, %swap3A_152] {strides = array<i32>} : memref<128x128xf32, #tpu.memory_space<vmem>>, vector<1x16xf32>,
        %swap3A_154 = vector.shape_cast %swap3A_153 : vector<1x16xf32> to vector<16xf32>
        %swap3A_155 = vector.shape_cast %broadcast_in_dim3A_69 : vector<16xf32> to vector<1x16xf32>
        tpu.vector_store %arg9[%swap3A_151, %swap3A_152], %swap3A_155 {strides = array<i32>} : memref<128x128xf32, #tpu.memory_space<vmem>>, vector<1x16xf32>,
        %swap3A_156 = arith.index_cast %scan3A_136 : i32 to index
        %swap3A_157 = arith.constant 64 : index
        %swap3A_158 = tpu.vector_load %arg9[%swap3A_156, %swap3A_157] {strides = array<i32>} : memref<128x128xf32, #tpu.memory_space<vmem>>, vector<1x16xf32>,
        %swap3A_159 = vector.shape_cast %swap3A_158 : vector<1x16xf32> to vector<16xf32>
        %swap3A_160 = vector.shape_cast %broadcast_in_dim3A_69 : vector<16xf32> to vector<1x16xf32>
        tpu.vector_store %arg9[%swap3A_156, %swap3A_157], %swap3A_160 {strides = array<i32>} : memref<128x128xf32, #tpu.memory_space<vmem>>, vector<1x16xf32>,
        %swap3A_161 = arith.index_cast %scan3A_136 : i32 to index
        %swap3A_162 = arith.constant 80 : index
        %swap3A_163 = tpu.vector_load %arg9[%swap3A_161, %swap3A_162] {strides = array<i32>} : memref<128x128xf32, #tpu.memory_space<vmem>>, vector<1x16xf32>,
        %swap3A_164 = vector.shape_cast %swap3A_163 : vector<1x16xf32> to vector<16xf32>
        %swap3A_165 = vector.shape_cast %broadcast_in_dim3A_69 : vector<16xf32> to vector<1x16xf32>
        tpu.vector_store %arg9[%swap3A_161, %swap3A_162], %swap3A_165 {strides = array<i32>} : memref<128x128xf32, #tpu.memory_space<vmem>>, vector<1x16xf32>,
        %swap3A_166 = arith.index_cast %scan3A_136 : i32 to index
        %swap3A_167 = arith.constant 96 : index
        %swap3A_168 = tpu.vector_load %arg9[%swap3A_166, %swap3A_167] {strides = array<i32>} : memref<128x128xf32, #tpu.memory_space<vmem>>, vector<1x16xf32>,
        %swap3A_169 = vector.shape_cast %swap3A_168 : vector<1x16xf32> to vector<16xf32>
        %swap3A_170 = vector.shape_cast %broadcast_in_dim3A_69 : vector<16xf32> to vector<1x16xf32>
        tpu.vector_store %arg9[%swap3A_166, %swap3A_167], %swap3A_170 {strides = array<i32>} : memref<128x128xf32, #tpu.memory_space<vmem>>, vector<1x16xf32>,
        %swap3A_171 = arith.index_cast %scan3A_136 : i32 to index
        %swap3A_172 = arith.constant 112 : index
        %swap3A_173 = tpu.vector_load %arg9[%swap3A_171, %swap3A_172] {strides = array<i32>} : memref<128x128xf32, #tpu.memory_space<vmem>>, vector<1x16xf32>,
        %swap3A_174 = vector.shape_cast %swap3A_173 : vector<1x16xf32> to vector<16xf32>
        %swap3A_175 = vector.shape_cast %broadcast_in_dim3A_69 : vector<16xf32> to vector<1x16xf32>
        tpu.vector_store %arg9[%swap3A_171, %swap3A_172], %swap3A_175 {strides = array<i32>} : memref<128x128xf32, #tpu.memory_space<vmem>>, vector<1x16xf32>,
      }
      %scan3A_75 = arith.constant 128 : i32
      %add3A_76 = arith.constant 0 : i32
      %add3A_77 = arith.addi %mul3A_2, %add3A_76 : i32
      %dma_start3A_78 = arith.constant 0 : i32
      %dma_start3A_79 = arith.constant 0 : i32
      %dma_start3A_80 = tpu.memref_slice %arg9[%dma_start3A_78, %dma_start3A_79] : memref<128x128xf32, #tpu.memory_space<vmem>> -> memref<128x128xf32, #tpu.memory_space<vmem>>
      %dma_start3A_81 = arith.constant 0 : i32
      %dma_start3A_82 = tpu.memref_slice %arg11[%add3A_77, %dma_start3A_81] : memref<10240x128xf32, #tpu.memory_space<vmem_shared>> -> memref<128x128xf32, #tpu.memory_space<vmem_shared>>
      %dma_start3A_83 = arith.constant 0 : i32
      %dma_start3A_84 = tpu.memref_slice %arg11[%add3A_77, %dma_start3A_83] : memref<10240x128xf32, #tpu.memory_space<vmem_shared>> -> memref<128x128xf32, #tpu.memory_space<vmem_shared>>
      %dma_start3A_85 = arith.constant 0 : i32
      %dma_start3A_86 = arith.constant 0 : i32
      %dma_start3A_87 = tpu.memref_slice %arg9[%dma_start3A_85, %dma_start3A_86] : memref<128x128xf32, #tpu.memory_space<vmem>> -> memref<128x128xf32, #tpu.memory_space<vmem>>
      tpu.enqueue_dma source(%dma_start3A_87 : memref<128x128xf32, #tpu.memory_space<vmem>>) target(%dma_start3A_84 : memref<128x128xf32, #tpu.memory_space<vmem_shared>>) target_semaphore(%arg12 : memref<!tpu.dma_semaphore, #tpu.memory_space<semaphore_mem>>)
      %add3A_88 = arith.constant 128 : i32
      %add3A_89 = arith.addi %mul3A_2, %add3A_88 : i32
      %dma_start3A_90 = arith.constant 0 : i32
      %dma_start3A_91 = arith.constant 0 : i32
      %dma_start3A_92 = tpu.memref_slice %arg9[%dma_start3A_90, %dma_start3A_91] : memref<128x128xf32, #tpu.memory_space<vmem>> -> memref<128x128xf32, #tpu.memory_space<vmem>>
      %dma_start3A_93 = arith.constant 0 : i32
      %dma_start3A_94 = tpu.memref_slice %arg11[%add3A_89, %dma_start3A_93] : memref<10240x128xf32, #tpu.memory_space<vmem_shared>> -> memref<128x128xf32, #tpu.memory_space<vmem_shared>>
      %dma_start3A_95 = arith.constant 0 : i32
      %dma_start3A_96 = tpu.memref_slice %arg11[%add3A_89, %dma_start3A_95] : memref<10240x128xf32, #tpu.memory_space<vmem_shared>> -> memref<128x128xf32, #tpu.memory_space<vmem_shared>>
      %dma_start3A_97 = arith.constant 0 : i32
      %dma_start3A_98 = arith.constant 0 : i32
      %dma_start3A_99 = tpu.memref_slice %arg9[%dma_start3A_97, %dma_start3A_98] : memref<128x128xf32, #tpu.memory_space<vmem>> -> memref<128x128xf32, #tpu.memory_space<vmem>>
      tpu.enqueue_dma source(%dma_start3A_99 : memref<128x128xf32, #tpu.memory_space<vmem>>) target(%dma_start3A_96 : memref<128x128xf32, #tpu.memory_space<vmem_shared>>) target_semaphore(%arg12 : memref<!tpu.dma_semaphore, #tpu.memory_space<semaphore_mem>>)
      %add3A_100 = arith.constant 256 : i32
      %add3A_101 = arith.addi %mul3A_2, %add3A_100 : i32
      %dma_start3A_102 = arith.constant 0 : i32
      %dma_start3A_103 = arith.constant 0 : i32
      %dma_start3A_104 = tpu.memref_slice %arg9[%dma_start3A_102, %dma_start3A_103] : memref<128x128xf32, #tpu.memory_space<vmem>> -> memref<128x128xf32, #tpu.memory_space<vmem>>
      %dma_start3A_105 = arith.constant 0 : i32
      %dma_start3A_106 = tpu.memref_slice %arg11[%add3A_101, %dma_start3A_105] : memref<10240x128xf32, #tpu.memory_space<vmem_shared>> -> memref<128x128xf32, #tpu.memory_space<vmem_shared>>
      %dma_start3A_107 = arith.constant 0 : i32
      %dma_start3A_108 = tpu.memref_slice %arg11[%add3A_101, %dma_start3A_107] : memref<10240x128xf32, #tpu.memory_space<vmem_shared>> -> memref<128x128xf32, #tpu.memory_space<vmem_shared>>
      %dma_start3A_109 = arith.constant 0 : i32
      %dma_start3A_110 = arith.constant 0 : i32
      %dma_start3A_111 = tpu.memref_slice %arg9[%dma_start3A_109, %dma_start3A_110] : memref<128x128xf32, #tpu.memory_space<vmem>> -> memref<128x128xf32, #tpu.memory_space<vmem>>
      tpu.enqueue_dma source(%dma_start3A_111 : memref<128x128xf32, #tpu.memory_space<vmem>>) target(%dma_start3A_108 : memref<128x128xf32, #tpu.memory_space<vmem_shared>>) target_semaphore(%arg12 : memref<!tpu.dma_semaphore, #tpu.memory_space<semaphore_mem>>)
      %add3A_112 = arith.constant 384 : i32
      %add3A_113 = arith.addi %mul3A_2, %add3A_112 : i32
      %dma_start3A_114 = arith.constant 0 : i32
      %dma_start3A_115 = arith.constant 0 : i32
      %dma_start3A_116 = tpu.memref_slice %arg9[%dma_start3A_114, %dma_start3A_115] : memref<128x128xf32, #tpu.memory_space<vmem>> -> memref<128x128xf32, #tpu.memory_space<vmem>>
      %dma_start3A_117 = arith.constant 0 : i32
      %dma_start3A_118 = tpu.memref_slice %arg11[%add3A_113, %dma_start3A_117] : memref<10240x128xf32, #tpu.memory_space<vmem_shared>> -> memref<128x128xf32, #tpu.memory_space<vmem_shared>>
      %dma_start3A_119 = arith.constant 0 : i32
      %dma_start3A_120 = tpu.memref_slice %arg11[%add3A_113, %dma_start3A_119] : memref<10240x128xf32, #tpu.memory_space<vmem_shared>> -> memref<128x128xf32, #tpu.memory_space<vmem_shared>>
      %dma_start3A_121 = arith.constant 0 : i32
      %dma_start3A_122 = arith.constant 0 : i32
      %dma_start3A_123 = tpu.memref_slice %arg9[%dma_start3A_121, %dma_start3A_122] : memref<128x128xf32, #tpu.memory_space<vmem>> -> memref<128x128xf32, #tpu.memory_space<vmem>>
      tpu.enqueue_dma source(%dma_start3A_123 : memref<128x128xf32, #tpu.memory_space<vmem>>) target(%dma_start3A_120 : memref<128x128xf32, #tpu.memory_space<vmem_shared>>) target_semaphore(%arg12 : memref<!tpu.dma_semaphore, #tpu.memory_space<semaphore_mem>>)
      %add3A_124 = arith.constant 512 : i32
      %add3A_125 = arith.addi %mul3A_2, %add3A_124 : i32
      %dma_start3A_126 = arith.constant 0 : i32
      %dma_start3A_127 = arith.constant 0 : i32
      %dma_start3A_128 = tpu.memref_slice %arg9[%dma_start3A_126, %dma_start3A_127] : memref<128x128xf32, #tpu.memory_space<vmem>> -> memref<128x128xf32, #tpu.memory_space<vmem>>
      %dma_start3A_129 = arith.constant 0 : i32
      %dma_start3A_130 = tpu.memref_slice %arg11[%add3A_125, %dma_start3A_129] : memref<10240x128xf32, #tpu.memory_space<vmem_shared>> -> memref<128x128xf32, #tpu.memory_space<vmem_shared>>
      %dma_start3A_131 = arith.constant 0 : i32
      %dma_start3A_132 = tpu.memref_slice %arg11[%add3A_125, %dma_start3A_131] : memref<10240x128xf32, #tpu.memory_space<vmem_shared>> -> memref<128x128xf32, #tpu.memory_space<vmem_shared>>
      %dma_start3A_133 = arith.constant 0 : i32
      %dma_start3A_134 = arith.constant 0 : i32
      %dma_start3A_135 = tpu.memref_slice %arg9[%dma_start3A_133, %dma_start3A_134] : memref<128x128xf32, #tpu.memory_space<vmem>> -> memref<128x128xf32, #tpu.memory_space<vmem>>
      tpu.enqueue_dma source(%dma_start3A_135 : memref<128x128xf32, #tpu.memory_space<vmem>>) target(%dma_start3A_132 : memref<128x128xf32, #tpu.memory_space<vmem_shared>>) target_semaphore(%arg12 : memref<!tpu.dma_semaphore, #tpu.memory_space<semaphore_mem>>)
    } else {
    }
    "tpu.region"() ({
      %run_scoped3A = tpu.sem_alloc : memref<!tpu.dma_semaphore, #tpu.memory_space<semaphore_mem>>
      %dma_start3A_69 = arith.constant 0 : i32
      %dma_start3A_70 = arith.constant 0 : i32
      %dma_start3A_71 = tpu.memref_slice %arg3[%add3A, %dma_start3A_69, %dma_start3A_70] : memref<32x80x128xi32, #tpu.memory_space<hbm>> -> memref<1x40x128xi32, #tpu.memory_space<hbm>>
      %dma_start3A_72 = tpu.memref_squeeze %dma_start3A_71 : memref<1x40x128xi32, #tpu.memory_space<hbm>> -> memref<40x128xi32, #tpu.memory_space<hbm>>
      %dma_start3A_73 = arith.constant 0 : i32
      %dma_start3A_74 = arith.constant 0 : i32
      %dma_start3A_75 = tpu.memref_slice %arg3[%add3A, %dma_start3A_73, %dma_start3A_74] : memref<32x80x128xi32, #tpu.memory_space<hbm>> -> memref<1x40x128xi32, #tpu.memory_space<hbm>>
      %dma_start3A_76 = tpu.memref_squeeze %dma_start3A_75 : memref<1x40x128xi32, #tpu.memory_space<hbm>> -> memref<40x128xi32, #tpu.memory_space<hbm>>
      tpu.enqueue_dma source(%dma_start3A_76 : memref<40x128xi32, #tpu.memory_space<hbm>>) target(%arg7 : memref<40x128xi32, #tpu.memory_space<vmem>>) target_semaphore(%run_scoped3A : memref<!tpu.dma_semaphore, #tpu.memory_space<semaphore_mem>>)
      %dma_wait3A = arith.constant 0 : i32
      %dma_wait3A_77 = arith.constant 0 : i32
      %dma_wait3A_78 = tpu.memref_slice %arg3[%add3A, %dma_wait3A, %dma_wait3A_77] : memref<32x80x128xi32, #tpu.memory_space<hbm>> -> memref<1x40x128xi32, #tpu.memory_space<hbm>>
      %dma_wait3A_79 = tpu.memref_squeeze %dma_wait3A_78 : memref<1x40x128xi32, #tpu.memory_space<hbm>> -> memref<40x128xi32, #tpu.memory_space<hbm>>
      %dma_wait3A_80 = arith.constant 0 : i32
      %dma_wait3A_81 = arith.constant 0 : i32
      %dma_wait3A_82 = tpu.memref_slice %arg3[%add3A, %dma_wait3A_80, %dma_wait3A_81] : memref<32x80x128xi32, #tpu.memory_space<hbm>> -> memref<1x40x128xi32, #tpu.memory_space<hbm>>
      %dma_wait3A_83 = tpu.memref_squeeze %dma_wait3A_82 : memref<1x40x128xi32, #tpu.memory_space<hbm>> -> memref<40x128xi32, #tpu.memory_space<hbm>>
      tpu.wait_dma2 semaphore(%run_scoped3A : memref<!tpu.dma_semaphore, #tpu.memory_space<semaphore_mem>>) src(%dma_wait3A_83 : memref<40x128xi32, #tpu.memory_space<hbm>>) dst(%arg7 : memref<40x128xi32, #tpu.memory_space<vmem>>)
      tpu.yield
    }) : () -> ()
    "tpu.region"() ({
      %run_scoped3A = tpu.sem_alloc : memref<!tpu.dma_semaphore, #tpu.memory_space<semaphore_mem>>
      %dma_start3A_69 = arith.constant 0 : i32
      %dma_start3A_70 = arith.constant 0 : i32
      %dma_start3A_71 = tpu.memref_slice %arg4[%add3A, %dma_start3A_69, %dma_start3A_70] : memref<32x80x128xi32, #tpu.memory_space<hbm>> -> memref<1x40x128xi32, #tpu.memory_space<hbm>>
      %dma_start3A_72 = tpu.memref_squeeze %dma_start3A_71 : memref<1x40x128xi32, #tpu.memory_space<hbm>> -> memref<40x128xi32, #tpu.memory_space<hbm>>
      %dma_start3A_73 = arith.constant 0 : i32
      %dma_start3A_74 = arith.constant 0 : i32
      %dma_start3A_75 = tpu.memref_slice %arg4[%add3A, %dma_start3A_73, %dma_start3A_74] : memref<32x80x128xi32, #tpu.memory_space<hbm>> -> memref<1x40x128xi32, #tpu.memory_space<hbm>>
      %dma_start3A_76 = tpu.memref_squeeze %dma_start3A_75 : memref<1x40x128xi32, #tpu.memory_space<hbm>> -> memref<40x128xi32, #tpu.memory_space<hbm>>
      tpu.enqueue_dma source(%dma_start3A_76 : memref<40x128xi32, #tpu.memory_space<hbm>>) target(%arg8 : memref<40x128xi32, #tpu.memory_space<vmem>>) target_semaphore(%run_scoped3A : memref<!tpu.dma_semaphore, #tpu.memory_space<semaphore_mem>>)
      %dma_wait3A = arith.constant 0 : i32
      %dma_wait3A_77 = arith.constant 0 : i32
      %dma_wait3A_78 = tpu.memref_slice %arg4[%add3A, %dma_wait3A, %dma_wait3A_77] : memref<32x80x128xi32, #tpu.memory_space<hbm>> -> memref<1x40x128xi32, #tpu.memory_space<hbm>>
      %dma_wait3A_79 = tpu.memref_squeeze %dma_wait3A_78 : memref<1x40x128xi32, #tpu.memory_space<hbm>> -> memref<40x128xi32, #tpu.memory_space<hbm>>
      %dma_wait3A_80 = arith.constant 0 : i32
      %dma_wait3A_81 = arith.constant 0 : i32
      %dma_wait3A_82 = tpu.memref_slice %arg4[%add3A, %dma_wait3A_80, %dma_wait3A_81] : memref<32x80x128xi32, #tpu.memory_space<hbm>> -> memref<1x40x128xi32, #tpu.memory_space<hbm>>
      %dma_wait3A_83 = tpu.memref_squeeze %dma_wait3A_82 : memref<1x40x128xi32, #tpu.memory_space<hbm>> -> memref<40x128xi32, #tpu.memory_space<hbm>>
      tpu.wait_dma2 semaphore(%run_scoped3A : memref<!tpu.dma_semaphore, #tpu.memory_space<semaphore_mem>>) src(%dma_wait3A_83 : memref<40x128xi32, #tpu.memory_space<hbm>>) dst(%arg8 : memref<40x128xi32, #tpu.memory_space<vmem>>)
      tpu.yield
    }) : () -> ()
    %eq3A_10 = arith.constant 0 : i32
    %eq3A_11 = arith.cmpi eq, %arg0, %eq3A_10 : i32
    %convert_element_type3A_12 = arith.extui %eq3A_11 : i1 to i32
    %cond3A_13 = arith.constant 0 : i32
    %cond3A_14 = arith.cmpi ne, %convert_element_type3A_12, %cond3A_13 : i32
    scf.if %cond3A_14 {
      %dma_wait3A = arith.constant 0 : i32
      %dma_wait3A_69 = tpu.memref_slice %arg11[%mul3A_2, %dma_wait3A] : memref<10240x128xf32, #tpu.memory_space<vmem_shared>> -> memref<640x128xf32, #tpu.memory_space<vmem_shared>>
      %dma_wait3A_70 = arith.constant 0 : i32
      %dma_wait3A_71 = tpu.memref_slice %arg2[%mul3A_2, %dma_wait3A_70] : memref<10240x128xf32, #tpu.memory_space<hbm>> -> memref<640x128xf32, #tpu.memory_space<hbm>>
      tpu.wait_dma2 semaphore(%arg12 : memref<!tpu.dma_semaphore, #tpu.memory_space<semaphore_mem>>) src(%dma_wait3A_71 : memref<640x128xf32, #tpu.memory_space<hbm>>) dst(%dma_wait3A_69 : memref<640x128xf32, #tpu.memory_space<vmem_shared>>)
    } else {
    }
    %eq3A_15 = arith.constant 1 : i32
    %eq3A_16 = arith.cmpi eq, %arg0, %eq3A_15 : i32
    %convert_element_type3A_17 = arith.extui %eq3A_16 : i1 to i32
    %cond3A_18 = arith.constant 0 : i32
    %cond3A_19 = arith.cmpi ne, %convert_element_type3A_17, %cond3A_18 : i32
    scf.if %cond3A_19 {
      %add3A_69 = arith.constant 0 : i32
      %add3A_70 = arith.addi %mul3A_2, %add3A_69 : i32
      %dma_wait3A = arith.constant 0 : i32
      %dma_wait3A_71 = arith.constant 0 : i32
      %dma_wait3A_72 = tpu.memref_slice %arg9[%dma_wait3A, %dma_wait3A_71] : memref<128x128xf32, #tpu.memory_space<vmem>> -> memref<128x128xf32, #tpu.memory_space<vmem>>
      %dma_wait3A_73 = arith.constant 0 : i32
      %dma_wait3A_74 = tpu.memref_slice %arg11[%add3A_70, %dma_wait3A_73] : memref<10240x128xf32, #tpu.memory_space<vmem_shared>> -> memref<128x128xf32, #tpu.memory_space<vmem_shared>>
      %dma_wait3A_75 = arith.constant 0 : i32
      %dma_wait3A_76 = tpu.memref_slice %arg11[%add3A_70, %dma_wait3A_75] : memref<10240x128xf32, #tpu.memory_space<vmem_shared>> -> memref<128x128xf32, #tpu.memory_space<vmem_shared>>
      %dma_wait3A_77 = arith.constant 0 : i32
      %dma_wait3A_78 = arith.constant 0 : i32
      %dma_wait3A_79 = tpu.memref_slice %arg9[%dma_wait3A_77, %dma_wait3A_78] : memref<128x128xf32, #tpu.memory_space<vmem>> -> memref<128x128xf32, #tpu.memory_space<vmem>>
      tpu.wait_dma2 semaphore(%arg12 : memref<!tpu.dma_semaphore, #tpu.memory_space<semaphore_mem>>) src(%dma_wait3A_79 : memref<128x128xf32, #tpu.memory_space<vmem>>) dst(%dma_wait3A_76 : memref<128x128xf32, #tpu.memory_space<vmem_shared>>)
      %add3A_80 = arith.constant 128 : i32
      %add3A_81 = arith.addi %mul3A_2, %add3A_80 : i32
      %dma_wait3A_82 = arith.constant 0 : i32
      %dma_wait3A_83 = arith.constant 0 : i32
      %dma_wait3A_84 = tpu.memref_slice %arg9[%dma_wait3A_82, %dma_wait3A_83] : memref<128x128xf32, #tpu.memory_space<vmem>> -> memref<128x128xf32, #tpu.memory_space<vmem>>
      %dma_wait3A_85 = arith.constant 0 : i32
      %dma_wait3A_86 = tpu.memref_slice %arg11[%add3A_81, %dma_wait3A_85] : memref<10240x128xf32, #tpu.memory_space<vmem_shared>> -> memref<128x128xf32, #tpu.memory_space<vmem_shared>>
      %dma_wait3A_87 = arith.constant 0 : i32
      %dma_wait3A_88 = tpu.memref_slice %arg11[%add3A_81, %dma_wait3A_87] : memref<10240x128xf32, #tpu.memory_space<vmem_shared>> -> memref<128x128xf32, #tpu.memory_space<vmem_shared>>
      %dma_wait3A_89 = arith.constant 0 : i32
      %dma_wait3A_90 = arith.constant 0 : i32
      %dma_wait3A_91 = tpu.memref_slice %arg9[%dma_wait3A_89, %dma_wait3A_90] : memref<128x128xf32, #tpu.memory_space<vmem>> -> memref<128x128xf32, #tpu.memory_space<vmem>>
      tpu.wait_dma2 semaphore(%arg12 : memref<!tpu.dma_semaphore, #tpu.memory_space<semaphore_mem>>) src(%dma_wait3A_91 : memref<128x128xf32, #tpu.memory_space<vmem>>) dst(%dma_wait3A_88 : memref<128x128xf32, #tpu.memory_space<vmem_shared>>)
      %add3A_92 = arith.constant 256 : i32
      %add3A_93 = arith.addi %mul3A_2, %add3A_92 : i32
      %dma_wait3A_94 = arith.constant 0 : i32
      %dma_wait3A_95 = arith.constant 0 : i32
      %dma_wait3A_96 = tpu.memref_slice %arg9[%dma_wait3A_94, %dma_wait3A_95] : memref<128x128xf32, #tpu.memory_space<vmem>> -> memref<128x128xf32, #tpu.memory_space<vmem>>
      %dma_wait3A_97 = arith.constant 0 : i32
      %dma_wait3A_98 = tpu.memref_slice %arg11[%add3A_93, %dma_wait3A_97] : memref<10240x128xf32, #tpu.memory_space<vmem_shared>> -> memref<128x128xf32, #tpu.memory_space<vmem_shared>>
      %dma_wait3A_99 = arith.constant 0 : i32
      %dma_wait3A_100 = tpu.memref_slice %arg11[%add3A_93, %dma_wait3A_99] : memref<10240x128xf32, #tpu.memory_space<vmem_shared>> -> memref<128x128xf32, #tpu.memory_space<vmem_shared>>
      %dma_wait3A_101 = arith.constant 0 : i32
      %dma_wait3A_102 = arith.constant 0 : i32
      %dma_wait3A_103 = tpu.memref_slice %arg9[%dma_wait3A_101, %dma_wait3A_102] : memref<128x128xf32, #tpu.memory_space<vmem>> -> memref<128x128xf32, #tpu.memory_space<vmem>>
      tpu.wait_dma2 semaphore(%arg12 : memref<!tpu.dma_semaphore, #tpu.memory_space<semaphore_mem>>) src(%dma_wait3A_103 : memref<128x128xf32, #tpu.memory_space<vmem>>) dst(%dma_wait3A_100 : memref<128x128xf32, #tpu.memory_space<vmem_shared>>)
      %add3A_104 = arith.constant 384 : i32
      %add3A_105 = arith.addi %mul3A_2, %add3A_104 : i32
      %dma_wait3A_106 = arith.constant 0 : i32
      %dma_wait3A_107 = arith.constant 0 : i32
      %dma_wait3A_108 = tpu.memref_slice %arg9[%dma_wait3A_106, %dma_wait3A_107] : memref<128x128xf32, #tpu.memory_space<vmem>> -> memref<128x128xf32, #tpu.memory_space<vmem>>
      %dma_wait3A_109 = arith.constant 0 : i32
      %dma_wait3A_110 = tpu.memref_slice %arg11[%add3A_105, %dma_wait3A_109] : memref<10240x128xf32, #tpu.memory_space<vmem_shared>> -> memref<128x128xf32, #tpu.memory_space<vmem_shared>>
      %dma_wait3A_111 = arith.constant 0 : i32
      %dma_wait3A_112 = tpu.memref_slice %arg11[%add3A_105, %dma_wait3A_111] : memref<10240x128xf32, #tpu.memory_space<vmem_shared>> -> memref<128x128xf32, #tpu.memory_space<vmem_shared>>
      %dma_wait3A_113 = arith.constant 0 : i32
      %dma_wait3A_114 = arith.constant 0 : i32
      %dma_wait3A_115 = tpu.memref_slice %arg9[%dma_wait3A_113, %dma_wait3A_114] : memref<128x128xf32, #tpu.memory_space<vmem>> -> memref<128x128xf32, #tpu.memory_space<vmem>>
      tpu.wait_dma2 semaphore(%arg12 : memref<!tpu.dma_semaphore, #tpu.memory_space<semaphore_mem>>) src(%dma_wait3A_115 : memref<128x128xf32, #tpu.memory_space<vmem>>) dst(%dma_wait3A_112 : memref<128x128xf32, #tpu.memory_space<vmem_shared>>)
      %add3A_116 = arith.constant 512 : i32
      %add3A_117 = arith.addi %mul3A_2, %add3A_116 : i32
      %dma_wait3A_118 = arith.constant 0 : i32
      %dma_wait3A_119 = arith.constant 0 : i32
      %dma_wait3A_120 = tpu.memref_slice %arg9[%dma_wait3A_118, %dma_wait3A_119] : memref<128x128xf32, #tpu.memory_space<vmem>> -> memref<128x128xf32, #tpu.memory_space<vmem>>
      %dma_wait3A_121 = arith.constant 0 : i32
      %dma_wait3A_122 = tpu.memref_slice %arg11[%add3A_117, %dma_wait3A_121] : memref<10240x128xf32, #tpu.memory_space<vmem_shared>> -> memref<128x128xf32, #tpu.memory_space<vmem_shared>>
      %dma_wait3A_123 = arith.constant 0 : i32
      %dma_wait3A_124 = tpu.memref_slice %arg11[%add3A_117, %dma_wait3A_123] : memref<10240x128xf32, #tpu.memory_space<vmem_shared>> -> memref<128x128xf32, #tpu.memory_space<vmem_shared>>
      %dma_wait3A_125 = arith.constant 0 : i32
      %dma_wait3A_126 = arith.constant 0 : i32
      %dma_wait3A_127 = tpu.memref_slice %arg9[%dma_wait3A_125, %dma_wait3A_126] : memref<128x128xf32, #tpu.memory_space<vmem>> -> memref<128x128xf32, #tpu.memory_space<vmem>>
      tpu.wait_dma2 semaphore(%arg12 : memref<!tpu.dma_semaphore, #tpu.memory_space<semaphore_mem>>) src(%dma_wait3A_127 : memref<128x128xf32, #tpu.memory_space<vmem>>) dst(%dma_wait3A_124 : memref<128x128xf32, #tpu.memory_space<vmem_shared>>)
    } else {
    }
    %barrier3A = arith.constant 0 : index
    tpu.barrier barrier_id(%barrier3A)
    %dma_start3A = arith.constant 0 : i32
    %dma_start3A_20 = arith.constant 0 : i32
    %dma_start3A_21 = tpu.memref_slice %arg7[%dma_start3A, %dma_start3A_20] : memref<40x128xi32, #tpu.memory_space<vmem>> -> memref<1x128xi32, #tpu.memory_space<vmem>>
    %dma_start3A_22 = tpu.memref_squeeze %dma_start3A_21 : memref<1x128xi32, #tpu.memory_space<vmem>> -> memref<128xi32, #tpu.memory_space<vmem>>
    %dma_start3A_23 = arith.constant 0 : i32
    %dma_start3A_24 = arith.constant 0 : i32
    %dma_start3A_25 = tpu.memref_slice %arg2[%dma_start3A_23, %dma_start3A_24] : memref<10240x128xf32, #tpu.memory_space<hbm>> -> memref<10240x128xf32, #tpu.memory_space<hbm>>
    tpu.enqueue_indirect_dma source(%dma_start3A_25 : memref<10240x128xf32, #tpu.memory_space<hbm>>) target(%arg9 : memref<128x128xf32, #tpu.memory_space<vmem>>) offsets(%dma_start3A_22 : memref<128xi32, #tpu.memory_space<vmem>>) semaphore(%arg12 : memref<!tpu.dma_semaphore, #tpu.memory_space<semaphore_mem>>)
    %dma_start3A_26 = arith.constant 1 : i32
    %dma_start3A_27 = arith.constant 0 : i32
    %dma_start3A_28 = tpu.memref_slice %arg7[%dma_start3A_26, %dma_start3A_27] : memref<40x128xi32, #tpu.memory_space<vmem>> -> memref<1x128xi32, #tpu.memory_space<vmem>>
    %dma_start3A_29 = tpu.memref_squeeze %dma_start3A_28 : memref<1x128xi32, #tpu.memory_space<vmem>> -> memref<128xi32, #tpu.memory_space<vmem>>
    %dma_start3A_30 = arith.constant 0 : i32
    %dma_start3A_31 = arith.constant 0 : i32
    %dma_start3A_32 = tpu.memref_slice %arg2[%dma_start3A_30, %dma_start3A_31] : memref<10240x128xf32, #tpu.memory_space<hbm>> -> memref<10240x128xf32, #tpu.memory_space<hbm>>
    tpu.enqueue_indirect_dma source(%dma_start3A_32 : memref<10240x128xf32, #tpu.memory_space<hbm>>) target(%arg10 : memref<128x128xf32, #tpu.memory_space<vmem>>) offsets(%dma_start3A_29 : memref<128xi32, #tpu.memory_space<vmem>>) semaphore(%arg13 : memref<!tpu.dma_semaphore, #tpu.memory_space<semaphore_mem>>)
    %scan3A = arith.constant 0 : i32
    %scan3A_33 = arith.constant 0 : i32
    %scan3A_34 = arith.constant 20 : i32
    %scan3A_35 = arith.addi %scan3A_33, %scan3A_34 : i32
    %scan3A_36 = arith.constant 1 : i32
    scf.for %scan3A_69 = %scan3A_33 to %scan3A_35 step %scan3A_36  : i32 {
      %mul3A_70 = arith.constant 2 : i32
      %mul3A_71 = arith.muli %scan3A_69, %mul3A_70 : i32
      %add3A_72 = arith.constant 0 : i32
      %add3A_73 = arith.addi %mul3A_71, %add3A_72 : i32
      %dma_wait3A = arith.constant 0 : i32
      %dma_wait3A_74 = tpu.memref_slice %arg7[%add3A_73, %dma_wait3A] : memref<40x128xi32, #tpu.memory_space<vmem>> -> memref<1x128xi32, #tpu.memory_space<vmem>>
      %dma_wait3A_75 = tpu.memref_squeeze %dma_wait3A_74 : memref<1x128xi32, #tpu.memory_space<vmem>> -> memref<128xi32, #tpu.memory_space<vmem>>
      %dma_wait3A_76 = arith.constant 0 : i32
      %dma_wait3A_77 = arith.constant 0 : i32
      %dma_wait3A_78 = tpu.memref_slice %arg2[%dma_wait3A_76, %dma_wait3A_77] : memref<10240x128xf32, #tpu.memory_space<hbm>> -> memref<10240x128xf32, #tpu.memory_space<hbm>>
      tpu.wait_indirect_dma semaphore(%arg12 : memref<!tpu.dma_semaphore, #tpu.memory_space<semaphore_mem>>) src(%dma_wait3A_78 : memref<10240x128xf32, #tpu.memory_space<hbm>>) dst(%arg9 : memref<128x128xf32, #tpu.memory_space<vmem>>)
      "tpu.region"() ({
        %run_scoped3A = tpu.sem_alloc : memref<!tpu.dma_semaphore, #tpu.memory_space<semaphore_mem>>
        %dma_start3A_102 = arith.constant 0 : i32
        %dma_start3A_103 = arith.constant 0 : i32
        %dma_start3A_104 = tpu.memref_slice %arg9[%dma_start3A_102, %dma_start3A_103] : memref<128x128xf32, #tpu.memory_space<vmem>> -> memref<128x128xf32, #tpu.memory_space<vmem>>
        %dma_start3A_105 = arith.constant 0 : i32
        %dma_start3A_106 = tpu.memref_slice %arg8[%add3A_73, %dma_start3A_105] : memref<40x128xi32, #tpu.memory_space<vmem>> -> memref<1x128xi32, #tpu.memory_space<vmem>>
        %dma_start3A_107 = tpu.memref_squeeze %dma_start3A_106 : memref<1x128xi32, #tpu.memory_space<vmem>> -> memref<128xi32, #tpu.memory_space<vmem>>
        %dma_start3A_108 = arith.constant 0 : i32
        %dma_start3A_109 = arith.constant 0 : i32
        %dma_start3A_110 = tpu.memref_slice %arg11[%dma_start3A_108, %dma_start3A_109] : memref<10240x128xf32, #tpu.memory_space<vmem_shared>> -> memref<10240x128xf32, #tpu.memory_space<vmem_shared>>
        tpu.enqueue_indirect_dma source(%dma_start3A_104 : memref<128x128xf32, #tpu.memory_space<vmem>>) target(%dma_start3A_110 : memref<10240x128xf32, #tpu.memory_space<vmem_shared>>) offsets(%dma_start3A_107 : memref<128xi32, #tpu.memory_space<vmem>>) semaphore(%run_scoped3A : memref<!tpu.dma_semaphore, #tpu.memory_space<semaphore_mem>>) {add = true}
        %dma_wait3A_111 = arith.constant 0 : i32
        %dma_wait3A_112 = arith.constant 0 : i32
        %dma_wait3A_113 = tpu.memref_slice %arg9[%dma_wait3A_111, %dma_wait3A_112] : memref<128x128xf32, #tpu.memory_space<vmem>> -> memref<128x128xf32, #tpu.memory_space<vmem>>
        %dma_wait3A_114 = arith.constant 0 : i32
        %dma_wait3A_115 = tpu.memref_slice %arg8[%add3A_73, %dma_wait3A_114] : memref<40x128xi32, #tpu.memory_space<vmem>> -> memref<1x128xi32, #tpu.memory_space<vmem>>
        %dma_wait3A_116 = tpu.memref_squeeze %dma_wait3A_115 : memref<1x128xi32, #tpu.memory_space<vmem>> -> memref<128xi32, #tpu.memory_space<vmem>>
        %dma_wait3A_117 = arith.constant 0 : i32
        %dma_wait3A_118 = arith.constant 0 : i32
        %dma_wait3A_119 = tpu.memref_slice %arg11[%dma_wait3A_117, %dma_wait3A_118] : memref<10240x128xf32, #tpu.memory_space<vmem_shared>> -> memref<10240x128xf32, #tpu.memory_space<vmem_shared>>
        tpu.wait_indirect_dma semaphore(%run_scoped3A : memref<!tpu.dma_semaphore, #tpu.memory_space<semaphore_mem>>) src(%dma_wait3A_113 : memref<128x128xf32, #tpu.memory_space<vmem>>) dst(%dma_wait3A_119 : memref<10240x128xf32, #tpu.memory_space<vmem_shared>>)
        tpu.yield
      }) : () -> ()
      %add3A_79 = arith.constant 2 : i32
      %add3A_80 = arith.addi %add3A_73, %add3A_79 : i32
      %lt3A = arith.constant 40 : i32
      %lt3A_81 = arith.cmpi slt, %add3A_80, %lt3A : i32
      %convert_element_type3A_82 = arith.extui %lt3A_81 : i1 to i32
      %cond3A_83 = arith.constant 0 : i32
      %cond3A_84 = arith.cmpi ne, %convert_element_type3A_82, %cond3A_83 : i32
      scf.if %cond3A_84 {
        %add3A_102 = arith.constant 2 : i32
        %add3A_103 = arith.addi %add3A_73, %add3A_102 : i32
        %dma_start3A_104 = arith.constant 0 : i32
        %dma_start3A_105 = tpu.memref_slice %arg7[%add3A_103, %dma_start3A_104] : memref<40x128xi32, #tpu.memory_space<vmem>> -> memref<1x128xi32, #tpu.memory_space<vmem>>
        %dma_start3A_106 = tpu.memref_squeeze %dma_start3A_105 : memref<1x128xi32, #tpu.memory_space<vmem>> -> memref<128xi32, #tpu.memory_space<vmem>>
        %dma_start3A_107 = arith.constant 0 : i32
        %dma_start3A_108 = arith.constant 0 : i32
        %dma_start3A_109 = tpu.memref_slice %arg2[%dma_start3A_107, %dma_start3A_108] : memref<10240x128xf32, #tpu.memory_space<hbm>> -> memref<10240x128xf32, #tpu.memory_space<hbm>>
        tpu.enqueue_indirect_dma source(%dma_start3A_109 : memref<10240x128xf32, #tpu.memory_space<hbm>>) target(%arg9 : memref<128x128xf32, #tpu.memory_space<vmem>>) offsets(%dma_start3A_106 : memref<128xi32, #tpu.memory_space<vmem>>) semaphore(%arg12 : memref<!tpu.dma_semaphore, #tpu.memory_space<semaphore_mem>>)
      } else {
      }
      %mul3A_85 = arith.constant 2 : i32
      %mul3A_86 = arith.muli %scan3A_69, %mul3A_85 : i32
      %add3A_87 = arith.constant 1 : i32
      %add3A_88 = arith.addi %mul3A_86, %add3A_87 : i32
      %dma_wait3A_89 = arith.constant 0 : i32
      %dma_wait3A_90 = tpu.memref_slice %arg7[%add3A_88, %dma_wait3A_89] : memref<40x128xi32, #tpu.memory_space<vmem>> -> memref<1x128xi32, #tpu.memory_space<vmem>>
      %dma_wait3A_91 = tpu.memref_squeeze %dma_wait3A_90 : memref<1x128xi32, #tpu.memory_space<vmem>> -> memref<128xi32, #tpu.memory_space<vmem>>
      %dma_wait3A_92 = arith.constant 0 : i32
      %dma_wait3A_93 = arith.constant 0 : i32
      %dma_wait3A_94 = tpu.memref_slice %arg2[%dma_wait3A_92, %dma_wait3A_93] : memref<10240x128xf32, #tpu.memory_space<hbm>> -> memref<10240x128xf32, #tpu.memory_space<hbm>>
      tpu.wait_indirect_dma semaphore(%arg13 : memref<!tpu.dma_semaphore, #tpu.memory_space<semaphore_mem>>) src(%dma_wait3A_94 : memref<10240x128xf32, #tpu.memory_space<hbm>>) dst(%arg10 : memref<128x128xf32, #tpu.memory_space<vmem>>)
      "tpu.region"() ({
        %run_scoped3A = tpu.sem_alloc : memref<!tpu.dma_semaphore, #tpu.memory_space<semaphore_mem>>
        %dma_start3A_102 = arith.constant 0 : i32
        %dma_start3A_103 = arith.constant 0 : i32
        %dma_start3A_104 = tpu.memref_slice %arg10[%dma_start3A_102, %dma_start3A_103] : memref<128x128xf32, #tpu.memory_space<vmem>> -> memref<128x128xf32, #tpu.memory_space<vmem>>
        %dma_start3A_105 = arith.constant 0 : i32
        %dma_start3A_106 = tpu.memref_slice %arg8[%add3A_88, %dma_start3A_105] : memref<40x128xi32, #tpu.memory_space<vmem>> -> memref<1x128xi32, #tpu.memory_space<vmem>>
        %dma_start3A_107 = tpu.memref_squeeze %dma_start3A_106 : memref<1x128xi32, #tpu.memory_space<vmem>> -> memref<128xi32, #tpu.memory_space<vmem>>
        %dma_start3A_108 = arith.constant 0 : i32
        %dma_start3A_109 = arith.constant 0 : i32
        %dma_start3A_110 = tpu.memref_slice %arg11[%dma_start3A_108, %dma_start3A_109] : memref<10240x128xf32, #tpu.memory_space<vmem_shared>> -> memref<10240x128xf32, #tpu.memory_space<vmem_shared>>
        tpu.enqueue_indirect_dma source(%dma_start3A_104 : memref<128x128xf32, #tpu.memory_space<vmem>>) target(%dma_start3A_110 : memref<10240x128xf32, #tpu.memory_space<vmem_shared>>) offsets(%dma_start3A_107 : memref<128xi32, #tpu.memory_space<vmem>>) semaphore(%run_scoped3A : memref<!tpu.dma_semaphore, #tpu.memory_space<semaphore_mem>>) {add = true}
        %dma_wait3A_111 = arith.constant 0 : i32
        %dma_wait3A_112 = arith.constant 0 : i32
        %dma_wait3A_113 = tpu.memref_slice %arg10[%dma_wait3A_111, %dma_wait3A_112] : memref<128x128xf32, #tpu.memory_space<vmem>> -> memref<128x128xf32, #tpu.memory_space<vmem>>
        %dma_wait3A_114 = arith.constant 0 : i32
        %dma_wait3A_115 = tpu.memref_slice %arg8[%add3A_88, %dma_wait3A_114] : memref<40x128xi32, #tpu.memory_space<vmem>> -> memref<1x128xi32, #tpu.memory_space<vmem>>
        %dma_wait3A_116 = tpu.memref_squeeze %dma_wait3A_115 : memref<1x128xi32, #tpu.memory_space<vmem>> -> memref<128xi32, #tpu.memory_space<vmem>>
        %dma_wait3A_117 = arith.constant 0 : i32
        %dma_wait3A_118 = arith.constant 0 : i32
        %dma_wait3A_119 = tpu.memref_slice %arg11[%dma_wait3A_117, %dma_wait3A_118] : memref<10240x128xf32, #tpu.memory_space<vmem_shared>> -> memref<10240x128xf32, #tpu.memory_space<vmem_shared>>
        tpu.wait_indirect_dma semaphore(%run_scoped3A : memref<!tpu.dma_semaphore, #tpu.memory_space<semaphore_mem>>) src(%dma_wait3A_113 : memref<128x128xf32, #tpu.memory_space<vmem>>) dst(%dma_wait3A_119 : memref<10240x128xf32, #tpu.memory_space<vmem_shared>>)
        tpu.yield
      }) : () -> ()
      %add3A_95 = arith.constant 2 : i32
      %add3A_96 = arith.addi %add3A_88, %add3A_95 : i32
      %lt3A_97 = arith.constant 40 : i32
      %lt3A_98 = arith.cmpi slt, %add3A_96, %lt3A_97 : i32
      %convert_element_type3A_99 = arith.extui %lt3A_98 : i1 to i32
      %cond3A_100 = arith.constant 0 : i32
      %cond3A_101 = arith.cmpi ne, %convert_element_type3A_99, %cond3A_100 : i32
      scf.if %cond3A_101 {
        %add3A_102 = arith.constant 2 : i32
        %add3A_103 = arith.addi %add3A_88, %add3A_102 : i32
        %dma_start3A_104 = arith.constant 0 : i32
        %dma_start3A_105 = tpu.memref_slice %arg7[%add3A_103, %dma_start3A_104] : memref<40x128xi32, #tpu.memory_space<vmem>> -> memref<1x128xi32, #tpu.memory_space<vmem>>
        %dma_start3A_106 = tpu.memref_squeeze %dma_start3A_105 : memref<1x128xi32, #tpu.memory_space<vmem>> -> memref<128xi32, #tpu.memory_space<vmem>>
        %dma_start3A_107 = arith.constant 0 : i32
        %dma_start3A_108 = arith.constant 0 : i32
        %dma_start3A_109 = tpu.memref_slice %arg2[%dma_start3A_107, %dma_start3A_108] : memref<10240x128xf32, #tpu.memory_space<hbm>> -> memref<10240x128xf32, #tpu.memory_space<hbm>>
        tpu.enqueue_indirect_dma source(%dma_start3A_109 : memref<10240x128xf32, #tpu.memory_space<hbm>>) target(%arg10 : memref<128x128xf32, #tpu.memory_space<vmem>>) offsets(%dma_start3A_106 : memref<128xi32, #tpu.memory_space<vmem>>) semaphore(%arg13 : memref<!tpu.dma_semaphore, #tpu.memory_space<semaphore_mem>>)
      } else {
      }
    }
    %scan3A_37 = arith.constant 20 : i32
    "tpu.region"() ({
      %run_scoped3A = tpu.sem_alloc : memref<!tpu.dma_semaphore, #tpu.memory_space<semaphore_mem>>
      %dma_start3A_69 = arith.constant 40 : i32
      %dma_start3A_70 = arith.constant 0 : i32
      %dma_start3A_71 = tpu.memref_slice %arg3[%add3A, %dma_start3A_69, %dma_start3A_70] : memref<32x80x128xi32, #tpu.memory_space<hbm>> -> memref<1x40x128xi32, #tpu.memory_space<hbm>>
      %dma_start3A_72 = tpu.memref_squeeze %dma_start3A_71 : memref<1x40x128xi32, #tpu.memory_space<hbm>> -> memref<40x128xi32, #tpu.memory_space<hbm>>
      %dma_start3A_73 = arith.constant 40 : i32
      %dma_start3A_74 = arith.constant 0 : i32
      %dma_start3A_75 = tpu.memref_slice %arg3[%add3A, %dma_start3A_73, %dma_start3A_74] : memref<32x80x128xi32, #tpu.memory_space<hbm>> -> memref<1x40x128xi32, #tpu.memory_space<hbm>>
      %dma_start3A_76 = tpu.memref_squeeze %dma_start3A_75 : memref<1x40x128xi32, #tpu.memory_space<hbm>> -> memref<40x128xi32, #tpu.memory_space<hbm>>
      tpu.enqueue_dma source(%dma_start3A_76 : memref<40x128xi32, #tpu.memory_space<hbm>>) target(%arg7 : memref<40x128xi32, #tpu.memory_space<vmem>>) target_semaphore(%run_scoped3A : memref<!tpu.dma_semaphore, #tpu.memory_space<semaphore_mem>>)
      %dma_wait3A = arith.constant 40 : i32
      %dma_wait3A_77 = arith.constant 0 : i32
      %dma_wait3A_78 = tpu.memref_slice %arg3[%add3A, %dma_wait3A, %dma_wait3A_77] : memref<32x80x128xi32, #tpu.memory_space<hbm>> -> memref<1x40x128xi32, #tpu.memory_space<hbm>>
      %dma_wait3A_79 = tpu.memref_squeeze %dma_wait3A_78 : memref<1x40x128xi32, #tpu.memory_space<hbm>> -> memref<40x128xi32, #tpu.memory_space<hbm>>
      %dma_wait3A_80 = arith.constant 40 : i32
      %dma_wait3A_81 = arith.constant 0 : i32
      %dma_wait3A_82 = tpu.memref_slice %arg3[%add3A, %dma_wait3A_80, %dma_wait3A_81] : memref<32x80x128xi32, #tpu.memory_space<hbm>> -> memref<1x40x128xi32, #tpu.memory_space<hbm>>
      %dma_wait3A_83 = tpu.memref_squeeze %dma_wait3A_82 : memref<1x40x128xi32, #tpu.memory_space<hbm>> -> memref<40x128xi32, #tpu.memory_space<hbm>>
      tpu.wait_dma2 semaphore(%run_scoped3A : memref<!tpu.dma_semaphore, #tpu.memory_space<semaphore_mem>>) src(%dma_wait3A_83 : memref<40x128xi32, #tpu.memory_space<hbm>>) dst(%arg7 : memref<40x128xi32, #tpu.memory_space<vmem>>)
      tpu.yield
    }) : () -> ()
    "tpu.region"() ({
      %run_scoped3A = tpu.sem_alloc : memref<!tpu.dma_semaphore, #tpu.memory_space<semaphore_mem>>
      %dma_start3A_69 = arith.constant 40 : i32
      %dma_start3A_70 = arith.constant 0 : i32
      %dma_start3A_71 = tpu.memref_slice %arg4[%add3A, %dma_start3A_69, %dma_start3A_70] : memref<32x80x128xi32, #tpu.memory_space<hbm>> -> memref<1x40x128xi32, #tpu.memory_space<hbm>>
      %dma_start3A_72 = tpu.memref_squeeze %dma_start3A_71 : memref<1x40x128xi32, #tpu.memory_space<hbm>> -> memref<40x128xi32, #tpu.memory_space<hbm>>
      %dma_start3A_73 = arith.constant 40 : i32
      %dma_start3A_74 = arith.constant 0 : i32
      %dma_start3A_75 = tpu.memref_slice %arg4[%add3A, %dma_start3A_73, %dma_start3A_74] : memref<32x80x128xi32, #tpu.memory_space<hbm>> -> memref<1x40x128xi32, #tpu.memory_space<hbm>>
      %dma_start3A_76 = tpu.memref_squeeze %dma_start3A_75 : memref<1x40x128xi32, #tpu.memory_space<hbm>> -> memref<40x128xi32, #tpu.memory_space<hbm>>
      tpu.enqueue_dma source(%dma_start3A_76 : memref<40x128xi32, #tpu.memory_space<hbm>>) target(%arg8 : memref<40x128xi32, #tpu.memory_space<vmem>>) target_semaphore(%run_scoped3A : memref<!tpu.dma_semaphore, #tpu.memory_space<semaphore_mem>>)
      %dma_wait3A = arith.constant 40 : i32
      %dma_wait3A_77 = arith.constant 0 : i32
      %dma_wait3A_78 = tpu.memref_slice %arg4[%add3A, %dma_wait3A, %dma_wait3A_77] : memref<32x80x128xi32, #tpu.memory_space<hbm>> -> memref<1x40x128xi32, #tpu.memory_space<hbm>>
      %dma_wait3A_79 = tpu.memref_squeeze %dma_wait3A_78 : memref<1x40x128xi32, #tpu.memory_space<hbm>> -> memref<40x128xi32, #tpu.memory_space<hbm>>
      %dma_wait3A_80 = arith.constant 40 : i32
      %dma_wait3A_81 = arith.constant 0 : i32
      %dma_wait3A_82 = tpu.memref_slice %arg4[%add3A, %dma_wait3A_80, %dma_wait3A_81] : memref<32x80x128xi32, #tpu.memory_space<hbm>> -> memref<1x40x128xi32, #tpu.memory_space<hbm>>
      %dma_wait3A_83 = tpu.memref_squeeze %dma_wait3A_82 : memref<1x40x128xi32, #tpu.memory_space<hbm>> -> memref<40x128xi32, #tpu.memory_space<hbm>>
      tpu.wait_dma2 semaphore(%run_scoped3A : memref<!tpu.dma_semaphore, #tpu.memory_space<semaphore_mem>>) src(%dma_wait3A_83 : memref<40x128xi32, #tpu.memory_space<hbm>>) dst(%arg8 : memref<40x128xi32, #tpu.memory_space<vmem>>)
      tpu.yield
    }) : () -> ()
    %dma_start3A_38 = arith.constant 0 : i32
    %dma_start3A_39 = arith.constant 0 : i32
    %dma_start3A_40 = tpu.memref_slice %arg7[%dma_start3A_38, %dma_start3A_39] : memref<40x128xi32, #tpu.memory_space<vmem>> -> memref<1x128xi32, #tpu.memory_space<vmem>>
    %dma_start3A_41 = tpu.memref_squeeze %dma_start3A_40 : memref<1x128xi32, #tpu.memory_space<vmem>> -> memref<128xi32, #tpu.memory_space<vmem>>
    %dma_start3A_42 = arith.constant 0 : i32
    %dma_start3A_43 = arith.constant 0 : i32
    %dma_start3A_44 = tpu.memref_slice %arg2[%dma_start3A_42, %dma_start3A_43] : memref<10240x128xf32, #tpu.memory_space<hbm>> -> memref<10240x128xf32, #tpu.memory_space<hbm>>
    tpu.enqueue_indirect_dma source(%dma_start3A_44 : memref<10240x128xf32, #tpu.memory_space<hbm>>) target(%arg9 : memref<128x128xf32, #tpu.memory_space<vmem>>) offsets(%dma_start3A_41 : memref<128xi32, #tpu.memory_space<vmem>>) semaphore(%arg12 : memref<!tpu.dma_semaphore, #tpu.memory_space<semaphore_mem>>)
    %dma_start3A_45 = arith.constant 1 : i32
    %dma_start3A_46 = arith.constant 0 : i32
    %dma_start3A_47 = tpu.memref_slice %arg7[%dma_start3A_45, %dma_start3A_46] : memref<40x128xi32, #tpu.memory_space<vmem>> -> memref<1x128xi32, #tpu.memory_space<vmem>>
    %dma_start3A_48 = tpu.memref_squeeze %dma_start3A_47 : memref<1x128xi32, #tpu.memory_space<vmem>> -> memref<128xi32, #tpu.memory_space<vmem>>
    %dma_start3A_49 = arith.constant 0 : i32
    %dma_start3A_50 = arith.constant 0 : i32
    %dma_start3A_51 = tpu.memref_slice %arg2[%dma_start3A_49, %dma_start3A_50] : memref<10240x128xf32, #tpu.memory_space<hbm>> -> memref<10240x128xf32, #tpu.memory_space<hbm>>
    tpu.enqueue_indirect_dma source(%dma_start3A_51 : memref<10240x128xf32, #tpu.memory_space<hbm>>) target(%arg10 : memref<128x128xf32, #tpu.memory_space<vmem>>) offsets(%dma_start3A_48 : memref<128xi32, #tpu.memory_space<vmem>>) semaphore(%arg13 : memref<!tpu.dma_semaphore, #tpu.memory_space<semaphore_mem>>)
    %scan3A_52 = arith.constant 0 : i32
    %scan3A_53 = arith.constant 0 : i32
    %scan3A_54 = arith.constant 20 : i32
    %scan3A_55 = arith.addi %scan3A_53, %scan3A_54 : i32
    %scan3A_56 = arith.constant 1 : i32
    scf.for %scan3A_69 = %scan3A_53 to %scan3A_55 step %scan3A_56  : i32 {
      %mul3A_70 = arith.constant 2 : i32
      %mul3A_71 = arith.muli %scan3A_69, %mul3A_70 : i32
      %add3A_72 = arith.constant 0 : i32
      %add3A_73 = arith.addi %mul3A_71, %add3A_72 : i32
      %dma_wait3A = arith.constant 0 : i32
      %dma_wait3A_74 = tpu.memref_slice %arg7[%add3A_73, %dma_wait3A] : memref<40x128xi32, #tpu.memory_space<vmem>> -> memref<1x128xi32, #tpu.memory_space<vmem>>
      %dma_wait3A_75 = tpu.memref_squeeze %dma_wait3A_74 : memref<1x128xi32, #tpu.memory_space<vmem>> -> memref<128xi32, #tpu.memory_space<vmem>>
      %dma_wait3A_76 = arith.constant 0 : i32
      %dma_wait3A_77 = arith.constant 0 : i32
      %dma_wait3A_78 = tpu.memref_slice %arg2[%dma_wait3A_76, %dma_wait3A_77] : memref<10240x128xf32, #tpu.memory_space<hbm>> -> memref<10240x128xf32, #tpu.memory_space<hbm>>
      tpu.wait_indirect_dma semaphore(%arg12 : memref<!tpu.dma_semaphore, #tpu.memory_space<semaphore_mem>>) src(%dma_wait3A_78 : memref<10240x128xf32, #tpu.memory_space<hbm>>) dst(%arg9 : memref<128x128xf32, #tpu.memory_space<vmem>>)
      "tpu.region"() ({
        %run_scoped3A = tpu.sem_alloc : memref<!tpu.dma_semaphore, #tpu.memory_space<semaphore_mem>>
        %dma_start3A_102 = arith.constant 0 : i32
        %dma_start3A_103 = arith.constant 0 : i32
        %dma_start3A_104 = tpu.memref_slice %arg9[%dma_start3A_102, %dma_start3A_103] : memref<128x128xf32, #tpu.memory_space<vmem>> -> memref<128x128xf32, #tpu.memory_space<vmem>>
        %dma_start3A_105 = arith.constant 0 : i32
        %dma_start3A_106 = tpu.memref_slice %arg8[%add3A_73, %dma_start3A_105] : memref<40x128xi32, #tpu.memory_space<vmem>> -> memref<1x128xi32, #tpu.memory_space<vmem>>
        %dma_start3A_107 = tpu.memref_squeeze %dma_start3A_106 : memref<1x128xi32, #tpu.memory_space<vmem>> -> memref<128xi32, #tpu.memory_space<vmem>>
        %dma_start3A_108 = arith.constant 0 : i32
        %dma_start3A_109 = arith.constant 0 : i32
        %dma_start3A_110 = tpu.memref_slice %arg11[%dma_start3A_108, %dma_start3A_109] : memref<10240x128xf32, #tpu.memory_space<vmem_shared>> -> memref<10240x128xf32, #tpu.memory_space<vmem_shared>>
        tpu.enqueue_indirect_dma source(%dma_start3A_104 : memref<128x128xf32, #tpu.memory_space<vmem>>) target(%dma_start3A_110 : memref<10240x128xf32, #tpu.memory_space<vmem_shared>>) offsets(%dma_start3A_107 : memref<128xi32, #tpu.memory_space<vmem>>) semaphore(%run_scoped3A : memref<!tpu.dma_semaphore, #tpu.memory_space<semaphore_mem>>) {add = true}
        %dma_wait3A_111 = arith.constant 0 : i32
        %dma_wait3A_112 = arith.constant 0 : i32
        %dma_wait3A_113 = tpu.memref_slice %arg9[%dma_wait3A_111, %dma_wait3A_112] : memref<128x128xf32, #tpu.memory_space<vmem>> -> memref<128x128xf32, #tpu.memory_space<vmem>>
        %dma_wait3A_114 = arith.constant 0 : i32
        %dma_wait3A_115 = tpu.memref_slice %arg8[%add3A_73, %dma_wait3A_114] : memref<40x128xi32, #tpu.memory_space<vmem>> -> memref<1x128xi32, #tpu.memory_space<vmem>>
        %dma_wait3A_116 = tpu.memref_squeeze %dma_wait3A_115 : memref<1x128xi32, #tpu.memory_space<vmem>> -> memref<128xi32, #tpu.memory_space<vmem>>
        %dma_wait3A_117 = arith.constant 0 : i32
        %dma_wait3A_118 = arith.constant 0 : i32
        %dma_wait3A_119 = tpu.memref_slice %arg11[%dma_wait3A_117, %dma_wait3A_118] : memref<10240x128xf32, #tpu.memory_space<vmem_shared>> -> memref<10240x128xf32, #tpu.memory_space<vmem_shared>>
        tpu.wait_indirect_dma semaphore(%run_scoped3A : memref<!tpu.dma_semaphore, #tpu.memory_space<semaphore_mem>>) src(%dma_wait3A_113 : memref<128x128xf32, #tpu.memory_space<vmem>>) dst(%dma_wait3A_119 : memref<10240x128xf32, #tpu.memory_space<vmem_shared>>)
        tpu.yield
      }) : () -> ()
      %add3A_79 = arith.constant 2 : i32
      %add3A_80 = arith.addi %add3A_73, %add3A_79 : i32
      %lt3A = arith.constant 40 : i32
      %lt3A_81 = arith.cmpi slt, %add3A_80, %lt3A : i32
      %convert_element_type3A_82 = arith.extui %lt3A_81 : i1 to i32
      %cond3A_83 = arith.constant 0 : i32
      %cond3A_84 = arith.cmpi ne, %convert_element_type3A_82, %cond3A_83 : i32
      scf.if %cond3A_84 {
        %add3A_102 = arith.constant 2 : i32
        %add3A_103 = arith.addi %add3A_73, %add3A_102 : i32
        %dma_start3A_104 = arith.constant 0 : i32
        %dma_start3A_105 = tpu.memref_slice %arg7[%add3A_103, %dma_start3A_104] : memref<40x128xi32, #tpu.memory_space<vmem>> -> memref<1x128xi32, #tpu.memory_space<vmem>>
        %dma_start3A_106 = tpu.memref_squeeze %dma_start3A_105 : memref<1x128xi32, #tpu.memory_space<vmem>> -> memref<128xi32, #tpu.memory_space<vmem>>
        %dma_start3A_107 = arith.constant 0 : i32
        %dma_start3A_108 = arith.constant 0 : i32
        %dma_start3A_109 = tpu.memref_slice %arg2[%dma_start3A_107, %dma_start3A_108] : memref<10240x128xf32, #tpu.memory_space<hbm>> -> memref<10240x128xf32, #tpu.memory_space<hbm>>
        tpu.enqueue_indirect_dma source(%dma_start3A_109 : memref<10240x128xf32, #tpu.memory_space<hbm>>) target(%arg9 : memref<128x128xf32, #tpu.memory_space<vmem>>) offsets(%dma_start3A_106 : memref<128xi32, #tpu.memory_space<vmem>>) semaphore(%arg12 : memref<!tpu.dma_semaphore, #tpu.memory_space<semaphore_mem>>)
      } else {
      }
      %mul3A_85 = arith.constant 2 : i32
      %mul3A_86 = arith.muli %scan3A_69, %mul3A_85 : i32
      %add3A_87 = arith.constant 1 : i32
      %add3A_88 = arith.addi %mul3A_86, %add3A_87 : i32
      %dma_wait3A_89 = arith.constant 0 : i32
      %dma_wait3A_90 = tpu.memref_slice %arg7[%add3A_88, %dma_wait3A_89] : memref<40x128xi32, #tpu.memory_space<vmem>> -> memref<1x128xi32, #tpu.memory_space<vmem>>
      %dma_wait3A_91 = tpu.memref_squeeze %dma_wait3A_90 : memref<1x128xi32, #tpu.memory_space<vmem>> -> memref<128xi32, #tpu.memory_space<vmem>>
      %dma_wait3A_92 = arith.constant 0 : i32
      %dma_wait3A_93 = arith.constant 0 : i32
      %dma_wait3A_94 = tpu.memref_slice %arg2[%dma_wait3A_92, %dma_wait3A_93] : memref<10240x128xf32, #tpu.memory_space<hbm>> -> memref<10240x128xf32, #tpu.memory_space<hbm>>
      tpu.wait_indirect_dma semaphore(%arg13 : memref<!tpu.dma_semaphore, #tpu.memory_space<semaphore_mem>>) src(%dma_wait3A_94 : memref<10240x128xf32, #tpu.memory_space<hbm>>) dst(%arg10 : memref<128x128xf32, #tpu.memory_space<vmem>>)
      "tpu.region"() ({
        %run_scoped3A = tpu.sem_alloc : memref<!tpu.dma_semaphore, #tpu.memory_space<semaphore_mem>>
        %dma_start3A_102 = arith.constant 0 : i32
        %dma_start3A_103 = arith.constant 0 : i32
        %dma_start3A_104 = tpu.memref_slice %arg10[%dma_start3A_102, %dma_start3A_103] : memref<128x128xf32, #tpu.memory_space<vmem>> -> memref<128x128xf32, #tpu.memory_space<vmem>>
        %dma_start3A_105 = arith.constant 0 : i32
        %dma_start3A_106 = tpu.memref_slice %arg8[%add3A_88, %dma_start3A_105] : memref<40x128xi32, #tpu.memory_space<vmem>> -> memref<1x128xi32, #tpu.memory_space<vmem>>
        %dma_start3A_107 = tpu.memref_squeeze %dma_start3A_106 : memref<1x128xi32, #tpu.memory_space<vmem>> -> memref<128xi32, #tpu.memory_space<vmem>>
        %dma_start3A_108 = arith.constant 0 : i32
        %dma_start3A_109 = arith.constant 0 : i32
        %dma_start3A_110 = tpu.memref_slice %arg11[%dma_start3A_108, %dma_start3A_109] : memref<10240x128xf32, #tpu.memory_space<vmem_shared>> -> memref<10240x128xf32, #tpu.memory_space<vmem_shared>>
        tpu.enqueue_indirect_dma source(%dma_start3A_104 : memref<128x128xf32, #tpu.memory_space<vmem>>) target(%dma_start3A_110 : memref<10240x128xf32, #tpu.memory_space<vmem_shared>>) offsets(%dma_start3A_107 : memref<128xi32, #tpu.memory_space<vmem>>) semaphore(%run_scoped3A : memref<!tpu.dma_semaphore, #tpu.memory_space<semaphore_mem>>) {add = true}
        %dma_wait3A_111 = arith.constant 0 : i32
        %dma_wait3A_112 = arith.constant 0 : i32
        %dma_wait3A_113 = tpu.memref_slice %arg10[%dma_wait3A_111, %dma_wait3A_112] : memref<128x128xf32, #tpu.memory_space<vmem>> -> memref<128x128xf32, #tpu.memory_space<vmem>>
        %dma_wait3A_114 = arith.constant 0 : i32
        %dma_wait3A_115 = tpu.memref_slice %arg8[%add3A_88, %dma_wait3A_114] : memref<40x128xi32, #tpu.memory_space<vmem>> -> memref<1x128xi32, #tpu.memory_space<vmem>>
        %dma_wait3A_116 = tpu.memref_squeeze %dma_wait3A_115 : memref<1x128xi32, #tpu.memory_space<vmem>> -> memref<128xi32, #tpu.memory_space<vmem>>
        %dma_wait3A_117 = arith.constant 0 : i32
        %dma_wait3A_118 = arith.constant 0 : i32
        %dma_wait3A_119 = tpu.memref_slice %arg11[%dma_wait3A_117, %dma_wait3A_118] : memref<10240x128xf32, #tpu.memory_space<vmem_shared>> -> memref<10240x128xf32, #tpu.memory_space<vmem_shared>>
        tpu.wait_indirect_dma semaphore(%run_scoped3A : memref<!tpu.dma_semaphore, #tpu.memory_space<semaphore_mem>>) src(%dma_wait3A_113 : memref<128x128xf32, #tpu.memory_space<vmem>>) dst(%dma_wait3A_119 : memref<10240x128xf32, #tpu.memory_space<vmem_shared>>)
        tpu.yield
      }) : () -> ()
      %add3A_95 = arith.constant 2 : i32
      %add3A_96 = arith.addi %add3A_88, %add3A_95 : i32
      %lt3A_97 = arith.constant 40 : i32
      %lt3A_98 = arith.cmpi slt, %add3A_96, %lt3A_97 : i32
      %convert_element_type3A_99 = arith.extui %lt3A_98 : i1 to i32
      %cond3A_100 = arith.constant 0 : i32
      %cond3A_101 = arith.cmpi ne, %convert_element_type3A_99, %cond3A_100 : i32
      scf.if %cond3A_101 {
        %add3A_102 = arith.constant 2 : i32
        %add3A_103 = arith.addi %add3A_88, %add3A_102 : i32
        %dma_start3A_104 = arith.constant 0 : i32
        %dma_start3A_105 = tpu.memref_slice %arg7[%add3A_103, %dma_start3A_104] : memref<40x128xi32, #tpu.memory_space<vmem>> -> memref<1x128xi32, #tpu.memory_space<vmem>>
        %dma_start3A_106 = tpu.memref_squeeze %dma_start3A_105 : memref<1x128xi32, #tpu.memory_space<vmem>> -> memref<128xi32, #tpu.memory_space<vmem>>
        %dma_start3A_107 = arith.constant 0 : i32
        %dma_start3A_108 = arith.constant 0 : i32
        %dma_start3A_109 = tpu.memref_slice %arg2[%dma_start3A_107, %dma_start3A_108] : memref<10240x128xf32, #tpu.memory_space<hbm>> -> memref<10240x128xf32, #tpu.memory_space<hbm>>
        tpu.enqueue_indirect_dma source(%dma_start3A_109 : memref<10240x128xf32, #tpu.memory_space<hbm>>) target(%arg10 : memref<128x128xf32, #tpu.memory_space<vmem>>) offsets(%dma_start3A_106 : memref<128xi32, #tpu.memory_space<vmem>>) semaphore(%arg13 : memref<!tpu.dma_semaphore, #tpu.memory_space<semaphore_mem>>)
      } else {
      }
    }
    %scan3A_57 = arith.constant 20 : i32
    %barrier3A_58 = arith.constant 0 : index
    tpu.barrier barrier_id(%barrier3A_58)
    %eq3A_59 = arith.constant 0 : i32
    %eq3A_60 = arith.cmpi eq, %arg0, %eq3A_59 : i32
    %convert_element_type3A_61 = arith.extui %eq3A_60 : i1 to i32
    %cond3A_62 = arith.constant 0 : i32
    %cond3A_63 = arith.cmpi ne, %convert_element_type3A_61, %cond3A_62 : i32
    scf.if %cond3A_63 {
      "tpu.region"() ({
        %run_scoped3A = tpu.sem_alloc : memref<!tpu.dma_semaphore, #tpu.memory_space<semaphore_mem>>
        %dma_start3A_69 = arith.constant 0 : i32
        %dma_start3A_70 = tpu.memref_slice %arg5[%mul3A_2, %dma_start3A_69] : memref<10240x128xf32, #tpu.memory_space<hbm>> -> memref<640x128xf32, #tpu.memory_space<hbm>>
        %dma_start3A_71 = arith.constant 0 : i32
        %dma_start3A_72 = tpu.memref_slice %arg11[%mul3A_2, %dma_start3A_71] : memref<10240x128xf32, #tpu.memory_space<vmem_shared>> -> memref<640x128xf32, #tpu.memory_space<vmem_shared>>
        tpu.enqueue_dma source(%dma_start3A_72 : memref<640x128xf32, #tpu.memory_space<vmem_shared>>) target(%dma_start3A_70 : memref<640x128xf32, #tpu.memory_space<hbm>>) target_semaphore(%run_scoped3A : memref<!tpu.dma_semaphore, #tpu.memory_space<semaphore_mem>>)
        %dma_wait3A = arith.constant 0 : i32
        %dma_wait3A_73 = tpu.memref_slice %arg5[%mul3A_2, %dma_wait3A] : memref<10240x128xf32, #tpu.memory_space<hbm>> -> memref<640x128xf32, #tpu.memory_space<hbm>>
        %dma_wait3A_74 = arith.constant 0 : i32
        %dma_wait3A_75 = tpu.memref_slice %arg11[%mul3A_2, %dma_wait3A_74] : memref<10240x128xf32, #tpu.memory_space<vmem_shared>> -> memref<640x128xf32, #tpu.memory_space<vmem_shared>>
        tpu.wait_dma2 semaphore(%run_scoped3A : memref<!tpu.dma_semaphore, #tpu.memory_space<semaphore_mem>>) src(%dma_wait3A_75 : memref<640x128xf32, #tpu.memory_space<vmem_shared>>) dst(%dma_wait3A_73 : memref<640x128xf32, #tpu.memory_space<hbm>>)
        tpu.yield
      }) : () -> ()
    } else {
    }
    %eq3A_64 = arith.constant 1 : i32
    %eq3A_65 = arith.cmpi eq, %arg0, %eq3A_64 : i32
    %convert_element_type3A_66 = arith.extui %eq3A_65 : i1 to i32
    %cond3A_67 = arith.constant 0 : i32
    %cond3A_68 = arith.cmpi ne, %convert_element_type3A_66, %cond3A_67 : i32
    scf.if %cond3A_68 {
      "tpu.region"() ({
        %run_scoped3A = tpu.sem_alloc : memref<!tpu.dma_semaphore, #tpu.memory_space<semaphore_mem>>
        %dma_start3A_69 = arith.constant 0 : i32
        %dma_start3A_70 = tpu.memref_slice %arg6[%mul3A_2, %dma_start3A_69] : memref<10240x128xf32, #tpu.memory_space<hbm>> -> memref<640x128xf32, #tpu.memory_space<hbm>>
        %dma_start3A_71 = arith.constant 0 : i32
        %dma_start3A_72 = tpu.memref_slice %arg11[%mul3A_2, %dma_start3A_71] : memref<10240x128xf32, #tpu.memory_space<vmem_shared>> -> memref<640x128xf32, #tpu.memory_space<vmem_shared>>
        tpu.enqueue_dma source(%dma_start3A_72 : memref<640x128xf32, #tpu.memory_space<vmem_shared>>) target(%dma_start3A_70 : memref<640x128xf32, #tpu.memory_space<hbm>>) target_semaphore(%run_scoped3A : memref<!tpu.dma_semaphore, #tpu.memory_space<semaphore_mem>>)
        %dma_wait3A = arith.constant 0 : i32
        %dma_wait3A_73 = tpu.memref_slice %arg6[%mul3A_2, %dma_wait3A] : memref<10240x128xf32, #tpu.memory_space<hbm>> -> memref<640x128xf32, #tpu.memory_space<hbm>>
        %dma_wait3A_74 = arith.constant 0 : i32
        %dma_wait3A_75 = tpu.memref_slice %arg11[%mul3A_2, %dma_wait3A_74] : memref<10240x128xf32, #tpu.memory_space<vmem_shared>> -> memref<640x128xf32, #tpu.memory_space<vmem_shared>>
        tpu.wait_dma2 semaphore(%run_scoped3A : memref<!tpu.dma_semaphore, #tpu.memory_space<semaphore_mem>>) src(%dma_wait3A_75 : memref<640x128xf32, #tpu.memory_space<vmem_shared>>) dst(%dma_wait3A_73 : memref<640x128xf32, #tpu.memory_space<hbm>>)
        tpu.yield
      }) : () -> ()
    } else {
    }
    return
  }
}

#map = affine_map<(d0, d1) -> (0, 0, 0)>
#map1 = affine_map<(d0, d1) -> (0)>
module attributes {stable_mosaic.version = 14 : i64} {
  func.func @deg_kernel(%arg0: i32, %arg1: i32, %arg2: memref<32x80x128xi32, #tpu.memory_space<hbm>>, %arg3: memref<10240xf32, #tpu.memory_space<hbm>>, %arg4: memref<10240xf32, #tpu.memory_space<hbm>>, %arg5: memref<80x128xi32, #tpu.memory_space<vmem>>, %arg6: memref<128xf32, #tpu.memory_space<vmem>>, %arg7: memref<640xf32, #tpu.memory_space<vmem>>, %arg8: memref<10240xf32, #tpu.memory_space<vmem_shared>>, %arg9: memref<!tpu.dma_semaphore, #tpu.memory_space<semaphore_mem>>) attributes {dimension_semantics = [#tpu.dimension_semantics<core_parallel>, #tpu.dimension_semantics<subcore_parallel>], iteration_bounds = array<i64: 2, 16>, scalar_prefetch = 0 : i64, scratch_operands = 5 : i64, tpu.core_type = #tpu.core_type<sc_vector_subcore>, window_params = [{transform_indices = #map}, {transform_indices = #map1}, {transform_indices = #map1}]} {
    %mul3A = arith.constant 2 : i32
    %mul3A_0 = arith.muli %arg1, %mul3A : i32
    %add3A = arith.addi %mul3A_0, %arg0 : i32
    %mul3A_1 = arith.constant 640 : i32
    %mul3A_2 = arith.muli %arg1, %mul3A_1 : i32
    %broadcast_in_dim3A = arith.constant 0.000000e+00 : f32
    %broadcast_in_dim3A_3 = vector.broadcast %broadcast_in_dim3A : f32 to vector<16xf32>
    %broadcast_in_dim3A_4 = arith.constant 1.000000e+00 : f32
    %broadcast_in_dim3A_5 = vector.broadcast %broadcast_in_dim3A_4 : f32 to vector<16xf32>
    %scan3A = arith.constant 0 : i32
    %scan3A_6 = arith.constant 0 : i32
    %scan3A_7 = arith.constant 40 : i32
    %scan3A_8 = arith.addi %scan3A_6, %scan3A_7 : i32
    %scan3A_9 = arith.constant 1 : i32
    scf.for %scan3A_37 = %scan3A_6 to %scan3A_8 step %scan3A_9  : i32 {
      %mul3A_38 = arith.constant 16 : i32
      %mul3A_39 = arith.muli %scan3A_37, %mul3A_38 : i32
      %swap3A = arith.index_cast %mul3A_39 : i32 to index
      %swap3A_40 = tpu.vector_load %arg7[%swap3A] {strides = array<i32>} : memref<640xf32, #tpu.memory_space<vmem>>, vector<16xf32>,
      %swap3A_41 = vector.shape_cast %swap3A_40 : vector<16xf32> to vector<16xf32>
      %swap3A_42 = vector.shape_cast %broadcast_in_dim3A_3 : vector<16xf32> to vector<16xf32>
      tpu.vector_store %arg7[%swap3A], %swap3A_42 {strides = array<i32>} : memref<640xf32, #tpu.memory_space<vmem>>, vector<16xf32>,
    }
    %scan3A_10 = arith.constant 40 : i32
    %scan3A_11 = arith.constant 0 : i32
    %scan3A_12 = arith.constant 0 : i32
    %scan3A_13 = arith.constant 8 : i32
    %scan3A_14 = arith.addi %scan3A_12, %scan3A_13 : i32
    %scan3A_15 = arith.constant 1 : i32
    scf.for %scan3A_37 = %scan3A_12 to %scan3A_14 step %scan3A_15  : i32 {
      %mul3A_38 = arith.constant 16 : i32
      %mul3A_39 = arith.muli %scan3A_37, %mul3A_38 : i32
      %swap3A = arith.index_cast %mul3A_39 : i32 to index
      %swap3A_40 = tpu.vector_load %arg6[%swap3A] {strides = array<i32>} : memref<128xf32, #tpu.memory_space<vmem>>, vector<16xf32>,
      %swap3A_41 = vector.shape_cast %swap3A_40 : vector<16xf32> to vector<16xf32>
      %swap3A_42 = vector.shape_cast %broadcast_in_dim3A_5 : vector<16xf32> to vector<16xf32>
      tpu.vector_store %arg6[%swap3A], %swap3A_42 {strides = array<i32>} : memref<128xf32, #tpu.memory_space<vmem>>, vector<16xf32>,
    }
    %scan3A_16 = arith.constant 8 : i32
    "tpu.region"() ({
      %run_scoped3A = tpu.sem_alloc : memref<!tpu.dma_semaphore, #tpu.memory_space<semaphore_mem>>
      %dma_start3A = arith.constant 0 : i32
      %dma_start3A_37 = tpu.memref_slice %arg7[%dma_start3A] : memref<640xf32, #tpu.memory_space<vmem>> -> memref<640xf32, #tpu.memory_space<vmem>>
      %dma_start3A_38 = tpu.memref_slice %arg8[%mul3A_2] : memref<10240xf32, #tpu.memory_space<vmem_shared>> -> memref<640xf32, #tpu.memory_space<vmem_shared>>
      %dma_start3A_39 = tpu.memref_slice %arg8[%mul3A_2] : memref<10240xf32, #tpu.memory_space<vmem_shared>> -> memref<640xf32, #tpu.memory_space<vmem_shared>>
      %dma_start3A_40 = arith.constant 0 : i32
      %dma_start3A_41 = tpu.memref_slice %arg7[%dma_start3A_40] : memref<640xf32, #tpu.memory_space<vmem>> -> memref<640xf32, #tpu.memory_space<vmem>>
      tpu.enqueue_dma source(%dma_start3A_41 : memref<640xf32, #tpu.memory_space<vmem>>) target(%dma_start3A_39 : memref<640xf32, #tpu.memory_space<vmem_shared>>) target_semaphore(%run_scoped3A : memref<!tpu.dma_semaphore, #tpu.memory_space<semaphore_mem>>)
      %dma_wait3A = arith.constant 0 : i32
      %dma_wait3A_42 = tpu.memref_slice %arg7[%dma_wait3A] : memref<640xf32, #tpu.memory_space<vmem>> -> memref<640xf32, #tpu.memory_space<vmem>>
      %dma_wait3A_43 = tpu.memref_slice %arg8[%mul3A_2] : memref<10240xf32, #tpu.memory_space<vmem_shared>> -> memref<640xf32, #tpu.memory_space<vmem_shared>>
      %dma_wait3A_44 = tpu.memref_slice %arg8[%mul3A_2] : memref<10240xf32, #tpu.memory_space<vmem_shared>> -> memref<640xf32, #tpu.memory_space<vmem_shared>>
      %dma_wait3A_45 = arith.constant 0 : i32
      %dma_wait3A_46 = tpu.memref_slice %arg7[%dma_wait3A_45] : memref<640xf32, #tpu.memory_space<vmem>> -> memref<640xf32, #tpu.memory_space<vmem>>
      tpu.wait_dma2 semaphore(%run_scoped3A : memref<!tpu.dma_semaphore, #tpu.memory_space<semaphore_mem>>) src(%dma_wait3A_46 : memref<640xf32, #tpu.memory_space<vmem>>) dst(%dma_wait3A_44 : memref<640xf32, #tpu.memory_space<vmem_shared>>)
      tpu.yield
    }) : () -> ()
    "tpu.region"() ({
      %run_scoped3A = tpu.sem_alloc : memref<!tpu.dma_semaphore, #tpu.memory_space<semaphore_mem>>
      %dma_start3A = arith.constant 0 : i32
      %dma_start3A_37 = arith.constant 0 : i32
      %dma_start3A_38 = tpu.memref_slice %arg2[%add3A, %dma_start3A, %dma_start3A_37] : memref<32x80x128xi32, #tpu.memory_space<hbm>> -> memref<1x80x128xi32, #tpu.memory_space<hbm>>
      %dma_start3A_39 = tpu.memref_squeeze %dma_start3A_38 : memref<1x80x128xi32, #tpu.memory_space<hbm>> -> memref<80x128xi32, #tpu.memory_space<hbm>>
      %dma_start3A_40 = arith.constant 0 : i32
      %dma_start3A_41 = arith.constant 0 : i32
      %dma_start3A_42 = tpu.memref_slice %arg2[%add3A, %dma_start3A_40, %dma_start3A_41] : memref<32x80x128xi32, #tpu.memory_space<hbm>> -> memref<1x80x128xi32, #tpu.memory_space<hbm>>
      %dma_start3A_43 = tpu.memref_squeeze %dma_start3A_42 : memref<1x80x128xi32, #tpu.memory_space<hbm>> -> memref<80x128xi32, #tpu.memory_space<hbm>>
      tpu.enqueue_dma source(%dma_start3A_43 : memref<80x128xi32, #tpu.memory_space<hbm>>) target(%arg5 : memref<80x128xi32, #tpu.memory_space<vmem>>) target_semaphore(%run_scoped3A : memref<!tpu.dma_semaphore, #tpu.memory_space<semaphore_mem>>)
      %dma_wait3A = arith.constant 0 : i32
      %dma_wait3A_44 = arith.constant 0 : i32
      %dma_wait3A_45 = tpu.memref_slice %arg2[%add3A, %dma_wait3A, %dma_wait3A_44] : memref<32x80x128xi32, #tpu.memory_space<hbm>> -> memref<1x80x128xi32, #tpu.memory_space<hbm>>
      %dma_wait3A_46 = tpu.memref_squeeze %dma_wait3A_45 : memref<1x80x128xi32, #tpu.memory_space<hbm>> -> memref<80x128xi32, #tpu.memory_space<hbm>>
      %dma_wait3A_47 = arith.constant 0 : i32
      %dma_wait3A_48 = arith.constant 0 : i32
      %dma_wait3A_49 = tpu.memref_slice %arg2[%add3A, %dma_wait3A_47, %dma_wait3A_48] : memref<32x80x128xi32, #tpu.memory_space<hbm>> -> memref<1x80x128xi32, #tpu.memory_space<hbm>>
      %dma_wait3A_50 = tpu.memref_squeeze %dma_wait3A_49 : memref<1x80x128xi32, #tpu.memory_space<hbm>> -> memref<80x128xi32, #tpu.memory_space<hbm>>
      tpu.wait_dma2 semaphore(%run_scoped3A : memref<!tpu.dma_semaphore, #tpu.memory_space<semaphore_mem>>) src(%dma_wait3A_50 : memref<80x128xi32, #tpu.memory_space<hbm>>) dst(%arg5 : memref<80x128xi32, #tpu.memory_space<vmem>>)
      tpu.yield
    }) : () -> ()
    %barrier3A = arith.constant 0 : index
    tpu.barrier barrier_id(%barrier3A)
    %scan3A_17 = arith.constant 0 : i32
    %scan3A_18 = arith.constant 0 : i32
    %scan3A_19 = arith.constant 80 : i32
    %scan3A_20 = arith.addi %scan3A_18, %scan3A_19 : i32
    %scan3A_21 = arith.constant 1 : i32
    scf.for %scan3A_37 = %scan3A_18 to %scan3A_20 step %scan3A_21  : i32 {
      %dma_start3A = arith.constant 0 : i32
      %dma_start3A_38 = tpu.memref_slice %arg5[%scan3A_37, %dma_start3A] : memref<80x128xi32, #tpu.memory_space<vmem>> -> memref<1x128xi32, #tpu.memory_space<vmem>>
      %dma_start3A_39 = tpu.memref_squeeze %dma_start3A_38 : memref<1x128xi32, #tpu.memory_space<vmem>> -> memref<128xi32, #tpu.memory_space<vmem>>
      %dma_start3A_40 = arith.constant 0 : i32
      %dma_start3A_41 = tpu.memref_slice %arg8[%dma_start3A_40] : memref<10240xf32, #tpu.memory_space<vmem_shared>> -> memref<10240xf32, #tpu.memory_space<vmem_shared>>
      tpu.enqueue_indirect_dma source(%arg6 : memref<128xf32, #tpu.memory_space<vmem>>) target(%dma_start3A_41 : memref<10240xf32, #tpu.memory_space<vmem_shared>>) offsets(%dma_start3A_39 : memref<128xi32, #tpu.memory_space<vmem>>) semaphore(%arg9 : memref<!tpu.dma_semaphore, #tpu.memory_space<semaphore_mem>>) {add = true}
    }
    %scan3A_22 = arith.constant 80 : i32
    %scan3A_23 = arith.constant 0 : i32
    %scan3A_24 = arith.constant 0 : i32
    %scan3A_25 = arith.constant 80 : i32
    %scan3A_26 = arith.addi %scan3A_24, %scan3A_25 : i32
    %scan3A_27 = arith.constant 1 : i32
    scf.for %scan3A_37 = %scan3A_24 to %scan3A_26 step %scan3A_27  : i32 {
      %dma_wait3A = arith.constant 0 : i32
      %dma_wait3A_38 = arith.constant 0 : i32
      %dma_wait3A_39 = tpu.memref_slice %arg5[%dma_wait3A, %dma_wait3A_38] : memref<80x128xi32, #tpu.memory_space<vmem>> -> memref<1x128xi32, #tpu.memory_space<vmem>>
      %dma_wait3A_40 = tpu.memref_squeeze %dma_wait3A_39 : memref<1x128xi32, #tpu.memory_space<vmem>> -> memref<128xi32, #tpu.memory_space<vmem>>
      %dma_wait3A_41 = arith.constant 0 : i32
      %dma_wait3A_42 = tpu.memref_slice %arg8[%dma_wait3A_41] : memref<10240xf32, #tpu.memory_space<vmem_shared>> -> memref<10240xf32, #tpu.memory_space<vmem_shared>>
      tpu.wait_indirect_dma semaphore(%arg9 : memref<!tpu.dma_semaphore, #tpu.memory_space<semaphore_mem>>) src(%arg6 : memref<128xf32, #tpu.memory_space<vmem>>) dst(%dma_wait3A_42 : memref<10240xf32, #tpu.memory_space<vmem_shared>>)
    }
    %scan3A_28 = arith.constant 80 : i32
    %barrier3A_29 = arith.constant 0 : index
    tpu.barrier barrier_id(%barrier3A_29)
    %eq3A = arith.constant 0 : i32
    %eq3A_30 = arith.cmpi eq, %arg0, %eq3A : i32
    %convert_element_type3A = arith.extui %eq3A_30 : i1 to i32
    %cond3A = arith.constant 0 : i32
    %cond3A_31 = arith.cmpi ne, %convert_element_type3A, %cond3A : i32
    scf.if %cond3A_31 {
      "tpu.region"() ({
        %run_scoped3A = tpu.sem_alloc : memref<!tpu.dma_semaphore, #tpu.memory_space<semaphore_mem>>
        %dma_start3A = tpu.memref_slice %arg3[%mul3A_2] : memref<10240xf32, #tpu.memory_space<hbm>> -> memref<640xf32, #tpu.memory_space<hbm>>
        %dma_start3A_37 = tpu.memref_slice %arg8[%mul3A_2] : memref<10240xf32, #tpu.memory_space<vmem_shared>> -> memref<640xf32, #tpu.memory_space<vmem_shared>>
        tpu.enqueue_dma source(%dma_start3A_37 : memref<640xf32, #tpu.memory_space<vmem_shared>>) target(%dma_start3A : memref<640xf32, #tpu.memory_space<hbm>>) target_semaphore(%run_scoped3A : memref<!tpu.dma_semaphore, #tpu.memory_space<semaphore_mem>>)
        %dma_wait3A = tpu.memref_slice %arg3[%mul3A_2] : memref<10240xf32, #tpu.memory_space<hbm>> -> memref<640xf32, #tpu.memory_space<hbm>>
        %dma_wait3A_38 = tpu.memref_slice %arg8[%mul3A_2] : memref<10240xf32, #tpu.memory_space<vmem_shared>> -> memref<640xf32, #tpu.memory_space<vmem_shared>>
        tpu.wait_dma2 semaphore(%run_scoped3A : memref<!tpu.dma_semaphore, #tpu.memory_space<semaphore_mem>>) src(%dma_wait3A_38 : memref<640xf32, #tpu.memory_space<vmem_shared>>) dst(%dma_wait3A : memref<640xf32, #tpu.memory_space<hbm>>)
        tpu.yield
      }) : () -> ()
    } else {
    }
    %eq3A_32 = arith.constant 1 : i32
    %eq3A_33 = arith.cmpi eq, %arg0, %eq3A_32 : i32
    %convert_element_type3A_34 = arith.extui %eq3A_33 : i1 to i32
    %cond3A_35 = arith.constant 0 : i32
    %cond3A_36 = arith.cmpi ne, %convert_element_type3A_34, %cond3A_35 : i32
    scf.if %cond3A_36 {
      "tpu.region"() ({
        %run_scoped3A = tpu.sem_alloc : memref<!tpu.dma_semaphore, #tpu.memory_space<semaphore_mem>>
        %dma_start3A = tpu.memref_slice %arg4[%mul3A_2] : memref<10240xf32, #tpu.memory_space<hbm>> -> memref<640xf32, #tpu.memory_space<hbm>>
        %dma_start3A_37 = tpu.memref_slice %arg8[%mul3A_2] : memref<10240xf32, #tpu.memory_space<vmem_shared>> -> memref<640xf32, #tpu.memory_space<vmem_shared>>
        tpu.enqueue_dma source(%dma_start3A_37 : memref<640xf32, #tpu.memory_space<vmem_shared>>) target(%dma_start3A : memref<640xf32, #tpu.memory_space<hbm>>) target_semaphore(%run_scoped3A : memref<!tpu.dma_semaphore, #tpu.memory_space<semaphore_mem>>)
        %dma_wait3A = tpu.memref_slice %arg4[%mul3A_2] : memref<10240xf32, #tpu.memory_space<hbm>> -> memref<640xf32, #tpu.memory_space<hbm>>
        %dma_wait3A_38 = tpu.memref_slice %arg8[%mul3A_2] : memref<10240xf32, #tpu.memory_space<vmem_shared>> -> memref<640xf32, #tpu.memory_space<vmem_shared>>
        tpu.wait_dma2 semaphore(%run_scoped3A : memref<!tpu.dma_semaphore, #tpu.memory_space<semaphore_mem>>) src(%dma_wait3A_38 : memref<640xf32, #tpu.memory_space<vmem_shared>>) dst(%dma_wait3A : memref<640xf32, #tpu.memory_space<hbm>>)
        tpu.yield
      }) : () -> ()
    } else {
    }
    return
  }
}

#map = affine_map<(d0, d1) -> (0, 0)>
#map1 = affine_map<(d0, d1) -> (0, 0, 0)>
module attributes {stable_mosaic.version = 14 : i64} {
  func.func @agg_kernel(%arg0: i32, %arg1: i32, %arg2: memref<10240x128xf32, #tpu.memory_space<hbm>>, %arg3: memref<32x80x128xi32, #tpu.memory_space<hbm>>, %arg4: memref<32x80x128xi32, #tpu.memory_space<hbm>>, %arg5: memref<10240x128xf32, #tpu.memory_space<hbm>>, %arg6: memref<10240x128xf32, #tpu.memory_space<hbm>>, %arg7: memref<40x128xi32, #tpu.memory_space<vmem>>, %arg8: memref<40x128xi32, #tpu.memory_space<vmem>>, %arg9: memref<128x128xf32, #tpu.memory_space<vmem>>, %arg10: memref<128x128xf32, #tpu.memory_space<vmem>>, %arg11: memref<10240x128xf32, #tpu.memory_space<vmem_shared>>, %arg12: memref<!tpu.dma_semaphore, #tpu.memory_space<semaphore_mem>>, %arg13: memref<!tpu.dma_semaphore, #tpu.memory_space<semaphore_mem>>) attributes {dimension_semantics = [#tpu.dimension_semantics<core_parallel>, #tpu.dimension_semantics<subcore_parallel>], iteration_bounds = array<i64: 2, 16>, scalar_prefetch = 0 : i64, scratch_operands = 7 : i64, tpu.core_type = #tpu.core_type<sc_vector_subcore>, window_params = [{transform_indices = #map}, {transform_indices = #map1}, {transform_indices = #map1}, {transform_indices = #map}, {transform_indices = #map}]} {
    %mul3A = arith.constant 2 : i32
    %mul3A_0 = arith.muli %arg1, %mul3A : i32
    %add3A = arith.addi %mul3A_0, %arg0 : i32
    %mul3A_1 = arith.constant 640 : i32
    %mul3A_2 = arith.muli %arg1, %mul3A_1 : i32
    %eq3A = arith.constant 0 : i32
    %eq3A_3 = arith.cmpi eq, %arg0, %eq3A : i32
    %convert_element_type3A = arith.extui %eq3A_3 : i1 to i32
    %cond3A = arith.constant 0 : i32
    %cond3A_4 = arith.cmpi ne, %convert_element_type3A, %cond3A : i32
    scf.if %cond3A_4 {
      %dma_start3A_69 = arith.constant 0 : i32
      %dma_start3A_70 = tpu.memref_slice %arg11[%mul3A_2, %dma_start3A_69] : memref<10240x128xf32, #tpu.memory_space<vmem_shared>> -> memref<640x128xf32, #tpu.memory_space<vmem_shared>>
      %dma_start3A_71 = arith.constant 0 : i32
      %dma_start3A_72 = tpu.memref_slice %arg2[%mul3A_2, %dma_start3A_71] : memref<10240x128xf32, #tpu.memory_space<hbm>> -> memref<640x128xf32, #tpu.memory_space<hbm>>
      tpu.enqueue_dma source(%dma_start3A_72 : memref<640x128xf32, #tpu.memory_space<hbm>>) target(%dma_start3A_70 : memref<640x128xf32, #tpu.memory_space<vmem_shared>>) target_semaphore(%arg12 : memref<!tpu.dma_semaphore, #tpu.memory_space<semaphore_mem>>)
    } else {
    }
    %eq3A_5 = arith.constant 1 : i32
    %eq3A_6 = arith.cmpi eq, %arg0, %eq3A_5 : i32
    %convert_element_type3A_7 = arith.extui %eq3A_6 : i1 to i32
    %cond3A_8 = arith.constant 0 : i32
    %cond3A_9 = arith.cmpi ne, %convert_element_type3A_7, %cond3A_8 : i32
    scf.if %cond3A_9 {
      %broadcast_in_dim3A = arith.constant 0.000000e+00 : f32
      %broadcast_in_dim3A_69 = vector.broadcast %broadcast_in_dim3A : f32 to vector<16xf32>
      %scan3A_70 = arith.constant 0 : i32
      %scan3A_71 = arith.constant 0 : i32
      %scan3A_72 = arith.constant 128 : i32
      %scan3A_73 = arith.addi %scan3A_71, %scan3A_72 : i32
      %scan3A_74 = arith.constant 1 : i32
      scf.for %scan3A_136 = %scan3A_71 to %scan3A_73 step %scan3A_74  : i32 {
        %swap3A = arith.index_cast %scan3A_136 : i32 to index
        %swap3A_137 = arith.constant 0 : index
        %swap3A_138 = tpu.vector_load %arg9[%swap3A, %swap3A_137] {strides = array<i32>} : memref<128x128xf32, #tpu.memory_space<vmem>>, vector<1x16xf32>,
        %swap3A_139 = vector.shape_cast %swap3A_138 : vector<1x16xf32> to vector<16xf32>
        %swap3A_140 = vector.shape_cast %broadcast_in_dim3A_69 : vector<16xf32> to vector<1x16xf32>
        tpu.vector_store %arg9[%swap3A, %swap3A_137], %swap3A_140 {strides = array<i32>} : memref<128x128xf32, #tpu.memory_space<vmem>>, vector<1x16xf32>,
        %swap3A_141 = arith.index_cast %scan3A_136 : i32 to index
        %swap3A_142 = arith.constant 16 : index
        %swap3A_143 = tpu.vector_load %arg9[%swap3A_141, %swap3A_142] {strides = array<i32>} : memref<128x128xf32, #tpu.memory_space<vmem>>, vector<1x16xf32>,
        %swap3A_144 = vector.shape_cast %swap3A_143 : vector<1x16xf32> to vector<16xf32>
        %swap3A_145 = vector.shape_cast %broadcast_in_dim3A_69 : vector<16xf32> to vector<1x16xf32>
        tpu.vector_store %arg9[%swap3A_141, %swap3A_142], %swap3A_145 {strides = array<i32>} : memref<128x128xf32, #tpu.memory_space<vmem>>, vector<1x16xf32>,
        %swap3A_146 = arith.index_cast %scan3A_136 : i32 to index
        %swap3A_147 = arith.constant 32 : index
        %swap3A_148 = tpu.vector_load %arg9[%swap3A_146, %swap3A_147] {strides = array<i32>} : memref<128x128xf32, #tpu.memory_space<vmem>>, vector<1x16xf32>,
        %swap3A_149 = vector.shape_cast %swap3A_148 : vector<1x16xf32> to vector<16xf32>
        %swap3A_150 = vector.shape_cast %broadcast_in_dim3A_69 : vector<16xf32> to vector<1x16xf32>
        tpu.vector_store %arg9[%swap3A_146, %swap3A_147], %swap3A_150 {strides = array<i32>} : memref<128x128xf32, #tpu.memory_space<vmem>>, vector<1x16xf32>,
        %swap3A_151 = arith.index_cast %scan3A_136 : i32 to index
        %swap3A_152 = arith.constant 48 : index
        %swap3A_153 = tpu.vector_load %arg9[%swap3A_151, %swap3A_152] {strides = array<i32>} : memref<128x128xf32, #tpu.memory_space<vmem>>, vector<1x16xf32>,
        %swap3A_154 = vector.shape_cast %swap3A_153 : vector<1x16xf32> to vector<16xf32>
        %swap3A_155 = vector.shape_cast %broadcast_in_dim3A_69 : vector<16xf32> to vector<1x16xf32>
        tpu.vector_store %arg9[%swap3A_151, %swap3A_152], %swap3A_155 {strides = array<i32>} : memref<128x128xf32, #tpu.memory_space<vmem>>, vector<1x16xf32>,
        %swap3A_156 = arith.index_cast %scan3A_136 : i32 to index
        %swap3A_157 = arith.constant 64 : index
        %swap3A_158 = tpu.vector_load %arg9[%swap3A_156, %swap3A_157] {strides = array<i32>} : memref<128x128xf32, #tpu.memory_space<vmem>>, vector<1x16xf32>,
        %swap3A_159 = vector.shape_cast %swap3A_158 : vector<1x16xf32> to vector<16xf32>
        %swap3A_160 = vector.shape_cast %broadcast_in_dim3A_69 : vector<16xf32> to vector<1x16xf32>
        tpu.vector_store %arg9[%swap3A_156, %swap3A_157], %swap3A_160 {strides = array<i32>} : memref<128x128xf32, #tpu.memory_space<vmem>>, vector<1x16xf32>,
        %swap3A_161 = arith.index_cast %scan3A_136 : i32 to index
        %swap3A_162 = arith.constant 80 : index
        %swap3A_163 = tpu.vector_load %arg9[%swap3A_161, %swap3A_162] {strides = array<i32>} : memref<128x128xf32, #tpu.memory_space<vmem>>, vector<1x16xf32>,
        %swap3A_164 = vector.shape_cast %swap3A_163 : vector<1x16xf32> to vector<16xf32>
        %swap3A_165 = vector.shape_cast %broadcast_in_dim3A_69 : vector<16xf32> to vector<1x16xf32>
        tpu.vector_store %arg9[%swap3A_161, %swap3A_162], %swap3A_165 {strides = array<i32>} : memref<128x128xf32, #tpu.memory_space<vmem>>, vector<1x16xf32>,
        %swap3A_166 = arith.index_cast %scan3A_136 : i32 to index
        %swap3A_167 = arith.constant 96 : index
        %swap3A_168 = tpu.vector_load %arg9[%swap3A_166, %swap3A_167] {strides = array<i32>} : memref<128x128xf32, #tpu.memory_space<vmem>>, vector<1x16xf32>,
        %swap3A_169 = vector.shape_cast %swap3A_168 : vector<1x16xf32> to vector<16xf32>
        %swap3A_170 = vector.shape_cast %broadcast_in_dim3A_69 : vector<16xf32> to vector<1x16xf32>
        tpu.vector_store %arg9[%swap3A_166, %swap3A_167], %swap3A_170 {strides = array<i32>} : memref<128x128xf32, #tpu.memory_space<vmem>>, vector<1x16xf32>,
        %swap3A_171 = arith.index_cast %scan3A_136 : i32 to index
        %swap3A_172 = arith.constant 112 : index
        %swap3A_173 = tpu.vector_load %arg9[%swap3A_171, %swap3A_172] {strides = array<i32>} : memref<128x128xf32, #tpu.memory_space<vmem>>, vector<1x16xf32>,
        %swap3A_174 = vector.shape_cast %swap3A_173 : vector<1x16xf32> to vector<16xf32>
        %swap3A_175 = vector.shape_cast %broadcast_in_dim3A_69 : vector<16xf32> to vector<1x16xf32>
        tpu.vector_store %arg9[%swap3A_171, %swap3A_172], %swap3A_175 {strides = array<i32>} : memref<128x128xf32, #tpu.memory_space<vmem>>, vector<1x16xf32>,
      }
      %scan3A_75 = arith.constant 128 : i32
      %add3A_76 = arith.constant 0 : i32
      %add3A_77 = arith.addi %mul3A_2, %add3A_76 : i32
      %dma_start3A_78 = arith.constant 0 : i32
      %dma_start3A_79 = arith.constant 0 : i32
      %dma_start3A_80 = tpu.memref_slice %arg9[%dma_start3A_78, %dma_start3A_79] : memref<128x128xf32, #tpu.memory_space<vmem>> -> memref<128x128xf32, #tpu.memory_space<vmem>>
      %dma_start3A_81 = arith.constant 0 : i32
      %dma_start3A_82 = tpu.memref_slice %arg11[%add3A_77, %dma_start3A_81] : memref<10240x128xf32, #tpu.memory_space<vmem_shared>> -> memref<128x128xf32, #tpu.memory_space<vmem_shared>>
      %dma_start3A_83 = arith.constant 0 : i32
      %dma_start3A_84 = tpu.memref_slice %arg11[%add3A_77, %dma_start3A_83] : memref<10240x128xf32, #tpu.memory_space<vmem_shared>> -> memref<128x128xf32, #tpu.memory_space<vmem_shared>>
      %dma_start3A_85 = arith.constant 0 : i32
      %dma_start3A_86 = arith.constant 0 : i32
      %dma_start3A_87 = tpu.memref_slice %arg9[%dma_start3A_85, %dma_start3A_86] : memref<128x128xf32, #tpu.memory_space<vmem>> -> memref<128x128xf32, #tpu.memory_space<vmem>>
      tpu.enqueue_dma source(%dma_start3A_87 : memref<128x128xf32, #tpu.memory_space<vmem>>) target(%dma_start3A_84 : memref<128x128xf32, #tpu.memory_space<vmem_shared>>) target_semaphore(%arg12 : memref<!tpu.dma_semaphore, #tpu.memory_space<semaphore_mem>>)
      %add3A_88 = arith.constant 128 : i32
      %add3A_89 = arith.addi %mul3A_2, %add3A_88 : i32
      %dma_start3A_90 = arith.constant 0 : i32
      %dma_start3A_91 = arith.constant 0 : i32
      %dma_start3A_92 = tpu.memref_slice %arg9[%dma_start3A_90, %dma_start3A_91] : memref<128x128xf32, #tpu.memory_space<vmem>> -> memref<128x128xf32, #tpu.memory_space<vmem>>
      %dma_start3A_93 = arith.constant 0 : i32
      %dma_start3A_94 = tpu.memref_slice %arg11[%add3A_89, %dma_start3A_93] : memref<10240x128xf32, #tpu.memory_space<vmem_shared>> -> memref<128x128xf32, #tpu.memory_space<vmem_shared>>
      %dma_start3A_95 = arith.constant 0 : i32
      %dma_start3A_96 = tpu.memref_slice %arg11[%add3A_89, %dma_start3A_95] : memref<10240x128xf32, #tpu.memory_space<vmem_shared>> -> memref<128x128xf32, #tpu.memory_space<vmem_shared>>
      %dma_start3A_97 = arith.constant 0 : i32
      %dma_start3A_98 = arith.constant 0 : i32
      %dma_start3A_99 = tpu.memref_slice %arg9[%dma_start3A_97, %dma_start3A_98] : memref<128x128xf32, #tpu.memory_space<vmem>> -> memref<128x128xf32, #tpu.memory_space<vmem>>
      tpu.enqueue_dma source(%dma_start3A_99 : memref<128x128xf32, #tpu.memory_space<vmem>>) target(%dma_start3A_96 : memref<128x128xf32, #tpu.memory_space<vmem_shared>>) target_semaphore(%arg12 : memref<!tpu.dma_semaphore, #tpu.memory_space<semaphore_mem>>)
      %add3A_100 = arith.constant 256 : i32
      %add3A_101 = arith.addi %mul3A_2, %add3A_100 : i32
      %dma_start3A_102 = arith.constant 0 : i32
      %dma_start3A_103 = arith.constant 0 : i32
      %dma_start3A_104 = tpu.memref_slice %arg9[%dma_start3A_102, %dma_start3A_103] : memref<128x128xf32, #tpu.memory_space<vmem>> -> memref<128x128xf32, #tpu.memory_space<vmem>>
      %dma_start3A_105 = arith.constant 0 : i32
      %dma_start3A_106 = tpu.memref_slice %arg11[%add3A_101, %dma_start3A_105] : memref<10240x128xf32, #tpu.memory_space<vmem_shared>> -> memref<128x128xf32, #tpu.memory_space<vmem_shared>>
      %dma_start3A_107 = arith.constant 0 : i32
      %dma_start3A_108 = tpu.memref_slice %arg11[%add3A_101, %dma_start3A_107] : memref<10240x128xf32, #tpu.memory_space<vmem_shared>> -> memref<128x128xf32, #tpu.memory_space<vmem_shared>>
      %dma_start3A_109 = arith.constant 0 : i32
      %dma_start3A_110 = arith.constant 0 : i32
      %dma_start3A_111 = tpu.memref_slice %arg9[%dma_start3A_109, %dma_start3A_110] : memref<128x128xf32, #tpu.memory_space<vmem>> -> memref<128x128xf32, #tpu.memory_space<vmem>>
      tpu.enqueue_dma source(%dma_start3A_111 : memref<128x128xf32, #tpu.memory_space<vmem>>) target(%dma_start3A_108 : memref<128x128xf32, #tpu.memory_space<vmem_shared>>) target_semaphore(%arg12 : memref<!tpu.dma_semaphore, #tpu.memory_space<semaphore_mem>>)
      %add3A_112 = arith.constant 384 : i32
      %add3A_113 = arith.addi %mul3A_2, %add3A_112 : i32
      %dma_start3A_114 = arith.constant 0 : i32
      %dma_start3A_115 = arith.constant 0 : i32
      %dma_start3A_116 = tpu.memref_slice %arg9[%dma_start3A_114, %dma_start3A_115] : memref<128x128xf32, #tpu.memory_space<vmem>> -> memref<128x128xf32, #tpu.memory_space<vmem>>
      %dma_start3A_117 = arith.constant 0 : i32
      %dma_start3A_118 = tpu.memref_slice %arg11[%add3A_113, %dma_start3A_117] : memref<10240x128xf32, #tpu.memory_space<vmem_shared>> -> memref<128x128xf32, #tpu.memory_space<vmem_shared>>
      %dma_start3A_119 = arith.constant 0 : i32
      %dma_start3A_120 = tpu.memref_slice %arg11[%add3A_113, %dma_start3A_119] : memref<10240x128xf32, #tpu.memory_space<vmem_shared>> -> memref<128x128xf32, #tpu.memory_space<vmem_shared>>
      %dma_start3A_121 = arith.constant 0 : i32
      %dma_start3A_122 = arith.constant 0 : i32
      %dma_start3A_123 = tpu.memref_slice %arg9[%dma_start3A_121, %dma_start3A_122] : memref<128x128xf32, #tpu.memory_space<vmem>> -> memref<128x128xf32, #tpu.memory_space<vmem>>
      tpu.enqueue_dma source(%dma_start3A_123 : memref<128x128xf32, #tpu.memory_space<vmem>>) target(%dma_start3A_120 : memref<128x128xf32, #tpu.memory_space<vmem_shared>>) target_semaphore(%arg12 : memref<!tpu.dma_semaphore, #tpu.memory_space<semaphore_mem>>)
      %add3A_124 = arith.constant 512 : i32
      %add3A_125 = arith.addi %mul3A_2, %add3A_124 : i32
      %dma_start3A_126 = arith.constant 0 : i32
      %dma_start3A_127 = arith.constant 0 : i32
      %dma_start3A_128 = tpu.memref_slice %arg9[%dma_start3A_126, %dma_start3A_127] : memref<128x128xf32, #tpu.memory_space<vmem>> -> memref<128x128xf32, #tpu.memory_space<vmem>>
      %dma_start3A_129 = arith.constant 0 : i32
      %dma_start3A_130 = tpu.memref_slice %arg11[%add3A_125, %dma_start3A_129] : memref<10240x128xf32, #tpu.memory_space<vmem_shared>> -> memref<128x128xf32, #tpu.memory_space<vmem_shared>>
      %dma_start3A_131 = arith.constant 0 : i32
      %dma_start3A_132 = tpu.memref_slice %arg11[%add3A_125, %dma_start3A_131] : memref<10240x128xf32, #tpu.memory_space<vmem_shared>> -> memref<128x128xf32, #tpu.memory_space<vmem_shared>>
      %dma_start3A_133 = arith.constant 0 : i32
      %dma_start3A_134 = arith.constant 0 : i32
      %dma_start3A_135 = tpu.memref_slice %arg9[%dma_start3A_133, %dma_start3A_134] : memref<128x128xf32, #tpu.memory_space<vmem>> -> memref<128x128xf32, #tpu.memory_space<vmem>>
      tpu.enqueue_dma source(%dma_start3A_135 : memref<128x128xf32, #tpu.memory_space<vmem>>) target(%dma_start3A_132 : memref<128x128xf32, #tpu.memory_space<vmem_shared>>) target_semaphore(%arg12 : memref<!tpu.dma_semaphore, #tpu.memory_space<semaphore_mem>>)
    } else {
    }
    "tpu.region"() ({
      %run_scoped3A = tpu.sem_alloc : memref<!tpu.dma_semaphore, #tpu.memory_space<semaphore_mem>>
      %dma_start3A_69 = arith.constant 0 : i32
      %dma_start3A_70 = arith.constant 0 : i32
      %dma_start3A_71 = tpu.memref_slice %arg3[%add3A, %dma_start3A_69, %dma_start3A_70] : memref<32x80x128xi32, #tpu.memory_space<hbm>> -> memref<1x40x128xi32, #tpu.memory_space<hbm>>
      %dma_start3A_72 = tpu.memref_squeeze %dma_start3A_71 : memref<1x40x128xi32, #tpu.memory_space<hbm>> -> memref<40x128xi32, #tpu.memory_space<hbm>>
      %dma_start3A_73 = arith.constant 0 : i32
      %dma_start3A_74 = arith.constant 0 : i32
      %dma_start3A_75 = tpu.memref_slice %arg3[%add3A, %dma_start3A_73, %dma_start3A_74] : memref<32x80x128xi32, #tpu.memory_space<hbm>> -> memref<1x40x128xi32, #tpu.memory_space<hbm>>
      %dma_start3A_76 = tpu.memref_squeeze %dma_start3A_75 : memref<1x40x128xi32, #tpu.memory_space<hbm>> -> memref<40x128xi32, #tpu.memory_space<hbm>>
      tpu.enqueue_dma source(%dma_start3A_76 : memref<40x128xi32, #tpu.memory_space<hbm>>) target(%arg7 : memref<40x128xi32, #tpu.memory_space<vmem>>) target_semaphore(%run_scoped3A : memref<!tpu.dma_semaphore, #tpu.memory_space<semaphore_mem>>)
      %dma_wait3A = arith.constant 0 : i32
      %dma_wait3A_77 = arith.constant 0 : i32
      %dma_wait3A_78 = tpu.memref_slice %arg3[%add3A, %dma_wait3A, %dma_wait3A_77] : memref<32x80x128xi32, #tpu.memory_space<hbm>> -> memref<1x40x128xi32, #tpu.memory_space<hbm>>
      %dma_wait3A_79 = tpu.memref_squeeze %dma_wait3A_78 : memref<1x40x128xi32, #tpu.memory_space<hbm>> -> memref<40x128xi32, #tpu.memory_space<hbm>>
      %dma_wait3A_80 = arith.constant 0 : i32
      %dma_wait3A_81 = arith.constant 0 : i32
      %dma_wait3A_82 = tpu.memref_slice %arg3[%add3A, %dma_wait3A_80, %dma_wait3A_81] : memref<32x80x128xi32, #tpu.memory_space<hbm>> -> memref<1x40x128xi32, #tpu.memory_space<hbm>>
      %dma_wait3A_83 = tpu.memref_squeeze %dma_wait3A_82 : memref<1x40x128xi32, #tpu.memory_space<hbm>> -> memref<40x128xi32, #tpu.memory_space<hbm>>
      tpu.wait_dma2 semaphore(%run_scoped3A : memref<!tpu.dma_semaphore, #tpu.memory_space<semaphore_mem>>) src(%dma_wait3A_83 : memref<40x128xi32, #tpu.memory_space<hbm>>) dst(%arg7 : memref<40x128xi32, #tpu.memory_space<vmem>>)
      tpu.yield
    }) : () -> ()
    "tpu.region"() ({
      %run_scoped3A = tpu.sem_alloc : memref<!tpu.dma_semaphore, #tpu.memory_space<semaphore_mem>>
      %dma_start3A_69 = arith.constant 0 : i32
      %dma_start3A_70 = arith.constant 0 : i32
      %dma_start3A_71 = tpu.memref_slice %arg4[%add3A, %dma_start3A_69, %dma_start3A_70] : memref<32x80x128xi32, #tpu.memory_space<hbm>> -> memref<1x40x128xi32, #tpu.memory_space<hbm>>
      %dma_start3A_72 = tpu.memref_squeeze %dma_start3A_71 : memref<1x40x128xi32, #tpu.memory_space<hbm>> -> memref<40x128xi32, #tpu.memory_space<hbm>>
      %dma_start3A_73 = arith.constant 0 : i32
      %dma_start3A_74 = arith.constant 0 : i32
      %dma_start3A_75 = tpu.memref_slice %arg4[%add3A, %dma_start3A_73, %dma_start3A_74] : memref<32x80x128xi32, #tpu.memory_space<hbm>> -> memref<1x40x128xi32, #tpu.memory_space<hbm>>
      %dma_start3A_76 = tpu.memref_squeeze %dma_start3A_75 : memref<1x40x128xi32, #tpu.memory_space<hbm>> -> memref<40x128xi32, #tpu.memory_space<hbm>>
      tpu.enqueue_dma source(%dma_start3A_76 : memref<40x128xi32, #tpu.memory_space<hbm>>) target(%arg8 : memref<40x128xi32, #tpu.memory_space<vmem>>) target_semaphore(%run_scoped3A : memref<!tpu.dma_semaphore, #tpu.memory_space<semaphore_mem>>)
      %dma_wait3A = arith.constant 0 : i32
      %dma_wait3A_77 = arith.constant 0 : i32
      %dma_wait3A_78 = tpu.memref_slice %arg4[%add3A, %dma_wait3A, %dma_wait3A_77] : memref<32x80x128xi32, #tpu.memory_space<hbm>> -> memref<1x40x128xi32, #tpu.memory_space<hbm>>
      %dma_wait3A_79 = tpu.memref_squeeze %dma_wait3A_78 : memref<1x40x128xi32, #tpu.memory_space<hbm>> -> memref<40x128xi32, #tpu.memory_space<hbm>>
      %dma_wait3A_80 = arith.constant 0 : i32
      %dma_wait3A_81 = arith.constant 0 : i32
      %dma_wait3A_82 = tpu.memref_slice %arg4[%add3A, %dma_wait3A_80, %dma_wait3A_81] : memref<32x80x128xi32, #tpu.memory_space<hbm>> -> memref<1x40x128xi32, #tpu.memory_space<hbm>>
      %dma_wait3A_83 = tpu.memref_squeeze %dma_wait3A_82 : memref<1x40x128xi32, #tpu.memory_space<hbm>> -> memref<40x128xi32, #tpu.memory_space<hbm>>
      tpu.wait_dma2 semaphore(%run_scoped3A : memref<!tpu.dma_semaphore, #tpu.memory_space<semaphore_mem>>) src(%dma_wait3A_83 : memref<40x128xi32, #tpu.memory_space<hbm>>) dst(%arg8 : memref<40x128xi32, #tpu.memory_space<vmem>>)
      tpu.yield
    }) : () -> ()
    %eq3A_10 = arith.constant 0 : i32
    %eq3A_11 = arith.cmpi eq, %arg0, %eq3A_10 : i32
    %convert_element_type3A_12 = arith.extui %eq3A_11 : i1 to i32
    %cond3A_13 = arith.constant 0 : i32
    %cond3A_14 = arith.cmpi ne, %convert_element_type3A_12, %cond3A_13 : i32
    scf.if %cond3A_14 {
      %dma_wait3A = arith.constant 0 : i32
      %dma_wait3A_69 = tpu.memref_slice %arg11[%mul3A_2, %dma_wait3A] : memref<10240x128xf32, #tpu.memory_space<vmem_shared>> -> memref<640x128xf32, #tpu.memory_space<vmem_shared>>
      %dma_wait3A_70 = arith.constant 0 : i32
      %dma_wait3A_71 = tpu.memref_slice %arg2[%mul3A_2, %dma_wait3A_70] : memref<10240x128xf32, #tpu.memory_space<hbm>> -> memref<640x128xf32, #tpu.memory_space<hbm>>
      tpu.wait_dma2 semaphore(%arg12 : memref<!tpu.dma_semaphore, #tpu.memory_space<semaphore_mem>>) src(%dma_wait3A_71 : memref<640x128xf32, #tpu.memory_space<hbm>>) dst(%dma_wait3A_69 : memref<640x128xf32, #tpu.memory_space<vmem_shared>>)
    } else {
    }
    %eq3A_15 = arith.constant 1 : i32
    %eq3A_16 = arith.cmpi eq, %arg0, %eq3A_15 : i32
    %convert_element_type3A_17 = arith.extui %eq3A_16 : i1 to i32
    %cond3A_18 = arith.constant 0 : i32
    %cond3A_19 = arith.cmpi ne, %convert_element_type3A_17, %cond3A_18 : i32
    scf.if %cond3A_19 {
      %add3A_69 = arith.constant 0 : i32
      %add3A_70 = arith.addi %mul3A_2, %add3A_69 : i32
      %dma_wait3A = arith.constant 0 : i32
      %dma_wait3A_71 = arith.constant 0 : i32
      %dma_wait3A_72 = tpu.memref_slice %arg9[%dma_wait3A, %dma_wait3A_71] : memref<128x128xf32, #tpu.memory_space<vmem>> -> memref<128x128xf32, #tpu.memory_space<vmem>>
      %dma_wait3A_73 = arith.constant 0 : i32
      %dma_wait3A_74 = tpu.memref_slice %arg11[%add3A_70, %dma_wait3A_73] : memref<10240x128xf32, #tpu.memory_space<vmem_shared>> -> memref<128x128xf32, #tpu.memory_space<vmem_shared>>
      %dma_wait3A_75 = arith.constant 0 : i32
      %dma_wait3A_76 = tpu.memref_slice %arg11[%add3A_70, %dma_wait3A_75] : memref<10240x128xf32, #tpu.memory_space<vmem_shared>> -> memref<128x128xf32, #tpu.memory_space<vmem_shared>>
      %dma_wait3A_77 = arith.constant 0 : i32
      %dma_wait3A_78 = arith.constant 0 : i32
      %dma_wait3A_79 = tpu.memref_slice %arg9[%dma_wait3A_77, %dma_wait3A_78] : memref<128x128xf32, #tpu.memory_space<vmem>> -> memref<128x128xf32, #tpu.memory_space<vmem>>
      tpu.wait_dma2 semaphore(%arg12 : memref<!tpu.dma_semaphore, #tpu.memory_space<semaphore_mem>>) src(%dma_wait3A_79 : memref<128x128xf32, #tpu.memory_space<vmem>>) dst(%dma_wait3A_76 : memref<128x128xf32, #tpu.memory_space<vmem_shared>>)
      %add3A_80 = arith.constant 128 : i32
      %add3A_81 = arith.addi %mul3A_2, %add3A_80 : i32
      %dma_wait3A_82 = arith.constant 0 : i32
      %dma_wait3A_83 = arith.constant 0 : i32
      %dma_wait3A_84 = tpu.memref_slice %arg9[%dma_wait3A_82, %dma_wait3A_83] : memref<128x128xf32, #tpu.memory_space<vmem>> -> memref<128x128xf32, #tpu.memory_space<vmem>>
      %dma_wait3A_85 = arith.constant 0 : i32
      %dma_wait3A_86 = tpu.memref_slice %arg11[%add3A_81, %dma_wait3A_85] : memref<10240x128xf32, #tpu.memory_space<vmem_shared>> -> memref<128x128xf32, #tpu.memory_space<vmem_shared>>
      %dma_wait3A_87 = arith.constant 0 : i32
      %dma_wait3A_88 = tpu.memref_slice %arg11[%add3A_81, %dma_wait3A_87] : memref<10240x128xf32, #tpu.memory_space<vmem_shared>> -> memref<128x128xf32, #tpu.memory_space<vmem_shared>>
      %dma_wait3A_89 = arith.constant 0 : i32
      %dma_wait3A_90 = arith.constant 0 : i32
      %dma_wait3A_91 = tpu.memref_slice %arg9[%dma_wait3A_89, %dma_wait3A_90] : memref<128x128xf32, #tpu.memory_space<vmem>> -> memref<128x128xf32, #tpu.memory_space<vmem>>
      tpu.wait_dma2 semaphore(%arg12 : memref<!tpu.dma_semaphore, #tpu.memory_space<semaphore_mem>>) src(%dma_wait3A_91 : memref<128x128xf32, #tpu.memory_space<vmem>>) dst(%dma_wait3A_88 : memref<128x128xf32, #tpu.memory_space<vmem_shared>>)
      %add3A_92 = arith.constant 256 : i32
      %add3A_93 = arith.addi %mul3A_2, %add3A_92 : i32
      %dma_wait3A_94 = arith.constant 0 : i32
      %dma_wait3A_95 = arith.constant 0 : i32
      %dma_wait3A_96 = tpu.memref_slice %arg9[%dma_wait3A_94, %dma_wait3A_95] : memref<128x128xf32, #tpu.memory_space<vmem>> -> memref<128x128xf32, #tpu.memory_space<vmem>>
      %dma_wait3A_97 = arith.constant 0 : i32
      %dma_wait3A_98 = tpu.memref_slice %arg11[%add3A_93, %dma_wait3A_97] : memref<10240x128xf32, #tpu.memory_space<vmem_shared>> -> memref<128x128xf32, #tpu.memory_space<vmem_shared>>
      %dma_wait3A_99 = arith.constant 0 : i32
      %dma_wait3A_100 = tpu.memref_slice %arg11[%add3A_93, %dma_wait3A_99] : memref<10240x128xf32, #tpu.memory_space<vmem_shared>> -> memref<128x128xf32, #tpu.memory_space<vmem_shared>>
      %dma_wait3A_101 = arith.constant 0 : i32
      %dma_wait3A_102 = arith.constant 0 : i32
      %dma_wait3A_103 = tpu.memref_slice %arg9[%dma_wait3A_101, %dma_wait3A_102] : memref<128x128xf32, #tpu.memory_space<vmem>> -> memref<128x128xf32, #tpu.memory_space<vmem>>
      tpu.wait_dma2 semaphore(%arg12 : memref<!tpu.dma_semaphore, #tpu.memory_space<semaphore_mem>>) src(%dma_wait3A_103 : memref<128x128xf32, #tpu.memory_space<vmem>>) dst(%dma_wait3A_100 : memref<128x128xf32, #tpu.memory_space<vmem_shared>>)
      %add3A_104 = arith.constant 384 : i32
      %add3A_105 = arith.addi %mul3A_2, %add3A_104 : i32
      %dma_wait3A_106 = arith.constant 0 : i32
      %dma_wait3A_107 = arith.constant 0 : i32
      %dma_wait3A_108 = tpu.memref_slice %arg9[%dma_wait3A_106, %dma_wait3A_107] : memref<128x128xf32, #tpu.memory_space<vmem>> -> memref<128x128xf32, #tpu.memory_space<vmem>>
      %dma_wait3A_109 = arith.constant 0 : i32
      %dma_wait3A_110 = tpu.memref_slice %arg11[%add3A_105, %dma_wait3A_109] : memref<10240x128xf32, #tpu.memory_space<vmem_shared>> -> memref<128x128xf32, #tpu.memory_space<vmem_shared>>
      %dma_wait3A_111 = arith.constant 0 : i32
      %dma_wait3A_112 = tpu.memref_slice %arg11[%add3A_105, %dma_wait3A_111] : memref<10240x128xf32, #tpu.memory_space<vmem_shared>> -> memref<128x128xf32, #tpu.memory_space<vmem_shared>>
      %dma_wait3A_113 = arith.constant 0 : i32
      %dma_wait3A_114 = arith.constant 0 : i32
      %dma_wait3A_115 = tpu.memref_slice %arg9[%dma_wait3A_113, %dma_wait3A_114] : memref<128x128xf32, #tpu.memory_space<vmem>> -> memref<128x128xf32, #tpu.memory_space<vmem>>
      tpu.wait_dma2 semaphore(%arg12 : memref<!tpu.dma_semaphore, #tpu.memory_space<semaphore_mem>>) src(%dma_wait3A_115 : memref<128x128xf32, #tpu.memory_space<vmem>>) dst(%dma_wait3A_112 : memref<128x128xf32, #tpu.memory_space<vmem_shared>>)
      %add3A_116 = arith.constant 512 : i32
      %add3A_117 = arith.addi %mul3A_2, %add3A_116 : i32
      %dma_wait3A_118 = arith.constant 0 : i32
      %dma_wait3A_119 = arith.constant 0 : i32
      %dma_wait3A_120 = tpu.memref_slice %arg9[%dma_wait3A_118, %dma_wait3A_119] : memref<128x128xf32, #tpu.memory_space<vmem>> -> memref<128x128xf32, #tpu.memory_space<vmem>>
      %dma_wait3A_121 = arith.constant 0 : i32
      %dma_wait3A_122 = tpu.memref_slice %arg11[%add3A_117, %dma_wait3A_121] : memref<10240x128xf32, #tpu.memory_space<vmem_shared>> -> memref<128x128xf32, #tpu.memory_space<vmem_shared>>
      %dma_wait3A_123 = arith.constant 0 : i32
      %dma_wait3A_124 = tpu.memref_slice %arg11[%add3A_117, %dma_wait3A_123] : memref<10240x128xf32, #tpu.memory_space<vmem_shared>> -> memref<128x128xf32, #tpu.memory_space<vmem_shared>>
      %dma_wait3A_125 = arith.constant 0 : i32
      %dma_wait3A_126 = arith.constant 0 : i32
      %dma_wait3A_127 = tpu.memref_slice %arg9[%dma_wait3A_125, %dma_wait3A_126] : memref<128x128xf32, #tpu.memory_space<vmem>> -> memref<128x128xf32, #tpu.memory_space<vmem>>
      tpu.wait_dma2 semaphore(%arg12 : memref<!tpu.dma_semaphore, #tpu.memory_space<semaphore_mem>>) src(%dma_wait3A_127 : memref<128x128xf32, #tpu.memory_space<vmem>>) dst(%dma_wait3A_124 : memref<128x128xf32, #tpu.memory_space<vmem_shared>>)
    } else {
    }
    %barrier3A = arith.constant 0 : index
    tpu.barrier barrier_id(%barrier3A)
    %dma_start3A = arith.constant 0 : i32
    %dma_start3A_20 = arith.constant 0 : i32
    %dma_start3A_21 = tpu.memref_slice %arg7[%dma_start3A, %dma_start3A_20] : memref<40x128xi32, #tpu.memory_space<vmem>> -> memref<1x128xi32, #tpu.memory_space<vmem>>
    %dma_start3A_22 = tpu.memref_squeeze %dma_start3A_21 : memref<1x128xi32, #tpu.memory_space<vmem>> -> memref<128xi32, #tpu.memory_space<vmem>>
    %dma_start3A_23 = arith.constant 0 : i32
    %dma_start3A_24 = arith.constant 0 : i32
    %dma_start3A_25 = tpu.memref_slice %arg2[%dma_start3A_23, %dma_start3A_24] : memref<10240x128xf32, #tpu.memory_space<hbm>> -> memref<10240x128xf32, #tpu.memory_space<hbm>>
    tpu.enqueue_indirect_dma source(%dma_start3A_25 : memref<10240x128xf32, #tpu.memory_space<hbm>>) target(%arg9 : memref<128x128xf32, #tpu.memory_space<vmem>>) offsets(%dma_start3A_22 : memref<128xi32, #tpu.memory_space<vmem>>) semaphore(%arg12 : memref<!tpu.dma_semaphore, #tpu.memory_space<semaphore_mem>>)
    %dma_start3A_26 = arith.constant 1 : i32
    %dma_start3A_27 = arith.constant 0 : i32
    %dma_start3A_28 = tpu.memref_slice %arg7[%dma_start3A_26, %dma_start3A_27] : memref<40x128xi32, #tpu.memory_space<vmem>> -> memref<1x128xi32, #tpu.memory_space<vmem>>
    %dma_start3A_29 = tpu.memref_squeeze %dma_start3A_28 : memref<1x128xi32, #tpu.memory_space<vmem>> -> memref<128xi32, #tpu.memory_space<vmem>>
    %dma_start3A_30 = arith.constant 0 : i32
    %dma_start3A_31 = arith.constant 0 : i32
    %dma_start3A_32 = tpu.memref_slice %arg2[%dma_start3A_30, %dma_start3A_31] : memref<10240x128xf32, #tpu.memory_space<hbm>> -> memref<10240x128xf32, #tpu.memory_space<hbm>>
    tpu.enqueue_indirect_dma source(%dma_start3A_32 : memref<10240x128xf32, #tpu.memory_space<hbm>>) target(%arg10 : memref<128x128xf32, #tpu.memory_space<vmem>>) offsets(%dma_start3A_29 : memref<128xi32, #tpu.memory_space<vmem>>) semaphore(%arg13 : memref<!tpu.dma_semaphore, #tpu.memory_space<semaphore_mem>>)
    %scan3A = arith.constant 0 : i32
    %scan3A_33 = arith.constant 0 : i32
    %scan3A_34 = arith.constant 20 : i32
    %scan3A_35 = arith.addi %scan3A_33, %scan3A_34 : i32
    %scan3A_36 = arith.constant 1 : i32
    scf.for %scan3A_69 = %scan3A_33 to %scan3A_35 step %scan3A_36  : i32 {
      %mul3A_70 = arith.constant 2 : i32
      %mul3A_71 = arith.muli %scan3A_69, %mul3A_70 : i32
      %add3A_72 = arith.constant 0 : i32
      %add3A_73 = arith.addi %mul3A_71, %add3A_72 : i32
      %dma_wait3A = arith.constant 0 : i32
      %dma_wait3A_74 = tpu.memref_slice %arg7[%add3A_73, %dma_wait3A] : memref<40x128xi32, #tpu.memory_space<vmem>> -> memref<1x128xi32, #tpu.memory_space<vmem>>
      %dma_wait3A_75 = tpu.memref_squeeze %dma_wait3A_74 : memref<1x128xi32, #tpu.memory_space<vmem>> -> memref<128xi32, #tpu.memory_space<vmem>>
      %dma_wait3A_76 = arith.constant 0 : i32
      %dma_wait3A_77 = arith.constant 0 : i32
      %dma_wait3A_78 = tpu.memref_slice %arg2[%dma_wait3A_76, %dma_wait3A_77] : memref<10240x128xf32, #tpu.memory_space<hbm>> -> memref<10240x128xf32, #tpu.memory_space<hbm>>
      tpu.wait_indirect_dma semaphore(%arg12 : memref<!tpu.dma_semaphore, #tpu.memory_space<semaphore_mem>>) src(%dma_wait3A_78 : memref<10240x128xf32, #tpu.memory_space<hbm>>) dst(%arg9 : memref<128x128xf32, #tpu.memory_space<vmem>>)
      "tpu.region"() ({
        %run_scoped3A = tpu.sem_alloc : memref<!tpu.dma_semaphore, #tpu.memory_space<semaphore_mem>>
        %dma_start3A_102 = arith.constant 0 : i32
        %dma_start3A_103 = arith.constant 0 : i32
        %dma_start3A_104 = tpu.memref_slice %arg9[%dma_start3A_102, %dma_start3A_103] : memref<128x128xf32, #tpu.memory_space<vmem>> -> memref<128x128xf32, #tpu.memory_space<vmem>>
        %dma_start3A_105 = arith.constant 0 : i32
        %dma_start3A_106 = tpu.memref_slice %arg8[%add3A_73, %dma_start3A_105] : memref<40x128xi32, #tpu.memory_space<vmem>> -> memref<1x128xi32, #tpu.memory_space<vmem>>
        %dma_start3A_107 = tpu.memref_squeeze %dma_start3A_106 : memref<1x128xi32, #tpu.memory_space<vmem>> -> memref<128xi32, #tpu.memory_space<vmem>>
        %dma_start3A_108 = arith.constant 0 : i32
        %dma_start3A_109 = arith.constant 0 : i32
        %dma_start3A_110 = tpu.memref_slice %arg11[%dma_start3A_108, %dma_start3A_109] : memref<10240x128xf32, #tpu.memory_space<vmem_shared>> -> memref<10240x128xf32, #tpu.memory_space<vmem_shared>>
        tpu.enqueue_indirect_dma source(%dma_start3A_104 : memref<128x128xf32, #tpu.memory_space<vmem>>) target(%dma_start3A_110 : memref<10240x128xf32, #tpu.memory_space<vmem_shared>>) offsets(%dma_start3A_107 : memref<128xi32, #tpu.memory_space<vmem>>) semaphore(%run_scoped3A : memref<!tpu.dma_semaphore, #tpu.memory_space<semaphore_mem>>) {add = true}
        %dma_wait3A_111 = arith.constant 0 : i32
        %dma_wait3A_112 = arith.constant 0 : i32
        %dma_wait3A_113 = tpu.memref_slice %arg9[%dma_wait3A_111, %dma_wait3A_112] : memref<128x128xf32, #tpu.memory_space<vmem>> -> memref<128x128xf32, #tpu.memory_space<vmem>>
        %dma_wait3A_114 = arith.constant 0 : i32
        %dma_wait3A_115 = tpu.memref_slice %arg8[%add3A_73, %dma_wait3A_114] : memref<40x128xi32, #tpu.memory_space<vmem>> -> memref<1x128xi32, #tpu.memory_space<vmem>>
        %dma_wait3A_116 = tpu.memref_squeeze %dma_wait3A_115 : memref<1x128xi32, #tpu.memory_space<vmem>> -> memref<128xi32, #tpu.memory_space<vmem>>
        %dma_wait3A_117 = arith.constant 0 : i32
        %dma_wait3A_118 = arith.constant 0 : i32
        %dma_wait3A_119 = tpu.memref_slice %arg11[%dma_wait3A_117, %dma_wait3A_118] : memref<10240x128xf32, #tpu.memory_space<vmem_shared>> -> memref<10240x128xf32, #tpu.memory_space<vmem_shared>>
        tpu.wait_indirect_dma semaphore(%run_scoped3A : memref<!tpu.dma_semaphore, #tpu.memory_space<semaphore_mem>>) src(%dma_wait3A_113 : memref<128x128xf32, #tpu.memory_space<vmem>>) dst(%dma_wait3A_119 : memref<10240x128xf32, #tpu.memory_space<vmem_shared>>)
        tpu.yield
      }) : () -> ()
      %add3A_79 = arith.constant 2 : i32
      %add3A_80 = arith.addi %add3A_73, %add3A_79 : i32
      %lt3A = arith.constant 40 : i32
      %lt3A_81 = arith.cmpi slt, %add3A_80, %lt3A : i32
      %convert_element_type3A_82 = arith.extui %lt3A_81 : i1 to i32
      %cond3A_83 = arith.constant 0 : i32
      %cond3A_84 = arith.cmpi ne, %convert_element_type3A_82, %cond3A_83 : i32
      scf.if %cond3A_84 {
        %add3A_102 = arith.constant 2 : i32
        %add3A_103 = arith.addi %add3A_73, %add3A_102 : i32
        %dma_start3A_104 = arith.constant 0 : i32
        %dma_start3A_105 = tpu.memref_slice %arg7[%add3A_103, %dma_start3A_104] : memref<40x128xi32, #tpu.memory_space<vmem>> -> memref<1x128xi32, #tpu.memory_space<vmem>>
        %dma_start3A_106 = tpu.memref_squeeze %dma_start3A_105 : memref<1x128xi32, #tpu.memory_space<vmem>> -> memref<128xi32, #tpu.memory_space<vmem>>
        %dma_start3A_107 = arith.constant 0 : i32
        %dma_start3A_108 = arith.constant 0 : i32
        %dma_start3A_109 = tpu.memref_slice %arg2[%dma_start3A_107, %dma_start3A_108] : memref<10240x128xf32, #tpu.memory_space<hbm>> -> memref<10240x128xf32, #tpu.memory_space<hbm>>
        tpu.enqueue_indirect_dma source(%dma_start3A_109 : memref<10240x128xf32, #tpu.memory_space<hbm>>) target(%arg9 : memref<128x128xf32, #tpu.memory_space<vmem>>) offsets(%dma_start3A_106 : memref<128xi32, #tpu.memory_space<vmem>>) semaphore(%arg12 : memref<!tpu.dma_semaphore, #tpu.memory_space<semaphore_mem>>)
      } else {
      }
      %mul3A_85 = arith.constant 2 : i32
      %mul3A_86 = arith.muli %scan3A_69, %mul3A_85 : i32
      %add3A_87 = arith.constant 1 : i32
      %add3A_88 = arith.addi %mul3A_86, %add3A_87 : i32
      %dma_wait3A_89 = arith.constant 0 : i32
      %dma_wait3A_90 = tpu.memref_slice %arg7[%add3A_88, %dma_wait3A_89] : memref<40x128xi32, #tpu.memory_space<vmem>> -> memref<1x128xi32, #tpu.memory_space<vmem>>
      %dma_wait3A_91 = tpu.memref_squeeze %dma_wait3A_90 : memref<1x128xi32, #tpu.memory_space<vmem>> -> memref<128xi32, #tpu.memory_space<vmem>>
      %dma_wait3A_92 = arith.constant 0 : i32
      %dma_wait3A_93 = arith.constant 0 : i32
      %dma_wait3A_94 = tpu.memref_slice %arg2[%dma_wait3A_92, %dma_wait3A_93] : memref<10240x128xf32, #tpu.memory_space<hbm>> -> memref<10240x128xf32, #tpu.memory_space<hbm>>
      tpu.wait_indirect_dma semaphore(%arg13 : memref<!tpu.dma_semaphore, #tpu.memory_space<semaphore_mem>>) src(%dma_wait3A_94 : memref<10240x128xf32, #tpu.memory_space<hbm>>) dst(%arg10 : memref<128x128xf32, #tpu.memory_space<vmem>>)
      "tpu.region"() ({
        %run_scoped3A = tpu.sem_alloc : memref<!tpu.dma_semaphore, #tpu.memory_space<semaphore_mem>>
        %dma_start3A_102 = arith.constant 0 : i32
        %dma_start3A_103 = arith.constant 0 : i32
        %dma_start3A_104 = tpu.memref_slice %arg10[%dma_start3A_102, %dma_start3A_103] : memref<128x128xf32, #tpu.memory_space<vmem>> -> memref<128x128xf32, #tpu.memory_space<vmem>>
        %dma_start3A_105 = arith.constant 0 : i32
        %dma_start3A_106 = tpu.memref_slice %arg8[%add3A_88, %dma_start3A_105] : memref<40x128xi32, #tpu.memory_space<vmem>> -> memref<1x128xi32, #tpu.memory_space<vmem>>
        %dma_start3A_107 = tpu.memref_squeeze %dma_start3A_106 : memref<1x128xi32, #tpu.memory_space<vmem>> -> memref<128xi32, #tpu.memory_space<vmem>>
        %dma_start3A_108 = arith.constant 0 : i32
        %dma_start3A_109 = arith.constant 0 : i32
        %dma_start3A_110 = tpu.memref_slice %arg11[%dma_start3A_108, %dma_start3A_109] : memref<10240x128xf32, #tpu.memory_space<vmem_shared>> -> memref<10240x128xf32, #tpu.memory_space<vmem_shared>>
        tpu.enqueue_indirect_dma source(%dma_start3A_104 : memref<128x128xf32, #tpu.memory_space<vmem>>) target(%dma_start3A_110 : memref<10240x128xf32, #tpu.memory_space<vmem_shared>>) offsets(%dma_start3A_107 : memref<128xi32, #tpu.memory_space<vmem>>) semaphore(%run_scoped3A : memref<!tpu.dma_semaphore, #tpu.memory_space<semaphore_mem>>) {add = true}
        %dma_wait3A_111 = arith.constant 0 : i32
        %dma_wait3A_112 = arith.constant 0 : i32
        %dma_wait3A_113 = tpu.memref_slice %arg10[%dma_wait3A_111, %dma_wait3A_112] : memref<128x128xf32, #tpu.memory_space<vmem>> -> memref<128x128xf32, #tpu.memory_space<vmem>>
        %dma_wait3A_114 = arith.constant 0 : i32
        %dma_wait3A_115 = tpu.memref_slice %arg8[%add3A_88, %dma_wait3A_114] : memref<40x128xi32, #tpu.memory_space<vmem>> -> memref<1x128xi32, #tpu.memory_space<vmem>>
        %dma_wait3A_116 = tpu.memref_squeeze %dma_wait3A_115 : memref<1x128xi32, #tpu.memory_space<vmem>> -> memref<128xi32, #tpu.memory_space<vmem>>
        %dma_wait3A_117 = arith.constant 0 : i32
        %dma_wait3A_118 = arith.constant 0 : i32
        %dma_wait3A_119 = tpu.memref_slice %arg11[%dma_wait3A_117, %dma_wait3A_118] : memref<10240x128xf32, #tpu.memory_space<vmem_shared>> -> memref<10240x128xf32, #tpu.memory_space<vmem_shared>>
        tpu.wait_indirect_dma semaphore(%run_scoped3A : memref<!tpu.dma_semaphore, #tpu.memory_space<semaphore_mem>>) src(%dma_wait3A_113 : memref<128x128xf32, #tpu.memory_space<vmem>>) dst(%dma_wait3A_119 : memref<10240x128xf32, #tpu.memory_space<vmem_shared>>)
        tpu.yield
      }) : () -> ()
      %add3A_95 = arith.constant 2 : i32
      %add3A_96 = arith.addi %add3A_88, %add3A_95 : i32
      %lt3A_97 = arith.constant 40 : i32
      %lt3A_98 = arith.cmpi slt, %add3A_96, %lt3A_97 : i32
      %convert_element_type3A_99 = arith.extui %lt3A_98 : i1 to i32
      %cond3A_100 = arith.constant 0 : i32
      %cond3A_101 = arith.cmpi ne, %convert_element_type3A_99, %cond3A_100 : i32
      scf.if %cond3A_101 {
        %add3A_102 = arith.constant 2 : i32
        %add3A_103 = arith.addi %add3A_88, %add3A_102 : i32
        %dma_start3A_104 = arith.constant 0 : i32
        %dma_start3A_105 = tpu.memref_slice %arg7[%add3A_103, %dma_start3A_104] : memref<40x128xi32, #tpu.memory_space<vmem>> -> memref<1x128xi32, #tpu.memory_space<vmem>>
        %dma_start3A_106 = tpu.memref_squeeze %dma_start3A_105 : memref<1x128xi32, #tpu.memory_space<vmem>> -> memref<128xi32, #tpu.memory_space<vmem>>
        %dma_start3A_107 = arith.constant 0 : i32
        %dma_start3A_108 = arith.constant 0 : i32
        %dma_start3A_109 = tpu.memref_slice %arg2[%dma_start3A_107, %dma_start3A_108] : memref<10240x128xf32, #tpu.memory_space<hbm>> -> memref<10240x128xf32, #tpu.memory_space<hbm>>
        tpu.enqueue_indirect_dma source(%dma_start3A_109 : memref<10240x128xf32, #tpu.memory_space<hbm>>) target(%arg10 : memref<128x128xf32, #tpu.memory_space<vmem>>) offsets(%dma_start3A_106 : memref<128xi32, #tpu.memory_space<vmem>>) semaphore(%arg13 : memref<!tpu.dma_semaphore, #tpu.memory_space<semaphore_mem>>)
      } else {
      }
    }
    %scan3A_37 = arith.constant 20 : i32
    "tpu.region"() ({
      %run_scoped3A = tpu.sem_alloc : memref<!tpu.dma_semaphore, #tpu.memory_space<semaphore_mem>>
      %dma_start3A_69 = arith.constant 40 : i32
      %dma_start3A_70 = arith.constant 0 : i32
      %dma_start3A_71 = tpu.memref_slice %arg3[%add3A, %dma_start3A_69, %dma_start3A_70] : memref<32x80x128xi32, #tpu.memory_space<hbm>> -> memref<1x40x128xi32, #tpu.memory_space<hbm>>
      %dma_start3A_72 = tpu.memref_squeeze %dma_start3A_71 : memref<1x40x128xi32, #tpu.memory_space<hbm>> -> memref<40x128xi32, #tpu.memory_space<hbm>>
      %dma_start3A_73 = arith.constant 40 : i32
      %dma_start3A_74 = arith.constant 0 : i32
      %dma_start3A_75 = tpu.memref_slice %arg3[%add3A, %dma_start3A_73, %dma_start3A_74] : memref<32x80x128xi32, #tpu.memory_space<hbm>> -> memref<1x40x128xi32, #tpu.memory_space<hbm>>
      %dma_start3A_76 = tpu.memref_squeeze %dma_start3A_75 : memref<1x40x128xi32, #tpu.memory_space<hbm>> -> memref<40x128xi32, #tpu.memory_space<hbm>>
      tpu.enqueue_dma source(%dma_start3A_76 : memref<40x128xi32, #tpu.memory_space<hbm>>) target(%arg7 : memref<40x128xi32, #tpu.memory_space<vmem>>) target_semaphore(%run_scoped3A : memref<!tpu.dma_semaphore, #tpu.memory_space<semaphore_mem>>)
      %dma_wait3A = arith.constant 40 : i32
      %dma_wait3A_77 = arith.constant 0 : i32
      %dma_wait3A_78 = tpu.memref_slice %arg3[%add3A, %dma_wait3A, %dma_wait3A_77] : memref<32x80x128xi32, #tpu.memory_space<hbm>> -> memref<1x40x128xi32, #tpu.memory_space<hbm>>
      %dma_wait3A_79 = tpu.memref_squeeze %dma_wait3A_78 : memref<1x40x128xi32, #tpu.memory_space<hbm>> -> memref<40x128xi32, #tpu.memory_space<hbm>>
      %dma_wait3A_80 = arith.constant 40 : i32
      %dma_wait3A_81 = arith.constant 0 : i32
      %dma_wait3A_82 = tpu.memref_slice %arg3[%add3A, %dma_wait3A_80, %dma_wait3A_81] : memref<32x80x128xi32, #tpu.memory_space<hbm>> -> memref<1x40x128xi32, #tpu.memory_space<hbm>>
      %dma_wait3A_83 = tpu.memref_squeeze %dma_wait3A_82 : memref<1x40x128xi32, #tpu.memory_space<hbm>> -> memref<40x128xi32, #tpu.memory_space<hbm>>
      tpu.wait_dma2 semaphore(%run_scoped3A : memref<!tpu.dma_semaphore, #tpu.memory_space<semaphore_mem>>) src(%dma_wait3A_83 : memref<40x128xi32, #tpu.memory_space<hbm>>) dst(%arg7 : memref<40x128xi32, #tpu.memory_space<vmem>>)
      tpu.yield
    }) : () -> ()
    "tpu.region"() ({
      %run_scoped3A = tpu.sem_alloc : memref<!tpu.dma_semaphore, #tpu.memory_space<semaphore_mem>>
      %dma_start3A_69 = arith.constant 40 : i32
      %dma_start3A_70 = arith.constant 0 : i32
      %dma_start3A_71 = tpu.memref_slice %arg4[%add3A, %dma_start3A_69, %dma_start3A_70] : memref<32x80x128xi32, #tpu.memory_space<hbm>> -> memref<1x40x128xi32, #tpu.memory_space<hbm>>
      %dma_start3A_72 = tpu.memref_squeeze %dma_start3A_71 : memref<1x40x128xi32, #tpu.memory_space<hbm>> -> memref<40x128xi32, #tpu.memory_space<hbm>>
      %dma_start3A_73 = arith.constant 40 : i32
      %dma_start3A_74 = arith.constant 0 : i32
      %dma_start3A_75 = tpu.memref_slice %arg4[%add3A, %dma_start3A_73, %dma_start3A_74] : memref<32x80x128xi32, #tpu.memory_space<hbm>> -> memref<1x40x128xi32, #tpu.memory_space<hbm>>
      %dma_start3A_76 = tpu.memref_squeeze %dma_start3A_75 : memref<1x40x128xi32, #tpu.memory_space<hbm>> -> memref<40x128xi32, #tpu.memory_space<hbm>>
      tpu.enqueue_dma source(%dma_start3A_76 : memref<40x128xi32, #tpu.memory_space<hbm>>) target(%arg8 : memref<40x128xi32, #tpu.memory_space<vmem>>) target_semaphore(%run_scoped3A : memref<!tpu.dma_semaphore, #tpu.memory_space<semaphore_mem>>)
      %dma_wait3A = arith.constant 40 : i32
      %dma_wait3A_77 = arith.constant 0 : i32
      %dma_wait3A_78 = tpu.memref_slice %arg4[%add3A, %dma_wait3A, %dma_wait3A_77] : memref<32x80x128xi32, #tpu.memory_space<hbm>> -> memref<1x40x128xi32, #tpu.memory_space<hbm>>
      %dma_wait3A_79 = tpu.memref_squeeze %dma_wait3A_78 : memref<1x40x128xi32, #tpu.memory_space<hbm>> -> memref<40x128xi32, #tpu.memory_space<hbm>>
      %dma_wait3A_80 = arith.constant 40 : i32
      %dma_wait3A_81 = arith.constant 0 : i32
      %dma_wait3A_82 = tpu.memref_slice %arg4[%add3A, %dma_wait3A_80, %dma_wait3A_81] : memref<32x80x128xi32, #tpu.memory_space<hbm>> -> memref<1x40x128xi32, #tpu.memory_space<hbm>>
      %dma_wait3A_83 = tpu.memref_squeeze %dma_wait3A_82 : memref<1x40x128xi32, #tpu.memory_space<hbm>> -> memref<40x128xi32, #tpu.memory_space<hbm>>
      tpu.wait_dma2 semaphore(%run_scoped3A : memref<!tpu.dma_semaphore, #tpu.memory_space<semaphore_mem>>) src(%dma_wait3A_83 : memref<40x128xi32, #tpu.memory_space<hbm>>) dst(%arg8 : memref<40x128xi32, #tpu.memory_space<vmem>>)
      tpu.yield
    }) : () -> ()
    %dma_start3A_38 = arith.constant 0 : i32
    %dma_start3A_39 = arith.constant 0 : i32
    %dma_start3A_40 = tpu.memref_slice %arg7[%dma_start3A_38, %dma_start3A_39] : memref<40x128xi32, #tpu.memory_space<vmem>> -> memref<1x128xi32, #tpu.memory_space<vmem>>
    %dma_start3A_41 = tpu.memref_squeeze %dma_start3A_40 : memref<1x128xi32, #tpu.memory_space<vmem>> -> memref<128xi32, #tpu.memory_space<vmem>>
    %dma_start3A_42 = arith.constant 0 : i32
    %dma_start3A_43 = arith.constant 0 : i32
    %dma_start3A_44 = tpu.memref_slice %arg2[%dma_start3A_42, %dma_start3A_43] : memref<10240x128xf32, #tpu.memory_space<hbm>> -> memref<10240x128xf32, #tpu.memory_space<hbm>>
    tpu.enqueue_indirect_dma source(%dma_start3A_44 : memref<10240x128xf32, #tpu.memory_space<hbm>>) target(%arg9 : memref<128x128xf32, #tpu.memory_space<vmem>>) offsets(%dma_start3A_41 : memref<128xi32, #tpu.memory_space<vmem>>) semaphore(%arg12 : memref<!tpu.dma_semaphore, #tpu.memory_space<semaphore_mem>>)
    %dma_start3A_45 = arith.constant 1 : i32
    %dma_start3A_46 = arith.constant 0 : i32
    %dma_start3A_47 = tpu.memref_slice %arg7[%dma_start3A_45, %dma_start3A_46] : memref<40x128xi32, #tpu.memory_space<vmem>> -> memref<1x128xi32, #tpu.memory_space<vmem>>
    %dma_start3A_48 = tpu.memref_squeeze %dma_start3A_47 : memref<1x128xi32, #tpu.memory_space<vmem>> -> memref<128xi32, #tpu.memory_space<vmem>>
    %dma_start3A_49 = arith.constant 0 : i32
    %dma_start3A_50 = arith.constant 0 : i32
    %dma_start3A_51 = tpu.memref_slice %arg2[%dma_start3A_49, %dma_start3A_50] : memref<10240x128xf32, #tpu.memory_space<hbm>> -> memref<10240x128xf32, #tpu.memory_space<hbm>>
    tpu.enqueue_indirect_dma source(%dma_start3A_51 : memref<10240x128xf32, #tpu.memory_space<hbm>>) target(%arg10 : memref<128x128xf32, #tpu.memory_space<vmem>>) offsets(%dma_start3A_48 : memref<128xi32, #tpu.memory_space<vmem>>) semaphore(%arg13 : memref<!tpu.dma_semaphore, #tpu.memory_space<semaphore_mem>>)
    %scan3A_52 = arith.constant 0 : i32
    %scan3A_53 = arith.constant 0 : i32
    %scan3A_54 = arith.constant 20 : i32
    %scan3A_55 = arith.addi %scan3A_53, %scan3A_54 : i32
    %scan3A_56 = arith.constant 1 : i32
    scf.for %scan3A_69 = %scan3A_53 to %scan3A_55 step %scan3A_56  : i32 {
      %mul3A_70 = arith.constant 2 : i32
      %mul3A_71 = arith.muli %scan3A_69, %mul3A_70 : i32
      %add3A_72 = arith.constant 0 : i32
      %add3A_73 = arith.addi %mul3A_71, %add3A_72 : i32
      %dma_wait3A = arith.constant 0 : i32
      %dma_wait3A_74 = tpu.memref_slice %arg7[%add3A_73, %dma_wait3A] : memref<40x128xi32, #tpu.memory_space<vmem>> -> memref<1x128xi32, #tpu.memory_space<vmem>>
      %dma_wait3A_75 = tpu.memref_squeeze %dma_wait3A_74 : memref<1x128xi32, #tpu.memory_space<vmem>> -> memref<128xi32, #tpu.memory_space<vmem>>
      %dma_wait3A_76 = arith.constant 0 : i32
      %dma_wait3A_77 = arith.constant 0 : i32
      %dma_wait3A_78 = tpu.memref_slice %arg2[%dma_wait3A_76, %dma_wait3A_77] : memref<10240x128xf32, #tpu.memory_space<hbm>> -> memref<10240x128xf32, #tpu.memory_space<hbm>>
      tpu.wait_indirect_dma semaphore(%arg12 : memref<!tpu.dma_semaphore, #tpu.memory_space<semaphore_mem>>) src(%dma_wait3A_78 : memref<10240x128xf32, #tpu.memory_space<hbm>>) dst(%arg9 : memref<128x128xf32, #tpu.memory_space<vmem>>)
      "tpu.region"() ({
        %run_scoped3A = tpu.sem_alloc : memref<!tpu.dma_semaphore, #tpu.memory_space<semaphore_mem>>
        %dma_start3A_102 = arith.constant 0 : i32
        %dma_start3A_103 = arith.constant 0 : i32
        %dma_start3A_104 = tpu.memref_slice %arg9[%dma_start3A_102, %dma_start3A_103] : memref<128x128xf32, #tpu.memory_space<vmem>> -> memref<128x128xf32, #tpu.memory_space<vmem>>
        %dma_start3A_105 = arith.constant 0 : i32
        %dma_start3A_106 = tpu.memref_slice %arg8[%add3A_73, %dma_start3A_105] : memref<40x128xi32, #tpu.memory_space<vmem>> -> memref<1x128xi32, #tpu.memory_space<vmem>>
        %dma_start3A_107 = tpu.memref_squeeze %dma_start3A_106 : memref<1x128xi32, #tpu.memory_space<vmem>> -> memref<128xi32, #tpu.memory_space<vmem>>
        %dma_start3A_108 = arith.constant 0 : i32
        %dma_start3A_109 = arith.constant 0 : i32
        %dma_start3A_110 = tpu.memref_slice %arg11[%dma_start3A_108, %dma_start3A_109] : memref<10240x128xf32, #tpu.memory_space<vmem_shared>> -> memref<10240x128xf32, #tpu.memory_space<vmem_shared>>
        tpu.enqueue_indirect_dma source(%dma_start3A_104 : memref<128x128xf32, #tpu.memory_space<vmem>>) target(%dma_start3A_110 : memref<10240x128xf32, #tpu.memory_space<vmem_shared>>) offsets(%dma_start3A_107 : memref<128xi32, #tpu.memory_space<vmem>>) semaphore(%run_scoped3A : memref<!tpu.dma_semaphore, #tpu.memory_space<semaphore_mem>>) {add = true}
        %dma_wait3A_111 = arith.constant 0 : i32
        %dma_wait3A_112 = arith.constant 0 : i32
        %dma_wait3A_113 = tpu.memref_slice %arg9[%dma_wait3A_111, %dma_wait3A_112] : memref<128x128xf32, #tpu.memory_space<vmem>> -> memref<128x128xf32, #tpu.memory_space<vmem>>
        %dma_wait3A_114 = arith.constant 0 : i32
        %dma_wait3A_115 = tpu.memref_slice %arg8[%add3A_73, %dma_wait3A_114] : memref<40x128xi32, #tpu.memory_space<vmem>> -> memref<1x128xi32, #tpu.memory_space<vmem>>
        %dma_wait3A_116 = tpu.memref_squeeze %dma_wait3A_115 : memref<1x128xi32, #tpu.memory_space<vmem>> -> memref<128xi32, #tpu.memory_space<vmem>>
        %dma_wait3A_117 = arith.constant 0 : i32
        %dma_wait3A_118 = arith.constant 0 : i32
        %dma_wait3A_119 = tpu.memref_slice %arg11[%dma_wait3A_117, %dma_wait3A_118] : memref<10240x128xf32, #tpu.memory_space<vmem_shared>> -> memref<10240x128xf32, #tpu.memory_space<vmem_shared>>
        tpu.wait_indirect_dma semaphore(%run_scoped3A : memref<!tpu.dma_semaphore, #tpu.memory_space<semaphore_mem>>) src(%dma_wait3A_113 : memref<128x128xf32, #tpu.memory_space<vmem>>) dst(%dma_wait3A_119 : memref<10240x128xf32, #tpu.memory_space<vmem_shared>>)
        tpu.yield
      }) : () -> ()
      %add3A_79 = arith.constant 2 : i32
      %add3A_80 = arith.addi %add3A_73, %add3A_79 : i32
      %lt3A = arith.constant 40 : i32
      %lt3A_81 = arith.cmpi slt, %add3A_80, %lt3A : i32
      %convert_element_type3A_82 = arith.extui %lt3A_81 : i1 to i32
      %cond3A_83 = arith.constant 0 : i32
      %cond3A_84 = arith.cmpi ne, %convert_element_type3A_82, %cond3A_83 : i32
      scf.if %cond3A_84 {
        %add3A_102 = arith.constant 2 : i32
        %add3A_103 = arith.addi %add3A_73, %add3A_102 : i32
        %dma_start3A_104 = arith.constant 0 : i32
        %dma_start3A_105 = tpu.memref_slice %arg7[%add3A_103, %dma_start3A_104] : memref<40x128xi32, #tpu.memory_space<vmem>> -> memref<1x128xi32, #tpu.memory_space<vmem>>
        %dma_start3A_106 = tpu.memref_squeeze %dma_start3A_105 : memref<1x128xi32, #tpu.memory_space<vmem>> -> memref<128xi32, #tpu.memory_space<vmem>>
        %dma_start3A_107 = arith.constant 0 : i32
        %dma_start3A_108 = arith.constant 0 : i32
        %dma_start3A_109 = tpu.memref_slice %arg2[%dma_start3A_107, %dma_start3A_108] : memref<10240x128xf32, #tpu.memory_space<hbm>> -> memref<10240x128xf32, #tpu.memory_space<hbm>>
        tpu.enqueue_indirect_dma source(%dma_start3A_109 : memref<10240x128xf32, #tpu.memory_space<hbm>>) target(%arg9 : memref<128x128xf32, #tpu.memory_space<vmem>>) offsets(%dma_start3A_106 : memref<128xi32, #tpu.memory_space<vmem>>) semaphore(%arg12 : memref<!tpu.dma_semaphore, #tpu.memory_space<semaphore_mem>>)
      } else {
      }
      %mul3A_85 = arith.constant 2 : i32
      %mul3A_86 = arith.muli %scan3A_69, %mul3A_85 : i32
      %add3A_87 = arith.constant 1 : i32
      %add3A_88 = arith.addi %mul3A_86, %add3A_87 : i32
      %dma_wait3A_89 = arith.constant 0 : i32
      %dma_wait3A_90 = tpu.memref_slice %arg7[%add3A_88, %dma_wait3A_89] : memref<40x128xi32, #tpu.memory_space<vmem>> -> memref<1x128xi32, #tpu.memory_space<vmem>>
      %dma_wait3A_91 = tpu.memref_squeeze %dma_wait3A_90 : memref<1x128xi32, #tpu.memory_space<vmem>> -> memref<128xi32, #tpu.memory_space<vmem>>
      %dma_wait3A_92 = arith.constant 0 : i32
      %dma_wait3A_93 = arith.constant 0 : i32
      %dma_wait3A_94 = tpu.memref_slice %arg2[%dma_wait3A_92, %dma_wait3A_93] : memref<10240x128xf32, #tpu.memory_space<hbm>> -> memref<10240x128xf32, #tpu.memory_space<hbm>>
      tpu.wait_indirect_dma semaphore(%arg13 : memref<!tpu.dma_semaphore, #tpu.memory_space<semaphore_mem>>) src(%dma_wait3A_94 : memref<10240x128xf32, #tpu.memory_space<hbm>>) dst(%arg10 : memref<128x128xf32, #tpu.memory_space<vmem>>)
      "tpu.region"() ({
        %run_scoped3A = tpu.sem_alloc : memref<!tpu.dma_semaphore, #tpu.memory_space<semaphore_mem>>
        %dma_start3A_102 = arith.constant 0 : i32
        %dma_start3A_103 = arith.constant 0 : i32
        %dma_start3A_104 = tpu.memref_slice %arg10[%dma_start3A_102, %dma_start3A_103] : memref<128x128xf32, #tpu.memory_space<vmem>> -> memref<128x128xf32, #tpu.memory_space<vmem>>
        %dma_start3A_105 = arith.constant 0 : i32
        %dma_start3A_106 = tpu.memref_slice %arg8[%add3A_88, %dma_start3A_105] : memref<40x128xi32, #tpu.memory_space<vmem>> -> memref<1x128xi32, #tpu.memory_space<vmem>>
        %dma_start3A_107 = tpu.memref_squeeze %dma_start3A_106 : memref<1x128xi32, #tpu.memory_space<vmem>> -> memref<128xi32, #tpu.memory_space<vmem>>
        %dma_start3A_108 = arith.constant 0 : i32
        %dma_start3A_109 = arith.constant 0 : i32
        %dma_start3A_110 = tpu.memref_slice %arg11[%dma_start3A_108, %dma_start3A_109] : memref<10240x128xf32, #tpu.memory_space<vmem_shared>> -> memref<10240x128xf32, #tpu.memory_space<vmem_shared>>
        tpu.enqueue_indirect_dma source(%dma_start3A_104 : memref<128x128xf32, #tpu.memory_space<vmem>>) target(%dma_start3A_110 : memref<10240x128xf32, #tpu.memory_space<vmem_shared>>) offsets(%dma_start3A_107 : memref<128xi32, #tpu.memory_space<vmem>>) semaphore(%run_scoped3A : memref<!tpu.dma_semaphore, #tpu.memory_space<semaphore_mem>>) {add = true}
        %dma_wait3A_111 = arith.constant 0 : i32
        %dma_wait3A_112 = arith.constant 0 : i32
        %dma_wait3A_113 = tpu.memref_slice %arg10[%dma_wait3A_111, %dma_wait3A_112] : memref<128x128xf32, #tpu.memory_space<vmem>> -> memref<128x128xf32, #tpu.memory_space<vmem>>
        %dma_wait3A_114 = arith.constant 0 : i32
        %dma_wait3A_115 = tpu.memref_slice %arg8[%add3A_88, %dma_wait3A_114] : memref<40x128xi32, #tpu.memory_space<vmem>> -> memref<1x128xi32, #tpu.memory_space<vmem>>
        %dma_wait3A_116 = tpu.memref_squeeze %dma_wait3A_115 : memref<1x128xi32, #tpu.memory_space<vmem>> -> memref<128xi32, #tpu.memory_space<vmem>>
        %dma_wait3A_117 = arith.constant 0 : i32
        %dma_wait3A_118 = arith.constant 0 : i32
        %dma_wait3A_119 = tpu.memref_slice %arg11[%dma_wait3A_117, %dma_wait3A_118] : memref<10240x128xf32, #tpu.memory_space<vmem_shared>> -> memref<10240x128xf32, #tpu.memory_space<vmem_shared>>
        tpu.wait_indirect_dma semaphore(%run_scoped3A : memref<!tpu.dma_semaphore, #tpu.memory_space<semaphore_mem>>) src(%dma_wait3A_113 : memref<128x128xf32, #tpu.memory_space<vmem>>) dst(%dma_wait3A_119 : memref<10240x128xf32, #tpu.memory_space<vmem_shared>>)
        tpu.yield
      }) : () -> ()
      %add3A_95 = arith.constant 2 : i32
      %add3A_96 = arith.addi %add3A_88, %add3A_95 : i32
      %lt3A_97 = arith.constant 40 : i32
      %lt3A_98 = arith.cmpi slt, %add3A_96, %lt3A_97 : i32
      %convert_element_type3A_99 = arith.extui %lt3A_98 : i1 to i32
      %cond3A_100 = arith.constant 0 : i32
      %cond3A_101 = arith.cmpi ne, %convert_element_type3A_99, %cond3A_100 : i32
      scf.if %cond3A_101 {
        %add3A_102 = arith.constant 2 : i32
        %add3A_103 = arith.addi %add3A_88, %add3A_102 : i32
        %dma_start3A_104 = arith.constant 0 : i32
        %dma_start3A_105 = tpu.memref_slice %arg7[%add3A_103, %dma_start3A_104] : memref<40x128xi32, #tpu.memory_space<vmem>> -> memref<1x128xi32, #tpu.memory_space<vmem>>
        %dma_start3A_106 = tpu.memref_squeeze %dma_start3A_105 : memref<1x128xi32, #tpu.memory_space<vmem>> -> memref<128xi32, #tpu.memory_space<vmem>>
        %dma_start3A_107 = arith.constant 0 : i32
        %dma_start3A_108 = arith.constant 0 : i32
        %dma_start3A_109 = tpu.memref_slice %arg2[%dma_start3A_107, %dma_start3A_108] : memref<10240x128xf32, #tpu.memory_space<hbm>> -> memref<10240x128xf32, #tpu.memory_space<hbm>>
        tpu.enqueue_indirect_dma source(%dma_start3A_109 : memref<10240x128xf32, #tpu.memory_space<hbm>>) target(%arg10 : memref<128x128xf32, #tpu.memory_space<vmem>>) offsets(%dma_start3A_106 : memref<128xi32, #tpu.memory_space<vmem>>) semaphore(%arg13 : memref<!tpu.dma_semaphore, #tpu.memory_space<semaphore_mem>>)
      } else {
      }
    }
    %scan3A_57 = arith.constant 20 : i32
    %barrier3A_58 = arith.constant 0 : index
    tpu.barrier barrier_id(%barrier3A_58)
    %eq3A_59 = arith.constant 0 : i32
    %eq3A_60 = arith.cmpi eq, %arg0, %eq3A_59 : i32
    %convert_element_type3A_61 = arith.extui %eq3A_60 : i1 to i32
    %cond3A_62 = arith.constant 0 : i32
    %cond3A_63 = arith.cmpi ne, %convert_element_type3A_61, %cond3A_62 : i32
    scf.if %cond3A_63 {
      "tpu.region"() ({
        %run_scoped3A = tpu.sem_alloc : memref<!tpu.dma_semaphore, #tpu.memory_space<semaphore_mem>>
        %dma_start3A_69 = arith.constant 0 : i32
        %dma_start3A_70 = tpu.memref_slice %arg5[%mul3A_2, %dma_start3A_69] : memref<10240x128xf32, #tpu.memory_space<hbm>> -> memref<640x128xf32, #tpu.memory_space<hbm>>
        %dma_start3A_71 = arith.constant 0 : i32
        %dma_start3A_72 = tpu.memref_slice %arg11[%mul3A_2, %dma_start3A_71] : memref<10240x128xf32, #tpu.memory_space<vmem_shared>> -> memref<640x128xf32, #tpu.memory_space<vmem_shared>>
        tpu.enqueue_dma source(%dma_start3A_72 : memref<640x128xf32, #tpu.memory_space<vmem_shared>>) target(%dma_start3A_70 : memref<640x128xf32, #tpu.memory_space<hbm>>) target_semaphore(%run_scoped3A : memref<!tpu.dma_semaphore, #tpu.memory_space<semaphore_mem>>)
        %dma_wait3A = arith.constant 0 : i32
        %dma_wait3A_73 = tpu.memref_slice %arg5[%mul3A_2, %dma_wait3A] : memref<10240x128xf32, #tpu.memory_space<hbm>> -> memref<640x128xf32, #tpu.memory_space<hbm>>
        %dma_wait3A_74 = arith.constant 0 : i32
        %dma_wait3A_75 = tpu.memref_slice %arg11[%mul3A_2, %dma_wait3A_74] : memref<10240x128xf32, #tpu.memory_space<vmem_shared>> -> memref<640x128xf32, #tpu.memory_space<vmem_shared>>
        tpu.wait_dma2 semaphore(%run_scoped3A : memref<!tpu.dma_semaphore, #tpu.memory_space<semaphore_mem>>) src(%dma_wait3A_75 : memref<640x128xf32, #tpu.memory_space<vmem_shared>>) dst(%dma_wait3A_73 : memref<640x128xf32, #tpu.memory_space<hbm>>)
        tpu.yield
      }) : () -> ()
    } else {
    }
    %eq3A_64 = arith.constant 1 : i32
    %eq3A_65 = arith.cmpi eq, %arg0, %eq3A_64 : i32
    %convert_element_type3A_66 = arith.extui %eq3A_65 : i1 to i32
    %cond3A_67 = arith.constant 0 : i32
    %cond3A_68 = arith.cmpi ne, %convert_element_type3A_66, %cond3A_67 : i32
    scf.if %cond3A_68 {
      "tpu.region"() ({
        %run_scoped3A = tpu.sem_alloc : memref<!tpu.dma_semaphore, #tpu.memory_space<semaphore_mem>>
        %dma_start3A_69 = arith.constant 0 : i32
        %dma_start3A_70 = tpu.memref_slice %arg6[%mul3A_2, %dma_start3A_69] : memref<10240x128xf32, #tpu.memory_space<hbm>> -> memref<640x128xf32, #tpu.memory_space<hbm>>
        %dma_start3A_71 = arith.constant 0 : i32
        %dma_start3A_72 = tpu.memref_slice %arg11[%mul3A_2, %dma_start3A_71] : memref<10240x128xf32, #tpu.memory_space<vmem_shared>> -> memref<640x128xf32, #tpu.memory_space<vmem_shared>>
        tpu.enqueue_dma source(%dma_start3A_72 : memref<640x128xf32, #tpu.memory_space<vmem_shared>>) target(%dma_start3A_70 : memref<640x128xf32, #tpu.memory_space<hbm>>) target_semaphore(%run_scoped3A : memref<!tpu.dma_semaphore, #tpu.memory_space<semaphore_mem>>)
        %dma_wait3A = arith.constant 0 : i32
        %dma_wait3A_73 = tpu.memref_slice %arg6[%mul3A_2, %dma_wait3A] : memref<10240x128xf32, #tpu.memory_space<hbm>> -> memref<640x128xf32, #tpu.memory_space<hbm>>
        %dma_wait3A_74 = arith.constant 0 : i32
        %dma_wait3A_75 = tpu.memref_slice %arg11[%mul3A_2, %dma_wait3A_74] : memref<10240x128xf32, #tpu.memory_space<vmem_shared>> -> memref<640x128xf32, #tpu.memory_space<vmem_shared>>
        tpu.wait_dma2 semaphore(%run_scoped3A : memref<!tpu.dma_semaphore, #tpu.memory_space<semaphore_mem>>) src(%dma_wait3A_75 : memref<640x128xf32, #tpu.memory_space<vmem_shared>>) dst(%dma_wait3A_73 : memref<640x128xf32, #tpu.memory_space<hbm>>)
        tpu.yield
      }) : () -> ()
    } else {
    }
    return
  }
}

#map = affine_map<(d0, d1) -> (0, 0)>
#map1 = affine_map<(d0, d1) -> (0, 0, 0)>
module attributes {stable_mosaic.version = 14 : i64} {
  func.func @agg_kernel(%arg0: i32, %arg1: i32, %arg2: memref<10240x128xf32, #tpu.memory_space<hbm>>, %arg3: memref<32x80x128xi32, #tpu.memory_space<hbm>>, %arg4: memref<32x80x128xi32, #tpu.memory_space<hbm>>, %arg5: memref<10240x128xf32, #tpu.memory_space<hbm>>, %arg6: memref<10240x128xf32, #tpu.memory_space<hbm>>, %arg7: memref<40x128xi32, #tpu.memory_space<vmem>>, %arg8: memref<40x128xi32, #tpu.memory_space<vmem>>, %arg9: memref<128x128xf32, #tpu.memory_space<vmem>>, %arg10: memref<128x128xf32, #tpu.memory_space<vmem>>, %arg11: memref<10240x128xf32, #tpu.memory_space<vmem_shared>>, %arg12: memref<!tpu.dma_semaphore, #tpu.memory_space<semaphore_mem>>, %arg13: memref<!tpu.dma_semaphore, #tpu.memory_space<semaphore_mem>>) attributes {dimension_semantics = [#tpu.dimension_semantics<core_parallel>, #tpu.dimension_semantics<subcore_parallel>], iteration_bounds = array<i64: 2, 16>, scalar_prefetch = 0 : i64, scratch_operands = 7 : i64, tpu.core_type = #tpu.core_type<sc_vector_subcore>, window_params = [{transform_indices = #map}, {transform_indices = #map1}, {transform_indices = #map1}, {transform_indices = #map}, {transform_indices = #map}]} {
    %mul3A = arith.constant 2 : i32
    %mul3A_0 = arith.muli %arg1, %mul3A : i32
    %add3A = arith.addi %mul3A_0, %arg0 : i32
    %mul3A_1 = arith.constant 640 : i32
    %mul3A_2 = arith.muli %arg1, %mul3A_1 : i32
    %eq3A = arith.constant 0 : i32
    %eq3A_3 = arith.cmpi eq, %arg0, %eq3A : i32
    %convert_element_type3A = arith.extui %eq3A_3 : i1 to i32
    %cond3A = arith.constant 0 : i32
    %cond3A_4 = arith.cmpi ne, %convert_element_type3A, %cond3A : i32
    scf.if %cond3A_4 {
      %dma_start3A_69 = arith.constant 0 : i32
      %dma_start3A_70 = tpu.memref_slice %arg11[%mul3A_2, %dma_start3A_69] : memref<10240x128xf32, #tpu.memory_space<vmem_shared>> -> memref<640x128xf32, #tpu.memory_space<vmem_shared>>
      %dma_start3A_71 = arith.constant 0 : i32
      %dma_start3A_72 = tpu.memref_slice %arg2[%mul3A_2, %dma_start3A_71] : memref<10240x128xf32, #tpu.memory_space<hbm>> -> memref<640x128xf32, #tpu.memory_space<hbm>>
      tpu.enqueue_dma source(%dma_start3A_72 : memref<640x128xf32, #tpu.memory_space<hbm>>) target(%dma_start3A_70 : memref<640x128xf32, #tpu.memory_space<vmem_shared>>) target_semaphore(%arg12 : memref<!tpu.dma_semaphore, #tpu.memory_space<semaphore_mem>>)
    } else {
    }
    %eq3A_5 = arith.constant 1 : i32
    %eq3A_6 = arith.cmpi eq, %arg0, %eq3A_5 : i32
    %convert_element_type3A_7 = arith.extui %eq3A_6 : i1 to i32
    %cond3A_8 = arith.constant 0 : i32
    %cond3A_9 = arith.cmpi ne, %convert_element_type3A_7, %cond3A_8 : i32
    scf.if %cond3A_9 {
      %broadcast_in_dim3A = arith.constant 0.000000e+00 : f32
      %broadcast_in_dim3A_69 = vector.broadcast %broadcast_in_dim3A : f32 to vector<16xf32>
      %scan3A_70 = arith.constant 0 : i32
      %scan3A_71 = arith.constant 0 : i32
      %scan3A_72 = arith.constant 128 : i32
      %scan3A_73 = arith.addi %scan3A_71, %scan3A_72 : i32
      %scan3A_74 = arith.constant 1 : i32
      scf.for %scan3A_136 = %scan3A_71 to %scan3A_73 step %scan3A_74  : i32 {
        %swap3A = arith.index_cast %scan3A_136 : i32 to index
        %swap3A_137 = arith.constant 0 : index
        %swap3A_138 = tpu.vector_load %arg9[%swap3A, %swap3A_137] {strides = array<i32>} : memref<128x128xf32, #tpu.memory_space<vmem>>, vector<1x16xf32>,
        %swap3A_139 = vector.shape_cast %swap3A_138 : vector<1x16xf32> to vector<16xf32>
        %swap3A_140 = vector.shape_cast %broadcast_in_dim3A_69 : vector<16xf32> to vector<1x16xf32>
        tpu.vector_store %arg9[%swap3A, %swap3A_137], %swap3A_140 {strides = array<i32>} : memref<128x128xf32, #tpu.memory_space<vmem>>, vector<1x16xf32>,
        %swap3A_141 = arith.index_cast %scan3A_136 : i32 to index
        %swap3A_142 = arith.constant 16 : index
        %swap3A_143 = tpu.vector_load %arg9[%swap3A_141, %swap3A_142] {strides = array<i32>} : memref<128x128xf32, #tpu.memory_space<vmem>>, vector<1x16xf32>,
        %swap3A_144 = vector.shape_cast %swap3A_143 : vector<1x16xf32> to vector<16xf32>
        %swap3A_145 = vector.shape_cast %broadcast_in_dim3A_69 : vector<16xf32> to vector<1x16xf32>
        tpu.vector_store %arg9[%swap3A_141, %swap3A_142], %swap3A_145 {strides = array<i32>} : memref<128x128xf32, #tpu.memory_space<vmem>>, vector<1x16xf32>,
        %swap3A_146 = arith.index_cast %scan3A_136 : i32 to index
        %swap3A_147 = arith.constant 32 : index
        %swap3A_148 = tpu.vector_load %arg9[%swap3A_146, %swap3A_147] {strides = array<i32>} : memref<128x128xf32, #tpu.memory_space<vmem>>, vector<1x16xf32>,
        %swap3A_149 = vector.shape_cast %swap3A_148 : vector<1x16xf32> to vector<16xf32>
        %swap3A_150 = vector.shape_cast %broadcast_in_dim3A_69 : vector<16xf32> to vector<1x16xf32>
        tpu.vector_store %arg9[%swap3A_146, %swap3A_147], %swap3A_150 {strides = array<i32>} : memref<128x128xf32, #tpu.memory_space<vmem>>, vector<1x16xf32>,
        %swap3A_151 = arith.index_cast %scan3A_136 : i32 to index
        %swap3A_152 = arith.constant 48 : index
        %swap3A_153 = tpu.vector_load %arg9[%swap3A_151, %swap3A_152] {strides = array<i32>} : memref<128x128xf32, #tpu.memory_space<vmem>>, vector<1x16xf32>,
        %swap3A_154 = vector.shape_cast %swap3A_153 : vector<1x16xf32> to vector<16xf32>
        %swap3A_155 = vector.shape_cast %broadcast_in_dim3A_69 : vector<16xf32> to vector<1x16xf32>
        tpu.vector_store %arg9[%swap3A_151, %swap3A_152], %swap3A_155 {strides = array<i32>} : memref<128x128xf32, #tpu.memory_space<vmem>>, vector<1x16xf32>,
        %swap3A_156 = arith.index_cast %scan3A_136 : i32 to index
        %swap3A_157 = arith.constant 64 : index
        %swap3A_158 = tpu.vector_load %arg9[%swap3A_156, %swap3A_157] {strides = array<i32>} : memref<128x128xf32, #tpu.memory_space<vmem>>, vector<1x16xf32>,
        %swap3A_159 = vector.shape_cast %swap3A_158 : vector<1x16xf32> to vector<16xf32>
        %swap3A_160 = vector.shape_cast %broadcast_in_dim3A_69 : vector<16xf32> to vector<1x16xf32>
        tpu.vector_store %arg9[%swap3A_156, %swap3A_157], %swap3A_160 {strides = array<i32>} : memref<128x128xf32, #tpu.memory_space<vmem>>, vector<1x16xf32>,
        %swap3A_161 = arith.index_cast %scan3A_136 : i32 to index
        %swap3A_162 = arith.constant 80 : index
        %swap3A_163 = tpu.vector_load %arg9[%swap3A_161, %swap3A_162] {strides = array<i32>} : memref<128x128xf32, #tpu.memory_space<vmem>>, vector<1x16xf32>,
        %swap3A_164 = vector.shape_cast %swap3A_163 : vector<1x16xf32> to vector<16xf32>
        %swap3A_165 = vector.shape_cast %broadcast_in_dim3A_69 : vector<16xf32> to vector<1x16xf32>
        tpu.vector_store %arg9[%swap3A_161, %swap3A_162], %swap3A_165 {strides = array<i32>} : memref<128x128xf32, #tpu.memory_space<vmem>>, vector<1x16xf32>,
        %swap3A_166 = arith.index_cast %scan3A_136 : i32 to index
        %swap3A_167 = arith.constant 96 : index
        %swap3A_168 = tpu.vector_load %arg9[%swap3A_166, %swap3A_167] {strides = array<i32>} : memref<128x128xf32, #tpu.memory_space<vmem>>, vector<1x16xf32>,
        %swap3A_169 = vector.shape_cast %swap3A_168 : vector<1x16xf32> to vector<16xf32>
        %swap3A_170 = vector.shape_cast %broadcast_in_dim3A_69 : vector<16xf32> to vector<1x16xf32>
        tpu.vector_store %arg9[%swap3A_166, %swap3A_167], %swap3A_170 {strides = array<i32>} : memref<128x128xf32, #tpu.memory_space<vmem>>, vector<1x16xf32>,
        %swap3A_171 = arith.index_cast %scan3A_136 : i32 to index
        %swap3A_172 = arith.constant 112 : index
        %swap3A_173 = tpu.vector_load %arg9[%swap3A_171, %swap3A_172] {strides = array<i32>} : memref<128x128xf32, #tpu.memory_space<vmem>>, vector<1x16xf32>,
        %swap3A_174 = vector.shape_cast %swap3A_173 : vector<1x16xf32> to vector<16xf32>
        %swap3A_175 = vector.shape_cast %broadcast_in_dim3A_69 : vector<16xf32> to vector<1x16xf32>
        tpu.vector_store %arg9[%swap3A_171, %swap3A_172], %swap3A_175 {strides = array<i32>} : memref<128x128xf32, #tpu.memory_space<vmem>>, vector<1x16xf32>,
      }
      %scan3A_75 = arith.constant 128 : i32
      %add3A_76 = arith.constant 0 : i32
      %add3A_77 = arith.addi %mul3A_2, %add3A_76 : i32
      %dma_start3A_78 = arith.constant 0 : i32
      %dma_start3A_79 = arith.constant 0 : i32
      %dma_start3A_80 = tpu.memref_slice %arg9[%dma_start3A_78, %dma_start3A_79] : memref<128x128xf32, #tpu.memory_space<vmem>> -> memref<128x128xf32, #tpu.memory_space<vmem>>
      %dma_start3A_81 = arith.constant 0 : i32
      %dma_start3A_82 = tpu.memref_slice %arg11[%add3A_77, %dma_start3A_81] : memref<10240x128xf32, #tpu.memory_space<vmem_shared>> -> memref<128x128xf32, #tpu.memory_space<vmem_shared>>
      %dma_start3A_83 = arith.constant 0 : i32
      %dma_start3A_84 = tpu.memref_slice %arg11[%add3A_77, %dma_start3A_83] : memref<10240x128xf32, #tpu.memory_space<vmem_shared>> -> memref<128x128xf32, #tpu.memory_space<vmem_shared>>
      %dma_start3A_85 = arith.constant 0 : i32
      %dma_start3A_86 = arith.constant 0 : i32
      %dma_start3A_87 = tpu.memref_slice %arg9[%dma_start3A_85, %dma_start3A_86] : memref<128x128xf32, #tpu.memory_space<vmem>> -> memref<128x128xf32, #tpu.memory_space<vmem>>
      tpu.enqueue_dma source(%dma_start3A_87 : memref<128x128xf32, #tpu.memory_space<vmem>>) target(%dma_start3A_84 : memref<128x128xf32, #tpu.memory_space<vmem_shared>>) target_semaphore(%arg12 : memref<!tpu.dma_semaphore, #tpu.memory_space<semaphore_mem>>)
      %add3A_88 = arith.constant 128 : i32
      %add3A_89 = arith.addi %mul3A_2, %add3A_88 : i32
      %dma_start3A_90 = arith.constant 0 : i32
      %dma_start3A_91 = arith.constant 0 : i32
      %dma_start3A_92 = tpu.memref_slice %arg9[%dma_start3A_90, %dma_start3A_91] : memref<128x128xf32, #tpu.memory_space<vmem>> -> memref<128x128xf32, #tpu.memory_space<vmem>>
      %dma_start3A_93 = arith.constant 0 : i32
      %dma_start3A_94 = tpu.memref_slice %arg11[%add3A_89, %dma_start3A_93] : memref<10240x128xf32, #tpu.memory_space<vmem_shared>> -> memref<128x128xf32, #tpu.memory_space<vmem_shared>>
      %dma_start3A_95 = arith.constant 0 : i32
      %dma_start3A_96 = tpu.memref_slice %arg11[%add3A_89, %dma_start3A_95] : memref<10240x128xf32, #tpu.memory_space<vmem_shared>> -> memref<128x128xf32, #tpu.memory_space<vmem_shared>>
      %dma_start3A_97 = arith.constant 0 : i32
      %dma_start3A_98 = arith.constant 0 : i32
      %dma_start3A_99 = tpu.memref_slice %arg9[%dma_start3A_97, %dma_start3A_98] : memref<128x128xf32, #tpu.memory_space<vmem>> -> memref<128x128xf32, #tpu.memory_space<vmem>>
      tpu.enqueue_dma source(%dma_start3A_99 : memref<128x128xf32, #tpu.memory_space<vmem>>) target(%dma_start3A_96 : memref<128x128xf32, #tpu.memory_space<vmem_shared>>) target_semaphore(%arg12 : memref<!tpu.dma_semaphore, #tpu.memory_space<semaphore_mem>>)
      %add3A_100 = arith.constant 256 : i32
      %add3A_101 = arith.addi %mul3A_2, %add3A_100 : i32
      %dma_start3A_102 = arith.constant 0 : i32
      %dma_start3A_103 = arith.constant 0 : i32
      %dma_start3A_104 = tpu.memref_slice %arg9[%dma_start3A_102, %dma_start3A_103] : memref<128x128xf32, #tpu.memory_space<vmem>> -> memref<128x128xf32, #tpu.memory_space<vmem>>
      %dma_start3A_105 = arith.constant 0 : i32
      %dma_start3A_106 = tpu.memref_slice %arg11[%add3A_101, %dma_start3A_105] : memref<10240x128xf32, #tpu.memory_space<vmem_shared>> -> memref<128x128xf32, #tpu.memory_space<vmem_shared>>
      %dma_start3A_107 = arith.constant 0 : i32
      %dma_start3A_108 = tpu.memref_slice %arg11[%add3A_101, %dma_start3A_107] : memref<10240x128xf32, #tpu.memory_space<vmem_shared>> -> memref<128x128xf32, #tpu.memory_space<vmem_shared>>
      %dma_start3A_109 = arith.constant 0 : i32
      %dma_start3A_110 = arith.constant 0 : i32
      %dma_start3A_111 = tpu.memref_slice %arg9[%dma_start3A_109, %dma_start3A_110] : memref<128x128xf32, #tpu.memory_space<vmem>> -> memref<128x128xf32, #tpu.memory_space<vmem>>
      tpu.enqueue_dma source(%dma_start3A_111 : memref<128x128xf32, #tpu.memory_space<vmem>>) target(%dma_start3A_108 : memref<128x128xf32, #tpu.memory_space<vmem_shared>>) target_semaphore(%arg12 : memref<!tpu.dma_semaphore, #tpu.memory_space<semaphore_mem>>)
      %add3A_112 = arith.constant 384 : i32
      %add3A_113 = arith.addi %mul3A_2, %add3A_112 : i32
      %dma_start3A_114 = arith.constant 0 : i32
      %dma_start3A_115 = arith.constant 0 : i32
      %dma_start3A_116 = tpu.memref_slice %arg9[%dma_start3A_114, %dma_start3A_115] : memref<128x128xf32, #tpu.memory_space<vmem>> -> memref<128x128xf32, #tpu.memory_space<vmem>>
      %dma_start3A_117 = arith.constant 0 : i32
      %dma_start3A_118 = tpu.memref_slice %arg11[%add3A_113, %dma_start3A_117] : memref<10240x128xf32, #tpu.memory_space<vmem_shared>> -> memref<128x128xf32, #tpu.memory_space<vmem_shared>>
      %dma_start3A_119 = arith.constant 0 : i32
      %dma_start3A_120 = tpu.memref_slice %arg11[%add3A_113, %dma_start3A_119] : memref<10240x128xf32, #tpu.memory_space<vmem_shared>> -> memref<128x128xf32, #tpu.memory_space<vmem_shared>>
      %dma_start3A_121 = arith.constant 0 : i32
      %dma_start3A_122 = arith.constant 0 : i32
      %dma_start3A_123 = tpu.memref_slice %arg9[%dma_start3A_121, %dma_start3A_122] : memref<128x128xf32, #tpu.memory_space<vmem>> -> memref<128x128xf32, #tpu.memory_space<vmem>>
      tpu.enqueue_dma source(%dma_start3A_123 : memref<128x128xf32, #tpu.memory_space<vmem>>) target(%dma_start3A_120 : memref<128x128xf32, #tpu.memory_space<vmem_shared>>) target_semaphore(%arg12 : memref<!tpu.dma_semaphore, #tpu.memory_space<semaphore_mem>>)
      %add3A_124 = arith.constant 512 : i32
      %add3A_125 = arith.addi %mul3A_2, %add3A_124 : i32
      %dma_start3A_126 = arith.constant 0 : i32
      %dma_start3A_127 = arith.constant 0 : i32
      %dma_start3A_128 = tpu.memref_slice %arg9[%dma_start3A_126, %dma_start3A_127] : memref<128x128xf32, #tpu.memory_space<vmem>> -> memref<128x128xf32, #tpu.memory_space<vmem>>
      %dma_start3A_129 = arith.constant 0 : i32
      %dma_start3A_130 = tpu.memref_slice %arg11[%add3A_125, %dma_start3A_129] : memref<10240x128xf32, #tpu.memory_space<vmem_shared>> -> memref<128x128xf32, #tpu.memory_space<vmem_shared>>
      %dma_start3A_131 = arith.constant 0 : i32
      %dma_start3A_132 = tpu.memref_slice %arg11[%add3A_125, %dma_start3A_131] : memref<10240x128xf32, #tpu.memory_space<vmem_shared>> -> memref<128x128xf32, #tpu.memory_space<vmem_shared>>
      %dma_start3A_133 = arith.constant 0 : i32
      %dma_start3A_134 = arith.constant 0 : i32
      %dma_start3A_135 = tpu.memref_slice %arg9[%dma_start3A_133, %dma_start3A_134] : memref<128x128xf32, #tpu.memory_space<vmem>> -> memref<128x128xf32, #tpu.memory_space<vmem>>
      tpu.enqueue_dma source(%dma_start3A_135 : memref<128x128xf32, #tpu.memory_space<vmem>>) target(%dma_start3A_132 : memref<128x128xf32, #tpu.memory_space<vmem_shared>>) target_semaphore(%arg12 : memref<!tpu.dma_semaphore, #tpu.memory_space<semaphore_mem>>)
    } else {
    }
    "tpu.region"() ({
      %run_scoped3A = tpu.sem_alloc : memref<!tpu.dma_semaphore, #tpu.memory_space<semaphore_mem>>
      %dma_start3A_69 = arith.constant 0 : i32
      %dma_start3A_70 = arith.constant 0 : i32
      %dma_start3A_71 = tpu.memref_slice %arg3[%add3A, %dma_start3A_69, %dma_start3A_70] : memref<32x80x128xi32, #tpu.memory_space<hbm>> -> memref<1x40x128xi32, #tpu.memory_space<hbm>>
      %dma_start3A_72 = tpu.memref_squeeze %dma_start3A_71 : memref<1x40x128xi32, #tpu.memory_space<hbm>> -> memref<40x128xi32, #tpu.memory_space<hbm>>
      %dma_start3A_73 = arith.constant 0 : i32
      %dma_start3A_74 = arith.constant 0 : i32
      %dma_start3A_75 = tpu.memref_slice %arg3[%add3A, %dma_start3A_73, %dma_start3A_74] : memref<32x80x128xi32, #tpu.memory_space<hbm>> -> memref<1x40x128xi32, #tpu.memory_space<hbm>>
      %dma_start3A_76 = tpu.memref_squeeze %dma_start3A_75 : memref<1x40x128xi32, #tpu.memory_space<hbm>> -> memref<40x128xi32, #tpu.memory_space<hbm>>
      tpu.enqueue_dma source(%dma_start3A_76 : memref<40x128xi32, #tpu.memory_space<hbm>>) target(%arg7 : memref<40x128xi32, #tpu.memory_space<vmem>>) target_semaphore(%run_scoped3A : memref<!tpu.dma_semaphore, #tpu.memory_space<semaphore_mem>>)
      %dma_wait3A = arith.constant 0 : i32
      %dma_wait3A_77 = arith.constant 0 : i32
      %dma_wait3A_78 = tpu.memref_slice %arg3[%add3A, %dma_wait3A, %dma_wait3A_77] : memref<32x80x128xi32, #tpu.memory_space<hbm>> -> memref<1x40x128xi32, #tpu.memory_space<hbm>>
      %dma_wait3A_79 = tpu.memref_squeeze %dma_wait3A_78 : memref<1x40x128xi32, #tpu.memory_space<hbm>> -> memref<40x128xi32, #tpu.memory_space<hbm>>
      %dma_wait3A_80 = arith.constant 0 : i32
      %dma_wait3A_81 = arith.constant 0 : i32
      %dma_wait3A_82 = tpu.memref_slice %arg3[%add3A, %dma_wait3A_80, %dma_wait3A_81] : memref<32x80x128xi32, #tpu.memory_space<hbm>> -> memref<1x40x128xi32, #tpu.memory_space<hbm>>
      %dma_wait3A_83 = tpu.memref_squeeze %dma_wait3A_82 : memref<1x40x128xi32, #tpu.memory_space<hbm>> -> memref<40x128xi32, #tpu.memory_space<hbm>>
      tpu.wait_dma2 semaphore(%run_scoped3A : memref<!tpu.dma_semaphore, #tpu.memory_space<semaphore_mem>>) src(%dma_wait3A_83 : memref<40x128xi32, #tpu.memory_space<hbm>>) dst(%arg7 : memref<40x128xi32, #tpu.memory_space<vmem>>)
      tpu.yield
    }) : () -> ()
    "tpu.region"() ({
      %run_scoped3A = tpu.sem_alloc : memref<!tpu.dma_semaphore, #tpu.memory_space<semaphore_mem>>
      %dma_start3A_69 = arith.constant 0 : i32
      %dma_start3A_70 = arith.constant 0 : i32
      %dma_start3A_71 = tpu.memref_slice %arg4[%add3A, %dma_start3A_69, %dma_start3A_70] : memref<32x80x128xi32, #tpu.memory_space<hbm>> -> memref<1x40x128xi32, #tpu.memory_space<hbm>>
      %dma_start3A_72 = tpu.memref_squeeze %dma_start3A_71 : memref<1x40x128xi32, #tpu.memory_space<hbm>> -> memref<40x128xi32, #tpu.memory_space<hbm>>
      %dma_start3A_73 = arith.constant 0 : i32
      %dma_start3A_74 = arith.constant 0 : i32
      %dma_start3A_75 = tpu.memref_slice %arg4[%add3A, %dma_start3A_73, %dma_start3A_74] : memref<32x80x128xi32, #tpu.memory_space<hbm>> -> memref<1x40x128xi32, #tpu.memory_space<hbm>>
      %dma_start3A_76 = tpu.memref_squeeze %dma_start3A_75 : memref<1x40x128xi32, #tpu.memory_space<hbm>> -> memref<40x128xi32, #tpu.memory_space<hbm>>
      tpu.enqueue_dma source(%dma_start3A_76 : memref<40x128xi32, #tpu.memory_space<hbm>>) target(%arg8 : memref<40x128xi32, #tpu.memory_space<vmem>>) target_semaphore(%run_scoped3A : memref<!tpu.dma_semaphore, #tpu.memory_space<semaphore_mem>>)
      %dma_wait3A = arith.constant 0 : i32
      %dma_wait3A_77 = arith.constant 0 : i32
      %dma_wait3A_78 = tpu.memref_slice %arg4[%add3A, %dma_wait3A, %dma_wait3A_77] : memref<32x80x128xi32, #tpu.memory_space<hbm>> -> memref<1x40x128xi32, #tpu.memory_space<hbm>>
      %dma_wait3A_79 = tpu.memref_squeeze %dma_wait3A_78 : memref<1x40x128xi32, #tpu.memory_space<hbm>> -> memref<40x128xi32, #tpu.memory_space<hbm>>
      %dma_wait3A_80 = arith.constant 0 : i32
      %dma_wait3A_81 = arith.constant 0 : i32
      %dma_wait3A_82 = tpu.memref_slice %arg4[%add3A, %dma_wait3A_80, %dma_wait3A_81] : memref<32x80x128xi32, #tpu.memory_space<hbm>> -> memref<1x40x128xi32, #tpu.memory_space<hbm>>
      %dma_wait3A_83 = tpu.memref_squeeze %dma_wait3A_82 : memref<1x40x128xi32, #tpu.memory_space<hbm>> -> memref<40x128xi32, #tpu.memory_space<hbm>>
      tpu.wait_dma2 semaphore(%run_scoped3A : memref<!tpu.dma_semaphore, #tpu.memory_space<semaphore_mem>>) src(%dma_wait3A_83 : memref<40x128xi32, #tpu.memory_space<hbm>>) dst(%arg8 : memref<40x128xi32, #tpu.memory_space<vmem>>)
      tpu.yield
    }) : () -> ()
    %eq3A_10 = arith.constant 0 : i32
    %eq3A_11 = arith.cmpi eq, %arg0, %eq3A_10 : i32
    %convert_element_type3A_12 = arith.extui %eq3A_11 : i1 to i32
    %cond3A_13 = arith.constant 0 : i32
    %cond3A_14 = arith.cmpi ne, %convert_element_type3A_12, %cond3A_13 : i32
    scf.if %cond3A_14 {
      %dma_wait3A = arith.constant 0 : i32
      %dma_wait3A_69 = tpu.memref_slice %arg11[%mul3A_2, %dma_wait3A] : memref<10240x128xf32, #tpu.memory_space<vmem_shared>> -> memref<640x128xf32, #tpu.memory_space<vmem_shared>>
      %dma_wait3A_70 = arith.constant 0 : i32
      %dma_wait3A_71 = tpu.memref_slice %arg2[%mul3A_2, %dma_wait3A_70] : memref<10240x128xf32, #tpu.memory_space<hbm>> -> memref<640x128xf32, #tpu.memory_space<hbm>>
      tpu.wait_dma2 semaphore(%arg12 : memref<!tpu.dma_semaphore, #tpu.memory_space<semaphore_mem>>) src(%dma_wait3A_71 : memref<640x128xf32, #tpu.memory_space<hbm>>) dst(%dma_wait3A_69 : memref<640x128xf32, #tpu.memory_space<vmem_shared>>)
    } else {
    }
    %eq3A_15 = arith.constant 1 : i32
    %eq3A_16 = arith.cmpi eq, %arg0, %eq3A_15 : i32
    %convert_element_type3A_17 = arith.extui %eq3A_16 : i1 to i32
    %cond3A_18 = arith.constant 0 : i32
    %cond3A_19 = arith.cmpi ne, %convert_element_type3A_17, %cond3A_18 : i32
    scf.if %cond3A_19 {
      %add3A_69 = arith.constant 0 : i32
      %add3A_70 = arith.addi %mul3A_2, %add3A_69 : i32
      %dma_wait3A = arith.constant 0 : i32
      %dma_wait3A_71 = arith.constant 0 : i32
      %dma_wait3A_72 = tpu.memref_slice %arg9[%dma_wait3A, %dma_wait3A_71] : memref<128x128xf32, #tpu.memory_space<vmem>> -> memref<128x128xf32, #tpu.memory_space<vmem>>
      %dma_wait3A_73 = arith.constant 0 : i32
      %dma_wait3A_74 = tpu.memref_slice %arg11[%add3A_70, %dma_wait3A_73] : memref<10240x128xf32, #tpu.memory_space<vmem_shared>> -> memref<128x128xf32, #tpu.memory_space<vmem_shared>>
      %dma_wait3A_75 = arith.constant 0 : i32
      %dma_wait3A_76 = tpu.memref_slice %arg11[%add3A_70, %dma_wait3A_75] : memref<10240x128xf32, #tpu.memory_space<vmem_shared>> -> memref<128x128xf32, #tpu.memory_space<vmem_shared>>
      %dma_wait3A_77 = arith.constant 0 : i32
      %dma_wait3A_78 = arith.constant 0 : i32
      %dma_wait3A_79 = tpu.memref_slice %arg9[%dma_wait3A_77, %dma_wait3A_78] : memref<128x128xf32, #tpu.memory_space<vmem>> -> memref<128x128xf32, #tpu.memory_space<vmem>>
      tpu.wait_dma2 semaphore(%arg12 : memref<!tpu.dma_semaphore, #tpu.memory_space<semaphore_mem>>) src(%dma_wait3A_79 : memref<128x128xf32, #tpu.memory_space<vmem>>) dst(%dma_wait3A_76 : memref<128x128xf32, #tpu.memory_space<vmem_shared>>)
      %add3A_80 = arith.constant 128 : i32
      %add3A_81 = arith.addi %mul3A_2, %add3A_80 : i32
      %dma_wait3A_82 = arith.constant 0 : i32
      %dma_wait3A_83 = arith.constant 0 : i32
      %dma_wait3A_84 = tpu.memref_slice %arg9[%dma_wait3A_82, %dma_wait3A_83] : memref<128x128xf32, #tpu.memory_space<vmem>> -> memref<128x128xf32, #tpu.memory_space<vmem>>
      %dma_wait3A_85 = arith.constant 0 : i32
      %dma_wait3A_86 = tpu.memref_slice %arg11[%add3A_81, %dma_wait3A_85] : memref<10240x128xf32, #tpu.memory_space<vmem_shared>> -> memref<128x128xf32, #tpu.memory_space<vmem_shared>>
      %dma_wait3A_87 = arith.constant 0 : i32
      %dma_wait3A_88 = tpu.memref_slice %arg11[%add3A_81, %dma_wait3A_87] : memref<10240x128xf32, #tpu.memory_space<vmem_shared>> -> memref<128x128xf32, #tpu.memory_space<vmem_shared>>
      %dma_wait3A_89 = arith.constant 0 : i32
      %dma_wait3A_90 = arith.constant 0 : i32
      %dma_wait3A_91 = tpu.memref_slice %arg9[%dma_wait3A_89, %dma_wait3A_90] : memref<128x128xf32, #tpu.memory_space<vmem>> -> memref<128x128xf32, #tpu.memory_space<vmem>>
      tpu.wait_dma2 semaphore(%arg12 : memref<!tpu.dma_semaphore, #tpu.memory_space<semaphore_mem>>) src(%dma_wait3A_91 : memref<128x128xf32, #tpu.memory_space<vmem>>) dst(%dma_wait3A_88 : memref<128x128xf32, #tpu.memory_space<vmem_shared>>)
      %add3A_92 = arith.constant 256 : i32
      %add3A_93 = arith.addi %mul3A_2, %add3A_92 : i32
      %dma_wait3A_94 = arith.constant 0 : i32
      %dma_wait3A_95 = arith.constant 0 : i32
      %dma_wait3A_96 = tpu.memref_slice %arg9[%dma_wait3A_94, %dma_wait3A_95] : memref<128x128xf32, #tpu.memory_space<vmem>> -> memref<128x128xf32, #tpu.memory_space<vmem>>
      %dma_wait3A_97 = arith.constant 0 : i32
      %dma_wait3A_98 = tpu.memref_slice %arg11[%add3A_93, %dma_wait3A_97] : memref<10240x128xf32, #tpu.memory_space<vmem_shared>> -> memref<128x128xf32, #tpu.memory_space<vmem_shared>>
      %dma_wait3A_99 = arith.constant 0 : i32
      %dma_wait3A_100 = tpu.memref_slice %arg11[%add3A_93, %dma_wait3A_99] : memref<10240x128xf32, #tpu.memory_space<vmem_shared>> -> memref<128x128xf32, #tpu.memory_space<vmem_shared>>
      %dma_wait3A_101 = arith.constant 0 : i32
      %dma_wait3A_102 = arith.constant 0 : i32
      %dma_wait3A_103 = tpu.memref_slice %arg9[%dma_wait3A_101, %dma_wait3A_102] : memref<128x128xf32, #tpu.memory_space<vmem>> -> memref<128x128xf32, #tpu.memory_space<vmem>>
      tpu.wait_dma2 semaphore(%arg12 : memref<!tpu.dma_semaphore, #tpu.memory_space<semaphore_mem>>) src(%dma_wait3A_103 : memref<128x128xf32, #tpu.memory_space<vmem>>) dst(%dma_wait3A_100 : memref<128x128xf32, #tpu.memory_space<vmem_shared>>)
      %add3A_104 = arith.constant 384 : i32
      %add3A_105 = arith.addi %mul3A_2, %add3A_104 : i32
      %dma_wait3A_106 = arith.constant 0 : i32
      %dma_wait3A_107 = arith.constant 0 : i32
      %dma_wait3A_108 = tpu.memref_slice %arg9[%dma_wait3A_106, %dma_wait3A_107] : memref<128x128xf32, #tpu.memory_space<vmem>> -> memref<128x128xf32, #tpu.memory_space<vmem>>
      %dma_wait3A_109 = arith.constant 0 : i32
      %dma_wait3A_110 = tpu.memref_slice %arg11[%add3A_105, %dma_wait3A_109] : memref<10240x128xf32, #tpu.memory_space<vmem_shared>> -> memref<128x128xf32, #tpu.memory_space<vmem_shared>>
      %dma_wait3A_111 = arith.constant 0 : i32
      %dma_wait3A_112 = tpu.memref_slice %arg11[%add3A_105, %dma_wait3A_111] : memref<10240x128xf32, #tpu.memory_space<vmem_shared>> -> memref<128x128xf32, #tpu.memory_space<vmem_shared>>
      %dma_wait3A_113 = arith.constant 0 : i32
      %dma_wait3A_114 = arith.constant 0 : i32
      %dma_wait3A_115 = tpu.memref_slice %arg9[%dma_wait3A_113, %dma_wait3A_114] : memref<128x128xf32, #tpu.memory_space<vmem>> -> memref<128x128xf32, #tpu.memory_space<vmem>>
      tpu.wait_dma2 semaphore(%arg12 : memref<!tpu.dma_semaphore, #tpu.memory_space<semaphore_mem>>) src(%dma_wait3A_115 : memref<128x128xf32, #tpu.memory_space<vmem>>) dst(%dma_wait3A_112 : memref<128x128xf32, #tpu.memory_space<vmem_shared>>)
      %add3A_116 = arith.constant 512 : i32
      %add3A_117 = arith.addi %mul3A_2, %add3A_116 : i32
      %dma_wait3A_118 = arith.constant 0 : i32
      %dma_wait3A_119 = arith.constant 0 : i32
      %dma_wait3A_120 = tpu.memref_slice %arg9[%dma_wait3A_118, %dma_wait3A_119] : memref<128x128xf32, #tpu.memory_space<vmem>> -> memref<128x128xf32, #tpu.memory_space<vmem>>
      %dma_wait3A_121 = arith.constant 0 : i32
      %dma_wait3A_122 = tpu.memref_slice %arg11[%add3A_117, %dma_wait3A_121] : memref<10240x128xf32, #tpu.memory_space<vmem_shared>> -> memref<128x128xf32, #tpu.memory_space<vmem_shared>>
      %dma_wait3A_123 = arith.constant 0 : i32
      %dma_wait3A_124 = tpu.memref_slice %arg11[%add3A_117, %dma_wait3A_123] : memref<10240x128xf32, #tpu.memory_space<vmem_shared>> -> memref<128x128xf32, #tpu.memory_space<vmem_shared>>
      %dma_wait3A_125 = arith.constant 0 : i32
      %dma_wait3A_126 = arith.constant 0 : i32
      %dma_wait3A_127 = tpu.memref_slice %arg9[%dma_wait3A_125, %dma_wait3A_126] : memref<128x128xf32, #tpu.memory_space<vmem>> -> memref<128x128xf32, #tpu.memory_space<vmem>>
      tpu.wait_dma2 semaphore(%arg12 : memref<!tpu.dma_semaphore, #tpu.memory_space<semaphore_mem>>) src(%dma_wait3A_127 : memref<128x128xf32, #tpu.memory_space<vmem>>) dst(%dma_wait3A_124 : memref<128x128xf32, #tpu.memory_space<vmem_shared>>)
    } else {
    }
    %barrier3A = arith.constant 0 : index
    tpu.barrier barrier_id(%barrier3A)
    %dma_start3A = arith.constant 0 : i32
    %dma_start3A_20 = arith.constant 0 : i32
    %dma_start3A_21 = tpu.memref_slice %arg7[%dma_start3A, %dma_start3A_20] : memref<40x128xi32, #tpu.memory_space<vmem>> -> memref<1x128xi32, #tpu.memory_space<vmem>>
    %dma_start3A_22 = tpu.memref_squeeze %dma_start3A_21 : memref<1x128xi32, #tpu.memory_space<vmem>> -> memref<128xi32, #tpu.memory_space<vmem>>
    %dma_start3A_23 = arith.constant 0 : i32
    %dma_start3A_24 = arith.constant 0 : i32
    %dma_start3A_25 = tpu.memref_slice %arg2[%dma_start3A_23, %dma_start3A_24] : memref<10240x128xf32, #tpu.memory_space<hbm>> -> memref<10240x128xf32, #tpu.memory_space<hbm>>
    tpu.enqueue_indirect_dma source(%dma_start3A_25 : memref<10240x128xf32, #tpu.memory_space<hbm>>) target(%arg9 : memref<128x128xf32, #tpu.memory_space<vmem>>) offsets(%dma_start3A_22 : memref<128xi32, #tpu.memory_space<vmem>>) semaphore(%arg12 : memref<!tpu.dma_semaphore, #tpu.memory_space<semaphore_mem>>)
    %dma_start3A_26 = arith.constant 1 : i32
    %dma_start3A_27 = arith.constant 0 : i32
    %dma_start3A_28 = tpu.memref_slice %arg7[%dma_start3A_26, %dma_start3A_27] : memref<40x128xi32, #tpu.memory_space<vmem>> -> memref<1x128xi32, #tpu.memory_space<vmem>>
    %dma_start3A_29 = tpu.memref_squeeze %dma_start3A_28 : memref<1x128xi32, #tpu.memory_space<vmem>> -> memref<128xi32, #tpu.memory_space<vmem>>
    %dma_start3A_30 = arith.constant 0 : i32
    %dma_start3A_31 = arith.constant 0 : i32
    %dma_start3A_32 = tpu.memref_slice %arg2[%dma_start3A_30, %dma_start3A_31] : memref<10240x128xf32, #tpu.memory_space<hbm>> -> memref<10240x128xf32, #tpu.memory_space<hbm>>
    tpu.enqueue_indirect_dma source(%dma_start3A_32 : memref<10240x128xf32, #tpu.memory_space<hbm>>) target(%arg10 : memref<128x128xf32, #tpu.memory_space<vmem>>) offsets(%dma_start3A_29 : memref<128xi32, #tpu.memory_space<vmem>>) semaphore(%arg13 : memref<!tpu.dma_semaphore, #tpu.memory_space<semaphore_mem>>)
    %scan3A = arith.constant 0 : i32
    %scan3A_33 = arith.constant 0 : i32
    %scan3A_34 = arith.constant 20 : i32
    %scan3A_35 = arith.addi %scan3A_33, %scan3A_34 : i32
    %scan3A_36 = arith.constant 1 : i32
    scf.for %scan3A_69 = %scan3A_33 to %scan3A_35 step %scan3A_36  : i32 {
      %mul3A_70 = arith.constant 2 : i32
      %mul3A_71 = arith.muli %scan3A_69, %mul3A_70 : i32
      %add3A_72 = arith.constant 0 : i32
      %add3A_73 = arith.addi %mul3A_71, %add3A_72 : i32
      %dma_wait3A = arith.constant 0 : i32
      %dma_wait3A_74 = tpu.memref_slice %arg7[%add3A_73, %dma_wait3A] : memref<40x128xi32, #tpu.memory_space<vmem>> -> memref<1x128xi32, #tpu.memory_space<vmem>>
      %dma_wait3A_75 = tpu.memref_squeeze %dma_wait3A_74 : memref<1x128xi32, #tpu.memory_space<vmem>> -> memref<128xi32, #tpu.memory_space<vmem>>
      %dma_wait3A_76 = arith.constant 0 : i32
      %dma_wait3A_77 = arith.constant 0 : i32
      %dma_wait3A_78 = tpu.memref_slice %arg2[%dma_wait3A_76, %dma_wait3A_77] : memref<10240x128xf32, #tpu.memory_space<hbm>> -> memref<10240x128xf32, #tpu.memory_space<hbm>>
      tpu.wait_indirect_dma semaphore(%arg12 : memref<!tpu.dma_semaphore, #tpu.memory_space<semaphore_mem>>) src(%dma_wait3A_78 : memref<10240x128xf32, #tpu.memory_space<hbm>>) dst(%arg9 : memref<128x128xf32, #tpu.memory_space<vmem>>)
      "tpu.region"() ({
        %run_scoped3A = tpu.sem_alloc : memref<!tpu.dma_semaphore, #tpu.memory_space<semaphore_mem>>
        %dma_start3A_102 = arith.constant 0 : i32
        %dma_start3A_103 = arith.constant 0 : i32
        %dma_start3A_104 = tpu.memref_slice %arg9[%dma_start3A_102, %dma_start3A_103] : memref<128x128xf32, #tpu.memory_space<vmem>> -> memref<128x128xf32, #tpu.memory_space<vmem>>
        %dma_start3A_105 = arith.constant 0 : i32
        %dma_start3A_106 = tpu.memref_slice %arg8[%add3A_73, %dma_start3A_105] : memref<40x128xi32, #tpu.memory_space<vmem>> -> memref<1x128xi32, #tpu.memory_space<vmem>>
        %dma_start3A_107 = tpu.memref_squeeze %dma_start3A_106 : memref<1x128xi32, #tpu.memory_space<vmem>> -> memref<128xi32, #tpu.memory_space<vmem>>
        %dma_start3A_108 = arith.constant 0 : i32
        %dma_start3A_109 = arith.constant 0 : i32
        %dma_start3A_110 = tpu.memref_slice %arg11[%dma_start3A_108, %dma_start3A_109] : memref<10240x128xf32, #tpu.memory_space<vmem_shared>> -> memref<10240x128xf32, #tpu.memory_space<vmem_shared>>
        tpu.enqueue_indirect_dma source(%dma_start3A_104 : memref<128x128xf32, #tpu.memory_space<vmem>>) target(%dma_start3A_110 : memref<10240x128xf32, #tpu.memory_space<vmem_shared>>) offsets(%dma_start3A_107 : memref<128xi32, #tpu.memory_space<vmem>>) semaphore(%run_scoped3A : memref<!tpu.dma_semaphore, #tpu.memory_space<semaphore_mem>>) {add = true}
        %dma_wait3A_111 = arith.constant 0 : i32
        %dma_wait3A_112 = arith.constant 0 : i32
        %dma_wait3A_113 = tpu.memref_slice %arg9[%dma_wait3A_111, %dma_wait3A_112] : memref<128x128xf32, #tpu.memory_space<vmem>> -> memref<128x128xf32, #tpu.memory_space<vmem>>
        %dma_wait3A_114 = arith.constant 0 : i32
        %dma_wait3A_115 = tpu.memref_slice %arg8[%add3A_73, %dma_wait3A_114] : memref<40x128xi32, #tpu.memory_space<vmem>> -> memref<1x128xi32, #tpu.memory_space<vmem>>
        %dma_wait3A_116 = tpu.memref_squeeze %dma_wait3A_115 : memref<1x128xi32, #tpu.memory_space<vmem>> -> memref<128xi32, #tpu.memory_space<vmem>>
        %dma_wait3A_117 = arith.constant 0 : i32
        %dma_wait3A_118 = arith.constant 0 : i32
        %dma_wait3A_119 = tpu.memref_slice %arg11[%dma_wait3A_117, %dma_wait3A_118] : memref<10240x128xf32, #tpu.memory_space<vmem_shared>> -> memref<10240x128xf32, #tpu.memory_space<vmem_shared>>
        tpu.wait_indirect_dma semaphore(%run_scoped3A : memref<!tpu.dma_semaphore, #tpu.memory_space<semaphore_mem>>) src(%dma_wait3A_113 : memref<128x128xf32, #tpu.memory_space<vmem>>) dst(%dma_wait3A_119 : memref<10240x128xf32, #tpu.memory_space<vmem_shared>>)
        tpu.yield
      }) : () -> ()
      %add3A_79 = arith.constant 2 : i32
      %add3A_80 = arith.addi %add3A_73, %add3A_79 : i32
      %lt3A = arith.constant 40 : i32
      %lt3A_81 = arith.cmpi slt, %add3A_80, %lt3A : i32
      %convert_element_type3A_82 = arith.extui %lt3A_81 : i1 to i32
      %cond3A_83 = arith.constant 0 : i32
      %cond3A_84 = arith.cmpi ne, %convert_element_type3A_82, %cond3A_83 : i32
      scf.if %cond3A_84 {
        %add3A_102 = arith.constant 2 : i32
        %add3A_103 = arith.addi %add3A_73, %add3A_102 : i32
        %dma_start3A_104 = arith.constant 0 : i32
        %dma_start3A_105 = tpu.memref_slice %arg7[%add3A_103, %dma_start3A_104] : memref<40x128xi32, #tpu.memory_space<vmem>> -> memref<1x128xi32, #tpu.memory_space<vmem>>
        %dma_start3A_106 = tpu.memref_squeeze %dma_start3A_105 : memref<1x128xi32, #tpu.memory_space<vmem>> -> memref<128xi32, #tpu.memory_space<vmem>>
        %dma_start3A_107 = arith.constant 0 : i32
        %dma_start3A_108 = arith.constant 0 : i32
        %dma_start3A_109 = tpu.memref_slice %arg2[%dma_start3A_107, %dma_start3A_108] : memref<10240x128xf32, #tpu.memory_space<hbm>> -> memref<10240x128xf32, #tpu.memory_space<hbm>>
        tpu.enqueue_indirect_dma source(%dma_start3A_109 : memref<10240x128xf32, #tpu.memory_space<hbm>>) target(%arg9 : memref<128x128xf32, #tpu.memory_space<vmem>>) offsets(%dma_start3A_106 : memref<128xi32, #tpu.memory_space<vmem>>) semaphore(%arg12 : memref<!tpu.dma_semaphore, #tpu.memory_space<semaphore_mem>>)
      } else {
      }
      %mul3A_85 = arith.constant 2 : i32
      %mul3A_86 = arith.muli %scan3A_69, %mul3A_85 : i32
      %add3A_87 = arith.constant 1 : i32
      %add3A_88 = arith.addi %mul3A_86, %add3A_87 : i32
      %dma_wait3A_89 = arith.constant 0 : i32
      %dma_wait3A_90 = tpu.memref_slice %arg7[%add3A_88, %dma_wait3A_89] : memref<40x128xi32, #tpu.memory_space<vmem>> -> memref<1x128xi32, #tpu.memory_space<vmem>>
      %dma_wait3A_91 = tpu.memref_squeeze %dma_wait3A_90 : memref<1x128xi32, #tpu.memory_space<vmem>> -> memref<128xi32, #tpu.memory_space<vmem>>
      %dma_wait3A_92 = arith.constant 0 : i32
      %dma_wait3A_93 = arith.constant 0 : i32
      %dma_wait3A_94 = tpu.memref_slice %arg2[%dma_wait3A_92, %dma_wait3A_93] : memref<10240x128xf32, #tpu.memory_space<hbm>> -> memref<10240x128xf32, #tpu.memory_space<hbm>>
      tpu.wait_indirect_dma semaphore(%arg13 : memref<!tpu.dma_semaphore, #tpu.memory_space<semaphore_mem>>) src(%dma_wait3A_94 : memref<10240x128xf32, #tpu.memory_space<hbm>>) dst(%arg10 : memref<128x128xf32, #tpu.memory_space<vmem>>)
      "tpu.region"() ({
        %run_scoped3A = tpu.sem_alloc : memref<!tpu.dma_semaphore, #tpu.memory_space<semaphore_mem>>
        %dma_start3A_102 = arith.constant 0 : i32
        %dma_start3A_103 = arith.constant 0 : i32
        %dma_start3A_104 = tpu.memref_slice %arg10[%dma_start3A_102, %dma_start3A_103] : memref<128x128xf32, #tpu.memory_space<vmem>> -> memref<128x128xf32, #tpu.memory_space<vmem>>
        %dma_start3A_105 = arith.constant 0 : i32
        %dma_start3A_106 = tpu.memref_slice %arg8[%add3A_88, %dma_start3A_105] : memref<40x128xi32, #tpu.memory_space<vmem>> -> memref<1x128xi32, #tpu.memory_space<vmem>>
        %dma_start3A_107 = tpu.memref_squeeze %dma_start3A_106 : memref<1x128xi32, #tpu.memory_space<vmem>> -> memref<128xi32, #tpu.memory_space<vmem>>
        %dma_start3A_108 = arith.constant 0 : i32
        %dma_start3A_109 = arith.constant 0 : i32
        %dma_start3A_110 = tpu.memref_slice %arg11[%dma_start3A_108, %dma_start3A_109] : memref<10240x128xf32, #tpu.memory_space<vmem_shared>> -> memref<10240x128xf32, #tpu.memory_space<vmem_shared>>
        tpu.enqueue_indirect_dma source(%dma_start3A_104 : memref<128x128xf32, #tpu.memory_space<vmem>>) target(%dma_start3A_110 : memref<10240x128xf32, #tpu.memory_space<vmem_shared>>) offsets(%dma_start3A_107 : memref<128xi32, #tpu.memory_space<vmem>>) semaphore(%run_scoped3A : memref<!tpu.dma_semaphore, #tpu.memory_space<semaphore_mem>>) {add = true}
        %dma_wait3A_111 = arith.constant 0 : i32
        %dma_wait3A_112 = arith.constant 0 : i32
        %dma_wait3A_113 = tpu.memref_slice %arg10[%dma_wait3A_111, %dma_wait3A_112] : memref<128x128xf32, #tpu.memory_space<vmem>> -> memref<128x128xf32, #tpu.memory_space<vmem>>
        %dma_wait3A_114 = arith.constant 0 : i32
        %dma_wait3A_115 = tpu.memref_slice %arg8[%add3A_88, %dma_wait3A_114] : memref<40x128xi32, #tpu.memory_space<vmem>> -> memref<1x128xi32, #tpu.memory_space<vmem>>
        %dma_wait3A_116 = tpu.memref_squeeze %dma_wait3A_115 : memref<1x128xi32, #tpu.memory_space<vmem>> -> memref<128xi32, #tpu.memory_space<vmem>>
        %dma_wait3A_117 = arith.constant 0 : i32
        %dma_wait3A_118 = arith.constant 0 : i32
        %dma_wait3A_119 = tpu.memref_slice %arg11[%dma_wait3A_117, %dma_wait3A_118] : memref<10240x128xf32, #tpu.memory_space<vmem_shared>> -> memref<10240x128xf32, #tpu.memory_space<vmem_shared>>
        tpu.wait_indirect_dma semaphore(%run_scoped3A : memref<!tpu.dma_semaphore, #tpu.memory_space<semaphore_mem>>) src(%dma_wait3A_113 : memref<128x128xf32, #tpu.memory_space<vmem>>) dst(%dma_wait3A_119 : memref<10240x128xf32, #tpu.memory_space<vmem_shared>>)
        tpu.yield
      }) : () -> ()
      %add3A_95 = arith.constant 2 : i32
      %add3A_96 = arith.addi %add3A_88, %add3A_95 : i32
      %lt3A_97 = arith.constant 40 : i32
      %lt3A_98 = arith.cmpi slt, %add3A_96, %lt3A_97 : i32
      %convert_element_type3A_99 = arith.extui %lt3A_98 : i1 to i32
      %cond3A_100 = arith.constant 0 : i32
      %cond3A_101 = arith.cmpi ne, %convert_element_type3A_99, %cond3A_100 : i32
      scf.if %cond3A_101 {
        %add3A_102 = arith.constant 2 : i32
        %add3A_103 = arith.addi %add3A_88, %add3A_102 : i32
        %dma_start3A_104 = arith.constant 0 : i32
        %dma_start3A_105 = tpu.memref_slice %arg7[%add3A_103, %dma_start3A_104] : memref<40x128xi32, #tpu.memory_space<vmem>> -> memref<1x128xi32, #tpu.memory_space<vmem>>
        %dma_start3A_106 = tpu.memref_squeeze %dma_start3A_105 : memref<1x128xi32, #tpu.memory_space<vmem>> -> memref<128xi32, #tpu.memory_space<vmem>>
        %dma_start3A_107 = arith.constant 0 : i32
        %dma_start3A_108 = arith.constant 0 : i32
        %dma_start3A_109 = tpu.memref_slice %arg2[%dma_start3A_107, %dma_start3A_108] : memref<10240x128xf32, #tpu.memory_space<hbm>> -> memref<10240x128xf32, #tpu.memory_space<hbm>>
        tpu.enqueue_indirect_dma source(%dma_start3A_109 : memref<10240x128xf32, #tpu.memory_space<hbm>>) target(%arg10 : memref<128x128xf32, #tpu.memory_space<vmem>>) offsets(%dma_start3A_106 : memref<128xi32, #tpu.memory_space<vmem>>) semaphore(%arg13 : memref<!tpu.dma_semaphore, #tpu.memory_space<semaphore_mem>>)
      } else {
      }
    }
    %scan3A_37 = arith.constant 20 : i32
    "tpu.region"() ({
      %run_scoped3A = tpu.sem_alloc : memref<!tpu.dma_semaphore, #tpu.memory_space<semaphore_mem>>
      %dma_start3A_69 = arith.constant 40 : i32
      %dma_start3A_70 = arith.constant 0 : i32
      %dma_start3A_71 = tpu.memref_slice %arg3[%add3A, %dma_start3A_69, %dma_start3A_70] : memref<32x80x128xi32, #tpu.memory_space<hbm>> -> memref<1x40x128xi32, #tpu.memory_space<hbm>>
      %dma_start3A_72 = tpu.memref_squeeze %dma_start3A_71 : memref<1x40x128xi32, #tpu.memory_space<hbm>> -> memref<40x128xi32, #tpu.memory_space<hbm>>
      %dma_start3A_73 = arith.constant 40 : i32
      %dma_start3A_74 = arith.constant 0 : i32
      %dma_start3A_75 = tpu.memref_slice %arg3[%add3A, %dma_start3A_73, %dma_start3A_74] : memref<32x80x128xi32, #tpu.memory_space<hbm>> -> memref<1x40x128xi32, #tpu.memory_space<hbm>>
      %dma_start3A_76 = tpu.memref_squeeze %dma_start3A_75 : memref<1x40x128xi32, #tpu.memory_space<hbm>> -> memref<40x128xi32, #tpu.memory_space<hbm>>
      tpu.enqueue_dma source(%dma_start3A_76 : memref<40x128xi32, #tpu.memory_space<hbm>>) target(%arg7 : memref<40x128xi32, #tpu.memory_space<vmem>>) target_semaphore(%run_scoped3A : memref<!tpu.dma_semaphore, #tpu.memory_space<semaphore_mem>>)
      %dma_wait3A = arith.constant 40 : i32
      %dma_wait3A_77 = arith.constant 0 : i32
      %dma_wait3A_78 = tpu.memref_slice %arg3[%add3A, %dma_wait3A, %dma_wait3A_77] : memref<32x80x128xi32, #tpu.memory_space<hbm>> -> memref<1x40x128xi32, #tpu.memory_space<hbm>>
      %dma_wait3A_79 = tpu.memref_squeeze %dma_wait3A_78 : memref<1x40x128xi32, #tpu.memory_space<hbm>> -> memref<40x128xi32, #tpu.memory_space<hbm>>
      %dma_wait3A_80 = arith.constant 40 : i32
      %dma_wait3A_81 = arith.constant 0 : i32
      %dma_wait3A_82 = tpu.memref_slice %arg3[%add3A, %dma_wait3A_80, %dma_wait3A_81] : memref<32x80x128xi32, #tpu.memory_space<hbm>> -> memref<1x40x128xi32, #tpu.memory_space<hbm>>
      %dma_wait3A_83 = tpu.memref_squeeze %dma_wait3A_82 : memref<1x40x128xi32, #tpu.memory_space<hbm>> -> memref<40x128xi32, #tpu.memory_space<hbm>>
      tpu.wait_dma2 semaphore(%run_scoped3A : memref<!tpu.dma_semaphore, #tpu.memory_space<semaphore_mem>>) src(%dma_wait3A_83 : memref<40x128xi32, #tpu.memory_space<hbm>>) dst(%arg7 : memref<40x128xi32, #tpu.memory_space<vmem>>)
      tpu.yield
    }) : () -> ()
    "tpu.region"() ({
      %run_scoped3A = tpu.sem_alloc : memref<!tpu.dma_semaphore, #tpu.memory_space<semaphore_mem>>
      %dma_start3A_69 = arith.constant 40 : i32
      %dma_start3A_70 = arith.constant 0 : i32
      %dma_start3A_71 = tpu.memref_slice %arg4[%add3A, %dma_start3A_69, %dma_start3A_70] : memref<32x80x128xi32, #tpu.memory_space<hbm>> -> memref<1x40x128xi32, #tpu.memory_space<hbm>>
      %dma_start3A_72 = tpu.memref_squeeze %dma_start3A_71 : memref<1x40x128xi32, #tpu.memory_space<hbm>> -> memref<40x128xi32, #tpu.memory_space<hbm>>
      %dma_start3A_73 = arith.constant 40 : i32
      %dma_start3A_74 = arith.constant 0 : i32
      %dma_start3A_75 = tpu.memref_slice %arg4[%add3A, %dma_start3A_73, %dma_start3A_74] : memref<32x80x128xi32, #tpu.memory_space<hbm>> -> memref<1x40x128xi32, #tpu.memory_space<hbm>>
      %dma_start3A_76 = tpu.memref_squeeze %dma_start3A_75 : memref<1x40x128xi32, #tpu.memory_space<hbm>> -> memref<40x128xi32, #tpu.memory_space<hbm>>
      tpu.enqueue_dma source(%dma_start3A_76 : memref<40x128xi32, #tpu.memory_space<hbm>>) target(%arg8 : memref<40x128xi32, #tpu.memory_space<vmem>>) target_semaphore(%run_scoped3A : memref<!tpu.dma_semaphore, #tpu.memory_space<semaphore_mem>>)
      %dma_wait3A = arith.constant 40 : i32
      %dma_wait3A_77 = arith.constant 0 : i32
      %dma_wait3A_78 = tpu.memref_slice %arg4[%add3A, %dma_wait3A, %dma_wait3A_77] : memref<32x80x128xi32, #tpu.memory_space<hbm>> -> memref<1x40x128xi32, #tpu.memory_space<hbm>>
      %dma_wait3A_79 = tpu.memref_squeeze %dma_wait3A_78 : memref<1x40x128xi32, #tpu.memory_space<hbm>> -> memref<40x128xi32, #tpu.memory_space<hbm>>
      %dma_wait3A_80 = arith.constant 40 : i32
      %dma_wait3A_81 = arith.constant 0 : i32
      %dma_wait3A_82 = tpu.memref_slice %arg4[%add3A, %dma_wait3A_80, %dma_wait3A_81] : memref<32x80x128xi32, #tpu.memory_space<hbm>> -> memref<1x40x128xi32, #tpu.memory_space<hbm>>
      %dma_wait3A_83 = tpu.memref_squeeze %dma_wait3A_82 : memref<1x40x128xi32, #tpu.memory_space<hbm>> -> memref<40x128xi32, #tpu.memory_space<hbm>>
      tpu.wait_dma2 semaphore(%run_scoped3A : memref<!tpu.dma_semaphore, #tpu.memory_space<semaphore_mem>>) src(%dma_wait3A_83 : memref<40x128xi32, #tpu.memory_space<hbm>>) dst(%arg8 : memref<40x128xi32, #tpu.memory_space<vmem>>)
      tpu.yield
    }) : () -> ()
    %dma_start3A_38 = arith.constant 0 : i32
    %dma_start3A_39 = arith.constant 0 : i32
    %dma_start3A_40 = tpu.memref_slice %arg7[%dma_start3A_38, %dma_start3A_39] : memref<40x128xi32, #tpu.memory_space<vmem>> -> memref<1x128xi32, #tpu.memory_space<vmem>>
    %dma_start3A_41 = tpu.memref_squeeze %dma_start3A_40 : memref<1x128xi32, #tpu.memory_space<vmem>> -> memref<128xi32, #tpu.memory_space<vmem>>
    %dma_start3A_42 = arith.constant 0 : i32
    %dma_start3A_43 = arith.constant 0 : i32
    %dma_start3A_44 = tpu.memref_slice %arg2[%dma_start3A_42, %dma_start3A_43] : memref<10240x128xf32, #tpu.memory_space<hbm>> -> memref<10240x128xf32, #tpu.memory_space<hbm>>
    tpu.enqueue_indirect_dma source(%dma_start3A_44 : memref<10240x128xf32, #tpu.memory_space<hbm>>) target(%arg9 : memref<128x128xf32, #tpu.memory_space<vmem>>) offsets(%dma_start3A_41 : memref<128xi32, #tpu.memory_space<vmem>>) semaphore(%arg12 : memref<!tpu.dma_semaphore, #tpu.memory_space<semaphore_mem>>)
    %dma_start3A_45 = arith.constant 1 : i32
    %dma_start3A_46 = arith.constant 0 : i32
    %dma_start3A_47 = tpu.memref_slice %arg7[%dma_start3A_45, %dma_start3A_46] : memref<40x128xi32, #tpu.memory_space<vmem>> -> memref<1x128xi32, #tpu.memory_space<vmem>>
    %dma_start3A_48 = tpu.memref_squeeze %dma_start3A_47 : memref<1x128xi32, #tpu.memory_space<vmem>> -> memref<128xi32, #tpu.memory_space<vmem>>
    %dma_start3A_49 = arith.constant 0 : i32
    %dma_start3A_50 = arith.constant 0 : i32
    %dma_start3A_51 = tpu.memref_slice %arg2[%dma_start3A_49, %dma_start3A_50] : memref<10240x128xf32, #tpu.memory_space<hbm>> -> memref<10240x128xf32, #tpu.memory_space<hbm>>
    tpu.enqueue_indirect_dma source(%dma_start3A_51 : memref<10240x128xf32, #tpu.memory_space<hbm>>) target(%arg10 : memref<128x128xf32, #tpu.memory_space<vmem>>) offsets(%dma_start3A_48 : memref<128xi32, #tpu.memory_space<vmem>>) semaphore(%arg13 : memref<!tpu.dma_semaphore, #tpu.memory_space<semaphore_mem>>)
    %scan3A_52 = arith.constant 0 : i32
    %scan3A_53 = arith.constant 0 : i32
    %scan3A_54 = arith.constant 20 : i32
    %scan3A_55 = arith.addi %scan3A_53, %scan3A_54 : i32
    %scan3A_56 = arith.constant 1 : i32
    scf.for %scan3A_69 = %scan3A_53 to %scan3A_55 step %scan3A_56  : i32 {
      %mul3A_70 = arith.constant 2 : i32
      %mul3A_71 = arith.muli %scan3A_69, %mul3A_70 : i32
      %add3A_72 = arith.constant 0 : i32
      %add3A_73 = arith.addi %mul3A_71, %add3A_72 : i32
      %dma_wait3A = arith.constant 0 : i32
      %dma_wait3A_74 = tpu.memref_slice %arg7[%add3A_73, %dma_wait3A] : memref<40x128xi32, #tpu.memory_space<vmem>> -> memref<1x128xi32, #tpu.memory_space<vmem>>
      %dma_wait3A_75 = tpu.memref_squeeze %dma_wait3A_74 : memref<1x128xi32, #tpu.memory_space<vmem>> -> memref<128xi32, #tpu.memory_space<vmem>>
      %dma_wait3A_76 = arith.constant 0 : i32
      %dma_wait3A_77 = arith.constant 0 : i32
      %dma_wait3A_78 = tpu.memref_slice %arg2[%dma_wait3A_76, %dma_wait3A_77] : memref<10240x128xf32, #tpu.memory_space<hbm>> -> memref<10240x128xf32, #tpu.memory_space<hbm>>
      tpu.wait_indirect_dma semaphore(%arg12 : memref<!tpu.dma_semaphore, #tpu.memory_space<semaphore_mem>>) src(%dma_wait3A_78 : memref<10240x128xf32, #tpu.memory_space<hbm>>) dst(%arg9 : memref<128x128xf32, #tpu.memory_space<vmem>>)
      "tpu.region"() ({
        %run_scoped3A = tpu.sem_alloc : memref<!tpu.dma_semaphore, #tpu.memory_space<semaphore_mem>>
        %dma_start3A_102 = arith.constant 0 : i32
        %dma_start3A_103 = arith.constant 0 : i32
        %dma_start3A_104 = tpu.memref_slice %arg9[%dma_start3A_102, %dma_start3A_103] : memref<128x128xf32, #tpu.memory_space<vmem>> -> memref<128x128xf32, #tpu.memory_space<vmem>>
        %dma_start3A_105 = arith.constant 0 : i32
        %dma_start3A_106 = tpu.memref_slice %arg8[%add3A_73, %dma_start3A_105] : memref<40x128xi32, #tpu.memory_space<vmem>> -> memref<1x128xi32, #tpu.memory_space<vmem>>
        %dma_start3A_107 = tpu.memref_squeeze %dma_start3A_106 : memref<1x128xi32, #tpu.memory_space<vmem>> -> memref<128xi32, #tpu.memory_space<vmem>>
        %dma_start3A_108 = arith.constant 0 : i32
        %dma_start3A_109 = arith.constant 0 : i32
        %dma_start3A_110 = tpu.memref_slice %arg11[%dma_start3A_108, %dma_start3A_109] : memref<10240x128xf32, #tpu.memory_space<vmem_shared>> -> memref<10240x128xf32, #tpu.memory_space<vmem_shared>>
        tpu.enqueue_indirect_dma source(%dma_start3A_104 : memref<128x128xf32, #tpu.memory_space<vmem>>) target(%dma_start3A_110 : memref<10240x128xf32, #tpu.memory_space<vmem_shared>>) offsets(%dma_start3A_107 : memref<128xi32, #tpu.memory_space<vmem>>) semaphore(%run_scoped3A : memref<!tpu.dma_semaphore, #tpu.memory_space<semaphore_mem>>) {add = true}
        %dma_wait3A_111 = arith.constant 0 : i32
        %dma_wait3A_112 = arith.constant 0 : i32
        %dma_wait3A_113 = tpu.memref_slice %arg9[%dma_wait3A_111, %dma_wait3A_112] : memref<128x128xf32, #tpu.memory_space<vmem>> -> memref<128x128xf32, #tpu.memory_space<vmem>>
        %dma_wait3A_114 = arith.constant 0 : i32
        %dma_wait3A_115 = tpu.memref_slice %arg8[%add3A_73, %dma_wait3A_114] : memref<40x128xi32, #tpu.memory_space<vmem>> -> memref<1x128xi32, #tpu.memory_space<vmem>>
        %dma_wait3A_116 = tpu.memref_squeeze %dma_wait3A_115 : memref<1x128xi32, #tpu.memory_space<vmem>> -> memref<128xi32, #tpu.memory_space<vmem>>
        %dma_wait3A_117 = arith.constant 0 : i32
        %dma_wait3A_118 = arith.constant 0 : i32
        %dma_wait3A_119 = tpu.memref_slice %arg11[%dma_wait3A_117, %dma_wait3A_118] : memref<10240x128xf32, #tpu.memory_space<vmem_shared>> -> memref<10240x128xf32, #tpu.memory_space<vmem_shared>>
        tpu.wait_indirect_dma semaphore(%run_scoped3A : memref<!tpu.dma_semaphore, #tpu.memory_space<semaphore_mem>>) src(%dma_wait3A_113 : memref<128x128xf32, #tpu.memory_space<vmem>>) dst(%dma_wait3A_119 : memref<10240x128xf32, #tpu.memory_space<vmem_shared>>)
        tpu.yield
      }) : () -> ()
      %add3A_79 = arith.constant 2 : i32
      %add3A_80 = arith.addi %add3A_73, %add3A_79 : i32
      %lt3A = arith.constant 40 : i32
      %lt3A_81 = arith.cmpi slt, %add3A_80, %lt3A : i32
      %convert_element_type3A_82 = arith.extui %lt3A_81 : i1 to i32
      %cond3A_83 = arith.constant 0 : i32
      %cond3A_84 = arith.cmpi ne, %convert_element_type3A_82, %cond3A_83 : i32
      scf.if %cond3A_84 {
        %add3A_102 = arith.constant 2 : i32
        %add3A_103 = arith.addi %add3A_73, %add3A_102 : i32
        %dma_start3A_104 = arith.constant 0 : i32
        %dma_start3A_105 = tpu.memref_slice %arg7[%add3A_103, %dma_start3A_104] : memref<40x128xi32, #tpu.memory_space<vmem>> -> memref<1x128xi32, #tpu.memory_space<vmem>>
        %dma_start3A_106 = tpu.memref_squeeze %dma_start3A_105 : memref<1x128xi32, #tpu.memory_space<vmem>> -> memref<128xi32, #tpu.memory_space<vmem>>
        %dma_start3A_107 = arith.constant 0 : i32
        %dma_start3A_108 = arith.constant 0 : i32
        %dma_start3A_109 = tpu.memref_slice %arg2[%dma_start3A_107, %dma_start3A_108] : memref<10240x128xf32, #tpu.memory_space<hbm>> -> memref<10240x128xf32, #tpu.memory_space<hbm>>
        tpu.enqueue_indirect_dma source(%dma_start3A_109 : memref<10240x128xf32, #tpu.memory_space<hbm>>) target(%arg9 : memref<128x128xf32, #tpu.memory_space<vmem>>) offsets(%dma_start3A_106 : memref<128xi32, #tpu.memory_space<vmem>>) semaphore(%arg12 : memref<!tpu.dma_semaphore, #tpu.memory_space<semaphore_mem>>)
      } else {
      }
      %mul3A_85 = arith.constant 2 : i32
      %mul3A_86 = arith.muli %scan3A_69, %mul3A_85 : i32
      %add3A_87 = arith.constant 1 : i32
      %add3A_88 = arith.addi %mul3A_86, %add3A_87 : i32
      %dma_wait3A_89 = arith.constant 0 : i32
      %dma_wait3A_90 = tpu.memref_slice %arg7[%add3A_88, %dma_wait3A_89] : memref<40x128xi32, #tpu.memory_space<vmem>> -> memref<1x128xi32, #tpu.memory_space<vmem>>
      %dma_wait3A_91 = tpu.memref_squeeze %dma_wait3A_90 : memref<1x128xi32, #tpu.memory_space<vmem>> -> memref<128xi32, #tpu.memory_space<vmem>>
      %dma_wait3A_92 = arith.constant 0 : i32
      %dma_wait3A_93 = arith.constant 0 : i32
      %dma_wait3A_94 = tpu.memref_slice %arg2[%dma_wait3A_92, %dma_wait3A_93] : memref<10240x128xf32, #tpu.memory_space<hbm>> -> memref<10240x128xf32, #tpu.memory_space<hbm>>
      tpu.wait_indirect_dma semaphore(%arg13 : memref<!tpu.dma_semaphore, #tpu.memory_space<semaphore_mem>>) src(%dma_wait3A_94 : memref<10240x128xf32, #tpu.memory_space<hbm>>) dst(%arg10 : memref<128x128xf32, #tpu.memory_space<vmem>>)
      "tpu.region"() ({
        %run_scoped3A = tpu.sem_alloc : memref<!tpu.dma_semaphore, #tpu.memory_space<semaphore_mem>>
        %dma_start3A_102 = arith.constant 0 : i32
        %dma_start3A_103 = arith.constant 0 : i32
        %dma_start3A_104 = tpu.memref_slice %arg10[%dma_start3A_102, %dma_start3A_103] : memref<128x128xf32, #tpu.memory_space<vmem>> -> memref<128x128xf32, #tpu.memory_space<vmem>>
        %dma_start3A_105 = arith.constant 0 : i32
        %dma_start3A_106 = tpu.memref_slice %arg8[%add3A_88, %dma_start3A_105] : memref<40x128xi32, #tpu.memory_space<vmem>> -> memref<1x128xi32, #tpu.memory_space<vmem>>
        %dma_start3A_107 = tpu.memref_squeeze %dma_start3A_106 : memref<1x128xi32, #tpu.memory_space<vmem>> -> memref<128xi32, #tpu.memory_space<vmem>>
        %dma_start3A_108 = arith.constant 0 : i32
        %dma_start3A_109 = arith.constant 0 : i32
        %dma_start3A_110 = tpu.memref_slice %arg11[%dma_start3A_108, %dma_start3A_109] : memref<10240x128xf32, #tpu.memory_space<vmem_shared>> -> memref<10240x128xf32, #tpu.memory_space<vmem_shared>>
        tpu.enqueue_indirect_dma source(%dma_start3A_104 : memref<128x128xf32, #tpu.memory_space<vmem>>) target(%dma_start3A_110 : memref<10240x128xf32, #tpu.memory_space<vmem_shared>>) offsets(%dma_start3A_107 : memref<128xi32, #tpu.memory_space<vmem>>) semaphore(%run_scoped3A : memref<!tpu.dma_semaphore, #tpu.memory_space<semaphore_mem>>) {add = true}
        %dma_wait3A_111 = arith.constant 0 : i32
        %dma_wait3A_112 = arith.constant 0 : i32
        %dma_wait3A_113 = tpu.memref_slice %arg10[%dma_wait3A_111, %dma_wait3A_112] : memref<128x128xf32, #tpu.memory_space<vmem>> -> memref<128x128xf32, #tpu.memory_space<vmem>>
        %dma_wait3A_114 = arith.constant 0 : i32
        %dma_wait3A_115 = tpu.memref_slice %arg8[%add3A_88, %dma_wait3A_114] : memref<40x128xi32, #tpu.memory_space<vmem>> -> memref<1x128xi32, #tpu.memory_space<vmem>>
        %dma_wait3A_116 = tpu.memref_squeeze %dma_wait3A_115 : memref<1x128xi32, #tpu.memory_space<vmem>> -> memref<128xi32, #tpu.memory_space<vmem>>
        %dma_wait3A_117 = arith.constant 0 : i32
        %dma_wait3A_118 = arith.constant 0 : i32
        %dma_wait3A_119 = tpu.memref_slice %arg11[%dma_wait3A_117, %dma_wait3A_118] : memref<10240x128xf32, #tpu.memory_space<vmem_shared>> -> memref<10240x128xf32, #tpu.memory_space<vmem_shared>>
        tpu.wait_indirect_dma semaphore(%run_scoped3A : memref<!tpu.dma_semaphore, #tpu.memory_space<semaphore_mem>>) src(%dma_wait3A_113 : memref<128x128xf32, #tpu.memory_space<vmem>>) dst(%dma_wait3A_119 : memref<10240x128xf32, #tpu.memory_space<vmem_shared>>)
        tpu.yield
      }) : () -> ()
      %add3A_95 = arith.constant 2 : i32
      %add3A_96 = arith.addi %add3A_88, %add3A_95 : i32
      %lt3A_97 = arith.constant 40 : i32
      %lt3A_98 = arith.cmpi slt, %add3A_96, %lt3A_97 : i32
      %convert_element_type3A_99 = arith.extui %lt3A_98 : i1 to i32
      %cond3A_100 = arith.constant 0 : i32
      %cond3A_101 = arith.cmpi ne, %convert_element_type3A_99, %cond3A_100 : i32
      scf.if %cond3A_101 {
        %add3A_102 = arith.constant 2 : i32
        %add3A_103 = arith.addi %add3A_88, %add3A_102 : i32
        %dma_start3A_104 = arith.constant 0 : i32
        %dma_start3A_105 = tpu.memref_slice %arg7[%add3A_103, %dma_start3A_104] : memref<40x128xi32, #tpu.memory_space<vmem>> -> memref<1x128xi32, #tpu.memory_space<vmem>>
        %dma_start3A_106 = tpu.memref_squeeze %dma_start3A_105 : memref<1x128xi32, #tpu.memory_space<vmem>> -> memref<128xi32, #tpu.memory_space<vmem>>
        %dma_start3A_107 = arith.constant 0 : i32
        %dma_start3A_108 = arith.constant 0 : i32
        %dma_start3A_109 = tpu.memref_slice %arg2[%dma_start3A_107, %dma_start3A_108] : memref<10240x128xf32, #tpu.memory_space<hbm>> -> memref<10240x128xf32, #tpu.memory_space<hbm>>
        tpu.enqueue_indirect_dma source(%dma_start3A_109 : memref<10240x128xf32, #tpu.memory_space<hbm>>) target(%arg10 : memref<128x128xf32, #tpu.memory_space<vmem>>) offsets(%dma_start3A_106 : memref<128xi32, #tpu.memory_space<vmem>>) semaphore(%arg13 : memref<!tpu.dma_semaphore, #tpu.memory_space<semaphore_mem>>)
      } else {
      }
    }
    %scan3A_57 = arith.constant 20 : i32
    %barrier3A_58 = arith.constant 0 : index
    tpu.barrier barrier_id(%barrier3A_58)
    %eq3A_59 = arith.constant 0 : i32
    %eq3A_60 = arith.cmpi eq, %arg0, %eq3A_59 : i32
    %convert_element_type3A_61 = arith.extui %eq3A_60 : i1 to i32
    %cond3A_62 = arith.constant 0 : i32
    %cond3A_63 = arith.cmpi ne, %convert_element_type3A_61, %cond3A_62 : i32
    scf.if %cond3A_63 {
      "tpu.region"() ({
        %run_scoped3A = tpu.sem_alloc : memref<!tpu.dma_semaphore, #tpu.memory_space<semaphore_mem>>
        %dma_start3A_69 = arith.constant 0 : i32
        %dma_start3A_70 = tpu.memref_slice %arg5[%mul3A_2, %dma_start3A_69] : memref<10240x128xf32, #tpu.memory_space<hbm>> -> memref<640x128xf32, #tpu.memory_space<hbm>>
        %dma_start3A_71 = arith.constant 0 : i32
        %dma_start3A_72 = tpu.memref_slice %arg11[%mul3A_2, %dma_start3A_71] : memref<10240x128xf32, #tpu.memory_space<vmem_shared>> -> memref<640x128xf32, #tpu.memory_space<vmem_shared>>
        tpu.enqueue_dma source(%dma_start3A_72 : memref<640x128xf32, #tpu.memory_space<vmem_shared>>) target(%dma_start3A_70 : memref<640x128xf32, #tpu.memory_space<hbm>>) target_semaphore(%run_scoped3A : memref<!tpu.dma_semaphore, #tpu.memory_space<semaphore_mem>>)
        %dma_wait3A = arith.constant 0 : i32
        %dma_wait3A_73 = tpu.memref_slice %arg5[%mul3A_2, %dma_wait3A] : memref<10240x128xf32, #tpu.memory_space<hbm>> -> memref<640x128xf32, #tpu.memory_space<hbm>>
        %dma_wait3A_74 = arith.constant 0 : i32
        %dma_wait3A_75 = tpu.memref_slice %arg11[%mul3A_2, %dma_wait3A_74] : memref<10240x128xf32, #tpu.memory_space<vmem_shared>> -> memref<640x128xf32, #tpu.memory_space<vmem_shared>>
        tpu.wait_dma2 semaphore(%run_scoped3A : memref<!tpu.dma_semaphore, #tpu.memory_space<semaphore_mem>>) src(%dma_wait3A_75 : memref<640x128xf32, #tpu.memory_space<vmem_shared>>) dst(%dma_wait3A_73 : memref<640x128xf32, #tpu.memory_space<hbm>>)
        tpu.yield
      }) : () -> ()
    } else {
    }
    %eq3A_64 = arith.constant 1 : i32
    %eq3A_65 = arith.cmpi eq, %arg0, %eq3A_64 : i32
    %convert_element_type3A_66 = arith.extui %eq3A_65 : i1 to i32
    %cond3A_67 = arith.constant 0 : i32
    %cond3A_68 = arith.cmpi ne, %convert_element_type3A_66, %cond3A_67 : i32
    scf.if %cond3A_68 {
      "tpu.region"() ({
        %run_scoped3A = tpu.sem_alloc : memref<!tpu.dma_semaphore, #tpu.memory_space<semaphore_mem>>
        %dma_start3A_69 = arith.constant 0 : i32
        %dma_start3A_70 = tpu.memref_slice %arg6[%mul3A_2, %dma_start3A_69] : memref<10240x128xf32, #tpu.memory_space<hbm>> -> memref<640x128xf32, #tpu.memory_space<hbm>>
        %dma_start3A_71 = arith.constant 0 : i32
        %dma_start3A_72 = tpu.memref_slice %arg11[%mul3A_2, %dma_start3A_71] : memref<10240x128xf32, #tpu.memory_space<vmem_shared>> -> memref<640x128xf32, #tpu.memory_space<vmem_shared>>
        tpu.enqueue_dma source(%dma_start3A_72 : memref<640x128xf32, #tpu.memory_space<vmem_shared>>) target(%dma_start3A_70 : memref<640x128xf32, #tpu.memory_space<hbm>>) target_semaphore(%run_scoped3A : memref<!tpu.dma_semaphore, #tpu.memory_space<semaphore_mem>>)
        %dma_wait3A = arith.constant 0 : i32
        %dma_wait3A_73 = tpu.memref_slice %arg6[%mul3A_2, %dma_wait3A] : memref<10240x128xf32, #tpu.memory_space<hbm>> -> memref<640x128xf32, #tpu.memory_space<hbm>>
        %dma_wait3A_74 = arith.constant 0 : i32
        %dma_wait3A_75 = tpu.memref_slice %arg11[%mul3A_2, %dma_wait3A_74] : memref<10240x128xf32, #tpu.memory_space<vmem_shared>> -> memref<640x128xf32, #tpu.memory_space<vmem_shared>>
        tpu.wait_dma2 semaphore(%run_scoped3A : memref<!tpu.dma_semaphore, #tpu.memory_space<semaphore_mem>>) src(%dma_wait3A_75 : memref<640x128xf32, #tpu.memory_space<vmem_shared>>) dst(%dma_wait3A_73 : memref<640x128xf32, #tpu.memory_space<hbm>>)
        tpu.yield
      }) : () -> ()
    } else {
    }
    return
  }
}

module attributes {stable_mosaic.version = 14 : i64} {
  func.func @_g1_body(%arg0: i32, %arg1: memref<1024x128xf32, #tpu.memory_space<vmem>>, %arg2: memref<128x128xf32, #tpu.memory_space<vmem>>, %arg3: memref<8x128xf32, #tpu.memory_space<vmem>>, %arg4: memref<8x128xf32, #tpu.memory_space<vmem>>, %arg5: memref<1024x128xf32, #tpu.memory_space<vmem>>) attributes {dimension_semantics = [#tpu.dimension_semantics<arbitrary>], iteration_bounds = array<i64: 10>, scalar_prefetch = 0 : i64, scratch_operands = 0 : i64, tpu.core_type = #tpu.core_type<tc>, window_params = [{transform_indices = @transform_0, window_bounds = array<i64: 1024, 128>}, {pipeline_mode = #tpu.pipeline_mode<synchronous>, transform_indices = @transform_1, window_bounds = array<i64: 128, 128>}, {transform_indices = @transform_2, window_bounds = array<i64: 8, 128>}, {transform_indices = @transform_3, window_bounds = array<i64: 8, 128>}, {transform_indices = @transform_4, window_bounds = array<i64: 1024, 128>}]} {
    %get3A = arith.constant 0 : index
    %get3A_0 = arith.constant 0 : index
    %get3A_1 = vector.load %arg3[%get3A, %get3A_0] : memref<8x128xf32, #tpu.memory_space<vmem>>, vector<8x128xf32>
    %get3A_2 = arith.constant 0 : index
    %get3A_3 = arith.constant 0 : index
    %get3A_4 = vector.load %arg4[%get3A_2, %get3A_3] : memref<8x128xf32, #tpu.memory_space<vmem>>, vector<8x128xf32>
    %add3A = arith.constant 1.000000e+00 : f32
    %add3A_5 = vector.broadcast %add3A : f32 to vector<8x128xf32>
    %add3A_6 = arith.addf %add3A_5, %get3A_1 : vector<8x128xf32>
    %add3A_7 = arith.addf %add3A_6, %get3A_4 : vector<8x128xf32>
    %sqrt3A = math.sqrt %add3A_7 : vector<8x128xf32>
    %div3A = arith.constant 1.000000e+00 : f32
    %div3A_8 = vector.broadcast %div3A : f32 to vector<8x128xf32>
    %div3A_9 = arith.divf %div3A_8, %sqrt3A : vector<8x128xf32>
    %iota3A = tpu.iota {dimensions = array<i32: 1>} : vector<128x128xi32>
    %iota3A_10 = tpu.iota {dimensions = array<i32: 0>} : vector<128x128xi32>
    %slice3A = vector.extract_strided_slice %div3A_9 {offsets = [0, 0], sizes = [1, 128], strides = [1, 1]} : vector<8x128xf32> to vector<1x128xf32>
    %eq3A = arith.cmpi eq, %iota3A, %iota3A_10 : vector<128x128xi32>
    %broadcast_in_dim3A = vector.shape_cast %slice3A : vector<1x128xf32> to vector<1x128xf32>
    %broadcast_in_dim3A_11 = vector.broadcast %broadcast_in_dim3A : vector<1x128xf32> to vector<128x128xf32>
    %jit3A = arith.constant 0.000000e+00 : f32
    %broadcast_in_dim3A_12 = vector.broadcast %jit3A : f32 to vector<128x128xf32>
    %select_n3A = arith.select %eq3A, %broadcast_in_dim3A_11, %broadcast_in_dim3A_12 : vector<128x128xi1>, vector<128x128xf32>
    %reduce_sum3A = arith.constant dense<0.000000e+00> : vector<128xf32>
    %reduce_sum3A_13 = vector.multi_reduction <add>, %select_n3A, %reduce_sum3A [1] : vector<128x128xf32> to vector<128xf32>
    %broadcast_in_dim3A_14 = vector.shape_cast %reduce_sum3A_13 : vector<128xf32> to vector<128x1xf32>
    %broadcast_in_dim3A_15 = vector.shape_cast %broadcast_in_dim3A_14 : vector<128x1xf32> to vector<128x1xf32>
    %broadcast_in_dim3A_16 = vector.broadcast %broadcast_in_dim3A_15 : vector<128x1xf32> to vector<128x128xf32>
    %slice3A_17 = vector.extract_strided_slice %div3A_9 {offsets = [1, 0], sizes = [1, 128], strides = [1, 1]} : vector<8x128xf32> to vector<1x128xf32>
    %eq3A_18 = arith.cmpi eq, %iota3A, %iota3A_10 : vector<128x128xi32>
    %broadcast_in_dim3A_19 = vector.shape_cast %slice3A_17 : vector<1x128xf32> to vector<1x128xf32>
    %broadcast_in_dim3A_20 = vector.broadcast %broadcast_in_dim3A_19 : vector<1x128xf32> to vector<128x128xf32>
    %jit3A_21 = arith.constant 0.000000e+00 : f32
    %broadcast_in_dim3A_22 = vector.broadcast %jit3A_21 : f32 to vector<128x128xf32>
    %select_n3A_23 = arith.select %eq3A_18, %broadcast_in_dim3A_20, %broadcast_in_dim3A_22 : vector<128x128xi1>, vector<128x128xf32>
    %reduce_sum3A_24 = arith.constant dense<0.000000e+00> : vector<128xf32>
    %reduce_sum3A_25 = vector.multi_reduction <add>, %select_n3A_23, %reduce_sum3A_24 [1] : vector<128x128xf32> to vector<128xf32>
    %broadcast_in_dim3A_26 = vector.shape_cast %reduce_sum3A_25 : vector<128xf32> to vector<128x1xf32>
    %broadcast_in_dim3A_27 = vector.shape_cast %broadcast_in_dim3A_26 : vector<128x1xf32> to vector<128x1xf32>
    %broadcast_in_dim3A_28 = vector.broadcast %broadcast_in_dim3A_27 : vector<128x1xf32> to vector<128x128xf32>
    %slice3A_29 = vector.extract_strided_slice %div3A_9 {offsets = [2, 0], sizes = [1, 128], strides = [1, 1]} : vector<8x128xf32> to vector<1x128xf32>
    %eq3A_30 = arith.cmpi eq, %iota3A, %iota3A_10 : vector<128x128xi32>
    %broadcast_in_dim3A_31 = vector.shape_cast %slice3A_29 : vector<1x128xf32> to vector<1x128xf32>
    %broadcast_in_dim3A_32 = vector.broadcast %broadcast_in_dim3A_31 : vector<1x128xf32> to vector<128x128xf32>
    %jit3A_33 = arith.constant 0.000000e+00 : f32
    %broadcast_in_dim3A_34 = vector.broadcast %jit3A_33 : f32 to vector<128x128xf32>
    %select_n3A_35 = arith.select %eq3A_30, %broadcast_in_dim3A_32, %broadcast_in_dim3A_34 : vector<128x128xi1>, vector<128x128xf32>
    %reduce_sum3A_36 = arith.constant dense<0.000000e+00> : vector<128xf32>
    %reduce_sum3A_37 = vector.multi_reduction <add>, %select_n3A_35, %reduce_sum3A_36 [1] : vector<128x128xf32> to vector<128xf32>
    %broadcast_in_dim3A_38 = vector.shape_cast %reduce_sum3A_37 : vector<128xf32> to vector<128x1xf32>
    %broadcast_in_dim3A_39 = vector.shape_cast %broadcast_in_dim3A_38 : vector<128x1xf32> to vector<128x1xf32>
    %broadcast_in_dim3A_40 = vector.broadcast %broadcast_in_dim3A_39 : vector<128x1xf32> to vector<128x128xf32>
    %slice3A_41 = vector.extract_strided_slice %div3A_9 {offsets = [3, 0], sizes = [1, 128], strides = [1, 1]} : vector<8x128xf32> to vector<1x128xf32>
    %eq3A_42 = arith.cmpi eq, %iota3A, %iota3A_10 : vector<128x128xi32>
    %broadcast_in_dim3A_43 = vector.shape_cast %slice3A_41 : vector<1x128xf32> to vector<1x128xf32>
    %broadcast_in_dim3A_44 = vector.broadcast %broadcast_in_dim3A_43 : vector<1x128xf32> to vector<128x128xf32>
    %jit3A_45 = arith.constant 0.000000e+00 : f32
    %broadcast_in_dim3A_46 = vector.broadcast %jit3A_45 : f32 to vector<128x128xf32>
    %select_n3A_47 = arith.select %eq3A_42, %broadcast_in_dim3A_44, %broadcast_in_dim3A_46 : vector<128x128xi1>, vector<128x128xf32>
    %reduce_sum3A_48 = arith.constant dense<0.000000e+00> : vector<128xf32>
    %reduce_sum3A_49 = vector.multi_reduction <add>, %select_n3A_47, %reduce_sum3A_48 [1] : vector<128x128xf32> to vector<128xf32>
    %broadcast_in_dim3A_50 = vector.shape_cast %reduce_sum3A_49 : vector<128xf32> to vector<128x1xf32>
    %broadcast_in_dim3A_51 = vector.shape_cast %broadcast_in_dim3A_50 : vector<128x1xf32> to vector<128x1xf32>
    %broadcast_in_dim3A_52 = vector.broadcast %broadcast_in_dim3A_51 : vector<128x1xf32> to vector<128x128xf32>
    %slice3A_53 = vector.extract_strided_slice %div3A_9 {offsets = [4, 0], sizes = [1, 128], strides = [1, 1]} : vector<8x128xf32> to vector<1x128xf32>
    %eq3A_54 = arith.cmpi eq, %iota3A, %iota3A_10 : vector<128x128xi32>
    %broadcast_in_dim3A_55 = vector.shape_cast %slice3A_53 : vector<1x128xf32> to vector<1x128xf32>
    %broadcast_in_dim3A_56 = vector.broadcast %broadcast_in_dim3A_55 : vector<1x128xf32> to vector<128x128xf32>
    %jit3A_57 = arith.constant 0.000000e+00 : f32
    %broadcast_in_dim3A_58 = vector.broadcast %jit3A_57 : f32 to vector<128x128xf32>
    %select_n3A_59 = arith.select %eq3A_54, %broadcast_in_dim3A_56, %broadcast_in_dim3A_58 : vector<128x128xi1>, vector<128x128xf32>
    %reduce_sum3A_60 = arith.constant dense<0.000000e+00> : vector<128xf32>
    %reduce_sum3A_61 = vector.multi_reduction <add>, %select_n3A_59, %reduce_sum3A_60 [1] : vector<128x128xf32> to vector<128xf32>
    %broadcast_in_dim3A_62 = vector.shape_cast %reduce_sum3A_61 : vector<128xf32> to vector<128x1xf32>
    %broadcast_in_dim3A_63 = vector.shape_cast %broadcast_in_dim3A_62 : vector<128x1xf32> to vector<128x1xf32>
    %broadcast_in_dim3A_64 = vector.broadcast %broadcast_in_dim3A_63 : vector<128x1xf32> to vector<128x128xf32>
    %slice3A_65 = vector.extract_strided_slice %div3A_9 {offsets = [5, 0], sizes = [1, 128], strides = [1, 1]} : vector<8x128xf32> to vector<1x128xf32>
    %eq3A_66 = arith.cmpi eq, %iota3A, %iota3A_10 : vector<128x128xi32>
    %broadcast_in_dim3A_67 = vector.shape_cast %slice3A_65 : vector<1x128xf32> to vector<1x128xf32>
    %broadcast_in_dim3A_68 = vector.broadcast %broadcast_in_dim3A_67 : vector<1x128xf32> to vector<128x128xf32>
    %jit3A_69 = arith.constant 0.000000e+00 : f32
    %broadcast_in_dim3A_70 = vector.broadcast %jit3A_69 : f32 to vector<128x128xf32>
    %select_n3A_71 = arith.select %eq3A_66, %broadcast_in_dim3A_68, %broadcast_in_dim3A_70 : vector<128x128xi1>, vector<128x128xf32>
    %reduce_sum3A_72 = arith.constant dense<0.000000e+00> : vector<128xf32>
    %reduce_sum3A_73 = vector.multi_reduction <add>, %select_n3A_71, %reduce_sum3A_72 [1] : vector<128x128xf32> to vector<128xf32>
    %broadcast_in_dim3A_74 = vector.shape_cast %reduce_sum3A_73 : vector<128xf32> to vector<128x1xf32>
    %broadcast_in_dim3A_75 = vector.shape_cast %broadcast_in_dim3A_74 : vector<128x1xf32> to vector<128x1xf32>
    %broadcast_in_dim3A_76 = vector.broadcast %broadcast_in_dim3A_75 : vector<128x1xf32> to vector<128x128xf32>
    %slice3A_77 = vector.extract_strided_slice %div3A_9 {offsets = [6, 0], sizes = [1, 128], strides = [1, 1]} : vector<8x128xf32> to vector<1x128xf32>
    %eq3A_78 = arith.cmpi eq, %iota3A, %iota3A_10 : vector<128x128xi32>
    %broadcast_in_dim3A_79 = vector.shape_cast %slice3A_77 : vector<1x128xf32> to vector<1x128xf32>
    %broadcast_in_dim3A_80 = vector.broadcast %broadcast_in_dim3A_79 : vector<1x128xf32> to vector<128x128xf32>
    %jit3A_81 = arith.constant 0.000000e+00 : f32
    %broadcast_in_dim3A_82 = vector.broadcast %jit3A_81 : f32 to vector<128x128xf32>
    %select_n3A_83 = arith.select %eq3A_78, %broadcast_in_dim3A_80, %broadcast_in_dim3A_82 : vector<128x128xi1>, vector<128x128xf32>
    %reduce_sum3A_84 = arith.constant dense<0.000000e+00> : vector<128xf32>
    %reduce_sum3A_85 = vector.multi_reduction <add>, %select_n3A_83, %reduce_sum3A_84 [1] : vector<128x128xf32> to vector<128xf32>
    %broadcast_in_dim3A_86 = vector.shape_cast %reduce_sum3A_85 : vector<128xf32> to vector<128x1xf32>
    %broadcast_in_dim3A_87 = vector.shape_cast %broadcast_in_dim3A_86 : vector<128x1xf32> to vector<128x1xf32>
    %broadcast_in_dim3A_88 = vector.broadcast %broadcast_in_dim3A_87 : vector<128x1xf32> to vector<128x128xf32>
    %slice3A_89 = vector.extract_strided_slice %div3A_9 {offsets = [7, 0], sizes = [1, 128], strides = [1, 1]} : vector<8x128xf32> to vector<1x128xf32>
    %eq3A_90 = arith.cmpi eq, %iota3A, %iota3A_10 : vector<128x128xi32>
    %broadcast_in_dim3A_91 = vector.shape_cast %slice3A_89 : vector<1x128xf32> to vector<1x128xf32>
    %broadcast_in_dim3A_92 = vector.broadcast %broadcast_in_dim3A_91 : vector<1x128xf32> to vector<128x128xf32>
    %jit3A_93 = arith.constant 0.000000e+00 : f32
    %broadcast_in_dim3A_94 = vector.broadcast %jit3A_93 : f32 to vector<128x128xf32>
    %select_n3A_95 = arith.select %eq3A_90, %broadcast_in_dim3A_92, %broadcast_in_dim3A_94 : vector<128x128xi1>, vector<128x128xf32>
    %reduce_sum3A_96 = arith.constant dense<0.000000e+00> : vector<128xf32>
    %reduce_sum3A_97 = vector.multi_reduction <add>, %select_n3A_95, %reduce_sum3A_96 [1] : vector<128x128xf32> to vector<128xf32>
    %broadcast_in_dim3A_98 = vector.shape_cast %reduce_sum3A_97 : vector<128xf32> to vector<128x1xf32>
    %broadcast_in_dim3A_99 = vector.shape_cast %broadcast_in_dim3A_98 : vector<128x1xf32> to vector<128x1xf32>
    %broadcast_in_dim3A_100 = vector.broadcast %broadcast_in_dim3A_99 : vector<128x1xf32> to vector<128x128xf32>
    %concatenate3A = tpu.concatenate %broadcast_in_dim3A_16, %broadcast_in_dim3A_28, %broadcast_in_dim3A_40, %broadcast_in_dim3A_52, %broadcast_in_dim3A_64, %broadcast_in_dim3A_76, %broadcast_in_dim3A_88, %broadcast_in_dim3A_100 in 0 : vector<128x128xf32>, vector<128x128xf32>, vector<128x128xf32>, vector<128x128xf32>, vector<128x128xf32>, vector<128x128xf32>, vector<128x128xf32>, vector<128x128xf32> -> vector<1024x128xf32>
    %get3A_101 = arith.constant 0 : index
    %get3A_102 = arith.constant 0 : index
    %get3A_103 = vector.load %arg1[%get3A_101, %get3A_102] : memref<1024x128xf32, #tpu.memory_space<vmem>>, vector<1024x128xf32>
    %get3A_104 = arith.constant 0 : index
    %get3A_105 = arith.constant 0 : index
    %get3A_106 = vector.load %arg2[%get3A_104, %get3A_105] : memref<128x128xf32, #tpu.memory_space<vmem>>, vector<128x128xf32>
    %dot_general3A = arith.constant dense<0.000000e+00> : vector<1024x128xf32>
    %dot_general3A_107 = tpu.matmul %get3A_103, %get3A_106, %dot_general3A {dimension_numbers = #tpu.dot_dimension_numbers<[1], [0], [0], [1], [0, 0, 1, 1], [], []>, transpose_lhs_hint = false} : vector<1024x128xf32>, vector<128x128xf32>, vector<1024x128xf32> -> vector<1024x128xf32>
    %mul3A = arith.mulf %concatenate3A, %dot_general3A_107 : vector<1024x128xf32>
    %swap3A = arith.constant 0 : index
    %swap3A_108 = arith.constant 0 : index
    %swap3A_109 = vector.load %arg5[%swap3A, %swap3A_108] : memref<1024x128xf32, #tpu.memory_space<vmem>>, vector<1024x128xf32>
    tpu.vector_store %arg5[%swap3A, %swap3A_108], %mul3A {strides = array<i32>} : memref<1024x128xf32, #tpu.memory_space<vmem>>, vector<1024x128xf32>,
    return
  }
  func.func @transform_0(%arg0: i32) -> (i32, i32) {
    %c0_i32 = arith.constant 0 : i32
    %c0_i32_0 = arith.constant 0 : i32
    return %arg0, %c0_i32 : i32, i32
  }
  func.func @transform_1(%arg0: i32) -> (i32, i32) {
    %c0_i32 = arith.constant 0 : i32
    %c0_i32_0 = arith.constant 0 : i32
    %c0_i32_1 = arith.constant 0 : i32
    return %c0_i32, %c0_i32_0 : i32, i32
  }
  func.func @transform_2(%arg0: i32) -> (i32, i32) {
    %c0_i32 = arith.constant 0 : i32
    %c0_i32_0 = arith.constant 0 : i32
    return %arg0, %c0_i32 : i32, i32
  }
  func.func @transform_3(%arg0: i32) -> (i32, i32) {
    %c0_i32 = arith.constant 0 : i32
    %c0_i32_0 = arith.constant 0 : i32
    return %arg0, %c0_i32 : i32, i32
  }
  func.func @transform_4(%arg0: i32) -> (i32, i32) {
    %c0_i32 = arith.constant 0 : i32
    %c0_i32_0 = arith.constant 0 : i32
    return %arg0, %c0_i32 : i32, i32
  }
}

module attributes {stable_mosaic.version = 14 : i64} {
  func.func @_g23_body(%arg0: i32, %arg1: memref<1024x128xf32, #tpu.memory_space<vmem>>, %arg2: memref<1024x128xf32, #tpu.memory_space<vmem>>, %arg3: memref<8x128xf32, #tpu.memory_space<vmem>>, %arg4: memref<8x128xf32, #tpu.memory_space<vmem>>, %arg5: memref<128x128xf32, #tpu.memory_space<vmem>>, %arg6: memref<1024x128xf32, #tpu.memory_space<vmem>>) attributes {dimension_semantics = [#tpu.dimension_semantics<arbitrary>], iteration_bounds = array<i64: 10>, scalar_prefetch = 0 : i64, scratch_operands = 0 : i64, tpu.core_type = #tpu.core_type<tc>, window_params = [{transform_indices = @transform_0, window_bounds = array<i64: 1024, 128>}, {transform_indices = @transform_1, window_bounds = array<i64: 1024, 128>}, {transform_indices = @transform_2, window_bounds = array<i64: 8, 128>}, {transform_indices = @transform_3, window_bounds = array<i64: 8, 128>}, {pipeline_mode = #tpu.pipeline_mode<synchronous>, transform_indices = @transform_4, window_bounds = array<i64: 128, 128>}, {transform_indices = @transform_5, window_bounds = array<i64: 1024, 128>}]} {
    %get3A = arith.constant 0 : index
    %get3A_0 = arith.constant 0 : index
    %get3A_1 = vector.load %arg3[%get3A, %get3A_0] : memref<8x128xf32, #tpu.memory_space<vmem>>, vector<8x128xf32>
    %get3A_2 = arith.constant 0 : index
    %get3A_3 = arith.constant 0 : index
    %get3A_4 = vector.load %arg4[%get3A_2, %get3A_3] : memref<8x128xf32, #tpu.memory_space<vmem>>, vector<8x128xf32>
    %add3A = arith.constant 1.000000e+00 : f32
    %add3A_5 = vector.broadcast %add3A : f32 to vector<8x128xf32>
    %add3A_6 = arith.addf %add3A_5, %get3A_1 : vector<8x128xf32>
    %add3A_7 = arith.addf %add3A_6, %get3A_4 : vector<8x128xf32>
    %sqrt3A = math.sqrt %add3A_7 : vector<8x128xf32>
    %div3A = arith.constant 1.000000e+00 : f32
    %div3A_8 = vector.broadcast %div3A : f32 to vector<8x128xf32>
    %div3A_9 = arith.divf %div3A_8, %sqrt3A : vector<8x128xf32>
    %iota3A = tpu.iota {dimensions = array<i32: 1>} : vector<128x128xi32>
    %iota3A_10 = tpu.iota {dimensions = array<i32: 0>} : vector<128x128xi32>
    %slice3A = vector.extract_strided_slice %div3A_9 {offsets = [0, 0], sizes = [1, 128], strides = [1, 1]} : vector<8x128xf32> to vector<1x128xf32>
    %eq3A = arith.cmpi eq, %iota3A, %iota3A_10 : vector<128x128xi32>
    %broadcast_in_dim3A = vector.shape_cast %slice3A : vector<1x128xf32> to vector<1x128xf32>
    %broadcast_in_dim3A_11 = vector.broadcast %broadcast_in_dim3A : vector<1x128xf32> to vector<128x128xf32>
    %jit3A = arith.constant 0.000000e+00 : f32
    %broadcast_in_dim3A_12 = vector.broadcast %jit3A : f32 to vector<128x128xf32>
    %select_n3A = arith.select %eq3A, %broadcast_in_dim3A_11, %broadcast_in_dim3A_12 : vector<128x128xi1>, vector<128x128xf32>
    %reduce_sum3A = arith.constant dense<0.000000e+00> : vector<128xf32>
    %reduce_sum3A_13 = vector.multi_reduction <add>, %select_n3A, %reduce_sum3A [1] : vector<128x128xf32> to vector<128xf32>
    %broadcast_in_dim3A_14 = vector.shape_cast %reduce_sum3A_13 : vector<128xf32> to vector<128x1xf32>
    %broadcast_in_dim3A_15 = vector.shape_cast %broadcast_in_dim3A_14 : vector<128x1xf32> to vector<128x1xf32>
    %broadcast_in_dim3A_16 = vector.broadcast %broadcast_in_dim3A_15 : vector<128x1xf32> to vector<128x128xf32>
    %slice3A_17 = vector.extract_strided_slice %div3A_9 {offsets = [1, 0], sizes = [1, 128], strides = [1, 1]} : vector<8x128xf32> to vector<1x128xf32>
    %eq3A_18 = arith.cmpi eq, %iota3A, %iota3A_10 : vector<128x128xi32>
    %broadcast_in_dim3A_19 = vector.shape_cast %slice3A_17 : vector<1x128xf32> to vector<1x128xf32>
    %broadcast_in_dim3A_20 = vector.broadcast %broadcast_in_dim3A_19 : vector<1x128xf32> to vector<128x128xf32>
    %jit3A_21 = arith.constant 0.000000e+00 : f32
    %broadcast_in_dim3A_22 = vector.broadcast %jit3A_21 : f32 to vector<128x128xf32>
    %select_n3A_23 = arith.select %eq3A_18, %broadcast_in_dim3A_20, %broadcast_in_dim3A_22 : vector<128x128xi1>, vector<128x128xf32>
    %reduce_sum3A_24 = arith.constant dense<0.000000e+00> : vector<128xf32>
    %reduce_sum3A_25 = vector.multi_reduction <add>, %select_n3A_23, %reduce_sum3A_24 [1] : vector<128x128xf32> to vector<128xf32>
    %broadcast_in_dim3A_26 = vector.shape_cast %reduce_sum3A_25 : vector<128xf32> to vector<128x1xf32>
    %broadcast_in_dim3A_27 = vector.shape_cast %broadcast_in_dim3A_26 : vector<128x1xf32> to vector<128x1xf32>
    %broadcast_in_dim3A_28 = vector.broadcast %broadcast_in_dim3A_27 : vector<128x1xf32> to vector<128x128xf32>
    %slice3A_29 = vector.extract_strided_slice %div3A_9 {offsets = [2, 0], sizes = [1, 128], strides = [1, 1]} : vector<8x128xf32> to vector<1x128xf32>
    %eq3A_30 = arith.cmpi eq, %iota3A, %iota3A_10 : vector<128x128xi32>
    %broadcast_in_dim3A_31 = vector.shape_cast %slice3A_29 : vector<1x128xf32> to vector<1x128xf32>
    %broadcast_in_dim3A_32 = vector.broadcast %broadcast_in_dim3A_31 : vector<1x128xf32> to vector<128x128xf32>
    %jit3A_33 = arith.constant 0.000000e+00 : f32
    %broadcast_in_dim3A_34 = vector.broadcast %jit3A_33 : f32 to vector<128x128xf32>
    %select_n3A_35 = arith.select %eq3A_30, %broadcast_in_dim3A_32, %broadcast_in_dim3A_34 : vector<128x128xi1>, vector<128x128xf32>
    %reduce_sum3A_36 = arith.constant dense<0.000000e+00> : vector<128xf32>
    %reduce_sum3A_37 = vector.multi_reduction <add>, %select_n3A_35, %reduce_sum3A_36 [1] : vector<128x128xf32> to vector<128xf32>
    %broadcast_in_dim3A_38 = vector.shape_cast %reduce_sum3A_37 : vector<128xf32> to vector<128x1xf32>
    %broadcast_in_dim3A_39 = vector.shape_cast %broadcast_in_dim3A_38 : vector<128x1xf32> to vector<128x1xf32>
    %broadcast_in_dim3A_40 = vector.broadcast %broadcast_in_dim3A_39 : vector<128x1xf32> to vector<128x128xf32>
    %slice3A_41 = vector.extract_strided_slice %div3A_9 {offsets = [3, 0], sizes = [1, 128], strides = [1, 1]} : vector<8x128xf32> to vector<1x128xf32>
    %eq3A_42 = arith.cmpi eq, %iota3A, %iota3A_10 : vector<128x128xi32>
    %broadcast_in_dim3A_43 = vector.shape_cast %slice3A_41 : vector<1x128xf32> to vector<1x128xf32>
    %broadcast_in_dim3A_44 = vector.broadcast %broadcast_in_dim3A_43 : vector<1x128xf32> to vector<128x128xf32>
    %jit3A_45 = arith.constant 0.000000e+00 : f32
    %broadcast_in_dim3A_46 = vector.broadcast %jit3A_45 : f32 to vector<128x128xf32>
    %select_n3A_47 = arith.select %eq3A_42, %broadcast_in_dim3A_44, %broadcast_in_dim3A_46 : vector<128x128xi1>, vector<128x128xf32>
    %reduce_sum3A_48 = arith.constant dense<0.000000e+00> : vector<128xf32>
    %reduce_sum3A_49 = vector.multi_reduction <add>, %select_n3A_47, %reduce_sum3A_48 [1] : vector<128x128xf32> to vector<128xf32>
    %broadcast_in_dim3A_50 = vector.shape_cast %reduce_sum3A_49 : vector<128xf32> to vector<128x1xf32>
    %broadcast_in_dim3A_51 = vector.shape_cast %broadcast_in_dim3A_50 : vector<128x1xf32> to vector<128x1xf32>
    %broadcast_in_dim3A_52 = vector.broadcast %broadcast_in_dim3A_51 : vector<128x1xf32> to vector<128x128xf32>
    %slice3A_53 = vector.extract_strided_slice %div3A_9 {offsets = [4, 0], sizes = [1, 128], strides = [1, 1]} : vector<8x128xf32> to vector<1x128xf32>
    %eq3A_54 = arith.cmpi eq, %iota3A, %iota3A_10 : vector<128x128xi32>
    %broadcast_in_dim3A_55 = vector.shape_cast %slice3A_53 : vector<1x128xf32> to vector<1x128xf32>
    %broadcast_in_dim3A_56 = vector.broadcast %broadcast_in_dim3A_55 : vector<1x128xf32> to vector<128x128xf32>
    %jit3A_57 = arith.constant 0.000000e+00 : f32
    %broadcast_in_dim3A_58 = vector.broadcast %jit3A_57 : f32 to vector<128x128xf32>
    %select_n3A_59 = arith.select %eq3A_54, %broadcast_in_dim3A_56, %broadcast_in_dim3A_58 : vector<128x128xi1>, vector<128x128xf32>
    %reduce_sum3A_60 = arith.constant dense<0.000000e+00> : vector<128xf32>
    %reduce_sum3A_61 = vector.multi_reduction <add>, %select_n3A_59, %reduce_sum3A_60 [1] : vector<128x128xf32> to vector<128xf32>
    %broadcast_in_dim3A_62 = vector.shape_cast %reduce_sum3A_61 : vector<128xf32> to vector<128x1xf32>
    %broadcast_in_dim3A_63 = vector.shape_cast %broadcast_in_dim3A_62 : vector<128x1xf32> to vector<128x1xf32>
    %broadcast_in_dim3A_64 = vector.broadcast %broadcast_in_dim3A_63 : vector<128x1xf32> to vector<128x128xf32>
    %slice3A_65 = vector.extract_strided_slice %div3A_9 {offsets = [5, 0], sizes = [1, 128], strides = [1, 1]} : vector<8x128xf32> to vector<1x128xf32>
    %eq3A_66 = arith.cmpi eq, %iota3A, %iota3A_10 : vector<128x128xi32>
    %broadcast_in_dim3A_67 = vector.shape_cast %slice3A_65 : vector<1x128xf32> to vector<1x128xf32>
    %broadcast_in_dim3A_68 = vector.broadcast %broadcast_in_dim3A_67 : vector<1x128xf32> to vector<128x128xf32>
    %jit3A_69 = arith.constant 0.000000e+00 : f32
    %broadcast_in_dim3A_70 = vector.broadcast %jit3A_69 : f32 to vector<128x128xf32>
    %select_n3A_71 = arith.select %eq3A_66, %broadcast_in_dim3A_68, %broadcast_in_dim3A_70 : vector<128x128xi1>, vector<128x128xf32>
    %reduce_sum3A_72 = arith.constant dense<0.000000e+00> : vector<128xf32>
    %reduce_sum3A_73 = vector.multi_reduction <add>, %select_n3A_71, %reduce_sum3A_72 [1] : vector<128x128xf32> to vector<128xf32>
    %broadcast_in_dim3A_74 = vector.shape_cast %reduce_sum3A_73 : vector<128xf32> to vector<128x1xf32>
    %broadcast_in_dim3A_75 = vector.shape_cast %broadcast_in_dim3A_74 : vector<128x1xf32> to vector<128x1xf32>
    %broadcast_in_dim3A_76 = vector.broadcast %broadcast_in_dim3A_75 : vector<128x1xf32> to vector<128x128xf32>
    %slice3A_77 = vector.extract_strided_slice %div3A_9 {offsets = [6, 0], sizes = [1, 128], strides = [1, 1]} : vector<8x128xf32> to vector<1x128xf32>
    %eq3A_78 = arith.cmpi eq, %iota3A, %iota3A_10 : vector<128x128xi32>
    %broadcast_in_dim3A_79 = vector.shape_cast %slice3A_77 : vector<1x128xf32> to vector<1x128xf32>
    %broadcast_in_dim3A_80 = vector.broadcast %broadcast_in_dim3A_79 : vector<1x128xf32> to vector<128x128xf32>
    %jit3A_81 = arith.constant 0.000000e+00 : f32
    %broadcast_in_dim3A_82 = vector.broadcast %jit3A_81 : f32 to vector<128x128xf32>
    %select_n3A_83 = arith.select %eq3A_78, %broadcast_in_dim3A_80, %broadcast_in_dim3A_82 : vector<128x128xi1>, vector<128x128xf32>
    %reduce_sum3A_84 = arith.constant dense<0.000000e+00> : vector<128xf32>
    %reduce_sum3A_85 = vector.multi_reduction <add>, %select_n3A_83, %reduce_sum3A_84 [1] : vector<128x128xf32> to vector<128xf32>
    %broadcast_in_dim3A_86 = vector.shape_cast %reduce_sum3A_85 : vector<128xf32> to vector<128x1xf32>
    %broadcast_in_dim3A_87 = vector.shape_cast %broadcast_in_dim3A_86 : vector<128x1xf32> to vector<128x1xf32>
    %broadcast_in_dim3A_88 = vector.broadcast %broadcast_in_dim3A_87 : vector<128x1xf32> to vector<128x128xf32>
    %slice3A_89 = vector.extract_strided_slice %div3A_9 {offsets = [7, 0], sizes = [1, 128], strides = [1, 1]} : vector<8x128xf32> to vector<1x128xf32>
    %eq3A_90 = arith.cmpi eq, %iota3A, %iota3A_10 : vector<128x128xi32>
    %broadcast_in_dim3A_91 = vector.shape_cast %slice3A_89 : vector<1x128xf32> to vector<1x128xf32>
    %broadcast_in_dim3A_92 = vector.broadcast %broadcast_in_dim3A_91 : vector<1x128xf32> to vector<128x128xf32>
    %jit3A_93 = arith.constant 0.000000e+00 : f32
    %broadcast_in_dim3A_94 = vector.broadcast %jit3A_93 : f32 to vector<128x128xf32>
    %select_n3A_95 = arith.select %eq3A_90, %broadcast_in_dim3A_92, %broadcast_in_dim3A_94 : vector<128x128xi1>, vector<128x128xf32>
    %reduce_sum3A_96 = arith.constant dense<0.000000e+00> : vector<128xf32>
    %reduce_sum3A_97 = vector.multi_reduction <add>, %select_n3A_95, %reduce_sum3A_96 [1] : vector<128x128xf32> to vector<128xf32>
    %broadcast_in_dim3A_98 = vector.shape_cast %reduce_sum3A_97 : vector<128xf32> to vector<128x1xf32>
    %broadcast_in_dim3A_99 = vector.shape_cast %broadcast_in_dim3A_98 : vector<128x1xf32> to vector<128x1xf32>
    %broadcast_in_dim3A_100 = vector.broadcast %broadcast_in_dim3A_99 : vector<128x1xf32> to vector<128x128xf32>
    %concatenate3A = tpu.concatenate %broadcast_in_dim3A_16, %broadcast_in_dim3A_28, %broadcast_in_dim3A_40, %broadcast_in_dim3A_52, %broadcast_in_dim3A_64, %broadcast_in_dim3A_76, %broadcast_in_dim3A_88, %broadcast_in_dim3A_100 in 0 : vector<128x128xf32>, vector<128x128xf32>, vector<128x128xf32>, vector<128x128xf32>, vector<128x128xf32>, vector<128x128xf32>, vector<128x128xf32>, vector<128x128xf32> -> vector<1024x128xf32>
    %get3A_101 = arith.constant 0 : index
    %get3A_102 = arith.constant 0 : index
    %get3A_103 = vector.load %arg1[%get3A_101, %get3A_102] : memref<1024x128xf32, #tpu.memory_space<vmem>>, vector<1024x128xf32>
    %get3A_104 = arith.constant 0 : index
    %get3A_105 = arith.constant 0 : index
    %get3A_106 = vector.load %arg2[%get3A_104, %get3A_105] : memref<1024x128xf32, #tpu.memory_space<vmem>>, vector<1024x128xf32>
    %add3A_107 = arith.addf %get3A_103, %get3A_106 : vector<1024x128xf32>
    %mul3A = arith.mulf %concatenate3A, %add3A_107 : vector<1024x128xf32>
    %max3A = arith.constant 0.000000e+00 : f32
    %max3A_108 = vector.broadcast %max3A : f32 to vector<1024x128xf32>
    %max3A_109 = arith.maximumf %mul3A, %max3A_108 : vector<1024x128xf32>
    %get3A_110 = arith.constant 0 : index
    %get3A_111 = arith.constant 0 : index
    %get3A_112 = vector.load %arg5[%get3A_110, %get3A_111] : memref<128x128xf32, #tpu.memory_space<vmem>>, vector<128x128xf32>
    %dot_general3A = arith.constant dense<0.000000e+00> : vector<1024x128xf32>
    %dot_general3A_113 = tpu.matmul %max3A_109, %get3A_112, %dot_general3A {dimension_numbers = #tpu.dot_dimension_numbers<[1], [0], [0], [1], [0, 0, 1, 1], [], []>, transpose_lhs_hint = false} : vector<1024x128xf32>, vector<128x128xf32>, vector<1024x128xf32> -> vector<1024x128xf32>
    %mul3A_114 = arith.mulf %concatenate3A, %dot_general3A_113 : vector<1024x128xf32>
    %swap3A = arith.constant 0 : index
    %swap3A_115 = arith.constant 0 : index
    %swap3A_116 = vector.load %arg6[%swap3A, %swap3A_115] : memref<1024x128xf32, #tpu.memory_space<vmem>>, vector<1024x128xf32>
    tpu.vector_store %arg6[%swap3A, %swap3A_115], %mul3A_114 {strides = array<i32>} : memref<1024x128xf32, #tpu.memory_space<vmem>>, vector<1024x128xf32>,
    return
  }
  func.func @transform_0(%arg0: i32) -> (i32, i32) {
    %c0_i32 = arith.constant 0 : i32
    %c0_i32_0 = arith.constant 0 : i32
    return %arg0, %c0_i32 : i32, i32
  }
  func.func @transform_1(%arg0: i32) -> (i32, i32) {
    %c0_i32 = arith.constant 0 : i32
    %c0_i32_0 = arith.constant 0 : i32
    return %arg0, %c0_i32 : i32, i32
  }
  func.func @transform_2(%arg0: i32) -> (i32, i32) {
    %c0_i32 = arith.constant 0 : i32
    %c0_i32_0 = arith.constant 0 : i32
    return %arg0, %c0_i32 : i32, i32
  }
  func.func @transform_3(%arg0: i32) -> (i32, i32) {
    %c0_i32 = arith.constant 0 : i32
    %c0_i32_0 = arith.constant 0 : i32
    return %arg0, %c0_i32 : i32, i32
  }
  func.func @transform_4(%arg0: i32) -> (i32, i32) {
    %c0_i32 = arith.constant 0 : i32
    %c0_i32_0 = arith.constant 0 : i32
    %c0_i32_1 = arith.constant 0 : i32
    return %c0_i32, %c0_i32_0 : i32, i32
  }
  func.func @transform_5(%arg0: i32) -> (i32, i32) {
    %c0_i32 = arith.constant 0 : i32
    %c0_i32_0 = arith.constant 0 : i32
    return %arg0, %c0_i32 : i32, i32
  }
}

module attributes {stable_mosaic.version = 14 : i64} {
  func.func @_final_body(%arg0: i32, %arg1: memref<1024x128xf32, #tpu.memory_space<vmem>>, %arg2: memref<1024x128xf32, #tpu.memory_space<vmem>>, %arg3: memref<8x128xf32, #tpu.memory_space<vmem>>, %arg4: memref<8x128xf32, #tpu.memory_space<vmem>>, %arg5: memref<1024x128xf32, #tpu.memory_space<vmem>>) attributes {dimension_semantics = [#tpu.dimension_semantics<arbitrary>], iteration_bounds = array<i64: 10>, scalar_prefetch = 0 : i64, scratch_operands = 0 : i64, tpu.core_type = #tpu.core_type<tc>, window_params = [{transform_indices = @transform_0, window_bounds = array<i64: 1024, 128>}, {transform_indices = @transform_1, window_bounds = array<i64: 1024, 128>}, {transform_indices = @transform_2, window_bounds = array<i64: 8, 128>}, {transform_indices = @transform_3, window_bounds = array<i64: 8, 128>}, {transform_indices = @transform_4, window_bounds = array<i64: 1024, 128>}]} {
    %get3A = arith.constant 0 : index
    %get3A_0 = arith.constant 0 : index
    %get3A_1 = vector.load %arg3[%get3A, %get3A_0] : memref<8x128xf32, #tpu.memory_space<vmem>>, vector<8x128xf32>
    %get3A_2 = arith.constant 0 : index
    %get3A_3 = arith.constant 0 : index
    %get3A_4 = vector.load %arg4[%get3A_2, %get3A_3] : memref<8x128xf32, #tpu.memory_space<vmem>>, vector<8x128xf32>
    %add3A = arith.constant 1.000000e+00 : f32
    %add3A_5 = vector.broadcast %add3A : f32 to vector<8x128xf32>
    %add3A_6 = arith.addf %add3A_5, %get3A_1 : vector<8x128xf32>
    %add3A_7 = arith.addf %add3A_6, %get3A_4 : vector<8x128xf32>
    %sqrt3A = math.sqrt %add3A_7 : vector<8x128xf32>
    %div3A = arith.constant 1.000000e+00 : f32
    %div3A_8 = vector.broadcast %div3A : f32 to vector<8x128xf32>
    %div3A_9 = arith.divf %div3A_8, %sqrt3A : vector<8x128xf32>
    %iota3A = tpu.iota {dimensions = array<i32: 1>} : vector<128x128xi32>
    %iota3A_10 = tpu.iota {dimensions = array<i32: 0>} : vector<128x128xi32>
    %slice3A = vector.extract_strided_slice %div3A_9 {offsets = [0, 0], sizes = [1, 128], strides = [1, 1]} : vector<8x128xf32> to vector<1x128xf32>
    %eq3A = arith.cmpi eq, %iota3A, %iota3A_10 : vector<128x128xi32>
    %broadcast_in_dim3A = vector.shape_cast %slice3A : vector<1x128xf32> to vector<1x128xf32>
    %broadcast_in_dim3A_11 = vector.broadcast %broadcast_in_dim3A : vector<1x128xf32> to vector<128x128xf32>
    %jit3A = arith.constant 0.000000e+00 : f32
    %broadcast_in_dim3A_12 = vector.broadcast %jit3A : f32 to vector<128x128xf32>
    %select_n3A = arith.select %eq3A, %broadcast_in_dim3A_11, %broadcast_in_dim3A_12 : vector<128x128xi1>, vector<128x128xf32>
    %reduce_sum3A = arith.constant dense<0.000000e+00> : vector<128xf32>
    %reduce_sum3A_13 = vector.multi_reduction <add>, %select_n3A, %reduce_sum3A [1] : vector<128x128xf32> to vector<128xf32>
    %broadcast_in_dim3A_14 = vector.shape_cast %reduce_sum3A_13 : vector<128xf32> to vector<128x1xf32>
    %broadcast_in_dim3A_15 = vector.shape_cast %broadcast_in_dim3A_14 : vector<128x1xf32> to vector<128x1xf32>
    %broadcast_in_dim3A_16 = vector.broadcast %broadcast_in_dim3A_15 : vector<128x1xf32> to vector<128x128xf32>
    %slice3A_17 = vector.extract_strided_slice %div3A_9 {offsets = [1, 0], sizes = [1, 128], strides = [1, 1]} : vector<8x128xf32> to vector<1x128xf32>
    %eq3A_18 = arith.cmpi eq, %iota3A, %iota3A_10 : vector<128x128xi32>
    %broadcast_in_dim3A_19 = vector.shape_cast %slice3A_17 : vector<1x128xf32> to vector<1x128xf32>
    %broadcast_in_dim3A_20 = vector.broadcast %broadcast_in_dim3A_19 : vector<1x128xf32> to vector<128x128xf32>
    %jit3A_21 = arith.constant 0.000000e+00 : f32
    %broadcast_in_dim3A_22 = vector.broadcast %jit3A_21 : f32 to vector<128x128xf32>
    %select_n3A_23 = arith.select %eq3A_18, %broadcast_in_dim3A_20, %broadcast_in_dim3A_22 : vector<128x128xi1>, vector<128x128xf32>
    %reduce_sum3A_24 = arith.constant dense<0.000000e+00> : vector<128xf32>
    %reduce_sum3A_25 = vector.multi_reduction <add>, %select_n3A_23, %reduce_sum3A_24 [1] : vector<128x128xf32> to vector<128xf32>
    %broadcast_in_dim3A_26 = vector.shape_cast %reduce_sum3A_25 : vector<128xf32> to vector<128x1xf32>
    %broadcast_in_dim3A_27 = vector.shape_cast %broadcast_in_dim3A_26 : vector<128x1xf32> to vector<128x1xf32>
    %broadcast_in_dim3A_28 = vector.broadcast %broadcast_in_dim3A_27 : vector<128x1xf32> to vector<128x128xf32>
    %slice3A_29 = vector.extract_strided_slice %div3A_9 {offsets = [2, 0], sizes = [1, 128], strides = [1, 1]} : vector<8x128xf32> to vector<1x128xf32>
    %eq3A_30 = arith.cmpi eq, %iota3A, %iota3A_10 : vector<128x128xi32>
    %broadcast_in_dim3A_31 = vector.shape_cast %slice3A_29 : vector<1x128xf32> to vector<1x128xf32>
    %broadcast_in_dim3A_32 = vector.broadcast %broadcast_in_dim3A_31 : vector<1x128xf32> to vector<128x128xf32>
    %jit3A_33 = arith.constant 0.000000e+00 : f32
    %broadcast_in_dim3A_34 = vector.broadcast %jit3A_33 : f32 to vector<128x128xf32>
    %select_n3A_35 = arith.select %eq3A_30, %broadcast_in_dim3A_32, %broadcast_in_dim3A_34 : vector<128x128xi1>, vector<128x128xf32>
    %reduce_sum3A_36 = arith.constant dense<0.000000e+00> : vector<128xf32>
    %reduce_sum3A_37 = vector.multi_reduction <add>, %select_n3A_35, %reduce_sum3A_36 [1] : vector<128x128xf32> to vector<128xf32>
    %broadcast_in_dim3A_38 = vector.shape_cast %reduce_sum3A_37 : vector<128xf32> to vector<128x1xf32>
    %broadcast_in_dim3A_39 = vector.shape_cast %broadcast_in_dim3A_38 : vector<128x1xf32> to vector<128x1xf32>
    %broadcast_in_dim3A_40 = vector.broadcast %broadcast_in_dim3A_39 : vector<128x1xf32> to vector<128x128xf32>
    %slice3A_41 = vector.extract_strided_slice %div3A_9 {offsets = [3, 0], sizes = [1, 128], strides = [1, 1]} : vector<8x128xf32> to vector<1x128xf32>
    %eq3A_42 = arith.cmpi eq, %iota3A, %iota3A_10 : vector<128x128xi32>
    %broadcast_in_dim3A_43 = vector.shape_cast %slice3A_41 : vector<1x128xf32> to vector<1x128xf32>
    %broadcast_in_dim3A_44 = vector.broadcast %broadcast_in_dim3A_43 : vector<1x128xf32> to vector<128x128xf32>
    %jit3A_45 = arith.constant 0.000000e+00 : f32
    %broadcast_in_dim3A_46 = vector.broadcast %jit3A_45 : f32 to vector<128x128xf32>
    %select_n3A_47 = arith.select %eq3A_42, %broadcast_in_dim3A_44, %broadcast_in_dim3A_46 : vector<128x128xi1>, vector<128x128xf32>
    %reduce_sum3A_48 = arith.constant dense<0.000000e+00> : vector<128xf32>
    %reduce_sum3A_49 = vector.multi_reduction <add>, %select_n3A_47, %reduce_sum3A_48 [1] : vector<128x128xf32> to vector<128xf32>
    %broadcast_in_dim3A_50 = vector.shape_cast %reduce_sum3A_49 : vector<128xf32> to vector<128x1xf32>
    %broadcast_in_dim3A_51 = vector.shape_cast %broadcast_in_dim3A_50 : vector<128x1xf32> to vector<128x1xf32>
    %broadcast_in_dim3A_52 = vector.broadcast %broadcast_in_dim3A_51 : vector<128x1xf32> to vector<128x128xf32>
    %slice3A_53 = vector.extract_strided_slice %div3A_9 {offsets = [4, 0], sizes = [1, 128], strides = [1, 1]} : vector<8x128xf32> to vector<1x128xf32>
    %eq3A_54 = arith.cmpi eq, %iota3A, %iota3A_10 : vector<128x128xi32>
    %broadcast_in_dim3A_55 = vector.shape_cast %slice3A_53 : vector<1x128xf32> to vector<1x128xf32>
    %broadcast_in_dim3A_56 = vector.broadcast %broadcast_in_dim3A_55 : vector<1x128xf32> to vector<128x128xf32>
    %jit3A_57 = arith.constant 0.000000e+00 : f32
    %broadcast_in_dim3A_58 = vector.broadcast %jit3A_57 : f32 to vector<128x128xf32>
    %select_n3A_59 = arith.select %eq3A_54, %broadcast_in_dim3A_56, %broadcast_in_dim3A_58 : vector<128x128xi1>, vector<128x128xf32>
    %reduce_sum3A_60 = arith.constant dense<0.000000e+00> : vector<128xf32>
    %reduce_sum3A_61 = vector.multi_reduction <add>, %select_n3A_59, %reduce_sum3A_60 [1] : vector<128x128xf32> to vector<128xf32>
    %broadcast_in_dim3A_62 = vector.shape_cast %reduce_sum3A_61 : vector<128xf32> to vector<128x1xf32>
    %broadcast_in_dim3A_63 = vector.shape_cast %broadcast_in_dim3A_62 : vector<128x1xf32> to vector<128x1xf32>
    %broadcast_in_dim3A_64 = vector.broadcast %broadcast_in_dim3A_63 : vector<128x1xf32> to vector<128x128xf32>
    %slice3A_65 = vector.extract_strided_slice %div3A_9 {offsets = [5, 0], sizes = [1, 128], strides = [1, 1]} : vector<8x128xf32> to vector<1x128xf32>
    %eq3A_66 = arith.cmpi eq, %iota3A, %iota3A_10 : vector<128x128xi32>
    %broadcast_in_dim3A_67 = vector.shape_cast %slice3A_65 : vector<1x128xf32> to vector<1x128xf32>
    %broadcast_in_dim3A_68 = vector.broadcast %broadcast_in_dim3A_67 : vector<1x128xf32> to vector<128x128xf32>
    %jit3A_69 = arith.constant 0.000000e+00 : f32
    %broadcast_in_dim3A_70 = vector.broadcast %jit3A_69 : f32 to vector<128x128xf32>
    %select_n3A_71 = arith.select %eq3A_66, %broadcast_in_dim3A_68, %broadcast_in_dim3A_70 : vector<128x128xi1>, vector<128x128xf32>
    %reduce_sum3A_72 = arith.constant dense<0.000000e+00> : vector<128xf32>
    %reduce_sum3A_73 = vector.multi_reduction <add>, %select_n3A_71, %reduce_sum3A_72 [1] : vector<128x128xf32> to vector<128xf32>
    %broadcast_in_dim3A_74 = vector.shape_cast %reduce_sum3A_73 : vector<128xf32> to vector<128x1xf32>
    %broadcast_in_dim3A_75 = vector.shape_cast %broadcast_in_dim3A_74 : vector<128x1xf32> to vector<128x1xf32>
    %broadcast_in_dim3A_76 = vector.broadcast %broadcast_in_dim3A_75 : vector<128x1xf32> to vector<128x128xf32>
    %slice3A_77 = vector.extract_strided_slice %div3A_9 {offsets = [6, 0], sizes = [1, 128], strides = [1, 1]} : vector<8x128xf32> to vector<1x128xf32>
    %eq3A_78 = arith.cmpi eq, %iota3A, %iota3A_10 : vector<128x128xi32>
    %broadcast_in_dim3A_79 = vector.shape_cast %slice3A_77 : vector<1x128xf32> to vector<1x128xf32>
    %broadcast_in_dim3A_80 = vector.broadcast %broadcast_in_dim3A_79 : vector<1x128xf32> to vector<128x128xf32>
    %jit3A_81 = arith.constant 0.000000e+00 : f32
    %broadcast_in_dim3A_82 = vector.broadcast %jit3A_81 : f32 to vector<128x128xf32>
    %select_n3A_83 = arith.select %eq3A_78, %broadcast_in_dim3A_80, %broadcast_in_dim3A_82 : vector<128x128xi1>, vector<128x128xf32>
    %reduce_sum3A_84 = arith.constant dense<0.000000e+00> : vector<128xf32>
    %reduce_sum3A_85 = vector.multi_reduction <add>, %select_n3A_83, %reduce_sum3A_84 [1] : vector<128x128xf32> to vector<128xf32>
    %broadcast_in_dim3A_86 = vector.shape_cast %reduce_sum3A_85 : vector<128xf32> to vector<128x1xf32>
    %broadcast_in_dim3A_87 = vector.shape_cast %broadcast_in_dim3A_86 : vector<128x1xf32> to vector<128x1xf32>
    %broadcast_in_dim3A_88 = vector.broadcast %broadcast_in_dim3A_87 : vector<128x1xf32> to vector<128x128xf32>
    %slice3A_89 = vector.extract_strided_slice %div3A_9 {offsets = [7, 0], sizes = [1, 128], strides = [1, 1]} : vector<8x128xf32> to vector<1x128xf32>
    %eq3A_90 = arith.cmpi eq, %iota3A, %iota3A_10 : vector<128x128xi32>
    %broadcast_in_dim3A_91 = vector.shape_cast %slice3A_89 : vector<1x128xf32> to vector<1x128xf32>
    %broadcast_in_dim3A_92 = vector.broadcast %broadcast_in_dim3A_91 : vector<1x128xf32> to vector<128x128xf32>
    %jit3A_93 = arith.constant 0.000000e+00 : f32
    %broadcast_in_dim3A_94 = vector.broadcast %jit3A_93 : f32 to vector<128x128xf32>
    %select_n3A_95 = arith.select %eq3A_90, %broadcast_in_dim3A_92, %broadcast_in_dim3A_94 : vector<128x128xi1>, vector<128x128xf32>
    %reduce_sum3A_96 = arith.constant dense<0.000000e+00> : vector<128xf32>
    %reduce_sum3A_97 = vector.multi_reduction <add>, %select_n3A_95, %reduce_sum3A_96 [1] : vector<128x128xf32> to vector<128xf32>
    %broadcast_in_dim3A_98 = vector.shape_cast %reduce_sum3A_97 : vector<128xf32> to vector<128x1xf32>
    %broadcast_in_dim3A_99 = vector.shape_cast %broadcast_in_dim3A_98 : vector<128x1xf32> to vector<128x1xf32>
    %broadcast_in_dim3A_100 = vector.broadcast %broadcast_in_dim3A_99 : vector<128x1xf32> to vector<128x128xf32>
    %concatenate3A = tpu.concatenate %broadcast_in_dim3A_16, %broadcast_in_dim3A_28, %broadcast_in_dim3A_40, %broadcast_in_dim3A_52, %broadcast_in_dim3A_64, %broadcast_in_dim3A_76, %broadcast_in_dim3A_88, %broadcast_in_dim3A_100 in 0 : vector<128x128xf32>, vector<128x128xf32>, vector<128x128xf32>, vector<128x128xf32>, vector<128x128xf32>, vector<128x128xf32>, vector<128x128xf32>, vector<128x128xf32> -> vector<1024x128xf32>
    %get3A_101 = arith.constant 0 : index
    %get3A_102 = arith.constant 0 : index
    %get3A_103 = vector.load %arg1[%get3A_101, %get3A_102] : memref<1024x128xf32, #tpu.memory_space<vmem>>, vector<1024x128xf32>
    %get3A_104 = arith.constant 0 : index
    %get3A_105 = arith.constant 0 : index
    %get3A_106 = vector.load %arg2[%get3A_104, %get3A_105] : memref<1024x128xf32, #tpu.memory_space<vmem>>, vector<1024x128xf32>
    %add3A_107 = arith.addf %get3A_103, %get3A_106 : vector<1024x128xf32>
    %mul3A = arith.mulf %concatenate3A, %add3A_107 : vector<1024x128xf32>
    %swap3A = arith.constant 0 : index
    %swap3A_108 = arith.constant 0 : index
    %swap3A_109 = vector.load %arg5[%swap3A, %swap3A_108] : memref<1024x128xf32, #tpu.memory_space<vmem>>, vector<1024x128xf32>
    tpu.vector_store %arg5[%swap3A, %swap3A_108], %mul3A {strides = array<i32>} : memref<1024x128xf32, #tpu.memory_space<vmem>>, vector<1024x128xf32>,
    return
  }
  func.func @transform_0(%arg0: i32) -> (i32, i32) {
    %c0_i32 = arith.constant 0 : i32
    %c0_i32_0 = arith.constant 0 : i32
    return %arg0, %c0_i32 : i32, i32
  }
  func.func @transform_1(%arg0: i32) -> (i32, i32) {
    %c0_i32 = arith.constant 0 : i32
    %c0_i32_0 = arith.constant 0 : i32
    return %arg0, %c0_i32 : i32, i32
  }
  func.func @transform_2(%arg0: i32) -> (i32, i32) {
    %c0_i32 = arith.constant 0 : i32
    %c0_i32_0 = arith.constant 0 : i32
    return %arg0, %c0_i32 : i32, i32
  }
  func.func @transform_3(%arg0: i32) -> (i32, i32) {
    %c0_i32 = arith.constant 0 : i32
    %c0_i32_0 = arith.constant 0 : i32
    return %arg0, %c0_i32 : i32, i32
  }
  func.func @transform_4(%arg0: i32) -> (i32, i32) {
    %c0_i32 = arith.constant 0 : i32
    %c0_i32_0 = arith.constant 0 : i32
    return %arg0, %c0_i32 : i32, i32
  }
}

</mosaic_0001>

<sc_bundles>
// kernel: kernel.10.cloned.1.call-start
scs
__scs_entry_jumppad:
0x0: {  	(pc) =	sbr.rel $0x88, $3  }
0x1: {  	(tag) =	ssettag $0x0;
	lr =	simm.s32 $0x1  }
0x2: {  	[smem:$0x3F9C] =	sst lr;
	_ =	strace $0xD0000000  }
0x3: {  	_ = 	snop  }
0x4: {  	_ = 	snop  }
0x5: {  	_ = 	snop  }
0x6: {  	_ = 	snop  }
0x7: {  	_ = 	snop  }
__scs_overlays_trampoline_lowered:
0x8: {  	[smem:$0x3FAB] =	sst s0  }
0x9: {  	[smem:$0x3FAC] =	sst s1  }
0xa: {  	[smem:$0x3FAD] =	sst s2  }
0xb: {  	[smem:$0x3FAE] =	sst s3  }
0xc: {  	[smem:$0x3FAF] =	sst s4  }
0xd: {  	[smem:$0x3FB0] =	sst s5  }
0xe: {  	[smem:$0x3FB1] =	sst s6  }
0xf: {  	[smem:$0x3FB2] =	sst s7  }
0x10: {  	[smem:$0x3FB3] =	sst s8  }
0x11: {  	[smem:$0x3FB4] =	sst s9;
	s0 =	simm.s32 @!p0 $0x0  }
0x12: {  	s1 =	sld [smem:$0x3F9A];
	s0 =	simm.s32 @p0 $0x1  }
0x13: {  	[smem:$0x3FB5] =	sst s0;
	s0 =	simm.s32 @!p1 $0x0  }
0x14: {  	s2 =	sld [smem:$0x3F99];
	s0 =	simm.s32 @p1 $0x1  }
0x15: {  	[smem:$0x3FB6] =	sst s0;
	s0 =	simm.s32 @!p2 $0x0  }
0x16: {  	s3 =	sld [smem:$0x3FDB];
	s0 =	simm.s32 @p2 $0x1  }
0x17: {  	s4 =	simm.s32 $0x1BF5;
	[smem:$0x3FB8] =	sst s0  }
0x18: {  	s0 =	sld [smem:$0x3F9B];
	_ =	swait.ge [sflag:s4], $0x0  }
0x19: {  	s7 =	sld [smem:$0x3F9C]  }
0x1a: {  	s8 =	sadd.s32 $0xFFFFE003, lr  }
0x1b: {  	s9 =	sadd.s32 $0xFFFFFEF7, lr;
	s5 =	simm.s32 $0xFFFFFFFF;
	p2 =	slt.u32 s8, $0xFFFFF086  }
0x1c: {  	p1 =	slt.u32 s9, $0xF7A;
	s5 =	simm.s32 @!p2 $0x0  }
0x1d: {  	s5 =	simm.s32 @p1 $0x1;
	p0 =	seq.s32 s7, s2  }
0x1e: {  	s7 =	smul.u32 @!p0 $0xF7A, s2;
	p2 =	seq.s32 @!p0 s5, $0x0  }
0x1f: {  	s9 =	smul.u32 $0xF7A, s1;
	s8 =	simm.s32 @!p0 $0x1BF5;
	p2 =	por !p2, p0  }
0x20: {  	[sflag:s8] =	ssyncset.s32 @!p0 $0xFFFFF086;
	s6 =	sadd.s32 @!p0 s3, s7;
	s7 =	simm.s32 @!p0 $0x108  }
0x21: {  	s3 =	sadd.s32 s3, s9;
	s6 =	sadd.s32 @!p0 $0x88, s6;
	s7 =	simm.s32 @p2 $0x1082  }
0x22: {  	[simem:s7], [sflag:s8] =	dma.local @!p0 [hbm:s6], $0xF7A  }
0x23: {  	s9 =	sor.u32 $0xD0000000, s2;
	s6 =	simm.s32 $0x108;
	_ =	swait.ge @!p0 [sflag:s8], $0x0  }
0x24: {  	s3 =	sadd.s32 $0x88, s3;
	s6 =	simm.s32 @!p1 $0x1082;
	[sflag:s4] =	ssyncset.s32 $0xFFFFF086  }
0x25: {  	[simem:s6], [sflag:s4] =	dma.local [hbm:s3], $0xF7A  }
0x26: {  	[smem:$0x3F9C] =	sst s1;
	(tag) =	ssettag s2;
	_ =	strace s9  }
0x27: {  	s1 =	sld [smem:$0x3FAC]  }
0x28: {  	s2 =	sld [smem:$0x3FAD]  }
0x29: {  	s4 =	sld [smem:$0x3FAF]  }
0x2a: {  	p0 =	seq.s32 s5, $0x0;
	s5 =	sld [smem:$0x3FB0]  }
0x2b: {  	s6 =	sld [smem:$0x3FB1]  }
0x2c: {  	s7 =	sld [smem:$0x3FB2]  }
0x2d: {  	s3 =	simm.s32 $0x108;
	s8 =	sld [smem:$0x3FB3]  }
0x2e: {  	s3 =	simm.s32 @!p0 $0x1082;
	s9 =	sld [smem:$0x3FB4]  }
0x2f: {  	lr =	sadd.s32 s0, s3;
	s0 =	sld [smem:$0x3FAB]  }
0x30: {  	s3 =	sld [smem:$0x3FAE]  }
0x31: {  	[smem:$0x3FB7] =	sst s10  }
0x32: {  	s10 =	sld [smem:$0x3FB5];
	_ =	sdelay $0x3  }
0x33: {  	p0 =	seq.s32 s10, $0x1;
	s10 =	sld [smem:$0x3FB7];
	_ =	sdelay $0x3  }
0x34: {  	[smem:$0x3FB7] =	sst s10  }
0x35: {  	s10 =	sld [smem:$0x3FB6];
	_ =	sdelay $0x3  }
0x36: {  	p1 =	seq.s32 s10, $0x1;
	s10 =	sld [smem:$0x3FB7];
	_ =	sdelay $0x3  }
0x37: {  	[smem:$0x3FB7] =	sst s10  }
0x38: {  	s10 =	sld [smem:$0x3FB8]  }
0x39: {  	_ = 	snop;
	(pc) =	sbr.ind lr, $3  }
0x3a: {  	_ = 	snop  }
0x3b: {  	_ = 	snop  }
0x3c: {  	p2 =	seq.s32 s10, $0x1;
	s10 =	sld [smem:$0x3FB7]  }
0x3d: {  	_ =	shalt  }
0x3e: {  	_ =	shalt  }
0x3f: {  	_ =	shalt  }
0x40: {  	_ =	shalt  }
0x41: {  	_ =	shalt  }
0x42: {  	_ =	shalt  }
0x43: {  	_ =	shalt  }
0x44: {  	_ =	shalt  }
0x45: {  	_ =	shalt  }
0x46: {  	_ =	shalt  }
0x47: {  	_ =	shalt  }
0x48: {  	_ =	shalt  }
0x49: {  	_ =	shalt  }
0x4a: {  	_ =	shalt  }
0x4b: {  	_ =	shalt  }
0x4c: {  	_ =	shalt  }
0x4d: {  	_ =	shalt  }
0x4e: {  	_ =	shalt  }
0x4f: {  	_ =	shalt  }
0x50: {  	_ =	shalt  }
0x51: {  	_ =	shalt  }
0x52: {  	_ =	shalt  }
0x53: {  	_ =	shalt  }
0x54: {  	_ =	shalt  }
0x55: {  	_ =	shalt  }
0x56: {  	_ =	shalt  }
0x57: {  	_ =	shalt  }
0x58: {  	_ =	shalt  }
0x59: {  	_ =	shalt  }
0x5a: {  	_ =	shalt  }
0x5b: {  	_ =	shalt  }
0x5c: {  	_ =	shalt  }
0x5d: {  	_ =	shalt  }
0x5e: {  	_ =	shalt  }
0x5f: {  	_ =	shalt  }
0x60: {  	_ =	shalt  }
0x61: {  	_ =	shalt  }
0x62: {  	_ =	shalt  }
0x63: {  	_ =	shalt  }
0x64: {  	_ =	shalt  }
0x65: {  	_ =	shalt  }
0x66: {  	_ =	shalt  }
0x67: {  	_ =	shalt  }
0x68: {  	_ =	shalt  }
0x69: {  	_ =	shalt  }
0x6a: {  	_ =	shalt  }
0x6b: {  	_ =	shalt  }
0x6c: {  	_ =	shalt  }
0x6d: {  	_ =	shalt  }
0x6e: {  	_ =	shalt  }
0x6f: {  	_ =	shalt  }
0x70: {  	_ =	shalt  }
0x71: {  	_ =	shalt  }
0x72: {  	_ =	shalt  }
0x73: {  	_ =	shalt  }
0x74: {  	_ =	shalt  }
0x75: {  	_ =	shalt  }
0x76: {  	_ =	shalt  }
0x77: {  	_ =	shalt  }
0x78: {  	_ =	shalt  }
0x79: {  	_ =	shalt  }
0x7a: {  	_ =	shalt  }
0x7b: {  	_ =	shalt  }
0x7c: {  	_ =	shalt  }
0x7d: {  	_ =	shalt  }
0x7e: {  	_ =	shalt  }
0x7f: {  	_ =	shalt  }
0x80: {  	_ =	shalt  }
0x81: {  	_ =	shalt  }
0x82: {  	_ =	shalt  }
0x83: {  	_ =	shalt  }
0x84: {  	_ =	shalt  }
0x85: {  	_ =	shalt  }
0x86: {  	_ =	shalt  }
0x87: {  	_ =	shalt  }
.Lfunc_end0:
.L_simem_size_0:
called_computation_lowered:
.L_overlay_start_0:
0x88: {  	s2 =	sld [smem:$0x3FD9]  }
0x89: {  	s3 =	sld [smem:$0x3FFE];
	_ =	sdelay $0x1  }
0x8a: {  	s1 =	srdreg.scid  }
0x8b: {  	s0 =	sand.u32 $0x1, s1  }
0x8c: {  	s16 =	sshll.u32 s0, $0xA;
	s2 =	sadd.s32 s3, s2  }
0x8d: {  	s2 =	sadd.s32 s2, s16  }
0x8e: {  	[smem:$0x3FC3] =	sst s2  }
0x8f: {  	_ = 	snop  }
0x90: {  	(tm) =	ssettm $0x1  }
0x91: {  	s17 =	sld [smem:$0x3FFB];
	_ =	sdelay $0x3  }
0x92: {  	_ =	strace s17  }
0x93: {  	s2 =	sld [smem:$0x3FFC];
	_ =	sdelay $0x3  }
0x94: {  	_ =	strace s2  }
0x95: {  	s2 =	sld [smem:$0x3FFD];
	_ =	sdelay $0x3  }
0x96: {  	_ =	strace s2  }
0x97: {  	_ =	strace $0x8FFFFFFF  }
0x98: {  	s18 =	sld [smem:$0x3FDB];
	_ =	sdelay $0x1  }
0x99: {  	s19 =	simm.s32 $_scs_section_size  }
0x9a: {  	s4 =	simm.s32 $_size__tile_overlayer_lowered;
	s5 =	simm.s32 $_tile_overlayer_lowered  }
0x9b: {  	s22 =	simm.s32 $0x1BFF;
	s21 =	sshll.u32 s5, $0x1;
	s2 =	sadd.s32 s19, s18  }
0x9c: {  	s6 =	simm.s32 $0x0;
	s20 =	sshll.u32 s4, $0x1;
	s4 =	sadd.s32 s21, s2  }
0x9d: {  	[timem:s6], [sflag:s22] =	dma.local [hbm:s4], s20  }
0x9e: {  	_ =	swait.ge [sflag:s22], s20  }
0x9f: {  	s3 =	ssub.s32 $0x0, s20;
	[sflag:s22] =	ssyncset.done $0x0  }
0xa0: {  	[sflag:s22] =	ssyncadd.s32 s3;
	_ =	sdelay $0x1  }
0xa1: {  	s23 =	simm.s32 $0x1B8B  }
0xa2: {  	_ =	swait.ge [sflag:s23], $0x1  }
0xa3: {  	[sflag:s23] =	ssyncset.done $0x0  }
0xa4: {  	s25 =	simm.s32 $0x1B8E;
	s24 =	sld [smem:$0x3FFE];
	[sflag:s23] =	ssyncadd.s32 $0xFFFFFFFF  }
0xa5: {  	s26 =	simm.s32 $execute0_lowered;
	[smem:$0x3FD2] =	sst s25  }
0xa6: {  	s4 =	sshll.u32 s26, $0x1;
	_ =	strace $0x80000046;
	[dreg:$0x1] =	wrdreg $0xFFFFFFFF  }
0xa7: {  	s28 =	simm.s32 $_size_execute0_lowered;
	s2 =	sadd.s32 s2, s4;
	[dreg:$0x0] =	wrdreg $0x0  }
0xa8: {  	s4 =	sshll.u32 s28, $0x1;
	[dreg:$0x2] =	wrdreg s2  }
0xa9: {  	[dreg:$0x3] =	wrdreg s4  }
0xaa: {  	[dreg:$0x4] =	wrdreg $0xC0  }
0xab: {  	_ =	task [dreg:s6], $0x5FFFF  }
0xac: {  	[dreg:$0x1] =	wrdreg $0xFFFFFFFF  }
0xad: {  	[dreg:$0x0] =	wrdreg $0x60  }
0xae: {  	[dreg:$0x2] =	wrdreg s24  }
0xaf: {  	[dreg:$0x3] =	wrdreg $0x2B000  }
0xb0: {  	[dreg:$0x4] =	wrdreg $0x9  }
0xb1: {  	_ =	task.clear_ibuf [dreg:s6], $0x5FFFF;
	_ =	strace $0x90000046  }
0xb2: {  	s29 =	simm.s32 $0x9;
	_ =	strace $0x80000048  }
0xb3: {  	_ =	swait.ge [sflag:s29], $0x1  }
0xb4: {  	[sflag:s29] =	ssyncadd.s32 $0xFFFFFFFF  }
0xb5: {  	_ =	strace $0x90000048  }
0xb6: {  	_ =	sfence  }
0xb7: {  	s30 =	sld [smem:$0x0];
	_ =	sdelay $0x2  }
0xb8: {  	s31 =	sshll.u32 s1, $0xD;
	s1 =	sshrl.u32 s1, $0x2  }
0xb9: {  	s3 =	sand.u32 $0x4000, s31;
	s1 =	sadd.s32 s1, s30  }
0xba: {  	s0 =	sor.u32 s3, s0;
	s1 =	sshll.u32 s1, $0x11  }
0xbb: {  	s0 =	sor.u32 s1, s0  }
0xbc: {  	s0 =	sadd.s32 $0x8F2B, s0  }
0xbd: {  	[sflag:s0] =	ssyncadd.remote.s32 $0x1  }
0xbe: {  	_ =	sfence.sel $0xFFFF  }
0xbf: {  	[dreg:$0x0] =	wrdreg $0xFFFFFFFF;
	(pc) =	sbr.abs _section_cstart, $3  }
0xc0: {  	[dreg:$0x1] =	wrdreg $0xFFFFFFFF  }
0xc1: {  	_ =	task.clear_ibuf [dreg:s6], $0x2FFFF;
	_ =	strace $0x9FFFFFFF  }
0xc2: {  	(tm) =	ssettm $0x7FFFFFFF  }
0xc3: {  	_ =	shalt  }
tec
execute0_lowered:
.L_overlay_start_1:
0x0: {  	(tag) =	ssettag $0x1  }
0x1: {  	s5 =	rddreg [dreg:$0x0]  }
0x2: {  	s2 =	rddreg [dreg:$0x1]  }
0x3: {  	s0 =	rddreg [dreg:$0x2]  }
0x4: {  	s4 =	srdreg.scid;
	s1 =	stileid.u32  }
0x5: {  	s3 =	simm.s32 $0x0;
	s10 =	simm.s32 $0xE400;
	s11 =	simm.s32 $0x2800  }
0x6: {  	s12 =	simm.s32 $0x1;
	s15 =	simm.s32 $0x0;
	s4 =	sand.u32 $0x1, s4  }
0x7: {  	s6 =	sshll.u32 s1, $0x1;
	[smem:$0x7FF] =	sst s3;
	s9 =	smul.u32 $0x280, s1  }
0x8: {  	s13 =	sshll.u32 s1, $0x6;
	s6 =	sor.u32 s4, s6;
	s7 =	ssub.s32 $0x2, s4  }
0x9: {  	_ =	strace $0x80000047;
	p0 =	seq.s32 s4, $0x1;
	s13 =	sor.u32 $0x1C02, s13  }
0xa: {  	s6 =	smul.u32 $0x500, s6;
	s8 =	sshrl.u32 s7, $0x1;
	s10 =	simm.s32 @!p0 $0xDE00  }
0xb: {  	s4 =	sadd.s32 s9, s2;
	s30 =	sshrl.u32 s9, $0x3;
	s9 =	simm.s32 $0x2  }
0xc: {  	s7 =	ssub.s32 s7, s8;
	s31 =	sadd.s32 s10, s5;
	s8 =	simm.s32 $0x2880  }
0xd: {  	s10 =	simm.s32 $0x80;
	s14 =	sshrl.u32 s4, $0x3;
	s6 =	sadd.s32 s6, s5  }
0xe: {  	v0 =	vimm.f32 $0.0e+00;
	v1 =	vimm.f32 $1.000000000e+00;
	s5 =	sadd.s32 $0x3E00, s6;
	s6 =	smax.u32 s7, $0x1;
	s7 =	sadd.s32 s31, s30  }
.LBB2_1:
0xf: {  	[tilespmem:$0x2880] =	vst v0  }
0x10: {  	[tilespmem:$0x2890] =	vst v0  }
0x11: {  	[tilespmem:$0x28A0] =	vst v0  }
0x12: {  	[tilespmem:$0x28B0] =	vst v0  }
0x13: {  	[tilespmem:$0x28C0] =	vst v0  }
0x14: {  	[tilespmem:$0x28D0] =	vst v0  }
0x15: {  	[tilespmem:$0x28E0] =	vst v0  }
0x16: {  	[tilespmem:$0x28F0] =	vst v0  }
0x17: {  	[tilespmem:$0x2900] =	vst v0  }
0x18: {  	[tilespmem:$0x2910] =	vst v0  }
0x19: {  	[tilespmem:$0x2920] =	vst v0  }
0x1a: {  	[tilespmem:$0x2930] =	vst v0  }
0x1b: {  	[tilespmem:$0x2940] =	vst v0  }
0x1c: {  	[tilespmem:$0x2950] =	vst v0  }
0x1d: {  	[tilespmem:$0x2960] =	vst v0  }
0x1e: {  	[tilespmem:$0x2970] =	vst v0  }
0x1f: {  	[tilespmem:$0x2980] =	vst v0  }
0x20: {  	[tilespmem:$0x2990] =	vst v0  }
0x21: {  	[tilespmem:$0x29A0] =	vst v0  }
0x22: {  	[tilespmem:$0x29B0] =	vst v0  }
0x23: {  	[tilespmem:$0x29C0] =	vst v0  }
0x24: {  	[tilespmem:$0x29D0] =	vst v0  }
0x25: {  	[tilespmem:$0x29E0] =	vst v0  }
0x26: {  	[tilespmem:$0x29F0] =	vst v0  }
0x27: {  	[tilespmem:$0x2A00] =	vst v0  }
0x28: {  	[tilespmem:$0x2A10] =	vst v0  }
0x29: {  	[tilespmem:$0x2A20] =	vst v0  }
0x2a: {  	[tilespmem:$0x2A30] =	vst v0  }
0x2b: {  	[tilespmem:$0x2A40] =	vst v0  }
0x2c: {  	[tilespmem:$0x2A50] =	vst v0  }
0x2d: {  	[tilespmem:$0x2A60] =	vst v0  }
0x2e: {  	[tilespmem:$0x2A70] =	vst v0  }
0x2f: {  	[tilespmem:$0x2A80] =	vst v0  }
0x30: {  	[tilespmem:$0x2A90] =	vst v0  }
0x31: {  	[tilespmem:$0x2AA0] =	vst v0  }
0x32: {  	[tilespmem:$0x2AB0] =	vst v0  }
0x33: {  	[tilespmem:$0x2AC0] =	vst v0  }
0x34: {  	[tilespmem:$0x2AD0] =	vst v0  }
0x35: {  	[tilespmem:$0x2AE0] =	vst v0  }
0x36: {  	[tilespmem:$0x2AF0] =	vst v0  }
0x37: {  	[tilespmem:$0x2800] =	vst v1  }
0x38: {  	[tilespmem:$0x2810] =	vst v1  }
0x39: {  	[tilespmem:$0x2820] =	vst v1  }
0x3a: {  	[tilespmem:$0x2830] =	vst v1  }
0x3b: {  	[tilespmem:$0x2840] =	vst v1  }
0x3c: {  	[tilespmem:$0x2850] =	vst v1  }
0x3d: {  	[tilespmem:$0x2860] =	vst v1  }
0x3e: {  	[tilespmem:$0x2870] =	vst v1  }
0x3f: {  	[spmem:s4] =	stream.linear.scatter [tilespmem:s8], [sflag:$0x2], $0x280, $0x38;
	[tilespmem:$0x2D80] =	vst v63  }
0x40: {  	_ =	swait.ge [sflag:s9], $0x280  }
0x41: {  	[sflag:s9] =	ssyncset.done $0x0  }
0x42: {  	[sflag:s9] =	ssyncadd.s32 $0xFFFFFD80  }
0x43: {  	[tilespmem:s3], [sflag:$0x2] =	stream.linear.gather [hbm4b:s5+s3], $0x2800, $0x38;
	[tilespmem:$0x2D80] =	vst v63  }
0x44: {  	_ =	swait.ge [sflag:s9], $0x2800  }
0x45: {  	[sflag:s9] =	ssyncset.done $0x0  }
0x46: {  	[sflag:s9] =	ssyncadd.s32 $0xFFFFD800  }
0x47: {  	s16 =	simm.s32 $0x0;
	[bflag:$0x0] =	sbarrier.arrive $0xFFFF  }
.LBB2_2:
0x48: {  	p0 =	sne.s32 s16, $0x9E00  }
.Ltmp0:
0x49: {  	_ = 	snop;
	(pc) =	sbr.rel @p0 .LBB2_2-.Ltmp0, $3  }
0x4a: {  	_ =	sdelay $0x1  }
0x4b: {  	s17 =	sshra.s32 s16, $0x2;
	s16 =	sadd.s32 $0x200, s16  }
0x4c: {  	[spmem:s2] =	stream.indirect.scatter.add.f32 [tilespmem:s11], [sflag:$0x1], $0x1, s17, s10, $0xb8;
	[tilespmem:$0x2D80] =	vst v63  }
0x4d: {  	_ =	swait.ge [sflag:s12], $0x80  }
0x4e: {  	s16 =	simm.s32 $0x4F;
	[sflag:s12] =	ssyncset.done $0x0  }
.LBB2_4:
0x4f: {  	p0 =	sne.s32 s16, $0x1;
	s16 =	sadd.s32 $0xFFFFFFFF, s16;
	[sflag:s12] =	ssyncadd.s32 $0xFFFFFF80  }
.Ltmp1:
0x50: {  	(pc) =	sbr.rel @p0 .LBB2_4-.Ltmp1, $3  }
0x51: {  	_ =	sdelay $0x1  }
0x52: {  	_ =	swait.ge [sflag:s12], $0x80  }
0x53: {  	[sflag:s12] =	ssyncset.done $0x0  }
0x54: {  	s15 =	sadd.s32 $0x1, s15  }
0x55: {  	[sflag:s12] =	ssyncadd.s32 $0xFFFFFF80;
	p0 =	sne.s32 s15, s6  }
.Ltmp2:
0x56: {  	[bflag:$0x0] =	sbarrier.arrive $0xFFFF;
	(pc) =	sbr.rel @p0 .LBB2_1-.Ltmp2, $4  }
0x57: {  	[hbm:s7], [sflag:s13] =	dma.local [spmem:s14], $0x50  }
0x58: {  	_ =	swait.ge [sflag:s9], $0x50  }
0x59: {  	[sflag:s9] =	ssyncset.done $0x0  }
0x5a: {  	[sflag:s9] =	ssyncadd.s32 $0xFFFFFFB0  }
0x5b: {  	_ =	sfence.sel $0x180000  }
0x5c: {  	[bflag:$0x0] =	sbarrier.arrive $0xFFFF  }
0x5d: {  	p0 =	sne.s32 s1, $0x0;
	_ =	strace $0x90000047  }
0x5e: {  	s0 =	sadd.s32 @!p0 $0x100000, s0;
	[bflag:$0x2] =	sbarrier.arrive $0xFFFF  }
0x5f: {  	[sflag:s0] =	ssyncadd.tile.s32 @!p0 $0x1;
	_ =	shalt  }
.Lfunc_end2:
_tile_overlayer_lowered:
.L_overlay_start_2:
0x60: {  	(tag) =	ssettag $0x2  }
0x61: {  	s0 =	rddreg [dreg:$0x0];
	s2 =	stileid.u32  }
0x62: {  	s1 =	rddreg [dreg:$0x1];
	p0 =	sne.s32 s2, $0x0  }
0x63: {  	s3 =	rddreg [dreg:$0x2];
	[bflag:$0x3] =	sbarrier.arrive $0xFFFF;
	s2 =	simm.s32 @!p0 $0x1C02  }
0x64: {  	[timem:s3], [sflag:s2] =	dma.local @!p0 [hbm:s0], s1  }
0x65: {  	s0 =	simm.s32 @!p0 $0x2  }
0x66: {  	_ =	swait.ge @!p0 [sflag:s0], s1  }
0x67: {  	s1 =	ssub.s32 @!p0 $0x0, s1;
	[sflag:s0] =	ssyncset.done @!p0 $0x0  }
0x68: {  	[sflag:s0] =	ssyncadd.s32 @!p0 s1  }
0x69: {  	[bflag:$0x3] =	sbarrier.arrive $0xFFFF  }
0x6a: {  	_ =	shalt  }

// kernel: kernel.13.cloned.1.call-start
scs
__scs_entry_jumppad:
0x0: {  	(pc) =	sbr.rel $0x88, $3  }
0x1: {  	(tag) =	ssettag $0x0;
	lr =	simm.s32 $0x1  }
0x2: {  	[smem:$0x3F9C] =	sst lr;
	_ =	strace $0xD0000000  }
0x3: {  	_ = 	snop  }
0x4: {  	_ = 	snop  }
0x5: {  	_ = 	snop  }
0x6: {  	_ = 	snop  }
0x7: {  	_ = 	snop  }
__scs_overlays_trampoline_lowered:
0x8: {  	[smem:$0x3FAB] =	sst s0  }
0x9: {  	[smem:$0x3FAC] =	sst s1  }
0xa: {  	[smem:$0x3FAD] =	sst s2  }
0xb: {  	[smem:$0x3FAE] =	sst s3  }
0xc: {  	[smem:$0x3FAF] =	sst s4  }
0xd: {  	[smem:$0x3FB0] =	sst s5  }
0xe: {  	[smem:$0x3FB1] =	sst s6  }
0xf: {  	[smem:$0x3FB2] =	sst s7  }
0x10: {  	[smem:$0x3FB3] =	sst s8  }
0x11: {  	[smem:$0x3FB4] =	sst s9;
	s0 =	simm.s32 @!p0 $0x0  }
0x12: {  	s1 =	sld [smem:$0x3F9A];
	s0 =	simm.s32 @p0 $0x1  }
0x13: {  	[smem:$0x3FB5] =	sst s0;
	s0 =	simm.s32 @!p1 $0x0  }
0x14: {  	s2 =	sld [smem:$0x3F99];
	s0 =	simm.s32 @p1 $0x1  }
0x15: {  	[smem:$0x3FB6] =	sst s0;
	s0 =	simm.s32 @!p2 $0x0  }
0x16: {  	s3 =	sld [smem:$0x3FDB];
	s0 =	simm.s32 @p2 $0x1  }
0x17: {  	s4 =	simm.s32 $0x1BF5;
	[smem:$0x3FB8] =	sst s0  }
0x18: {  	s0 =	sld [smem:$0x3F9B];
	_ =	swait.ge [sflag:s4], $0x0  }
0x19: {  	s7 =	sld [smem:$0x3F9C]  }
0x1a: {  	s8 =	sadd.s32 $0xFFFFE003, lr  }
0x1b: {  	s9 =	sadd.s32 $0xFFFFFEF7, lr;
	s5 =	simm.s32 $0xFFFFFFFF;
	p2 =	slt.u32 s8, $0xFFFFF086  }
0x1c: {  	p1 =	slt.u32 s9, $0xF7A;
	s5 =	simm.s32 @!p2 $0x0  }
0x1d: {  	s5 =	simm.s32 @p1 $0x1;
	p0 =	seq.s32 s7, s2  }
0x1e: {  	s7 =	smul.u32 @!p0 $0xF7A, s2;
	p2 =	seq.s32 @!p0 s5, $0x0  }
0x1f: {  	s9 =	smul.u32 $0xF7A, s1;
	s8 =	simm.s32 @!p0 $0x1BF5;
	p2 =	por !p2, p0  }
0x20: {  	[sflag:s8] =	ssyncset.s32 @!p0 $0xFFFFF086;
	s6 =	sadd.s32 @!p0 s3, s7;
	s7 =	simm.s32 @!p0 $0x108  }
0x21: {  	s3 =	sadd.s32 s3, s9;
	s6 =	sadd.s32 @!p0 $0x88, s6;
	s7 =	simm.s32 @p2 $0x1082  }
0x22: {  	[simem:s7], [sflag:s8] =	dma.local @!p0 [hbm:s6], $0xF7A  }
0x23: {  	s9 =	sor.u32 $0xD0000000, s2;
	s6 =	simm.s32 $0x108;
	_ =	swait.ge @!p0 [sflag:s8], $0x0  }
0x24: {  	s3 =	sadd.s32 $0x88, s3;
	s6 =	simm.s32 @!p1 $0x1082;
	[sflag:s4] =	ssyncset.s32 $0xFFFFF086  }
0x25: {  	[simem:s6], [sflag:s4] =	dma.local [hbm:s3], $0xF7A  }
0x26: {  	[smem:$0x3F9C] =	sst s1;
	(tag) =	ssettag s2;
	_ =	strace s9  }
0x27: {  	s1 =	sld [smem:$0x3FAC]  }
0x28: {  	s2 =	sld [smem:$0x3FAD]  }
0x29: {  	s4 =	sld [smem:$0x3FAF]  }
0x2a: {  	p0 =	seq.s32 s5, $0x0;
	s5 =	sld [smem:$0x3FB0]  }
0x2b: {  	s6 =	sld [smem:$0x3FB1]  }
0x2c: {  	s7 =	sld [smem:$0x3FB2]  }
0x2d: {  	s3 =	simm.s32 $0x108;
	s8 =	sld [smem:$0x3FB3]  }
0x2e: {  	s3 =	simm.s32 @!p0 $0x1082;
	s9 =	sld [smem:$0x3FB4]  }
0x2f: {  	lr =	sadd.s32 s0, s3;
	s0 =	sld [smem:$0x3FAB]  }
0x30: {  	s3 =	sld [smem:$0x3FAE]  }
0x31: {  	[smem:$0x3FB7] =	sst s10  }
0x32: {  	s10 =	sld [smem:$0x3FB5];
	_ =	sdelay $0x3  }
0x33: {  	p0 =	seq.s32 s10, $0x1;
	s10 =	sld [smem:$0x3FB7];
	_ =	sdelay $0x3  }
0x34: {  	[smem:$0x3FB7] =	sst s10  }
0x35: {  	s10 =	sld [smem:$0x3FB6];
	_ =	sdelay $0x3  }
0x36: {  	p1 =	seq.s32 s10, $0x1;
	s10 =	sld [smem:$0x3FB7];
	_ =	sdelay $0x3  }
0x37: {  	[smem:$0x3FB7] =	sst s10  }
0x38: {  	s10 =	sld [smem:$0x3FB8]  }
0x39: {  	_ = 	snop;
	(pc) =	sbr.ind lr, $3  }
0x3a: {  	_ = 	snop  }
0x3b: {  	_ = 	snop  }
0x3c: {  	p2 =	seq.s32 s10, $0x1;
	s10 =	sld [smem:$0x3FB7]  }
0x3d: {  	_ =	shalt  }
0x3e: {  	_ =	shalt  }
0x3f: {  	_ =	shalt  }
0x40: {  	_ =	shalt  }
0x41: {  	_ =	shalt  }
0x42: {  	_ =	shalt  }
0x43: {  	_ =	shalt  }
0x44: {  	_ =	shalt  }
0x45: {  	_ =	shalt  }
0x46: {  	_ =	shalt  }
0x47: {  	_ =	shalt  }
0x48: {  	_ =	shalt  }
0x49: {  	_ =	shalt  }
0x4a: {  	_ =	shalt  }
0x4b: {  	_ =	shalt  }
0x4c: {  	_ =	shalt  }
0x4d: {  	_ =	shalt  }
0x4e: {  	_ =	shalt  }
0x4f: {  	_ =	shalt  }
0x50: {  	_ =	shalt  }
0x51: {  	_ =	shalt  }
0x52: {  	_ =	shalt  }
0x53: {  	_ =	shalt  }
0x54: {  	_ =	shalt  }
0x55: {  	_ =	shalt  }
0x56: {  	_ =	shalt  }
0x57: {  	_ =	shalt  }
0x58: {  	_ =	shalt  }
0x59: {  	_ =	shalt  }
0x5a: {  	_ =	shalt  }
0x5b: {  	_ =	shalt  }
0x5c: {  	_ =	shalt  }
0x5d: {  	_ =	shalt  }
0x5e: {  	_ =	shalt  }
0x5f: {  	_ =	shalt  }
0x60: {  	_ =	shalt  }
0x61: {  	_ =	shalt  }
0x62: {  	_ =	shalt  }
0x63: {  	_ =	shalt  }
0x64: {  	_ =	shalt  }
0x65: {  	_ =	shalt  }
0x66: {  	_ =	shalt  }
0x67: {  	_ =	shalt  }
0x68: {  	_ =	shalt  }
0x69: {  	_ =	shalt  }
0x6a: {  	_ =	shalt  }
0x6b: {  	_ =	shalt  }
0x6c: {  	_ =	shalt  }
0x6d: {  	_ =	shalt  }
0x6e: {  	_ =	shalt  }
0x6f: {  	_ =	shalt  }
0x70: {  	_ =	shalt  }
0x71: {  	_ =	shalt  }
0x72: {  	_ =	shalt  }
0x73: {  	_ =	shalt  }
0x74: {  	_ =	shalt  }
0x75: {  	_ =	shalt  }
0x76: {  	_ =	shalt  }
0x77: {  	_ =	shalt  }
0x78: {  	_ =	shalt  }
0x79: {  	_ =	shalt  }
0x7a: {  	_ =	shalt  }
0x7b: {  	_ =	shalt  }
0x7c: {  	_ =	shalt  }
0x7d: {  	_ =	shalt  }
0x7e: {  	_ =	shalt  }
0x7f: {  	_ =	shalt  }
0x80: {  	_ =	shalt  }
0x81: {  	_ =	shalt  }
0x82: {  	_ =	shalt  }
0x83: {  	_ =	shalt  }
0x84: {  	_ =	shalt  }
0x85: {  	_ =	shalt  }
0x86: {  	_ =	shalt  }
0x87: {  	_ =	shalt  }
.Lfunc_end0:
.L_simem_size_0:
called_computation.1_lowered:
.L_overlay_start_0:
0x88: {  	s2 =	sld [smem:$0x3FD9]  }
0x89: {  	s3 =	sld [smem:$0x3FFE];
	_ =	sdelay $0x1  }
0x8a: {  	s1 =	srdreg.scid  }
0x8b: {  	s0 =	sand.u32 $0x1, s1  }
0x8c: {  	s17 =	sshll.u32 s0, $0xA;
	s2 =	sadd.s32 s3, s2  }
0x8d: {  	s2 =	sadd.s32 s2, s17  }
0x8e: {  	[smem:$0x3FC3] =	sst s2  }
0x8f: {  	_ = 	snop  }
0x90: {  	s2 =	sld [smem:$0x3FD0];
	(tm) =	ssettm $0x1  }
0x91: {  	s18 =	sld [smem:$0x3FFB];
	_ =	sdelay $0x3  }
0x92: {  	_ =	strace s18  }
0x93: {  	s3 =	sld [smem:$0x3FFC];
	_ =	sdelay $0x3  }
0x94: {  	_ =	strace s3  }
0x95: {  	s3 =	sld [smem:$0x3FFD];
	_ =	sdelay $0x3  }
0x96: {  	_ =	strace s3  }
0x97: {  	_ =	strace $0x8FFFFFFF  }
0x98: {  	s19 =	sld [smem:$0x3FDB];
	_ =	sdelay $0x1  }
0x99: {  	s4 =	simm.s32 $_scs_section_size  }
0x9a: {  	s5 =	simm.s32 $_size__tile_overlayer_lowered;
	s6 =	simm.s32 $_tile_overlayer_lowered  }
0x9b: {  	s22 =	simm.s32 $0x1BFF;
	s21 =	sshll.u32 s6, $0x1;
	s3 =	sadd.s32 s4, s19  }
0x9c: {  	s7 =	simm.s32 $0x0;
	s20 =	sshll.u32 s5, $0x1;
	s5 =	sadd.s32 s21, s3  }
0x9d: {  	[timem:s7], [sflag:s22] =	dma.local [hbm:s5], s20  }
0x9e: {  	_ =	swait.ge [sflag:s22], s20  }
0x9f: {  	s4 =	ssub.s32 $0x0, s20;
	[sflag:s22] =	ssyncset.done $0x0  }
0xa0: {  	[sflag:s22] =	ssyncadd.s32 s4;
	_ =	sdelay $0x1  }
0xa1: {  	s23 =	simm.s32 $0x1B8B  }
0xa2: {  	_ =	swait.ge [sflag:s23], $0x1  }
0xa3: {  	[sflag:s23] =	ssyncset.done $0x0  }
0xa4: {  	s25 =	simm.s32 $0x1B8E;
	s24 =	sld [smem:$0x3FFE];
	[sflag:s23] =	ssyncadd.s32 $0xFFFFFFFF  }
0xa5: {  	s26 =	simm.s32 $execute0_lowered;
	[smem:$0x3FD2] =	sst s25  }
0xa6: {  	s5 =	sshll.u32 s26, $0x1;
	_ =	strace $0x80000049;
	[dreg:$0x1] =	wrdreg $0xFFFFFFFF  }
0xa7: {  	s28 =	simm.s32 $_size_execute0_lowered;
	s3 =	sadd.s32 s3, s5;
	[dreg:$0x0] =	wrdreg $0x0  }
0xa8: {  	s5 =	sshll.u32 s28, $0x1;
	[dreg:$0x2] =	wrdreg s3  }
0xa9: {  	[dreg:$0x3] =	wrdreg s5  }
0xaa: {  	[dreg:$0x4] =	wrdreg $0xC0  }
0xab: {  	_ =	task [dreg:s7], $0x5FFFF  }
0xac: {  	[dreg:$0x1] =	wrdreg $0xFFFFFFFF  }
0xad: {  	[dreg:$0x0] =	wrdreg $0x60  }
0xae: {  	[dreg:$0x2] =	wrdreg s24  }
0xaf: {  	[dreg:$0x3] =	wrdreg s2  }
0xb0: {  	[dreg:$0x4] =	wrdreg $0xA8000  }
0xb1: {  	[dreg:$0x5] =	wrdreg $0x9  }
0xb2: {  	_ =	task.clear_ibuf [dreg:s7], $0x6FFFF;
	_ =	strace $0x90000049  }
0xb3: {  	s29 =	simm.s32 $0x9;
	_ =	strace $0x8000004B  }
0xb4: {  	_ =	swait.ge [sflag:s29], $0x1  }
0xb5: {  	[sflag:s29] =	ssyncadd.s32 $0xFFFFFFFF  }
0xb6: {  	_ =	strace $0x9000004B  }
0xb7: {  	_ =	sfence  }
0xb8: {  	s30 =	sld [smem:$0x0];
	_ =	sdelay $0x2  }
0xb9: {  	s31 =	sshll.u32 s1, $0xD;
	s1 =	sshrl.u32 s1, $0x2  }
0xba: {  	s3 =	sand.u32 $0x4000, s31;
	s1 =	sadd.s32 s1, s30  }
0xbb: {  	s0 =	sor.u32 s3, s0;
	s1 =	sshll.u32 s1, $0x11  }
0xbc: {  	s0 =	sor.u32 s1, s0  }
0xbd: {  	s0 =	sadd.s32 $0x8F2B, s0  }
0xbe: {  	[sflag:s0] =	ssyncadd.remote.s32 $0x1  }
0xbf: {  	_ =	sfence.sel $0xFFFF  }
0xc0: {  	[dreg:$0x0] =	wrdreg $0xFFFFFFFF;
	(pc) =	sbr.abs _section_cstart, $3  }
0xc1: {  	[dreg:$0x1] =	wrdreg $0xFFFFFFFF  }
0xc2: {  	_ =	task.clear_ibuf [dreg:s7], $0x2FFFF;
	_ =	strace $0x9FFFFFFF  }
0xc3: {  	(tm) =	ssettm $0x7FFFFFFF  }
tec
execute0_lowered:
.L_overlay_start_1:
0x0: {  	(tag) =	ssettag $0x1  }
0x1: {  	s0 =	rddreg [dreg:$0x0]  }
0x2: {  	s13 =	rddreg [dreg:$0x1]  }
0x3: {  	s1 =	rddreg [dreg:$0x2];
	s2 =	simm.s32 $0x0  }
0x4: {  	s3 =	srdreg.scid;
	s24 =	stileid.u32;
	s19 =	simm.s32 $0x35E00  }
0x5: {  	s20 =	simm.s32 $0x3;
	s21 =	simm.s32 $0x1400;
	s22 =	simm.s32 $0x80  }
0x6: {  	s23 =	simm.s32 $0x2800;
	s28 =	simm.s32 $0x2700;
	s29 =	simm.s32 $0x2780  }
0x7: {  	s30 =	simm.s32 $0x0;
	[smem:$0x7FF] =	sst s2;
	s17 =	sand.u32 $0x1, s3  }
0x8: {  	s4 =	sadd.s32 $0xDE00, s0;
	s7 =	smul.u32 $0x50000, s24;
	s14 =	sadd.s32 $0x3E00, s0  }
0x9: {  	s25 =	sshll.u32 s24, $0x1;
	s16 =	smul.u32 $0x2800, s24;
	_ =	strace $0x8000004A  }
0xa: {  	s5 =	ssub.s32 $0x2, s17;
	s26 =	sor.u32 s17, s25;
	p0 =	seq.s32 s17, $0x0  }
0xb: {  	s25 =	simm.s32 $0x1;
	s6 =	sshrl.u32 s5, $0x1;
	s31 =	sshrl.u32 s7, $0x2  }
0xc: {  	s11 =	smul.u32 $0x2800, s26;
	s10 =	sadd.s32 s4, s16;
	s19 =	simm.s32 @!p0 $0x5DE00  }
0xd: {  	p0 =	sne.s32 s17, $0x0;
	s17 =	sshll.u32 s24, $0x6;
	s24 =	simm.s32 $0x6800  }
0xe: {  	s26 =	simm.s32 $0x2;
	s15 =	ssub.s32 s5, s6;
	s5 =	sadd.s32 s31, s1  }
0xf: {  	s0 =	sadd.s32 s19, s0;
	s6 =	sadd.s32 $0x4000, s5;
	s7 =	sadd.s32 $0x8000, s5  }
0x10: {  	s8 =	sadd.s32 $0xC000, s5;
	s9 =	sadd.s32 $0x10000, s5;
	s12 =	sshrl.u32 s11, $0x3  }
0x11: {  	s15 =	smax.u32 s15, $0x1;
	s16 =	sadd.s32 s0, s16;
	s19 =	sshrl.u32 s5, $0x3  }
0x12: {  	s11 =	sadd.s32 s13, s12;
	s18 =	sadd.s32 $0x280, s12;
	s12 =	sadd.s32 s14, s12  }
0x13: {  	v0 =	vimm.f32 $0.0e+00;
	s13 =	sadd.s32 s13, s18;
	s14 =	sadd.s32 s14, s18;
	s18 =	sor.u32 $0x1C01, s17  }
.LBB2_1:
.Ltmp0:
0x14: {  	(pc) =	sbr.rel @p0 .LBB2_3-.Ltmp0, $1  }
0x15: {  	_ =	sdelay $0x3  }
.Ltmp1:
0x16: {  	(pc) =	sbr.rel .LBB2_6-.Ltmp1, $2  }
0x17: {  	_ =	sdelay $0x2  }
0x18: {  	[spmem:s19], [sflag:s18] =	dma.local [hbm:s10], $0x2800  }
.LBB2_3:
0x19: {  	s31 =	sshra.s32 s2, $0x2;
	s0 =	sadd.s32 $0x200, s2  }
.LBB2_4:
0x1a: {  	p1 =	sne.s32 s0, $0xFE00;
	[tilespmem:s31+$0x2870] =	vst v0  }
0x1b: {  	[tilespmem:s31+$0x2800] =	vst v0  }
0x1c: {  	[tilespmem:s31+$0x2810] =	vst v0  }
.Ltmp2:
0x1d: {  	[tilespmem:s31+$0x2820] =	vst v0;
	(pc) =	sbr.rel @p1 .LBB2_4-.Ltmp2, $4  }
0x1e: {  	[tilespmem:s31+$0x2830] =	vst v0  }
0x1f: {  	[tilespmem:s31+$0x2840] =	vst v0  }
0x20: {  	[tilespmem:s31+$0x2850] =	vst v0  }
0x21: {  	[tilespmem:s31+$0x2860] =	vst v0;
	s31 =	sshra.s32 s0, $0x2;
	s0 =	sadd.s32 $0x200, s0  }
0x22: {  	[tilespmem:s31+$0x2870] =	vst v0  }
0x23: {  	[tilespmem:s31+$0x2800] =	vst v0  }
0x24: {  	[tilespmem:s31+$0x2810] =	vst v0  }
0x25: {  	[tilespmem:s31+$0x2820] =	vst v0  }
0x26: {  	[tilespmem:s31+$0x2830] =	vst v0  }
0x27: {  	[tilespmem:s31+$0x2840] =	vst v0  }
0x28: {  	[tilespmem:s31+$0x2850] =	vst v0  }
0x29: {  	[tilespmem:s31+$0x2860] =	vst v0  }
0x2a: {  	[spmem:s5] =	stream.linear.scatter [tilespmem:s23], [sflag:$0x1], $0x4000, $0x38;
	[tilespmem:$0x1E800] =	vst v63  }
0x2b: {  	_ = 	snop  }
0x2c: {  	[spmem:s6] =	stream.linear.scatter [tilespmem:s23], [sflag:$0x1], $0x4000, $0x38;
	[tilespmem:$0x1E800] =	vst v63  }
0x2d: {  	_ = 	snop  }
0x2e: {  	[spmem:s7] =	stream.linear.scatter [tilespmem:s23], [sflag:$0x1], $0x4000, $0x38;
	[tilespmem:$0x1E800] =	vst v63  }
0x2f: {  	_ = 	snop  }
0x30: {  	[spmem:s8] =	stream.linear.scatter [tilespmem:s23], [sflag:$0x1], $0x4000, $0x38;
	[tilespmem:$0x1E800] =	vst v63  }
0x31: {  	_ = 	snop  }
0x32: {  	[spmem:s9] =	stream.linear.scatter [tilespmem:s23], [sflag:$0x1], $0x4000, $0x38;
	[tilespmem:$0x1E800] =	vst v63  }
.LBB2_6:
0x33: {  	[tilespmem:s2], [sflag:$0x3] =	stream.linear.gather [hbm4b:s11+s2], $0x1400, $0x38;
	[tilespmem:$0x1E800] =	vst v63  }
0x34: {  	_ =	swait.ge [sflag:s20], $0x1400  }
0x35: {  	[sflag:s20] =	ssyncset.done $0x0  }
0x36: {  	[sflag:s20] =	ssyncadd.s32 $0xFFFFEC00  }
0x37: {  	[tilespmem:s21], [sflag:$0x3] =	stream.linear.gather [hbm4b:s12+s2], $0x1400, $0x38;
	[tilespmem:$0x1E800] =	vst v63  }
0x38: {  	_ =	swait.ge [sflag:s20], $0x1400  }
0x39: {  	[sflag:s20] =	ssyncset.done $0x0  }
0x3a: {  	s0 =	simm.s32 @p0 $0x1;
	[sflag:s20] =	ssyncadd.s32 $0xFFFFEC00  }
0x3b: {  	_ =	swait.ge @p0 [sflag:s0], $0x4000  }
0x3c: {  	[sflag:s0] =	ssyncset.done @p0 $0x0  }
0x3d: {  	[sflag:s0] =	ssyncadd.s32 @p0 $0xFFFFC000  }
0x3e: {  	_ =	swait.ge @p0 [sflag:s0], $0x4000  }
0x3f: {  	[sflag:s0] =	ssyncset.done @p0 $0x0  }
0x40: {  	[sflag:s0] =	ssyncadd.s32 @p0 $0xFFFFC000  }
0x41: {  	_ =	swait.ge @p0 [sflag:s0], $0x4000  }
0x42: {  	[sflag:s0] =	ssyncset.done @p0 $0x0  }
0x43: {  	[sflag:s0] =	ssyncadd.s32 @p0 $0xFFFFC000  }
0x44: {  	_ =	swait.ge @p0 [sflag:s0], $0x4000  }
0x45: {  	[sflag:s0] =	ssyncset.done @p0 $0x0  }
0x46: {  	[sflag:s0] =	ssyncadd.s32 @p0 $0xFFFFC000  }
0x47: {  	_ =	swait.ge @p0 [sflag:s0], $0x4000  }
0x48: {  	[sflag:s0] =	ssyncset.done @p0 $0x0  }
0x49: {  	[sflag:s0] =	ssyncadd.s32 @p0 $0xFFFFC000;
	s0 =	simm.s32 @!p0 $0x1  }
0x4a: {  	_ =	swait.ge @!p0 [sflag:s0], $0x2800  }
0x4b: {  	[sflag:s0] =	ssyncset.done @!p0 $0x0  }
0x4c: {  	[sflag:s0] =	ssyncadd.s32 @!p0 $0xFFFFD800  }
0x4d: {  	s3 =	simm.s32 $0x0;
	[bflag:$0x0] =	sbarrier.arrive $0xFFFF  }
0x4e: {  	[tilespmem:s23], [sflag:$0x1] =	stream.indirect.gather [hbm4b:s4+s22], $0x80, s3, s22, $0xb8;
	[tilespmem:$0x1E800] =	vst v63  }
0x4f: {  	_ = 	snop  }
0x50: {  	[tilespmem:s24], [sflag:$0x2] =	stream.indirect.gather [hbm4b:s4+s22], $0x80, s22, s22, $0xb8;
	[tilespmem:$0x1E800] =	vst v63  }
0x51: {  	_ =	swait.ge [sflag:s25], $0x4000  }
0x52: {  	[sflag:s25] =	ssyncset.done $0x0  }
0x53: {  	s3 =	simm.s32 $0x1400;
	[sflag:s25] =	ssyncadd.s32 $0xFFFFC000  }
0x54: {  	[spmem:s1] =	stream.indirect.scatter.add.f32 [tilespmem:s23], [sflag:$0x3], $0x80, s3, s22, $0xb8;
	[tilespmem:$0x1E800] =	vst v63  }
0x55: {  	_ =	swait.ge [sflag:s20], $0x4000  }
0x56: {  	[sflag:s20] =	ssyncset.done $0x0  }
0x57: {  	s3 =	simm.s32 $0x100;
	[sflag:s20] =	ssyncadd.s32 $0xFFFFC000  }
0x58: {  	[tilespmem:s23], [sflag:$0x1] =	stream.indirect.gather [hbm4b:s4+s22], $0x80, s3, s22, $0xb8;
	[tilespmem:$0x1E800] =	vst v63  }
0x59: {  	_ =	swait.ge [sflag:s26], $0x4000  }
0x5a: {  	[sflag:s26] =	ssyncset.done $0x0  }
0x5b: {  	s3 =	simm.s32 $0x1480;
	[sflag:s26] =	ssyncadd.s32 $0xFFFFC000  }
0x5c: {  	[spmem:s1] =	stream.indirect.scatter.add.f32 [tilespmem:s24], [sflag:$0x3], $0x80, s3, s22, $0xb8;
	[tilespmem:$0x1E800] =	vst v63  }
0x5d: {  	_ =	swait.ge [sflag:s20], $0x4000  }
0x5e: {  	[sflag:s20] =	ssyncset.done $0x0  }
0x5f: {  	s31 =	simm.s32 $0x400;
	s0 =	simm.s32 $0x180;
	[sflag:s20] =	ssyncadd.s32 $0xFFFFC000  }
.LBB2_7:
0x60: {  	[tilespmem:s24], [sflag:$0x2] =	stream.indirect.gather [hbm4b:s4+s22], $0x80, s0, s22, $0xb8;
	[tilespmem:$0x1E800] =	vst v63  }
0x61: {  	s0 =	smov.u32 s31  }
0x62: {  	p1 =	sne.s32 s31, $0x4800;
	s31 =	sadd.s32 $0x400, s31;
	_ =	swait.ge [sflag:s25], $0x4000  }
0x63: {  	s0 =	sshra.s32 s0, $0x2;
	[sflag:s25] =	ssyncset.done $0x0  }
0x64: {  	s3 =	sadd.s32 $0x1400, s0;
	[sflag:s25] =	ssyncadd.s32 $0xFFFFC000  }
0x65: {  	[spmem:s1] =	stream.indirect.scatter.add.f32 [tilespmem:s23], [sflag:$0x3], $0x80, s3, s22, $0xb8;
	[tilespmem:$0x1E800] =	vst v63  }
0x66: {  	_ =	swait.ge [sflag:s20], $0x4000  }
0x67: {  	[sflag:s20] =	ssyncset.done $0x0  }
0x68: {  	s3 =	sadd.s32 $0x100, s0;
	[sflag:s20] =	ssyncadd.s32 $0xFFFFC000  }
0x69: {  	[tilespmem:s23], [sflag:$0x1] =	stream.indirect.gather [hbm4b:s4+s22], $0x80, s3, s22, $0xb8;
	[tilespmem:$0x1E800] =	vst v63  }
0x6a: {  	_ =	swait.ge [sflag:s26], $0x4000  }
0x6b: {  	[sflag:s26] =	ssyncset.done $0x0  }
.Ltmp3:
0x6c: {  	s3 =	sadd.s32 $0x1480, s0;
	[sflag:s26] =	ssyncadd.s32 $0xFFFFC000;
	(pc) =	sbr.rel @p1 .LBB2_7-.Ltmp3, $4  }
0x6d: {  	[spmem:s1] =	stream.indirect.scatter.add.f32 [tilespmem:s24], [sflag:$0x3], $0x80, s3, s22, $0xb8;
	[tilespmem:$0x1E800] =	vst v63  }
0x6e: {  	_ =	swait.ge [sflag:s20], $0x4000  }
0x6f: {  	[sflag:s20] =	ssyncset.done $0x0  }
0x70: {  	s0 =	sadd.s32 $0x180, s0;
	[sflag:s20] =	ssyncadd.s32 $0xFFFFC000  }
0x71: {  	[tilespmem:s24], [sflag:$0x2] =	stream.indirect.gather [hbm4b:s4+s22], $0x80, s0, s22, $0xb8;
	[tilespmem:$0x1E800] =	vst v63  }
0x72: {  	_ =	swait.ge [sflag:s25], $0x4000  }
0x73: {  	[sflag:s25] =	ssyncset.done $0x0  }
0x74: {  	[sflag:s25] =	ssyncadd.s32 $0xFFFFC000  }
0x75: {  	[spmem:s1] =	stream.indirect.scatter.add.f32 [tilespmem:s23], [sflag:$0x3], $0x80, s28, s22, $0xb8;
	[tilespmem:$0x1E800] =	vst v63  }
0x76: {  	_ =	swait.ge [sflag:s20], $0x4000  }
0x77: {  	[sflag:s20] =	ssyncset.done $0x0  }
0x78: {  	[sflag:s20] =	ssyncadd.s32 $0xFFFFC000  }
0x79: {  	_ =	swait.ge [sflag:s26], $0x4000  }
0x7a: {  	[sflag:s26] =	ssyncset.done $0x0  }
0x7b: {  	[sflag:s26] =	ssyncadd.s32 $0xFFFFC000  }
0x7c: {  	[spmem:s1] =	stream.indirect.scatter.add.f32 [tilespmem:s24], [sflag:$0x3], $0x80, s29, s22, $0xb8;
	[tilespmem:$0x1E800] =	vst v63  }
0x7d: {  	_ =	swait.ge [sflag:s20], $0x4000  }
0x7e: {  	[sflag:s20] =	ssyncset.done $0x0  }
0x7f: {  	s3 =	simm.s32 $0x0;
	[sflag:s20] =	ssyncadd.s32 $0xFFFFC000  }
0x80: {  	[tilespmem:s3], [sflag:$0x3] =	stream.linear.gather [hbm4b:s13+s3], $0x1400, $0x38;
	[tilespmem:$0x1E800] =	vst v63  }
0x81: {  	_ =	swait.ge [sflag:s20], $0x1400  }
0x82: {  	[sflag:s20] =	ssyncset.done $0x0  }
0x83: {  	[sflag:s20] =	ssyncadd.s32 $0xFFFFEC00  }
0x84: {  	[tilespmem:s21], [sflag:$0x3] =	stream.linear.gather [hbm4b:s14+s3], $0x1400, $0x38;
	[tilespmem:$0x1E800] =	vst v63  }
0x85: {  	_ =	swait.ge [sflag:s20], $0x1400  }
0x86: {  	[sflag:s20] =	ssyncset.done $0x0  }
0x87: {  	[sflag:s20] =	ssyncadd.s32 $0xFFFFEC00  }
0x88: {  	[tilespmem:s23], [sflag:$0x1] =	stream.indirect.gather [hbm4b:s4+s22], $0x80, s3, s22, $0xb8;
	[tilespmem:$0x1E800] =	vst v63  }
0x89: {  	_ = 	snop  }
0x8a: {  	[tilespmem:s24], [sflag:$0x2] =	stream.indirect.gather [hbm4b:s4+s22], $0x80, s22, s22, $0xb8;
	[tilespmem:$0x1E800] =	vst v63  }
0x8b: {  	_ =	swait.ge [sflag:s25], $0x4000  }
0x8c: {  	[sflag:s25] =	ssyncset.done $0x0  }
0x8d: {  	s3 =	simm.s32 $0x1400;
	[sflag:s25] =	ssyncadd.s32 $0xFFFFC000  }
0x8e: {  	[spmem:s1] =	stream.indirect.scatter.add.f32 [tilespmem:s23], [sflag:$0x3], $0x80, s3, s22, $0xb8;
	[tilespmem:$0x1E800] =	vst v63  }
0x8f: {  	_ =	swait.ge [sflag:s20], $0x4000  }
0x90: {  	[sflag:s20] =	ssyncset.done $0x0  }
0x91: {  	s3 =	simm.s32 $0x100;
	[sflag:s20] =	ssyncadd.s32 $0xFFFFC000  }
0x92: {  	[tilespmem:s23], [sflag:$0x1] =	stream.indirect.gather [hbm4b:s4+s22], $0x80, s3, s22, $0xb8;
	[tilespmem:$0x1E800] =	vst v63  }
0x93: {  	_ =	swait.ge [sflag:s26], $0x4000  }
0x94: {  	[sflag:s26] =	ssyncset.done $0x0  }
0x95: {  	s3 =	simm.s32 $0x1480;
	[sflag:s26] =	ssyncadd.s32 $0xFFFFC000  }
0x96: {  	[spmem:s1] =	stream.indirect.scatter.add.f32 [tilespmem:s24], [sflag:$0x3], $0x80, s3, s22, $0xb8;
	[tilespmem:$0x1E800] =	vst v63  }
0x97: {  	_ =	swait.ge [sflag:s20], $0x4000  }
0x98: {  	[sflag:s20] =	ssyncset.done $0x0  }
0x99: {  	s31 =	simm.s32 $0x400;
	s0 =	simm.s32 $0x180;
	[sflag:s20] =	ssyncadd.s32 $0xFFFFC000  }
.LBB2_9:
0x9a: {  	[tilespmem:s24], [sflag:$0x2] =	stream.indirect.gather [hbm4b:s4+s22], $0x80, s0, s22, $0xb8;
	[tilespmem:$0x1E800] =	vst v63  }
0x9b: {  	s0 =	smov.u32 s31  }
0x9c: {  	p1 =	sne.s32 s31, $0x4800;
	s31 =	sadd.s32 $0x400, s31;
	_ =	swait.ge [sflag:s25], $0x4000  }
0x9d: {  	s0 =	sshra.s32 s0, $0x2;
	[sflag:s25] =	ssyncset.done $0x0  }
0x9e: {  	s3 =	sadd.s32 $0x1400, s0;
	[sflag:s25] =	ssyncadd.s32 $0xFFFFC000  }
0x9f: {  	[spmem:s1] =	stream.indirect.scatter.add.f32 [tilespmem:s23], [sflag:$0x3], $0x80, s3, s22, $0xb8;
	[tilespmem:$0x1E800] =	vst v63  }
0xa0: {  	_ =	swait.ge [sflag:s20], $0x4000  }
0xa1: {  	[sflag:s20] =	ssyncset.done $0x0  }
0xa2: {  	s3 =	sadd.s32 $0x100, s0;
	[sflag:s20] =	ssyncadd.s32 $0xFFFFC000  }
0xa3: {  	[tilespmem:s23], [sflag:$0x1] =	stream.indirect.gather [hbm4b:s4+s22], $0x80, s3, s22, $0xb8;
	[tilespmem:$0x1E800] =	vst v63  }
0xa4: {  	_ =	swait.ge [sflag:s26], $0x4000  }
0xa5: {  	[sflag:s26] =	ssyncset.done $0x0  }
.Ltmp4:
0xa6: {  	s3 =	sadd.s32 $0x1480, s0;
	[sflag:s26] =	ssyncadd.s32 $0xFFFFC000;
	(pc) =	sbr.rel @p1 .LBB2_9-.Ltmp4, $4  }
0xa7: {  	[spmem:s1] =	stream.indirect.scatter.add.f32 [tilespmem:s24], [sflag:$0x3], $0x80, s3, s22, $0xb8;
	[tilespmem:$0x1E800] =	vst v63  }
0xa8: {  	_ =	swait.ge [sflag:s20], $0x4000  }
0xa9: {  	[sflag:s20] =	ssyncset.done $0x0  }
0xaa: {  	s0 =	sadd.s32 $0x180, s0;
	[sflag:s20] =	ssyncadd.s32 $0xFFFFC000  }
0xab: {  	[tilespmem:s24], [sflag:$0x2] =	stream.indirect.gather [hbm4b:s4+s22], $0x80, s0, s22, $0xb8;
	[tilespmem:$0x1E800] =	vst v63  }
0xac: {  	_ =	swait.ge [sflag:s25], $0x4000  }
0xad: {  	[sflag:s25] =	ssyncset.done $0x0  }
0xae: {  	[sflag:s25] =	ssyncadd.s32 $0xFFFFC000  }
0xaf: {  	[spmem:s1] =	stream.indirect.scatter.add.f32 [tilespmem:s23], [sflag:$0x3], $0x80, s28, s22, $0xb8;
	[tilespmem:$0x1E800] =	vst v63  }
0xb0: {  	_ =	swait.ge [sflag:s20], $0x4000  }
0xb1: {  	[sflag:s20] =	ssyncset.done $0x0  }
0xb2: {  	[sflag:s20] =	ssyncadd.s32 $0xFFFFC000  }
0xb3: {  	_ =	swait.ge [sflag:s26], $0x4000  }
0xb4: {  	[sflag:s26] =	ssyncset.done $0x0  }
0xb5: {  	[sflag:s26] =	ssyncadd.s32 $0xFFFFC000  }
0xb6: {  	[spmem:s1] =	stream.indirect.scatter.add.f32 [tilespmem:s24], [sflag:$0x3], $0x80, s29, s22, $0xb8;
	[tilespmem:$0x1E800] =	vst v63  }
0xb7: {  	_ =	swait.ge [sflag:s20], $0x4000  }
0xb8: {  	s30 =	sadd.s32 $0x1, s30;
	[sflag:s20] =	ssyncset.done $0x0  }
0xb9: {  	p1 =	sne.s32 s30, s15;
	[sflag:s20] =	ssyncadd.s32 $0xFFFFC000  }
.Ltmp5:
0xba: {  	s31 =	sor.u32 $0x1C03, s17;
	[bflag:$0x0] =	sbarrier.arrive $0xFFFF;
	(pc) =	sbr.rel @p1 .LBB2_1-.Ltmp5, $4  }
0xbb: {  	[hbm:s16], [sflag:s31] =	dma.local [spmem:s19], $0x2800  }
0xbc: {  	_ =	swait.ge [sflag:s20], $0x2800  }
0xbd: {  	[sflag:s20] =	ssyncset.done $0x0  }
0xbe: {  	[sflag:s20] =	ssyncadd.s32 $0xFFFFD800  }
0xbf: {  	_ =	sfence.sel $0x180000  }
0xc0: {  	[bflag:$0x0] =	sbarrier.arrive $0xFFFF  }
0xc1: {  	_ =	strace $0x9000004A  }
0xc2: {  	s0 =	stileid.u32;
	[bflag:$0x2] =	sbarrier.arrive $0xFFFF  }
0xc3: {  	p0 =	sne.s32 s0, $0x0;
	s0 =	rddreg [dreg:$0x3]  }
0xc4: {  	s0 =	sadd.s32 @!p0 $0x100000, s0  }
0xc5: {  	[sflag:s0] =	ssyncadd.tile.s32 @!p0 $0x1;
	_ =	shalt  }
.Lfunc_end2:
_tile_overlayer_lowered:
.L_overlay_start_2:
0xc6: {  	(tag) =	ssettag $0x2  }
0xc7: {  	s0 =	rddreg [dreg:$0x0];
	s2 =	stileid.u32  }
0xc8: {  	s1 =	rddreg [dreg:$0x1];
	p0 =	sne.s32 s2, $0x0  }
0xc9: {  	s3 =	rddreg [dreg:$0x2];
	[bflag:$0x3] =	sbarrier.arrive $0xFFFF;
	s2 =	simm.s32 @!p0 $0x1C03  }
0xca: {  	[timem:s3], [sflag:s2] =	dma.local @!p0 [hbm:s0], s1  }
0xcb: {  	s0 =	simm.s32 @!p0 $0x3  }
0xcc: {  	_ =	swait.ge @!p0 [sflag:s0], s1  }
0xcd: {  	s1 =	ssub.s32 @!p0 $0x0, s1;
	[sflag:s0] =	ssyncset.done @!p0 $0x0  }
0xce: {  	[sflag:s0] =	ssyncadd.s32 @!p0 s1  }
0xcf: {  	[bflag:$0x3] =	sbarrier.arrive $0xFFFF  }
0xd0: {  	_ =	shalt  }

// kernel: kernel.16.cloned.1.call-start
scs
__scs_entry_jumppad:
0x0: {  	(pc) =	sbr.rel $0x88, $3  }
0x1: {  	(tag) =	ssettag $0x0;
	lr =	simm.s32 $0x1  }
0x2: {  	[smem:$0x3F9C] =	sst lr;
	_ =	strace $0xD0000000  }
0x3: {  	_ = 	snop  }
0x4: {  	_ = 	snop  }
0x5: {  	_ = 	snop  }
0x6: {  	_ = 	snop  }
0x7: {  	_ = 	snop  }
__scs_overlays_trampoline_lowered:
0x8: {  	[smem:$0x3FAB] =	sst s0  }
0x9: {  	[smem:$0x3FAC] =	sst s1  }
0xa: {  	[smem:$0x3FAD] =	sst s2  }
0xb: {  	[smem:$0x3FAE] =	sst s3  }
0xc: {  	[smem:$0x3FAF] =	sst s4  }
0xd: {  	[smem:$0x3FB0] =	sst s5  }
0xe: {  	[smem:$0x3FB1] =	sst s6  }
0xf: {  	[smem:$0x3FB2] =	sst s7  }
0x10: {  	[smem:$0x3FB3] =	sst s8  }
0x11: {  	[smem:$0x3FB4] =	sst s9;
	s0 =	simm.s32 @!p0 $0x0  }
0x12: {  	s1 =	sld [smem:$0x3F9A];
	s0 =	simm.s32 @p0 $0x1  }
0x13: {  	[smem:$0x3FB5] =	sst s0;
	s0 =	simm.s32 @!p1 $0x0  }
0x14: {  	s2 =	sld [smem:$0x3F99];
	s0 =	simm.s32 @p1 $0x1  }
0x15: {  	[smem:$0x3FB6] =	sst s0;
	s0 =	simm.s32 @!p2 $0x0  }
0x16: {  	s3 =	sld [smem:$0x3FDB];
	s0 =	simm.s32 @p2 $0x1  }
0x17: {  	s4 =	simm.s32 $0x1BF5;
	[smem:$0x3FB8] =	sst s0  }
0x18: {  	s0 =	sld [smem:$0x3F9B];
	_ =	swait.ge [sflag:s4], $0x0  }
0x19: {  	s7 =	sld [smem:$0x3F9C]  }
0x1a: {  	s8 =	sadd.s32 $0xFFFFE003, lr  }
0x1b: {  	s9 =	sadd.s32 $0xFFFFFEF7, lr;
	s5 =	simm.s32 $0xFFFFFFFF;
	p2 =	slt.u32 s8, $0xFFFFF086  }
0x1c: {  	p1 =	slt.u32 s9, $0xF7A;
	s5 =	simm.s32 @!p2 $0x0  }
0x1d: {  	s5 =	simm.s32 @p1 $0x1;
	p0 =	seq.s32 s7, s2  }
0x1e: {  	s7 =	smul.u32 @!p0 $0xF7A, s2;
	p2 =	seq.s32 @!p0 s5, $0x0  }
0x1f: {  	s9 =	smul.u32 $0xF7A, s1;
	s8 =	simm.s32 @!p0 $0x1BF5;
	p2 =	por !p2, p0  }
0x20: {  	[sflag:s8] =	ssyncset.s32 @!p0 $0xFFFFF086;
	s6 =	sadd.s32 @!p0 s3, s7;
	s7 =	simm.s32 @!p0 $0x108  }
0x21: {  	s3 =	sadd.s32 s3, s9;
	s6 =	sadd.s32 @!p0 $0x88, s6;
	s7 =	simm.s32 @p2 $0x1082  }
0x22: {  	[simem:s7], [sflag:s8] =	dma.local @!p0 [hbm:s6], $0xF7A  }
0x23: {  	s9 =	sor.u32 $0xD0000000, s2;
	s6 =	simm.s32 $0x108;
	_ =	swait.ge @!p0 [sflag:s8], $0x0  }
0x24: {  	s3 =	sadd.s32 $0x88, s3;
	s6 =	simm.s32 @!p1 $0x1082;
	[sflag:s4] =	ssyncset.s32 $0xFFFFF086  }
0x25: {  	[simem:s6], [sflag:s4] =	dma.local [hbm:s3], $0xF7A  }
0x26: {  	[smem:$0x3F9C] =	sst s1;
	(tag) =	ssettag s2;
	_ =	strace s9  }
0x27: {  	s1 =	sld [smem:$0x3FAC]  }
0x28: {  	s2 =	sld [smem:$0x3FAD]  }
0x29: {  	s4 =	sld [smem:$0x3FAF]  }
0x2a: {  	p0 =	seq.s32 s5, $0x0;
	s5 =	sld [smem:$0x3FB0]  }
0x2b: {  	s6 =	sld [smem:$0x3FB1]  }
0x2c: {  	s7 =	sld [smem:$0x3FB2]  }
0x2d: {  	s3 =	simm.s32 $0x108;
	s8 =	sld [smem:$0x3FB3]  }
0x2e: {  	s3 =	simm.s32 @!p0 $0x1082;
	s9 =	sld [smem:$0x3FB4]  }
0x2f: {  	lr =	sadd.s32 s0, s3;
	s0 =	sld [smem:$0x3FAB]  }
0x30: {  	s3 =	sld [smem:$0x3FAE]  }
0x31: {  	[smem:$0x3FB7] =	sst s10  }
0x32: {  	s10 =	sld [smem:$0x3FB5];
	_ =	sdelay $0x3  }
0x33: {  	p0 =	seq.s32 s10, $0x1;
	s10 =	sld [smem:$0x3FB7];
	_ =	sdelay $0x3  }
0x34: {  	[smem:$0x3FB7] =	sst s10  }
0x35: {  	s10 =	sld [smem:$0x3FB6];
	_ =	sdelay $0x3  }
0x36: {  	p1 =	seq.s32 s10, $0x1;
	s10 =	sld [smem:$0x3FB7];
	_ =	sdelay $0x3  }
0x37: {  	[smem:$0x3FB7] =	sst s10  }
0x38: {  	s10 =	sld [smem:$0x3FB8]  }
0x39: {  	_ = 	snop;
	(pc) =	sbr.ind lr, $3  }
0x3a: {  	_ = 	snop  }
0x3b: {  	_ = 	snop  }
0x3c: {  	p2 =	seq.s32 s10, $0x1;
	s10 =	sld [smem:$0x3FB7]  }
0x3d: {  	_ =	shalt  }
0x3e: {  	_ =	shalt  }
0x3f: {  	_ =	shalt  }
0x40: {  	_ =	shalt  }
0x41: {  	_ =	shalt  }
0x42: {  	_ =	shalt  }
0x43: {  	_ =	shalt  }
0x44: {  	_ =	shalt  }
0x45: {  	_ =	shalt  }
0x46: {  	_ =	shalt  }
0x47: {  	_ =	shalt  }
0x48: {  	_ =	shalt  }
0x49: {  	_ =	shalt  }
0x4a: {  	_ =	shalt  }
0x4b: {  	_ =	shalt  }
0x4c: {  	_ =	shalt  }
0x4d: {  	_ =	shalt  }
0x4e: {  	_ =	shalt  }
0x4f: {  	_ =	shalt  }
0x50: {  	_ =	shalt  }
0x51: {  	_ =	shalt  }
0x52: {  	_ =	shalt  }
0x53: {  	_ =	shalt  }
0x54: {  	_ =	shalt  }
0x55: {  	_ =	shalt  }
0x56: {  	_ =	shalt  }
0x57: {  	_ =	shalt  }
0x58: {  	_ =	shalt  }
0x59: {  	_ =	shalt  }
0x5a: {  	_ =	shalt  }
0x5b: {  	_ =	shalt  }
0x5c: {  	_ =	shalt  }
0x5d: {  	_ =	shalt  }
0x5e: {  	_ =	shalt  }
0x5f: {  	_ =	shalt  }
0x60: {  	_ =	shalt  }
0x61: {  	_ =	shalt  }
0x62: {  	_ =	shalt  }
0x63: {  	_ =	shalt  }
0x64: {  	_ =	shalt  }
0x65: {  	_ =	shalt  }
0x66: {  	_ =	shalt  }
0x67: {  	_ =	shalt  }
0x68: {  	_ =	shalt  }
0x69: {  	_ =	shalt  }
0x6a: {  	_ =	shalt  }
0x6b: {  	_ =	shalt  }
0x6c: {  	_ =	shalt  }
0x6d: {  	_ =	shalt  }
0x6e: {  	_ =	shalt  }
0x6f: {  	_ =	shalt  }
0x70: {  	_ =	shalt  }
0x71: {  	_ =	shalt  }
0x72: {  	_ =	shalt  }
0x73: {  	_ =	shalt  }
0x74: {  	_ =	shalt  }
0x75: {  	_ =	shalt  }
0x76: {  	_ =	shalt  }
0x77: {  	_ =	shalt  }
0x78: {  	_ =	shalt  }
0x79: {  	_ =	shalt  }
0x7a: {  	_ =	shalt  }
0x7b: {  	_ =	shalt  }
0x7c: {  	_ =	shalt  }
0x7d: {  	_ =	shalt  }
0x7e: {  	_ =	shalt  }
0x7f: {  	_ =	shalt  }
0x80: {  	_ =	shalt  }
0x81: {  	_ =	shalt  }
0x82: {  	_ =	shalt  }
0x83: {  	_ =	shalt  }
0x84: {  	_ =	shalt  }
0x85: {  	_ =	shalt  }
0x86: {  	_ =	shalt  }
0x87: {  	_ =	shalt  }
.Lfunc_end0:
.L_simem_size_0:
called_computation.2_lowered:
.L_overlay_start_0:
0x88: {  	s2 =	sld [smem:$0x3FD9]  }
0x89: {  	s3 =	sld [smem:$0x3FFE];
	_ =	sdelay $0x1  }
0x8a: {  	s1 =	srdreg.scid  }
0x8b: {  	s0 =	sand.u32 $0x1, s1  }
0x8c: {  	s17 =	sshll.u32 s0, $0xA;
	s2 =	sadd.s32 s3, s2  }
0x8d: {  	s2 =	sadd.s32 s2, s17  }
0x8e: {  	[smem:$0x3FC3] =	sst s2  }
0x8f: {  	_ = 	snop  }
0x90: {  	s2 =	sld [smem:$0x3FD0];
	(tm) =	ssettm $0x1  }
0x91: {  	s18 =	sld [smem:$0x3FFB];
	_ =	sdelay $0x3  }
0x92: {  	_ =	strace s18  }
0x93: {  	s3 =	sld [smem:$0x3FFC];
	_ =	sdelay $0x3  }
0x94: {  	_ =	strace s3  }
0x95: {  	s3 =	sld [smem:$0x3FFD];
	_ =	sdelay $0x3  }
0x96: {  	_ =	strace s3  }
0x97: {  	_ =	strace $0x8FFFFFFF  }
0x98: {  	s19 =	sld [smem:$0x3FDB];
	_ =	sdelay $0x1  }
0x99: {  	s4 =	simm.s32 $_scs_section_size  }
0x9a: {  	s5 =	simm.s32 $_size__tile_overlayer_lowered;
	s6 =	simm.s32 $_tile_overlayer_lowered  }
0x9b: {  	s22 =	simm.s32 $0x1BFF;
	s21 =	sshll.u32 s6, $0x1;
	s3 =	sadd.s32 s4, s19  }
0x9c: {  	s7 =	simm.s32 $0x0;
	s20 =	sshll.u32 s5, $0x1;
	s5 =	sadd.s32 s21, s3  }
0x9d: {  	[timem:s7], [sflag:s22] =	dma.local [hbm:s5], s20  }
0x9e: {  	_ =	swait.ge [sflag:s22], s20  }
0x9f: {  	s4 =	ssub.s32 $0x0, s20;
	[sflag:s22] =	ssyncset.done $0x0  }
0xa0: {  	[sflag:s22] =	ssyncadd.s32 s4;
	_ =	sdelay $0x1  }
0xa1: {  	s23 =	simm.s32 $0x1B8B  }
0xa2: {  	_ =	swait.ge [sflag:s23], $0x1  }
0xa3: {  	[sflag:s23] =	ssyncset.done $0x0  }
0xa4: {  	s25 =	simm.s32 $0x1B8E;
	s24 =	sld [smem:$0x3FFE];
	[sflag:s23] =	ssyncadd.s32 $0xFFFFFFFF  }
0xa5: {  	s26 =	simm.s32 $execute0_lowered;
	[smem:$0x3FD2] =	sst s25  }
0xa6: {  	s5 =	sshll.u32 s26, $0x1;
	_ =	strace $0x8000004C;
	[dreg:$0x1] =	wrdreg $0xFFFFFFFF  }
0xa7: {  	s28 =	simm.s32 $_size_execute0_lowered;
	s3 =	sadd.s32 s3, s5;
	[dreg:$0x0] =	wrdreg $0x0  }
0xa8: {  	s5 =	sshll.u32 s28, $0x1;
	[dreg:$0x2] =	wrdreg s3  }
0xa9: {  	[dreg:$0x3] =	wrdreg s5  }
0xaa: {  	[dreg:$0x4] =	wrdreg $0xC0  }
0xab: {  	_ =	task [dreg:s7], $0x5FFFF  }
0xac: {  	[dreg:$0x1] =	wrdreg $0xFFFFFFFF  }
0xad: {  	[dreg:$0x0] =	wrdreg $0x60  }
0xae: {  	[dreg:$0x2] =	wrdreg s24  }
0xaf: {  	[dreg:$0x3] =	wrdreg s2  }
0xb0: {  	[dreg:$0x4] =	wrdreg $0xA8000  }
0xb1: {  	[dreg:$0x5] =	wrdreg $0x9  }
0xb2: {  	_ =	task.clear_ibuf [dreg:s7], $0x6FFFF;
	_ =	strace $0x9000004C  }
0xb3: {  	s29 =	simm.s32 $0x9;
	_ =	strace $0x8000004E  }
0xb4: {  	_ =	swait.ge [sflag:s29], $0x1  }
0xb5: {  	[sflag:s29] =	ssyncadd.s32 $0xFFFFFFFF  }
0xb6: {  	_ =	strace $0x9000004E  }
0xb7: {  	_ =	sfence  }
0xb8: {  	s30 =	sld [smem:$0x0];
	_ =	sdelay $0x2  }
0xb9: {  	s31 =	sshll.u32 s1, $0xD;
	s1 =	sshrl.u32 s1, $0x2  }
0xba: {  	s3 =	sand.u32 $0x4000, s31;
	s1 =	sadd.s32 s1, s30  }
0xbb: {  	s0 =	sor.u32 s3, s0;
	s1 =	sshll.u32 s1, $0x11  }
0xbc: {  	s0 =	sor.u32 s1, s0  }
0xbd: {  	s0 =	sadd.s32 $0x8F2B, s0  }
0xbe: {  	[sflag:s0] =	ssyncadd.remote.s32 $0x1  }
0xbf: {  	_ =	sfence.sel $0xFFFF  }
0xc0: {  	[dreg:$0x0] =	wrdreg $0xFFFFFFFF;
	(pc) =	sbr.abs _section_cstart, $3  }
0xc1: {  	[dreg:$0x1] =	wrdreg $0xFFFFFFFF  }
0xc2: {  	_ =	task.clear_ibuf [dreg:s7], $0x2FFFF;
	_ =	strace $0x9FFFFFFF  }
0xc3: {  	(tm) =	ssettm $0x7FFFFFFF  }
tec
execute0_lowered:
.L_overlay_start_1:
0x0: {  	(tag) =	ssettag $0x1  }
0x1: {  	s0 =	rddreg [dreg:$0x0]  }
0x2: {  	s13 =	rddreg [dreg:$0x1]  }
0x3: {  	s1 =	rddreg [dreg:$0x2];
	s2 =	simm.s32 $0x0  }
0x4: {  	s3 =	srdreg.scid;
	s24 =	stileid.u32;
	s19 =	simm.s32 $0x35E00  }
0x5: {  	s20 =	simm.s32 $0x3;
	s21 =	simm.s32 $0x1400;
	s22 =	simm.s32 $0x80  }
0x6: {  	s23 =	simm.s32 $0x2800;
	s28 =	simm.s32 $0x2700;
	s29 =	simm.s32 $0x2780  }
0x7: {  	s30 =	simm.s32 $0x0;
	[smem:$0x7FF] =	sst s2;
	s17 =	sand.u32 $0x1, s3  }
0x8: {  	s4 =	sadd.s32 $0xDE00, s0;
	s7 =	smul.u32 $0x50000, s24;
	s14 =	sadd.s32 $0x3E00, s0  }
0x9: {  	s25 =	sshll.u32 s24, $0x1;
	s16 =	smul.u32 $0x2800, s24;
	_ =	strace $0x8000004D  }
0xa: {  	s5 =	ssub.s32 $0x2, s17;
	s26 =	sor.u32 s17, s25;
	p0 =	seq.s32 s17, $0x0  }
0xb: {  	s25 =	simm.s32 $0x1;
	s6 =	sshrl.u32 s5, $0x1;
	s31 =	sshrl.u32 s7, $0x2  }
0xc: {  	s11 =	smul.u32 $0x2800, s26;
	s10 =	sadd.s32 s4, s16;
	s19 =	simm.s32 @!p0 $0x5DE00  }
0xd: {  	p0 =	sne.s32 s17, $0x0;
	s17 =	sshll.u32 s24, $0x6;
	s24 =	simm.s32 $0x6800  }
0xe: {  	s26 =	simm.s32 $0x2;
	s15 =	ssub.s32 s5, s6;
	s5 =	sadd.s32 s31, s1  }
0xf: {  	s0 =	sadd.s32 s19, s0;
	s6 =	sadd.s32 $0x4000, s5;
	s7 =	sadd.s32 $0x8000, s5  }
0x10: {  	s8 =	sadd.s32 $0xC000, s5;
	s9 =	sadd.s32 $0x10000, s5;
	s12 =	sshrl.u32 s11, $0x3  }
0x11: {  	s15 =	smax.u32 s15, $0x1;
	s16 =	sadd.s32 s0, s16;
	s19 =	sshrl.u32 s5, $0x3  }
0x12: {  	s11 =	sadd.s32 s13, s12;
	s18 =	sadd.s32 $0x280, s12;
	s12 =	sadd.s32 s14, s12  }
0x13: {  	v0 =	vimm.f32 $0.0e+00;
	s13 =	sadd.s32 s13, s18;
	s14 =	sadd.s32 s14, s18;
	s18 =	sor.u32 $0x1C01, s17  }
.LBB2_1:
.Ltmp0:
0x14: {  	(pc) =	sbr.rel @p0 .LBB2_3-.Ltmp0, $1  }
0x15: {  	_ =	sdelay $0x3  }
.Ltmp1:
0x16: {  	(pc) =	sbr.rel .LBB2_6-.Ltmp1, $2  }
0x17: {  	_ =	sdelay $0x2  }
0x18: {  	[spmem:s19], [sflag:s18] =	dma.local [hbm:s10], $0x2800  }
.LBB2_3:
0x19: {  	s31 =	sshra.s32 s2, $0x2;
	s0 =	sadd.s32 $0x200, s2  }
.LBB2_4:
0x1a: {  	p1 =	sne.s32 s0, $0xFE00;
	[tilespmem:s31+$0x2870] =	vst v0  }
0x1b: {  	[tilespmem:s31+$0x2800] =	vst v0  }
0x1c: {  	[tilespmem:s31+$0x2810] =	vst v0  }
.Ltmp2:
0x1d: {  	[tilespmem:s31+$0x2820] =	vst v0;
	(pc) =	sbr.rel @p1 .LBB2_4-.Ltmp2, $4  }
0x1e: {  	[tilespmem:s31+$0x2830] =	vst v0  }
0x1f: {  	[tilespmem:s31+$0x2840] =	vst v0  }
0x20: {  	[tilespmem:s31+$0x2850] =	vst v0  }
0x21: {  	[tilespmem:s31+$0x2860] =	vst v0;
	s31 =	sshra.s32 s0, $0x2;
	s0 =	sadd.s32 $0x200, s0  }
0x22: {  	[tilespmem:s31+$0x2870] =	vst v0  }
0x23: {  	[tilespmem:s31+$0x2800] =	vst v0  }
0x24: {  	[tilespmem:s31+$0x2810] =	vst v0  }
0x25: {  	[tilespmem:s31+$0x2820] =	vst v0  }
0x26: {  	[tilespmem:s31+$0x2830] =	vst v0  }
0x27: {  	[tilespmem:s31+$0x2840] =	vst v0  }
0x28: {  	[tilespmem:s31+$0x2850] =	vst v0  }
0x29: {  	[tilespmem:s31+$0x2860] =	vst v0  }
0x2a: {  	[spmem:s5] =	stream.linear.scatter [tilespmem:s23], [sflag:$0x1], $0x4000, $0x38;
	[tilespmem:$0x1E800] =	vst v63  }
0x2b: {  	_ = 	snop  }
0x2c: {  	[spmem:s6] =	stream.linear.scatter [tilespmem:s23], [sflag:$0x1], $0x4000, $0x38;
	[tilespmem:$0x1E800] =	vst v63  }
0x2d: {  	_ = 	snop  }
0x2e: {  	[spmem:s7] =	stream.linear.scatter [tilespmem:s23], [sflag:$0x1], $0x4000, $0x38;
	[tilespmem:$0x1E800] =	vst v63  }
0x2f: {  	_ = 	snop  }
0x30: {  	[spmem:s8] =	stream.linear.scatter [tilespmem:s23], [sflag:$0x1], $0x4000, $0x38;
	[tilespmem:$0x1E800] =	vst v63  }
0x31: {  	_ = 	snop  }
0x32: {  	[spmem:s9] =	stream.linear.scatter [tilespmem:s23], [sflag:$0x1], $0x4000, $0x38;
	[tilespmem:$0x1E800] =	vst v63  }
.LBB2_6:
0x33: {  	[tilespmem:s2], [sflag:$0x3] =	stream.linear.gather [hbm4b:s11+s2], $0x1400, $0x38;
	[tilespmem:$0x1E800] =	vst v63  }
0x34: {  	_ =	swait.ge [sflag:s20], $0x1400  }
0x35: {  	[sflag:s20] =	ssyncset.done $0x0  }
0x36: {  	[sflag:s20] =	ssyncadd.s32 $0xFFFFEC00  }
0x37: {  	[tilespmem:s21], [sflag:$0x3] =	stream.linear.gather [hbm4b:s12+s2], $0x1400, $0x38;
	[tilespmem:$0x1E800] =	vst v63  }
0x38: {  	_ =	swait.ge [sflag:s20], $0x1400  }
0x39: {  	[sflag:s20] =	ssyncset.done $0x0  }
0x3a: {  	s0 =	simm.s32 @p0 $0x1;
	[sflag:s20] =	ssyncadd.s32 $0xFFFFEC00  }
0x3b: {  	_ =	swait.ge @p0 [sflag:s0], $0x4000  }
0x3c: {  	[sflag:s0] =	ssyncset.done @p0 $0x0  }
0x3d: {  	[sflag:s0] =	ssyncadd.s32 @p0 $0xFFFFC000  }
0x3e: {  	_ =	swait.ge @p0 [sflag:s0], $0x4000  }
0x3f: {  	[sflag:s0] =	ssyncset.done @p0 $0x0  }
0x40: {  	[sflag:s0] =	ssyncadd.s32 @p0 $0xFFFFC000  }
0x41: {  	_ =	swait.ge @p0 [sflag:s0], $0x4000  }
0x42: {  	[sflag:s0] =	ssyncset.done @p0 $0x0  }
0x43: {  	[sflag:s0] =	ssyncadd.s32 @p0 $0xFFFFC000  }
0x44: {  	_ =	swait.ge @p0 [sflag:s0], $0x4000  }
0x45: {  	[sflag:s0] =	ssyncset.done @p0 $0x0  }
0x46: {  	[sflag:s0] =	ssyncadd.s32 @p0 $0xFFFFC000  }
0x47: {  	_ =	swait.ge @p0 [sflag:s0], $0x4000  }
0x48: {  	[sflag:s0] =	ssyncset.done @p0 $0x0  }
0x49: {  	[sflag:s0] =	ssyncadd.s32 @p0 $0xFFFFC000;
	s0 =	simm.s32 @!p0 $0x1  }
0x4a: {  	_ =	swait.ge @!p0 [sflag:s0], $0x2800  }
0x4b: {  	[sflag:s0] =	ssyncset.done @!p0 $0x0  }
0x4c: {  	[sflag:s0] =	ssyncadd.s32 @!p0 $0xFFFFD800  }
0x4d: {  	s3 =	simm.s32 $0x0;
	[bflag:$0x0] =	sbarrier.arrive $0xFFFF  }
0x4e: {  	[tilespmem:s23], [sflag:$0x1] =	stream.indirect.gather [hbm4b:s4+s22], $0x80, s3, s22, $0xb8;
	[tilespmem:$0x1E800] =	vst v63  }
0x4f: {  	_ = 	snop  }
0x50: {  	[tilespmem:s24], [sflag:$0x2] =	stream.indirect.gather [hbm4b:s4+s22], $0x80, s22, s22, $0xb8;
	[tilespmem:$0x1E800] =	vst v63  }
0x51: {  	_ =	swait.ge [sflag:s25], $0x4000  }
0x52: {  	[sflag:s25] =	ssyncset.done $0x0  }
0x53: {  	s3 =	simm.s32 $0x1400;
	[sflag:s25] =	ssyncadd.s32 $0xFFFFC000  }
0x54: {  	[spmem:s1] =	stream.indirect.scatter.add.f32 [tilespmem:s23], [sflag:$0x3], $0x80, s3, s22, $0xb8;
	[tilespmem:$0x1E800] =	vst v63  }
0x55: {  	_ =	swait.ge [sflag:s20], $0x4000  }
0x56: {  	[sflag:s20] =	ssyncset.done $0x0  }
0x57: {  	s3 =	simm.s32 $0x100;
	[sflag:s20] =	ssyncadd.s32 $0xFFFFC000  }
0x58: {  	[tilespmem:s23], [sflag:$0x1] =	stream.indirect.gather [hbm4b:s4+s22], $0x80, s3, s22, $0xb8;
	[tilespmem:$0x1E800] =	vst v63  }
0x59: {  	_ =	swait.ge [sflag:s26], $0x4000  }
0x5a: {  	[sflag:s26] =	ssyncset.done $0x0  }
0x5b: {  	s3 =	simm.s32 $0x1480;
	[sflag:s26] =	ssyncadd.s32 $0xFFFFC000  }
0x5c: {  	[spmem:s1] =	stream.indirect.scatter.add.f32 [tilespmem:s24], [sflag:$0x3], $0x80, s3, s22, $0xb8;
	[tilespmem:$0x1E800] =	vst v63  }
0x5d: {  	_ =	swait.ge [sflag:s20], $0x4000  }
0x5e: {  	[sflag:s20] =	ssyncset.done $0x0  }
0x5f: {  	s31 =	simm.s32 $0x400;
	s0 =	simm.s32 $0x180;
	[sflag:s20] =	ssyncadd.s32 $0xFFFFC000  }
.LBB2_7:
0x60: {  	[tilespmem:s24], [sflag:$0x2] =	stream.indirect.gather [hbm4b:s4+s22], $0x80, s0, s22, $0xb8;
	[tilespmem:$0x1E800] =	vst v63  }
0x61: {  	s0 =	smov.u32 s31  }
0x62: {  	p1 =	sne.s32 s31, $0x4800;
	s31 =	sadd.s32 $0x400, s31;
	_ =	swait.ge [sflag:s25], $0x4000  }
0x63: {  	s0 =	sshra.s32 s0, $0x2;
	[sflag:s25] =	ssyncset.done $0x0  }
0x64: {  	s3 =	sadd.s32 $0x1400, s0;
	[sflag:s25] =	ssyncadd.s32 $0xFFFFC000  }
0x65: {  	[spmem:s1] =	stream.indirect.scatter.add.f32 [tilespmem:s23], [sflag:$0x3], $0x80, s3, s22, $0xb8;
	[tilespmem:$0x1E800] =	vst v63  }
0x66: {  	_ =	swait.ge [sflag:s20], $0x4000  }
0x67: {  	[sflag:s20] =	ssyncset.done $0x0  }
0x68: {  	s3 =	sadd.s32 $0x100, s0;
	[sflag:s20] =	ssyncadd.s32 $0xFFFFC000  }
0x69: {  	[tilespmem:s23], [sflag:$0x1] =	stream.indirect.gather [hbm4b:s4+s22], $0x80, s3, s22, $0xb8;
	[tilespmem:$0x1E800] =	vst v63  }
0x6a: {  	_ =	swait.ge [sflag:s26], $0x4000  }
0x6b: {  	[sflag:s26] =	ssyncset.done $0x0  }
.Ltmp3:
0x6c: {  	s3 =	sadd.s32 $0x1480, s0;
	[sflag:s26] =	ssyncadd.s32 $0xFFFFC000;
	(pc) =	sbr.rel @p1 .LBB2_7-.Ltmp3, $4  }
0x6d: {  	[spmem:s1] =	stream.indirect.scatter.add.f32 [tilespmem:s24], [sflag:$0x3], $0x80, s3, s22, $0xb8;
	[tilespmem:$0x1E800] =	vst v63  }
0x6e: {  	_ =	swait.ge [sflag:s20], $0x4000  }
0x6f: {  	[sflag:s20] =	ssyncset.done $0x0  }
0x70: {  	s0 =	sadd.s32 $0x180, s0;
	[sflag:s20] =	ssyncadd.s32 $0xFFFFC000  }
0x71: {  	[tilespmem:s24], [sflag:$0x2] =	stream.indirect.gather [hbm4b:s4+s22], $0x80, s0, s22, $0xb8;
	[tilespmem:$0x1E800] =	vst v63  }
0x72: {  	_ =	swait.ge [sflag:s25], $0x4000  }
0x73: {  	[sflag:s25] =	ssyncset.done $0x0  }
0x74: {  	[sflag:s25] =	ssyncadd.s32 $0xFFFFC000  }
0x75: {  	[spmem:s1] =	stream.indirect.scatter.add.f32 [tilespmem:s23], [sflag:$0x3], $0x80, s28, s22, $0xb8;
	[tilespmem:$0x1E800] =	vst v63  }
0x76: {  	_ =	swait.ge [sflag:s20], $0x4000  }
0x77: {  	[sflag:s20] =	ssyncset.done $0x0  }
0x78: {  	[sflag:s20] =	ssyncadd.s32 $0xFFFFC000  }
0x79: {  	_ =	swait.ge [sflag:s26], $0x4000  }
0x7a: {  	[sflag:s26] =	ssyncset.done $0x0  }
0x7b: {  	[sflag:s26] =	ssyncadd.s32 $0xFFFFC000  }
0x7c: {  	[spmem:s1] =	stream.indirect.scatter.add.f32 [tilespmem:s24], [sflag:$0x3], $0x80, s29, s22, $0xb8;
	[tilespmem:$0x1E800] =	vst v63  }
0x7d: {  	_ =	swait.ge [sflag:s20], $0x4000  }
0x7e: {  	[sflag:s20] =	ssyncset.done $0x0  }
0x7f: {  	s3 =	simm.s32 $0x0;
	[sflag:s20] =	ssyncadd.s32 $0xFFFFC000  }
0x80: {  	[tilespmem:s3], [sflag:$0x3] =	stream.linear.gather [hbm4b:s13+s3], $0x1400, $0x38;
	[tilespmem:$0x1E800] =	vst v63  }
0x81: {  	_ =	swait.ge [sflag:s20], $0x1400  }
0x82: {  	[sflag:s20] =	ssyncset.done $0x0  }
0x83: {  	[sflag:s20] =	ssyncadd.s32 $0xFFFFEC00  }
0x84: {  	[tilespmem:s21], [sflag:$0x3] =	stream.linear.gather [hbm4b:s14+s3], $0x1400, $0x38;
	[tilespmem:$0x1E800] =	vst v63  }
0x85: {  	_ =	swait.ge [sflag:s20], $0x1400  }
0x86: {  	[sflag:s20] =	ssyncset.done $0x0  }
0x87: {  	[sflag:s20] =	ssyncadd.s32 $0xFFFFEC00  }
0x88: {  	[tilespmem:s23], [sflag:$0x1] =	stream.indirect.gather [hbm4b:s4+s22], $0x80, s3, s22, $0xb8;
	[tilespmem:$0x1E800] =	vst v63  }
0x89: {  	_ = 	snop  }
0x8a: {  	[tilespmem:s24], [sflag:$0x2] =	stream.indirect.gather [hbm4b:s4+s22], $0x80, s22, s22, $0xb8;
	[tilespmem:$0x1E800] =	vst v63  }
0x8b: {  	_ =	swait.ge [sflag:s25], $0x4000  }
0x8c: {  	[sflag:s25] =	ssyncset.done $0x0  }
0x8d: {  	s3 =	simm.s32 $0x1400;
	[sflag:s25] =	ssyncadd.s32 $0xFFFFC000  }
0x8e: {  	[spmem:s1] =	stream.indirect.scatter.add.f32 [tilespmem:s23], [sflag:$0x3], $0x80, s3, s22, $0xb8;
	[tilespmem:$0x1E800] =	vst v63  }
0x8f: {  	_ =	swait.ge [sflag:s20], $0x4000  }
0x90: {  	[sflag:s20] =	ssyncset.done $0x0  }
0x91: {  	s3 =	simm.s32 $0x100;
	[sflag:s20] =	ssyncadd.s32 $0xFFFFC000  }
0x92: {  	[tilespmem:s23], [sflag:$0x1] =	stream.indirect.gather [hbm4b:s4+s22], $0x80, s3, s22, $0xb8;
	[tilespmem:$0x1E800] =	vst v63  }
0x93: {  	_ =	swait.ge [sflag:s26], $0x4000  }
0x94: {  	[sflag:s26] =	ssyncset.done $0x0  }
0x95: {  	s3 =	simm.s32 $0x1480;
	[sflag:s26] =	ssyncadd.s32 $0xFFFFC000  }
0x96: {  	[spmem:s1] =	stream.indirect.scatter.add.f32 [tilespmem:s24], [sflag:$0x3], $0x80, s3, s22, $0xb8;
	[tilespmem:$0x1E800] =	vst v63  }
0x97: {  	_ =	swait.ge [sflag:s20], $0x4000  }
0x98: {  	[sflag:s20] =	ssyncset.done $0x0  }
0x99: {  	s31 =	simm.s32 $0x400;
	s0 =	simm.s32 $0x180;
	[sflag:s20] =	ssyncadd.s32 $0xFFFFC000  }
.LBB2_9:
0x9a: {  	[tilespmem:s24], [sflag:$0x2] =	stream.indirect.gather [hbm4b:s4+s22], $0x80, s0, s22, $0xb8;
	[tilespmem:$0x1E800] =	vst v63  }
0x9b: {  	s0 =	smov.u32 s31  }
0x9c: {  	p1 =	sne.s32 s31, $0x4800;
	s31 =	sadd.s32 $0x400, s31;
	_ =	swait.ge [sflag:s25], $0x4000  }
0x9d: {  	s0 =	sshra.s32 s0, $0x2;
	[sflag:s25] =	ssyncset.done $0x0  }
0x9e: {  	s3 =	sadd.s32 $0x1400, s0;
	[sflag:s25] =	ssyncadd.s32 $0xFFFFC000  }
0x9f: {  	[spmem:s1] =	stream.indirect.scatter.add.f32 [tilespmem:s23], [sflag:$0x3], $0x80, s3, s22, $0xb8;
	[tilespmem:$0x1E800] =	vst v63  }
0xa0: {  	_ =	swait.ge [sflag:s20], $0x4000  }
0xa1: {  	[sflag:s20] =	ssyncset.done $0x0  }
0xa2: {  	s3 =	sadd.s32 $0x100, s0;
	[sflag:s20] =	ssyncadd.s32 $0xFFFFC000  }
0xa3: {  	[tilespmem:s23], [sflag:$0x1] =	stream.indirect.gather [hbm4b:s4+s22], $0x80, s3, s22, $0xb8;
	[tilespmem:$0x1E800] =	vst v63  }
0xa4: {  	_ =	swait.ge [sflag:s26], $0x4000  }
0xa5: {  	[sflag:s26] =	ssyncset.done $0x0  }
.Ltmp4:
0xa6: {  	s3 =	sadd.s32 $0x1480, s0;
	[sflag:s26] =	ssyncadd.s32 $0xFFFFC000;
	(pc) =	sbr.rel @p1 .LBB2_9-.Ltmp4, $4  }
0xa7: {  	[spmem:s1] =	stream.indirect.scatter.add.f32 [tilespmem:s24], [sflag:$0x3], $0x80, s3, s22, $0xb8;
	[tilespmem:$0x1E800] =	vst v63  }
0xa8: {  	_ =	swait.ge [sflag:s20], $0x4000  }
0xa9: {  	[sflag:s20] =	ssyncset.done $0x0  }
0xaa: {  	s0 =	sadd.s32 $0x180, s0;
	[sflag:s20] =	ssyncadd.s32 $0xFFFFC000  }
0xab: {  	[tilespmem:s24], [sflag:$0x2] =	stream.indirect.gather [hbm4b:s4+s22], $0x80, s0, s22, $0xb8;
	[tilespmem:$0x1E800] =	vst v63  }
0xac: {  	_ =	swait.ge [sflag:s25], $0x4000  }
0xad: {  	[sflag:s25] =	ssyncset.done $0x0  }
0xae: {  	[sflag:s25] =	ssyncadd.s32 $0xFFFFC000  }
0xaf: {  	[spmem:s1] =	stream.indirect.scatter.add.f32 [tilespmem:s23], [sflag:$0x3], $0x80, s28, s22, $0xb8;
	[tilespmem:$0x1E800] =	vst v63  }
0xb0: {  	_ =	swait.ge [sflag:s20], $0x4000  }
0xb1: {  	[sflag:s20] =	ssyncset.done $0x0  }
0xb2: {  	[sflag:s20] =	ssyncadd.s32 $0xFFFFC000  }
0xb3: {  	_ =	swait.ge [sflag:s26], $0x4000  }
0xb4: {  	[sflag:s26] =	ssyncset.done $0x0  }
0xb5: {  	[sflag:s26] =	ssyncadd.s32 $0xFFFFC000  }
0xb6: {  	[spmem:s1] =	stream.indirect.scatter.add.f32 [tilespmem:s24], [sflag:$0x3], $0x80, s29, s22, $0xb8;
	[tilespmem:$0x1E800] =	vst v63  }
0xb7: {  	_ =	swait.ge [sflag:s20], $0x4000  }
0xb8: {  	s30 =	sadd.s32 $0x1, s30;
	[sflag:s20] =	ssyncset.done $0x0  }
0xb9: {  	p1 =	sne.s32 s30, s15;
	[sflag:s20] =	ssyncadd.s32 $0xFFFFC000  }
.Ltmp5:
0xba: {  	s31 =	sor.u32 $0x1C03, s17;
	[bflag:$0x0] =	sbarrier.arrive $0xFFFF;
	(pc) =	sbr.rel @p1 .LBB2_1-.Ltmp5, $4  }
0xbb: {  	[hbm:s16], [sflag:s31] =	dma.local [spmem:s19], $0x2800  }
0xbc: {  	_ =	swait.ge [sflag:s20], $0x2800  }
0xbd: {  	[sflag:s20] =	ssyncset.done $0x0  }
0xbe: {  	[sflag:s20] =	ssyncadd.s32 $0xFFFFD800  }
0xbf: {  	_ =	sfence.sel $0x180000  }
0xc0: {  	[bflag:$0x0] =	sbarrier.arrive $0xFFFF  }
0xc1: {  	_ =	strace $0x9000004D  }
0xc2: {  	s0 =	stileid.u32;
	[bflag:$0x2] =	sbarrier.arrive $0xFFFF  }
0xc3: {  	p0 =	sne.s32 s0, $0x0;
	s0 =	rddreg [dreg:$0x3]  }
0xc4: {  	s0 =	sadd.s32 @!p0 $0x100000, s0  }
0xc5: {  	[sflag:s0] =	ssyncadd.tile.s32 @!p0 $0x1;
	_ =	shalt  }
.Lfunc_end2:
_tile_overlayer_lowered:
.L_overlay_start_2:
0xc6: {  	(tag) =	ssettag $0x2  }
0xc7: {  	s0 =	rddreg [dreg:$0x0];
	s2 =	stileid.u32  }
0xc8: {  	s1 =	rddreg [dreg:$0x1];
	p0 =	sne.s32 s2, $0x0  }
0xc9: {  	s3 =	rddreg [dreg:$0x2];
	[bflag:$0x3] =	sbarrier.arrive $0xFFFF;
	s2 =	simm.s32 @!p0 $0x1C03  }
0xca: {  	[timem:s3], [sflag:s2] =	dma.local @!p0 [hbm:s0], s1  }
0xcb: {  	s0 =	simm.s32 @!p0 $0x3  }
0xcc: {  	_ =	swait.ge @!p0 [sflag:s0], s1  }
0xcd: {  	s1 =	ssub.s32 @!p0 $0x0, s1;
	[sflag:s0] =	ssyncset.done @!p0 $0x0  }
0xce: {  	[sflag:s0] =	ssyncadd.s32 @!p0 s1  }
0xcf: {  	[bflag:$0x3] =	sbarrier.arrive $0xFFFF  }
0xd0: {  	_ =	shalt  }

// kernel: kernel.19.cloned.1.call-start
scs
__scs_entry_jumppad:
0x0: {  	(pc) =	sbr.rel $0x88, $3  }
0x1: {  	(tag) =	ssettag $0x0;
	lr =	simm.s32 $0x1  }
0x2: {  	[smem:$0x3F9C] =	sst lr;
	_ =	strace $0xD0000000  }
0x3: {  	_ = 	snop  }
0x4: {  	_ = 	snop  }
0x5: {  	_ = 	snop  }
0x6: {  	_ = 	snop  }
0x7: {  	_ = 	snop  }
__scs_overlays_trampoline_lowered:
0x8: {  	[smem:$0x3FAB] =	sst s0  }
0x9: {  	[smem:$0x3FAC] =	sst s1  }
0xa: {  	[smem:$0x3FAD] =	sst s2  }
0xb: {  	[smem:$0x3FAE] =	sst s3  }
0xc: {  	[smem:$0x3FAF] =	sst s4  }
0xd: {  	[smem:$0x3FB0] =	sst s5  }
0xe: {  	[smem:$0x3FB1] =	sst s6  }
0xf: {  	[smem:$0x3FB2] =	sst s7  }
0x10: {  	[smem:$0x3FB3] =	sst s8  }
0x11: {  	[smem:$0x3FB4] =	sst s9;
	s0 =	simm.s32 @!p0 $0x0  }
0x12: {  	s1 =	sld [smem:$0x3F9A];
	s0 =	simm.s32 @p0 $0x1  }
0x13: {  	[smem:$0x3FB5] =	sst s0;
	s0 =	simm.s32 @!p1 $0x0  }
0x14: {  	s2 =	sld [smem:$0x3F99];
	s0 =	simm.s32 @p1 $0x1  }
0x15: {  	[smem:$0x3FB6] =	sst s0;
	s0 =	simm.s32 @!p2 $0x0  }
0x16: {  	s3 =	sld [smem:$0x3FDB];
	s0 =	simm.s32 @p2 $0x1  }
0x17: {  	s4 =	simm.s32 $0x1BF5;
	[smem:$0x3FB8] =	sst s0  }
0x18: {  	s0 =	sld [smem:$0x3F9B];
	_ =	swait.ge [sflag:s4], $0x0  }
0x19: {  	s7 =	sld [smem:$0x3F9C]  }
0x1a: {  	s8 =	sadd.s32 $0xFFFFE003, lr  }
0x1b: {  	s9 =	sadd.s32 $0xFFFFFEF7, lr;
	s5 =	simm.s32 $0xFFFFFFFF;
	p2 =	slt.u32 s8, $0xFFFFF086  }
0x1c: {  	p1 =	slt.u32 s9, $0xF7A;
	s5 =	simm.s32 @!p2 $0x0  }
0x1d: {  	s5 =	simm.s32 @p1 $0x1;
	p0 =	seq.s32 s7, s2  }
0x1e: {  	s7 =	smul.u32 @!p0 $0xF7A, s2;
	p2 =	seq.s32 @!p0 s5, $0x0  }
0x1f: {  	s9 =	smul.u32 $0xF7A, s1;
	s8 =	simm.s32 @!p0 $0x1BF5;
	p2 =	por !p2, p0  }
0x20: {  	[sflag:s8] =	ssyncset.s32 @!p0 $0xFFFFF086;
	s6 =	sadd.s32 @!p0 s3, s7;
	s7 =	simm.s32 @!p0 $0x108  }
0x21: {  	s3 =	sadd.s32 s3, s9;
	s6 =	sadd.s32 @!p0 $0x88, s6;
	s7 =	simm.s32 @p2 $0x1082  }
0x22: {  	[simem:s7], [sflag:s8] =	dma.local @!p0 [hbm:s6], $0xF7A  }
0x23: {  	s9 =	sor.u32 $0xD0000000, s2;
	s6 =	simm.s32 $0x108;
	_ =	swait.ge @!p0 [sflag:s8], $0x0  }
0x24: {  	s3 =	sadd.s32 $0x88, s3;
	s6 =	simm.s32 @!p1 $0x1082;
	[sflag:s4] =	ssyncset.s32 $0xFFFFF086  }
0x25: {  	[simem:s6], [sflag:s4] =	dma.local [hbm:s3], $0xF7A  }
0x26: {  	[smem:$0x3F9C] =	sst s1;
	(tag) =	ssettag s2;
	_ =	strace s9  }
0x27: {  	s1 =	sld [smem:$0x3FAC]  }
0x28: {  	s2 =	sld [smem:$0x3FAD]  }
0x29: {  	s4 =	sld [smem:$0x3FAF]  }
0x2a: {  	p0 =	seq.s32 s5, $0x0;
	s5 =	sld [smem:$0x3FB0]  }
0x2b: {  	s6 =	sld [smem:$0x3FB1]  }
0x2c: {  	s7 =	sld [smem:$0x3FB2]  }
0x2d: {  	s3 =	simm.s32 $0x108;
	s8 =	sld [smem:$0x3FB3]  }
0x2e: {  	s3 =	simm.s32 @!p0 $0x1082;
	s9 =	sld [smem:$0x3FB4]  }
0x2f: {  	lr =	sadd.s32 s0, s3;
	s0 =	sld [smem:$0x3FAB]  }
0x30: {  	s3 =	sld [smem:$0x3FAE]  }
0x31: {  	[smem:$0x3FB7] =	sst s10  }
0x32: {  	s10 =	sld [smem:$0x3FB5];
	_ =	sdelay $0x3  }
0x33: {  	p0 =	seq.s32 s10, $0x1;
	s10 =	sld [smem:$0x3FB7];
	_ =	sdelay $0x3  }
0x34: {  	[smem:$0x3FB7] =	sst s10  }
0x35: {  	s10 =	sld [smem:$0x3FB6];
	_ =	sdelay $0x3  }
0x36: {  	p1 =	seq.s32 s10, $0x1;
	s10 =	sld [smem:$0x3FB7];
	_ =	sdelay $0x3  }
0x37: {  	[smem:$0x3FB7] =	sst s10  }
0x38: {  	s10 =	sld [smem:$0x3FB8]  }
0x39: {  	_ = 	snop;
	(pc) =	sbr.ind lr, $3  }
0x3a: {  	_ = 	snop  }
0x3b: {  	_ = 	snop  }
0x3c: {  	p2 =	seq.s32 s10, $0x1;
	s10 =	sld [smem:$0x3FB7]  }
0x3d: {  	_ =	shalt  }
0x3e: {  	_ =	shalt  }
0x3f: {  	_ =	shalt  }
0x40: {  	_ =	shalt  }
0x41: {  	_ =	shalt  }
0x42: {  	_ =	shalt  }
0x43: {  	_ =	shalt  }
0x44: {  	_ =	shalt  }
0x45: {  	_ =	shalt  }
0x46: {  	_ =	shalt  }
0x47: {  	_ =	shalt  }
0x48: {  	_ =	shalt  }
0x49: {  	_ =	shalt  }
0x4a: {  	_ =	shalt  }
0x4b: {  	_ =	shalt  }
0x4c: {  	_ =	shalt  }
0x4d: {  	_ =	shalt  }
0x4e: {  	_ =	shalt  }
0x4f: {  	_ =	shalt  }
0x50: {  	_ =	shalt  }
0x51: {  	_ =	shalt  }
0x52: {  	_ =	shalt  }
0x53: {  	_ =	shalt  }
0x54: {  	_ =	shalt  }
0x55: {  	_ =	shalt  }
0x56: {  	_ =	shalt  }
0x57: {  	_ =	shalt  }
0x58: {  	_ =	shalt  }
0x59: {  	_ =	shalt  }
0x5a: {  	_ =	shalt  }
0x5b: {  	_ =	shalt  }
0x5c: {  	_ =	shalt  }
0x5d: {  	_ =	shalt  }
0x5e: {  	_ =	shalt  }
0x5f: {  	_ =	shalt  }
0x60: {  	_ =	shalt  }
0x61: {  	_ =	shalt  }
0x62: {  	_ =	shalt  }
0x63: {  	_ =	shalt  }
0x64: {  	_ =	shalt  }
0x65: {  	_ =	shalt  }
0x66: {  	_ =	shalt  }
0x67: {  	_ =	shalt  }
0x68: {  	_ =	shalt  }
0x69: {  	_ =	shalt  }
0x6a: {  	_ =	shalt  }
0x6b: {  	_ =	shalt  }
0x6c: {  	_ =	shalt  }
0x6d: {  	_ =	shalt  }
0x6e: {  	_ =	shalt  }
0x6f: {  	_ =	shalt  }
0x70: {  	_ =	shalt  }
0x71: {  	_ =	shalt  }
0x72: {  	_ =	shalt  }
0x73: {  	_ =	shalt  }
0x74: {  	_ =	shalt  }
0x75: {  	_ =	shalt  }
0x76: {  	_ =	shalt  }
0x77: {  	_ =	shalt  }
0x78: {  	_ =	shalt  }
0x79: {  	_ =	shalt  }
0x7a: {  	_ =	shalt  }
0x7b: {  	_ =	shalt  }
0x7c: {  	_ =	shalt  }
0x7d: {  	_ =	shalt  }
0x7e: {  	_ =	shalt  }
0x7f: {  	_ =	shalt  }
0x80: {  	_ =	shalt  }
0x81: {  	_ =	shalt  }
0x82: {  	_ =	shalt  }
0x83: {  	_ =	shalt  }
0x84: {  	_ =	shalt  }
0x85: {  	_ =	shalt  }
0x86: {  	_ =	shalt  }
0x87: {  	_ =	shalt  }
.Lfunc_end0:
.L_simem_size_0:
called_computation.3_lowered:
.L_overlay_start_0:
0x88: {  	s2 =	sld [smem:$0x3FD9]  }
0x89: {  	s3 =	sld [smem:$0x3FFE];
	_ =	sdelay $0x1  }
0x8a: {  	s1 =	srdreg.scid  }
0x8b: {  	s0 =	sand.u32 $0x1, s1  }
0x8c: {  	s17 =	sshll.u32 s0, $0xA;
	s2 =	sadd.s32 s3, s2  }
0x8d: {  	s2 =	sadd.s32 s2, s17  }
0x8e: {  	[smem:$0x3FC3] =	sst s2  }
0x8f: {  	_ = 	snop  }
0x90: {  	s2 =	sld [smem:$0x3FD0];
	(tm) =	ssettm $0x1  }
0x91: {  	s18 =	sld [smem:$0x3FFB];
	_ =	sdelay $0x3  }
0x92: {  	_ =	strace s18  }
0x93: {  	s3 =	sld [smem:$0x3FFC];
	_ =	sdelay $0x3  }
0x94: {  	_ =	strace s3  }
0x95: {  	s3 =	sld [smem:$0x3FFD];
	_ =	sdelay $0x3  }
0x96: {  	_ =	strace s3  }
0x97: {  	_ =	strace $0x8FFFFFFF  }
0x98: {  	s19 =	sld [smem:$0x3FDB];
	_ =	sdelay $0x1  }
0x99: {  	s4 =	simm.s32 $_scs_section_size  }
0x9a: {  	s5 =	simm.s32 $_size__tile_overlayer_lowered;
	s6 =	simm.s32 $_tile_overlayer_lowered  }
0x9b: {  	s22 =	simm.s32 $0x1BFF;
	s21 =	sshll.u32 s6, $0x1;
	s3 =	sadd.s32 s4, s19  }
0x9c: {  	s7 =	simm.s32 $0x0;
	s20 =	sshll.u32 s5, $0x1;
	s5 =	sadd.s32 s21, s3  }
0x9d: {  	[timem:s7], [sflag:s22] =	dma.local [hbm:s5], s20  }
0x9e: {  	_ =	swait.ge [sflag:s22], s20  }
0x9f: {  	s4 =	ssub.s32 $0x0, s20;
	[sflag:s22] =	ssyncset.done $0x0  }
0xa0: {  	[sflag:s22] =	ssyncadd.s32 s4;
	_ =	sdelay $0x1  }
0xa1: {  	s23 =	simm.s32 $0x1B8B  }
0xa2: {  	_ =	swait.ge [sflag:s23], $0x1  }
0xa3: {  	[sflag:s23] =	ssyncset.done $0x0  }
0xa4: {  	s25 =	simm.s32 $0x1B8E;
	s24 =	sld [smem:$0x3FFE];
	[sflag:s23] =	ssyncadd.s32 $0xFFFFFFFF  }
0xa5: {  	s26 =	simm.s32 $execute0_lowered;
	[smem:$0x3FD2] =	sst s25  }
0xa6: {  	s5 =	sshll.u32 s26, $0x1;
	_ =	strace $0x8000004F;
	[dreg:$0x1] =	wrdreg $0xFFFFFFFF  }
0xa7: {  	s28 =	simm.s32 $_size_execute0_lowered;
	s3 =	sadd.s32 s3, s5;
	[dreg:$0x0] =	wrdreg $0x0  }
0xa8: {  	s5 =	sshll.u32 s28, $0x1;
	[dreg:$0x2] =	wrdreg s3  }
0xa9: {  	[dreg:$0x3] =	wrdreg s5  }
0xaa: {  	[dreg:$0x4] =	wrdreg $0xC0  }
0xab: {  	_ =	task [dreg:s7], $0x5FFFF  }
0xac: {  	[dreg:$0x1] =	wrdreg $0xFFFFFFFF  }
0xad: {  	[dreg:$0x0] =	wrdreg $0x60  }
0xae: {  	[dreg:$0x2] =	wrdreg s24  }
0xaf: {  	[dreg:$0x3] =	wrdreg s2  }
0xb0: {  	[dreg:$0x4] =	wrdreg $0xA8000  }
0xb1: {  	[dreg:$0x5] =	wrdreg $0x9  }
0xb2: {  	_ =	task.clear_ibuf [dreg:s7], $0x6FFFF;
	_ =	strace $0x9000004F  }
0xb3: {  	s29 =	simm.s32 $0x9;
	_ =	strace $0x80000051  }
0xb4: {  	_ =	swait.ge [sflag:s29], $0x1  }
0xb5: {  	[sflag:s29] =	ssyncadd.s32 $0xFFFFFFFF  }
0xb6: {  	_ =	strace $0x90000051  }
0xb7: {  	_ =	sfence  }
0xb8: {  	s30 =	sld [smem:$0x0];
	_ =	sdelay $0x2  }
0xb9: {  	s31 =	sshll.u32 s1, $0xD;
	s1 =	sshrl.u32 s1, $0x2  }
0xba: {  	s3 =	sand.u32 $0x4000, s31;
	s1 =	sadd.s32 s1, s30  }
0xbb: {  	s0 =	sor.u32 s3, s0;
	s1 =	sshll.u32 s1, $0x11  }
0xbc: {  	s0 =	sor.u32 s1, s0  }
0xbd: {  	s0 =	sadd.s32 $0x8F2B, s0  }
0xbe: {  	[sflag:s0] =	ssyncadd.remote.s32 $0x1  }
0xbf: {  	_ =	sfence.sel $0xFFFF  }
0xc0: {  	[dreg:$0x0] =	wrdreg $0xFFFFFFFF;
	(pc) =	sbr.abs _section_cstart, $3  }
0xc1: {  	[dreg:$0x1] =	wrdreg $0xFFFFFFFF  }
0xc2: {  	_ =	task.clear_ibuf [dreg:s7], $0x2FFFF;
	_ =	strace $0x9FFFFFFF  }
0xc3: {  	(tm) =	ssettm $0x7FFFFFFF  }
tec
execute0_lowered:
.L_overlay_start_1:
0x0: {  	(tag) =	ssettag $0x1  }
0x1: {  	s0 =	rddreg [dreg:$0x0]  }
0x2: {  	s13 =	rddreg [dreg:$0x1]  }
0x3: {  	s1 =	rddreg [dreg:$0x2];
	s2 =	simm.s32 $0x0  }
0x4: {  	s3 =	srdreg.scid;
	s24 =	stileid.u32;
	s19 =	simm.s32 $0x35E00  }
0x5: {  	s20 =	simm.s32 $0x3;
	s21 =	simm.s32 $0x1400;
	s22 =	simm.s32 $0x80  }
0x6: {  	s23 =	simm.s32 $0x2800;
	s28 =	simm.s32 $0x2700;
	s29 =	simm.s32 $0x2780  }
0x7: {  	s30 =	simm.s32 $0x0;
	[smem:$0x7FF] =	sst s2;
	s17 =	sand.u32 $0x1, s3  }
0x8: {  	s4 =	sadd.s32 $0xDE00, s0;
	s7 =	smul.u32 $0x50000, s24;
	s14 =	sadd.s32 $0x3E00, s0  }
0x9: {  	s25 =	sshll.u32 s24, $0x1;
	s16 =	smul.u32 $0x2800, s24;
	_ =	strace $0x80000050  }
0xa: {  	s5 =	ssub.s32 $0x2, s17;
	s26 =	sor.u32 s17, s25;
	p0 =	seq.s32 s17, $0x0  }
0xb: {  	s25 =	simm.s32 $0x1;
	s6 =	sshrl.u32 s5, $0x1;
	s31 =	sshrl.u32 s7, $0x2  }
0xc: {  	s11 =	smul.u32 $0x2800, s26;
	s10 =	sadd.s32 s4, s16;
	s19 =	simm.s32 @!p0 $0x5DE00  }
0xd: {  	p0 =	sne.s32 s17, $0x0;
	s17 =	sshll.u32 s24, $0x6;
	s24 =	simm.s32 $0x6800  }
0xe: {  	s26 =	simm.s32 $0x2;
	s15 =	ssub.s32 s5, s6;
	s5 =	sadd.s32 s31, s1  }
0xf: {  	s0 =	sadd.s32 s19, s0;
	s6 =	sadd.s32 $0x4000, s5;
	s7 =	sadd.s32 $0x8000, s5  }
0x10: {  	s8 =	sadd.s32 $0xC000, s5;
	s9 =	sadd.s32 $0x10000, s5;
	s12 =	sshrl.u32 s11, $0x3  }
0x11: {  	s15 =	smax.u32 s15, $0x1;
	s16 =	sadd.s32 s0, s16;
	s19 =	sshrl.u32 s5, $0x3  }
0x12: {  	s11 =	sadd.s32 s13, s12;
	s18 =	sadd.s32 $0x280, s12;
	s12 =	sadd.s32 s14, s12  }
0x13: {  	v0 =	vimm.f32 $0.0e+00;
	s13 =	sadd.s32 s13, s18;
	s14 =	sadd.s32 s14, s18;
	s18 =	sor.u32 $0x1C01, s17  }
.LBB2_1:
.Ltmp0:
0x14: {  	(pc) =	sbr.rel @p0 .LBB2_3-.Ltmp0, $1  }
0x15: {  	_ =	sdelay $0x3  }
.Ltmp1:
0x16: {  	(pc) =	sbr.rel .LBB2_6-.Ltmp1, $2  }
0x17: {  	_ =	sdelay $0x2  }
0x18: {  	[spmem:s19], [sflag:s18] =	dma.local [hbm:s10], $0x2800  }
.LBB2_3:
0x19: {  	s31 =	sshra.s32 s2, $0x2;
	s0 =	sadd.s32 $0x200, s2  }
.LBB2_4:
0x1a: {  	p1 =	sne.s32 s0, $0xFE00;
	[tilespmem:s31+$0x2870] =	vst v0  }
0x1b: {  	[tilespmem:s31+$0x2800] =	vst v0  }
0x1c: {  	[tilespmem:s31+$0x2810] =	vst v0  }
.Ltmp2:
0x1d: {  	[tilespmem:s31+$0x2820] =	vst v0;
	(pc) =	sbr.rel @p1 .LBB2_4-.Ltmp2, $4  }
0x1e: {  	[tilespmem:s31+$0x2830] =	vst v0  }
0x1f: {  	[tilespmem:s31+$0x2840] =	vst v0  }
0x20: {  	[tilespmem:s31+$0x2850] =	vst v0  }
0x21: {  	[tilespmem:s31+$0x2860] =	vst v0;
	s31 =	sshra.s32 s0, $0x2;
	s0 =	sadd.s32 $0x200, s0  }
0x22: {  	[tilespmem:s31+$0x2870] =	vst v0  }
0x23: {  	[tilespmem:s31+$0x2800] =	vst v0  }
0x24: {  	[tilespmem:s31+$0x2810] =	vst v0  }
0x25: {  	[tilespmem:s31+$0x2820] =	vst v0  }
0x26: {  	[tilespmem:s31+$0x2830] =	vst v0  }
0x27: {  	[tilespmem:s31+$0x2840] =	vst v0  }
0x28: {  	[tilespmem:s31+$0x2850] =	vst v0  }
0x29: {  	[tilespmem:s31+$0x2860] =	vst v0  }
0x2a: {  	[spmem:s5] =	stream.linear.scatter [tilespmem:s23], [sflag:$0x1], $0x4000, $0x38;
	[tilespmem:$0x1E800] =	vst v63  }
0x2b: {  	_ = 	snop  }
0x2c: {  	[spmem:s6] =	stream.linear.scatter [tilespmem:s23], [sflag:$0x1], $0x4000, $0x38;
	[tilespmem:$0x1E800] =	vst v63  }
0x2d: {  	_ = 	snop  }
0x2e: {  	[spmem:s7] =	stream.linear.scatter [tilespmem:s23], [sflag:$0x1], $0x4000, $0x38;
	[tilespmem:$0x1E800] =	vst v63  }
0x2f: {  	_ = 	snop  }
0x30: {  	[spmem:s8] =	stream.linear.scatter [tilespmem:s23], [sflag:$0x1], $0x4000, $0x38;
	[tilespmem:$0x1E800] =	vst v63  }
0x31: {  	_ = 	snop  }
0x32: {  	[spmem:s9] =	stream.linear.scatter [tilespmem:s23], [sflag:$0x1], $0x4000, $0x38;
	[tilespmem:$0x1E800] =	vst v63  }
.LBB2_6:
0x33: {  	[tilespmem:s2], [sflag:$0x3] =	stream.linear.gather [hbm4b:s11+s2], $0x1400, $0x38;
	[tilespmem:$0x1E800] =	vst v63  }
0x34: {  	_ =	swait.ge [sflag:s20], $0x1400  }
0x35: {  	[sflag:s20] =	ssyncset.done $0x0  }
0x36: {  	[sflag:s20] =	ssyncadd.s32 $0xFFFFEC00  }
0x37: {  	[tilespmem:s21], [sflag:$0x3] =	stream.linear.gather [hbm4b:s12+s2], $0x1400, $0x38;
	[tilespmem:$0x1E800] =	vst v63  }
0x38: {  	_ =	swait.ge [sflag:s20], $0x1400  }
0x39: {  	[sflag:s20] =	ssyncset.done $0x0  }
0x3a: {  	s0 =	simm.s32 @p0 $0x1;
	[sflag:s20] =	ssyncadd.s32 $0xFFFFEC00  }
0x3b: {  	_ =	swait.ge @p0 [sflag:s0], $0x4000  }
0x3c: {  	[sflag:s0] =	ssyncset.done @p0 $0x0  }
0x3d: {  	[sflag:s0] =	ssyncadd.s32 @p0 $0xFFFFC000  }
0x3e: {  	_ =	swait.ge @p0 [sflag:s0], $0x4000  }
0x3f: {  	[sflag:s0] =	ssyncset.done @p0 $0x0  }
0x40: {  	[sflag:s0] =	ssyncadd.s32 @p0 $0xFFFFC000  }
0x41: {  	_ =	swait.ge @p0 [sflag:s0], $0x4000  }
0x42: {  	[sflag:s0] =	ssyncset.done @p0 $0x0  }
0x43: {  	[sflag:s0] =	ssyncadd.s32 @p0 $0xFFFFC000  }
0x44: {  	_ =	swait.ge @p0 [sflag:s0], $0x4000  }
0x45: {  	[sflag:s0] =	ssyncset.done @p0 $0x0  }
0x46: {  	[sflag:s0] =	ssyncadd.s32 @p0 $0xFFFFC000  }
0x47: {  	_ =	swait.ge @p0 [sflag:s0], $0x4000  }
0x48: {  	[sflag:s0] =	ssyncset.done @p0 $0x0  }
0x49: {  	[sflag:s0] =	ssyncadd.s32 @p0 $0xFFFFC000;
	s0 =	simm.s32 @!p0 $0x1  }
0x4a: {  	_ =	swait.ge @!p0 [sflag:s0], $0x2800  }
0x4b: {  	[sflag:s0] =	ssyncset.done @!p0 $0x0  }
0x4c: {  	[sflag:s0] =	ssyncadd.s32 @!p0 $0xFFFFD800  }
0x4d: {  	s3 =	simm.s32 $0x0;
	[bflag:$0x0] =	sbarrier.arrive $0xFFFF  }
0x4e: {  	[tilespmem:s23], [sflag:$0x1] =	stream.indirect.gather [hbm4b:s4+s22], $0x80, s3, s22, $0xb8;
	[tilespmem:$0x1E800] =	vst v63  }
0x4f: {  	_ = 	snop  }
0x50: {  	[tilespmem:s24], [sflag:$0x2] =	stream.indirect.gather [hbm4b:s4+s22], $0x80, s22, s22, $0xb8;
	[tilespmem:$0x1E800] =	vst v63  }
0x51: {  	_ =	swait.ge [sflag:s25], $0x4000  }
0x52: {  	[sflag:s25] =	ssyncset.done $0x0  }
0x53: {  	s3 =	simm.s32 $0x1400;
	[sflag:s25] =	ssyncadd.s32 $0xFFFFC000  }
0x54: {  	[spmem:s1] =	stream.indirect.scatter.add.f32 [tilespmem:s23], [sflag:$0x3], $0x80, s3, s22, $0xb8;
	[tilespmem:$0x1E800] =	vst v63  }
0x55: {  	_ =	swait.ge [sflag:s20], $0x4000  }
0x56: {  	[sflag:s20] =	ssyncset.done $0x0  }
0x57: {  	s3 =	simm.s32 $0x100;
	[sflag:s20] =	ssyncadd.s32 $0xFFFFC000  }
0x58: {  	[tilespmem:s23], [sflag:$0x1] =	stream.indirect.gather [hbm4b:s4+s22], $0x80, s3, s22, $0xb8;
	[tilespmem:$0x1E800] =	vst v63  }
0x59: {  	_ =	swait.ge [sflag:s26], $0x4000  }
0x5a: {  	[sflag:s26] =	ssyncset.done $0x0  }
0x5b: {  	s3 =	simm.s32 $0x1480;
	[sflag:s26] =	ssyncadd.s32 $0xFFFFC000  }
0x5c: {  	[spmem:s1] =	stream.indirect.scatter.add.f32 [tilespmem:s24], [sflag:$0x3], $0x80, s3, s22, $0xb8;
	[tilespmem:$0x1E800] =	vst v63  }
0x5d: {  	_ =	swait.ge [sflag:s20], $0x4000  }
0x5e: {  	[sflag:s20] =	ssyncset.done $0x0  }
0x5f: {  	s31 =	simm.s32 $0x400;
	s0 =	simm.s32 $0x180;
	[sflag:s20] =	ssyncadd.s32 $0xFFFFC000  }
.LBB2_7:
0x60: {  	[tilespmem:s24], [sflag:$0x2] =	stream.indirect.gather [hbm4b:s4+s22], $0x80, s0, s22, $0xb8;
	[tilespmem:$0x1E800] =	vst v63  }
0x61: {  	s0 =	smov.u32 s31  }
0x62: {  	p1 =	sne.s32 s31, $0x4800;
	s31 =	sadd.s32 $0x400, s31;
	_ =	swait.ge [sflag:s25], $0x4000  }
0x63: {  	s0 =	sshra.s32 s0, $0x2;
	[sflag:s25] =	ssyncset.done $0x0  }
0x64: {  	s3 =	sadd.s32 $0x1400, s0;
	[sflag:s25] =	ssyncadd.s32 $0xFFFFC000  }
0x65: {  	[spmem:s1] =	stream.indirect.scatter.add.f32 [tilespmem:s23], [sflag:$0x3], $0x80, s3, s22, $0xb8;
	[tilespmem:$0x1E800] =	vst v63  }
0x66: {  	_ =	swait.ge [sflag:s20], $0x4000  }
0x67: {  	[sflag:s20] =	ssyncset.done $0x0  }
0x68: {  	s3 =	sadd.s32 $0x100, s0;
	[sflag:s20] =	ssyncadd.s32 $0xFFFFC000  }
0x69: {  	[tilespmem:s23], [sflag:$0x1] =	stream.indirect.gather [hbm4b:s4+s22], $0x80, s3, s22, $0xb8;
	[tilespmem:$0x1E800] =	vst v63  }
0x6a: {  	_ =	swait.ge [sflag:s26], $0x4000  }
0x6b: {  	[sflag:s26] =	ssyncset.done $0x0  }
.Ltmp3:
0x6c: {  	s3 =	sadd.s32 $0x1480, s0;
	[sflag:s26] =	ssyncadd.s32 $0xFFFFC000;
	(pc) =	sbr.rel @p1 .LBB2_7-.Ltmp3, $4  }
0x6d: {  	[spmem:s1] =	stream.indirect.scatter.add.f32 [tilespmem:s24], [sflag:$0x3], $0x80, s3, s22, $0xb8;
	[tilespmem:$0x1E800] =	vst v63  }
0x6e: {  	_ =	swait.ge [sflag:s20], $0x4000  }
0x6f: {  	[sflag:s20] =	ssyncset.done $0x0  }
0x70: {  	s0 =	sadd.s32 $0x180, s0;
	[sflag:s20] =	ssyncadd.s32 $0xFFFFC000  }
0x71: {  	[tilespmem:s24], [sflag:$0x2] =	stream.indirect.gather [hbm4b:s4+s22], $0x80, s0, s22, $0xb8;
	[tilespmem:$0x1E800] =	vst v63  }
0x72: {  	_ =	swait.ge [sflag:s25], $0x4000  }
0x73: {  	[sflag:s25] =	ssyncset.done $0x0  }
0x74: {  	[sflag:s25] =	ssyncadd.s32 $0xFFFFC000  }
0x75: {  	[spmem:s1] =	stream.indirect.scatter.add.f32 [tilespmem:s23], [sflag:$0x3], $0x80, s28, s22, $0xb8;
	[tilespmem:$0x1E800] =	vst v63  }
0x76: {  	_ =	swait.ge [sflag:s20], $0x4000  }
0x77: {  	[sflag:s20] =	ssyncset.done $0x0  }
0x78: {  	[sflag:s20] =	ssyncadd.s32 $0xFFFFC000  }
0x79: {  	_ =	swait.ge [sflag:s26], $0x4000  }
0x7a: {  	[sflag:s26] =	ssyncset.done $0x0  }
0x7b: {  	[sflag:s26] =	ssyncadd.s32 $0xFFFFC000  }
0x7c: {  	[spmem:s1] =	stream.indirect.scatter.add.f32 [tilespmem:s24], [sflag:$0x3], $0x80, s29, s22, $0xb8;
	[tilespmem:$0x1E800] =	vst v63  }
0x7d: {  	_ =	swait.ge [sflag:s20], $0x4000  }
0x7e: {  	[sflag:s20] =	ssyncset.done $0x0  }
0x7f: {  	s3 =	simm.s32 $0x0;
	[sflag:s20] =	ssyncadd.s32 $0xFFFFC000  }
0x80: {  	[tilespmem:s3], [sflag:$0x3] =	stream.linear.gather [hbm4b:s13+s3], $0x1400, $0x38;
	[tilespmem:$0x1E800] =	vst v63  }
0x81: {  	_ =	swait.ge [sflag:s20], $0x1400  }
0x82: {  	[sflag:s20] =	ssyncset.done $0x0  }
0x83: {  	[sflag:s20] =	ssyncadd.s32 $0xFFFFEC00  }
0x84: {  	[tilespmem:s21], [sflag:$0x3] =	stream.linear.gather [hbm4b:s14+s3], $0x1400, $0x38;
	[tilespmem:$0x1E800] =	vst v63  }
0x85: {  	_ =	swait.ge [sflag:s20], $0x1400  }
0x86: {  	[sflag:s20] =	ssyncset.done $0x0  }
0x87: {  	[sflag:s20] =	ssyncadd.s32 $0xFFFFEC00  }
0x88: {  	[tilespmem:s23], [sflag:$0x1] =	stream.indirect.gather [hbm4b:s4+s22], $0x80, s3, s22, $0xb8;
	[tilespmem:$0x1E800] =	vst v63  }
0x89: {  	_ = 	snop  }
0x8a: {  	[tilespmem:s24], [sflag:$0x2] =	stream.indirect.gather [hbm4b:s4+s22], $0x80, s22, s22, $0xb8;
	[tilespmem:$0x1E800] =	vst v63  }
0x8b: {  	_ =	swait.ge [sflag:s25], $0x4000  }
0x8c: {  	[sflag:s25] =	ssyncset.done $0x0  }
0x8d: {  	s3 =	simm.s32 $0x1400;
	[sflag:s25] =	ssyncadd.s32 $0xFFFFC000  }
0x8e: {  	[spmem:s1] =	stream.indirect.scatter.add.f32 [tilespmem:s23], [sflag:$0x3], $0x80, s3, s22, $0xb8;
	[tilespmem:$0x1E800] =	vst v63  }
0x8f: {  	_ =	swait.ge [sflag:s20], $0x4000  }
0x90: {  	[sflag:s20] =	ssyncset.done $0x0  }
0x91: {  	s3 =	simm.s32 $0x100;
	[sflag:s20] =	ssyncadd.s32 $0xFFFFC000  }
0x92: {  	[tilespmem:s23], [sflag:$0x1] =	stream.indirect.gather [hbm4b:s4+s22], $0x80, s3, s22, $0xb8;
	[tilespmem:$0x1E800] =	vst v63  }
0x93: {  	_ =	swait.ge [sflag:s26], $0x4000  }
0x94: {  	[sflag:s26] =	ssyncset.done $0x0  }
0x95: {  	s3 =	simm.s32 $0x1480;
	[sflag:s26] =	ssyncadd.s32 $0xFFFFC000  }
0x96: {  	[spmem:s1] =	stream.indirect.scatter.add.f32 [tilespmem:s24], [sflag:$0x3], $0x80, s3, s22, $0xb8;
	[tilespmem:$0x1E800] =	vst v63  }
0x97: {  	_ =	swait.ge [sflag:s20], $0x4000  }
0x98: {  	[sflag:s20] =	ssyncset.done $0x0  }
0x99: {  	s31 =	simm.s32 $0x400;
	s0 =	simm.s32 $0x180;
	[sflag:s20] =	ssyncadd.s32 $0xFFFFC000  }
.LBB2_9:
0x9a: {  	[tilespmem:s24], [sflag:$0x2] =	stream.indirect.gather [hbm4b:s4+s22], $0x80, s0, s22, $0xb8;
	[tilespmem:$0x1E800] =	vst v63  }
0x9b: {  	s0 =	smov.u32 s31  }
0x9c: {  	p1 =	sne.s32 s31, $0x4800;
	s31 =	sadd.s32 $0x400, s31;
	_ =	swait.ge [sflag:s25], $0x4000  }
0x9d: {  	s0 =	sshra.s32 s0, $0x2;
	[sflag:s25] =	ssyncset.done $0x0  }
0x9e: {  	s3 =	sadd.s32 $0x1400, s0;
	[sflag:s25] =	ssyncadd.s32 $0xFFFFC000  }
0x9f: {  	[spmem:s1] =	stream.indirect.scatter.add.f32 [tilespmem:s23], [sflag:$0x3], $0x80, s3, s22, $0xb8;
	[tilespmem:$0x1E800] =	vst v63  }
0xa0: {  	_ =	swait.ge [sflag:s20], $0x4000  }
0xa1: {  	[sflag:s20] =	ssyncset.done $0x0  }
0xa2: {  	s3 =	sadd.s32 $0x100, s0;
	[sflag:s20] =	ssyncadd.s32 $0xFFFFC000  }
0xa3: {  	[tilespmem:s23], [sflag:$0x1] =	stream.indirect.gather [hbm4b:s4+s22], $0x80, s3, s22, $0xb8;
	[tilespmem:$0x1E800] =	vst v63  }
0xa4: {  	_ =	swait.ge [sflag:s26], $0x4000  }
0xa5: {  	[sflag:s26] =	ssyncset.done $0x0  }
.Ltmp4:
0xa6: {  	s3 =	sadd.s32 $0x1480, s0;
	[sflag:s26] =	ssyncadd.s32 $0xFFFFC000;
	(pc) =	sbr.rel @p1 .LBB2_9-.Ltmp4, $4  }
0xa7: {  	[spmem:s1] =	stream.indirect.scatter.add.f32 [tilespmem:s24], [sflag:$0x3], $0x80, s3, s22, $0xb8;
	[tilespmem:$0x1E800] =	vst v63  }
0xa8: {  	_ =	swait.ge [sflag:s20], $0x4000  }
0xa9: {  	[sflag:s20] =	ssyncset.done $0x0  }
0xaa: {  	s0 =	sadd.s32 $0x180, s0;
	[sflag:s20] =	ssyncadd.s32 $0xFFFFC000  }
0xab: {  	[tilespmem:s24], [sflag:$0x2] =	stream.indirect.gather [hbm4b:s4+s22], $0x80, s0, s22, $0xb8;
	[tilespmem:$0x1E800] =	vst v63  }
0xac: {  	_ =	swait.ge [sflag:s25], $0x4000  }
0xad: {  	[sflag:s25] =	ssyncset.done $0x0  }
0xae: {  	[sflag:s25] =	ssyncadd.s32 $0xFFFFC000  }
0xaf: {  	[spmem:s1] =	stream.indirect.scatter.add.f32 [tilespmem:s23], [sflag:$0x3], $0x80, s28, s22, $0xb8;
	[tilespmem:$0x1E800] =	vst v63  }
0xb0: {  	_ =	swait.ge [sflag:s20], $0x4000  }
0xb1: {  	[sflag:s20] =	ssyncset.done $0x0  }
0xb2: {  	[sflag:s20] =	ssyncadd.s32 $0xFFFFC000  }
0xb3: {  	_ =	swait.ge [sflag:s26], $0x4000  }
0xb4: {  	[sflag:s26] =	ssyncset.done $0x0  }
0xb5: {  	[sflag:s26] =	ssyncadd.s32 $0xFFFFC000  }
0xb6: {  	[spmem:s1] =	stream.indirect.scatter.add.f32 [tilespmem:s24], [sflag:$0x3], $0x80, s29, s22, $0xb8;
	[tilespmem:$0x1E800] =	vst v63  }
0xb7: {  	_ =	swait.ge [sflag:s20], $0x4000  }
0xb8: {  	s30 =	sadd.s32 $0x1, s30;
	[sflag:s20] =	ssyncset.done $0x0  }
0xb9: {  	p1 =	sne.s32 s30, s15;
	[sflag:s20] =	ssyncadd.s32 $0xFFFFC000  }
.Ltmp5:
0xba: {  	s31 =	sor.u32 $0x1C03, s17;
	[bflag:$0x0] =	sbarrier.arrive $0xFFFF;
	(pc) =	sbr.rel @p1 .LBB2_1-.Ltmp5, $4  }
0xbb: {  	[hbm:s16], [sflag:s31] =	dma.local [spmem:s19], $0x2800  }
0xbc: {  	_ =	swait.ge [sflag:s20], $0x2800  }
0xbd: {  	[sflag:s20] =	ssyncset.done $0x0  }
0xbe: {  	[sflag:s20] =	ssyncadd.s32 $0xFFFFD800  }
0xbf: {  	_ =	sfence.sel $0x180000  }
0xc0: {  	[bflag:$0x0] =	sbarrier.arrive $0xFFFF  }
0xc1: {  	_ =	strace $0x90000050  }
0xc2: {  	s0 =	stileid.u32;
	[bflag:$0x2] =	sbarrier.arrive $0xFFFF  }
0xc3: {  	p0 =	sne.s32 s0, $0x0;
	s0 =	rddreg [dreg:$0x3]  }
0xc4: {  	s0 =	sadd.s32 @!p0 $0x100000, s0  }
0xc5: {  	[sflag:s0] =	ssyncadd.tile.s32 @!p0 $0x1;
	_ =	shalt  }
.Lfunc_end2:
_tile_overlayer_lowered:
.L_overlay_start_2:
0xc6: {  	(tag) =	ssettag $0x2  }
0xc7: {  	s0 =	rddreg [dreg:$0x0];
	s2 =	stileid.u32  }
0xc8: {  	s1 =	rddreg [dreg:$0x1];
	p0 =	sne.s32 s2, $0x0  }
0xc9: {  	s3 =	rddreg [dreg:$0x2];
	[bflag:$0x3] =	sbarrier.arrive $0xFFFF;
	s2 =	simm.s32 @!p0 $0x1C03  }
0xca: {  	[timem:s3], [sflag:s2] =	dma.local @!p0 [hbm:s0], s1  }
0xcb: {  	s0 =	simm.s32 @!p0 $0x3  }
0xcc: {  	_ =	swait.ge @!p0 [sflag:s0], s1  }
0xcd: {  	s1 =	ssub.s32 @!p0 $0x0, s1;
	[sflag:s0] =	ssyncset.done @!p0 $0x0  }
0xce: {  	[sflag:s0] =	ssyncadd.s32 @!p0 s1  }
0xcf: {  	[bflag:$0x3] =	sbarrier.arrive $0xFFFF  }
0xd0: {  	_ =	shalt  }

</sc_bundles>
